<compile_context>
chip_gen: v7x
topology: tpu7x:2x2x1
jax: 0.10.2.dev20260603
libtpu: 0.0.44.dev20260713+nightly
codegen_flags: <defaults>
</compile_context>

<pallas_src>
import functools

import jax
import jax.numpy as jnp
from jax import lax
from jax.experimental import pallas as pl
from jax.experimental.pallas import tpu as pltpu
from jax.experimental.pallas import tpu_sc as plsc

N = 10000
NP = 10240
E = 320000
D = 128
H = 128
C = 40
CP = 48

NC = 2
NS = 16
NW = NC * NS
K = 80
EPW = E // NW
RPW = NP // NS

BM = 2560


NBLK = E // K
NBW = NBLK // NW
_MESH = plsc.VectorSubcoreMesh(core_axis_name="c", subcore_axis_name="s")
_SC_PARAMS = pltpu.CompilerParams(use_tc_tiling_on_sc=False)
_TC_PARAMS = pltpu.CompilerParams(dimension_semantics=("parallel",))


def _sc_segment_sum(table, ei, width, nbuf):
    nt = (NBW // nbuf) * nbuf
    zeros = jnp.zeros((NP, width), jnp.float32)

    @functools.partial(
        pl.kernel,
        mesh=_MESH,
        compiler_params=_SC_PARAMS,
        out_type=jax.ShapeDtypeStruct((NP, 128), jnp.float32),
        scratch_types=[
            pltpu.VMEM((NBW * K,), jnp.int32),
            pltpu.VMEM((NBW * K,), jnp.int32),
            [pltpu.VMEM((K, width), jnp.float32)] * nbuf,
            pltpu.VMEM_SHARED((NP, width), jnp.float32),
            [pltpu.SemaphoreType.DMA] * nbuf,
        ],
    )
    def k(zeros_hbm, table_hbm, ei_hbm, out_hbm,
          sidx, didx, bufs, acc, sems):
        c = lax.axis_index("c")
        s = lax.axis_index("s")
        wid = c * NS + s
        r0 = s * RPW
        pltpu.sync_copy(zeros_hbm.at[pl.ds(r0, RPW)], acc.at[pl.ds(r0, RPW)])
        pltpu.sync_copy(ei_hbm.at[0, pl.ds(wid * NBW * K, NBW * K)], sidx)
        pltpu.sync_copy(ei_hbm.at[1, pl.ds(wid * NBW * K, NBW * K)], didx)
        plsc.subcore_barrier()

        for b in range(nbuf):
            pltpu.async_copy(table_hbm.at[sidx.at[pl.ds(b * K, K)]], bufs[b], sems[b])

        @pl.loop(0, nt, step=nbuf)
        def _(j):
            for b in range(nbuf):
                pltpu.make_async_copy(
                    table_hbm.at[sidx.at[pl.ds((j + b) * K, K)]], bufs[b], sems[b]).wait()
                pltpu.sync_copy(
                    bufs[b], acc.at[didx.at[pl.ds((j + b) * K, K)]], add=True)

                @pl.when(j + b + nbuf < NBW)
                def _():
                    pltpu.async_copy(
                        table_hbm.at[sidx.at[pl.ds((j + b + nbuf) * K, K)]],
                        bufs[b], sems[b])

        for t in range(nt, NBW):
            b = t % nbuf
            pltpu.make_async_copy(
                table_hbm.at[sidx.at[pl.ds(t * K, K)]], bufs[b], sems[b]).wait()
            pltpu.sync_copy(bufs[b], acc.at[didx.at[pl.ds(t * K, K)]], add=True)

        plsc.subcore_barrier()
        pltpu.sync_copy(acc.at[pl.ds(r0, RPW)],
                        out_hbm.at[pl.ds(r0, RPW), pl.ds(c * width, width)])

    return k(zeros, table, ei)


HH = H // 2
NBS = NBLK // NS
NCHUNK = 2
CBW = NBS // NCHUNK
NB1 = 12


def _sc_agg_colsplit(table2, ei):
    zeros = jnp.zeros((NP, HH), jnp.float32)

    @functools.partial(
        pl.kernel,
        mesh=_MESH,
        compiler_params=_SC_PARAMS,
        out_type=jax.ShapeDtypeStruct((NP, H), jnp.float32),
        scratch_types=[
            pltpu.VMEM((CBW * K,), jnp.int32),
            pltpu.VMEM((CBW * K,), jnp.int32),
            [pltpu.VMEM((K, HH), jnp.float32)] * NB1,
            pltpu.VMEM_SHARED((NP, HH), jnp.float32),
            [pltpu.SemaphoreType.DMA] * NB1,
        ],
    )
    def k(zeros_hbm, table_hbm, ei_hbm, out_hbm,
          sidx, didx, bufs, acc, sems):
        c = lax.axis_index("c")
        s = lax.axis_index("s")
        r0 = s * RPW
        pltpu.sync_copy(zeros_hbm.at[pl.ds(r0, RPW)], acc.at[pl.ds(r0, RPW)])
        plsc.subcore_barrier()
        half = table_hbm.at[c]

        for chunk in range(NCHUNK):
            base = (s * NBS + chunk * CBW) * K
            pltpu.sync_copy(ei_hbm.at[0, pl.ds(base, CBW * K)], sidx)
            pltpu.sync_copy(ei_hbm.at[1, pl.ds(base, CBW * K)], didx)

            for b in range(NB1):
                pltpu.async_copy(half.at[sidx.at[pl.ds(b * K, K)]], bufs[b], sems[b])

            @pl.loop(0, (CBW // NB1) * NB1, step=NB1)
            def _(j):
                for b in range(NB1):
                    pltpu.make_async_copy(
                        half.at[sidx.at[pl.ds((j + b) * K, K)]], bufs[b], sems[b]).wait()
                    pltpu.sync_copy(
                        bufs[b], acc.at[didx.at[pl.ds((j + b) * K, K)]], add=True)

                    @pl.when(j + b + NB1 < CBW)
                    def _():
                        pltpu.async_copy(
                            half.at[sidx.at[pl.ds((j + b + NB1) * K, K)]],
                            bufs[b], sems[b])

            for t in range((CBW // NB1) * NB1, CBW):
                b = t % NB1
                pltpu.make_async_copy(
                    half.at[sidx.at[pl.ds(t * K, K)]], bufs[b], sems[b]).wait()
                pltpu.sync_copy(bufs[b], acc.at[didx.at[pl.ds(t * K, K)]], add=True)

        plsc.subcore_barrier()
        pltpu.sync_copy(acc.at[pl.ds(r0, RPW)],
                        out_hbm.at[pl.ds(r0, RPW), pl.ds(c * HH, HH)])

    return k(zeros, table2, ei)


def _sc_degree(ei):
    zeros = jnp.zeros((NP, 16), jnp.float32)
    ones = jnp.ones((K, 16), jnp.float32)

    @functools.partial(
        pl.kernel,
        mesh=_MESH,
        compiler_params=_SC_PARAMS,
        out_type=jax.ShapeDtypeStruct((NP, 128), jnp.float32),
        scratch_types=[
            pltpu.VMEM((NBW * K,), jnp.int32),
            pltpu.VMEM((K, 16), jnp.float32),
            pltpu.VMEM_SHARED((NP, 16), jnp.float32),
            pltpu.SemaphoreType.DMA,
        ],
    )
    def k(zeros_hbm, ones_hbm, ei_hbm, out_hbm, idx, ones_v, acc, sem):
        c = lax.axis_index("c")
        s = lax.axis_index("s")
        wid = c * NS + s
        r0 = s * (NP // NS)
        pltpu.sync_copy(zeros_hbm.at[pl.ds(r0, NP // NS)], acc.at[pl.ds(r0, NP // NS)])
        pltpu.sync_copy(ones_hbm, ones_v)
        pltpu.sync_copy(ei_hbm.at[1, pl.ds(wid * NBW * K, NBW * K)], idx)
        plsc.subcore_barrier()

        @pl.loop(0, NBW)
        def _(j):
            pltpu.async_copy(ones_v, acc.at[idx.at[pl.ds(j * K, K)]], sem, add=True)

        @pl.loop(0, NBW)
        def _(j):
            pltpu.make_async_copy(ones_v, acc.at[idx.at[pl.ds(j * K, K)]], sem).wait()

        plsc.subcore_barrier()
        pltpu.sync_copy(acc.at[pl.ds(r0, NP // NS)],
                        out_hbm.at[pl.ds(r0, NP // NS), pl.ds(c * 16, 16)])

    return k(zeros, ones, ei)


def _dinv_block(deg_ref):
    deg = deg_ref[:, 0:1] + deg_ref[:, 16:17]
    return lax.rsqrt(deg + 1.0)


def _l1_body(deg_ref, x_ref, w_ref, o_ref):
    h = jnp.dot(x_ref[...], w_ref[...], preferred_element_type=jnp.float32)
    hs = h * _dinv_block(deg_ref)
    o_ref[0] = hs[:, :HH]
    o_ref[1] = hs[:, HH:]


def _l2_body(deg_ref, a_ref, hs_ref, b_ref, w_ref, o_ref):
    dinv = _dinv_block(deg_ref)
    hs = hs_ref[...]
    z = (a_ref[...] + jnp.concatenate([hs[0], hs[1]], axis=1)) * dinv + b_ref[...]
    o1 = jnp.maximum(z, 0.0)
    h2 = jnp.dot(o1, w_ref[...], preferred_element_type=jnp.float32)
    o_ref[...] = h2 * dinv


def _out_body(deg_ref, a_ref, hs_ref, b_ref, o_ref):
    dinv = _dinv_block(deg_ref)
    a = a_ref[...]
    z = (a[:, :CP] + a[:, CP:2 * CP] + hs_ref[...]) * dinv + b_ref[...]
    m = jnp.max(z, axis=1, keepdims=True)
    lse = jnp.log(jnp.sum(jnp.exp(z - m), axis=1, keepdims=True)) + m
    o_ref[...] = (z - lse)[:, :C]


def _deg_spec():
    return pl.BlockSpec((BM, 128), lambda i: (i, 0))


def _row_spec(width):
    return pl.BlockSpec((BM, width), lambda i: (i, 0))


def _agg_spec(width):
    return pl.BlockSpec((2, BM, width), lambda i: (0, i, 0))


def _full_spec(shape):
    return pl.BlockSpec(shape, lambda i: (0,) * len(shape))


def kernel(x, edge_index, W1, b1, W2, b2):
    ei = edge_index.astype(jnp.int32)

    degp = _sc_degree(ei)

    grid = (NP // BM,)
    hs1 = pl.pallas_call(
        _l1_body,
        grid=grid,
        compiler_params=_TC_PARAMS,
        in_specs=[_deg_spec(), _row_spec(D), _full_spec((D, H))],
        out_specs=_agg_spec(HH),
        out_shape=jax.ShapeDtypeStruct((2, NP, HH), jnp.float32),
    )(degp, x, W1)

    a1 = _sc_agg_colsplit(hs1, ei)

    W2p = jnp.pad(W2, ((0, 0), (0, CP - C)))
    b1r = b1.reshape(1, H)
    hs2 = pl.pallas_call(
        _l2_body,
        grid=grid,
        compiler_params=_TC_PARAMS,
        in_specs=[_deg_spec(), _row_spec(128), _agg_spec(HH),
                  _full_spec((1, H)), _full_spec((H, CP))],
        out_specs=_row_spec(CP),
        out_shape=jax.ShapeDtypeStruct((NP, CP), jnp.float32),
    )(degp, a1, hs1, b1r, W2p)

    a2 = _sc_segment_sum(hs2, ei, CP, 8)

    b2p = jnp.concatenate([b2, jnp.full((CP - C,), -1e30, jnp.float32)])
    b2r = b2p.reshape(1, CP)
    out = pl.pallas_call(
        _out_body,
        grid=grid,
        compiler_params=_TC_PARAMS,
        in_specs=[_deg_spec(), _row_spec(128), _row_spec(CP),
                  _full_spec((1, CP))],
        out_specs=_row_spec(C),
        out_shape=jax.ShapeDtypeStruct((NP, C), jnp.float32),
    )(degp, a2, hs2, b2r)
    return out[:N]

# --- scband reference (transcript-rebuilt; emitter-appended) ---
"""Pipeline reference for scband-gcn-15333033247254 (READ-ONLY COPY).

The authoritative reference and input builder live on the scoring server;
editing this copy changes nothing except your own understanding.
"""

import jax, jax.numpy as jnp
import numpy as np

N = 10000
E = 320000
D = 128
H = 128
C = 40


def gcn_conv(x, edge_index, W, b):
    n = x.shape[0]
    src = edge_index[0]
    dst = edge_index[1]
    loop = jnp.arange(n, dtype=src.dtype)
    src = jnp.concatenate([src, loop])
    dst = jnp.concatenate([dst, loop])
    ones = jnp.ones(src.shape[0], dtype=x.dtype)
    deg = jax.ops.segment_sum(ones, dst, num_segments=n)
    dinv = jnp.where(deg > 0, jax.lax.rsqrt(jnp.maximum(deg, 1e-12)), 0.0)
    norm = dinv[src] * dinv[dst]
    h = x @ W
    msg = h[src] * norm[:, None]
    out = jax.ops.segment_sum(msg, dst, num_segments=n)
    return out + b


def setup_inputs(seed: int = 0):
    key = jax.random.key(seed)
    k1, k2, k3, k4 = jax.random.split(key, 4)
    x = jax.random.normal(k1, (N, D), dtype=jnp.float32)
    edge_index = jax.random.randint(k2, (2, E), 0, N)
    W1 = jax.random.normal(k3, (D, H), dtype=jnp.float32) * (1.0 / np.sqrt(D))
    b1 = jnp.zeros((H,), dtype=jnp.float32)
    W2 = jax.random.normal(k4, (H, C), dtype=jnp.float32) * (1.0 / np.sqrt(H))
    b2 = jnp.zeros((C,), dtype=jnp.float32)
    return {"x": x, "edge_index": edge_index, "W1": W1, "b1": b1, "W2": W2, "b2": b2}


def reference(x, edge_index, W1, b1, W2, b2):
    h = gcn_conv(x, edge_index, W1, b1)
    h = jax.nn.relu(h)
    # dropout p=0.0 (eval) -> identity
    h = gcn_conv(h, edge_index, W2, b2)
    return jax.nn.log_softmax(h, axis=1)

if __name__ == "__main__":
    import jax
    _d = setup_inputs()
    print(jax.jit(kernel)(*tuple(_d.values())))

</pallas_src>

<mosaic_0001>
#map = affine_map<(d0, d1) -> (0, 0)>
module attributes {stable_mosaic.version = 14 : i64} {
  func.func @k(%arg0: i32, %arg1: i32, %arg2: memref<10240x16xf32, #tpu.memory_space<hbm>>, %arg3: memref<80x16xf32, #tpu.memory_space<hbm>>, %arg4: memref<2x320000xi32, #tpu.memory_space<hbm>>, %arg5: memref<10240x128xf32, #tpu.memory_space<hbm>>, %arg6: memref<10000xi32, #tpu.memory_space<vmem>>, %arg7: memref<80x16xf32, #tpu.memory_space<vmem>>, %arg8: memref<10240x16xf32, #tpu.memory_space<vmem_shared>>, %arg9: memref<!tpu.dma_semaphore, #tpu.memory_space<semaphore_mem>>) attributes {dimension_semantics = [#tpu.dimension_semantics<core_parallel>, #tpu.dimension_semantics<subcore_parallel>], iteration_bounds = array<i64: 2, 16>, scalar_prefetch = 0 : i64, scratch_operands = 4 : i64, tpu.core_type = #tpu.core_type<sc_vector_subcore>, window_params = [{transform_indices = #map}, {transform_indices = #map}, {transform_indices = #map}, {transform_indices = #map}]} {
    %mul3A = arith.constant 16 : i32
    %mul3A_0 = arith.muli %arg0, %mul3A : i32
    %add3A = arith.addi %mul3A_0, %arg1 : i32
    %mul3A_1 = arith.constant 640 : i32
    %mul3A_2 = arith.muli %arg1, %mul3A_1 : i32
    "tpu.region"() ({
      %run_scoped3A_19 = tpu.sem_alloc : memref<!tpu.dma_semaphore, #tpu.memory_space<semaphore_mem>>
      %dma_start3A = arith.constant 0 : i32
      %dma_start3A_20 = tpu.memref_slice %arg8[%mul3A_2, %dma_start3A] : memref<10240x16xf32, #tpu.memory_space<vmem_shared>> -> memref<640x16xf32, #tpu.memory_space<vmem_shared>>
      %dma_start3A_21 = arith.constant 0 : i32
      %dma_start3A_22 = tpu.memref_slice %arg2[%mul3A_2, %dma_start3A_21] : memref<10240x16xf32, #tpu.memory_space<hbm>> -> memref<640x16xf32, #tpu.memory_space<hbm>>
      tpu.enqueue_dma source(%dma_start3A_22 : memref<640x16xf32, #tpu.memory_space<hbm>>) target(%dma_start3A_20 : memref<640x16xf32, #tpu.memory_space<vmem_shared>>) target_semaphore(%run_scoped3A_19 : memref<!tpu.dma_semaphore, #tpu.memory_space<semaphore_mem>>)
      %dma_wait3A = arith.constant 0 : i32
      %dma_wait3A_23 = tpu.memref_slice %arg8[%mul3A_2, %dma_wait3A] : memref<10240x16xf32, #tpu.memory_space<vmem_shared>> -> memref<640x16xf32, #tpu.memory_space<vmem_shared>>
      %dma_wait3A_24 = arith.constant 0 : i32
      %dma_wait3A_25 = tpu.memref_slice %arg2[%mul3A_2, %dma_wait3A_24] : memref<10240x16xf32, #tpu.memory_space<hbm>> -> memref<640x16xf32, #tpu.memory_space<hbm>>
      tpu.wait_dma2 semaphore(%run_scoped3A_19 : memref<!tpu.dma_semaphore, #tpu.memory_space<semaphore_mem>>) src(%dma_wait3A_25 : memref<640x16xf32, #tpu.memory_space<hbm>>) dst(%dma_wait3A_23 : memref<640x16xf32, #tpu.memory_space<vmem_shared>>)
      tpu.yield
    }) : () -> ()
    "tpu.region"() ({
      %run_scoped3A_19 = tpu.sem_alloc : memref<!tpu.dma_semaphore, #tpu.memory_space<semaphore_mem>>
      tpu.enqueue_dma source(%arg3 : memref<80x16xf32, #tpu.memory_space<hbm>>) target(%arg7 : memref<80x16xf32, #tpu.memory_space<vmem>>) target_semaphore(%run_scoped3A_19 : memref<!tpu.dma_semaphore, #tpu.memory_space<semaphore_mem>>)
      tpu.wait_dma2 semaphore(%run_scoped3A_19 : memref<!tpu.dma_semaphore, #tpu.memory_space<semaphore_mem>>) src(%arg3 : memref<80x16xf32, #tpu.memory_space<hbm>>) dst(%arg7 : memref<80x16xf32, #tpu.memory_space<vmem>>)
      tpu.yield
    }) : () -> ()
    %mul3A_3 = arith.constant 125 : i32
    %mul3A_4 = arith.muli %add3A, %mul3A_3 : i32
    %mul3A_5 = arith.constant 80 : i32
    %mul3A_6 = arith.muli %mul3A_4, %mul3A_5 : i32
    %run_scoped3A = arith.constant 1 : i32
    "tpu.region"() ({
      %run_scoped3A_19 = tpu.sem_alloc : memref<!tpu.dma_semaphore, #tpu.memory_space<semaphore_mem>>
      %dma_start3A = tpu.memref_slice %arg4[%run_scoped3A, %mul3A_6] : memref<2x320000xi32, #tpu.memory_space<hbm>> -> memref<1x10000xi32, #tpu.memory_space<hbm>>
      %dma_start3A_20 = tpu.memref_squeeze %dma_start3A : memref<1x10000xi32, #tpu.memory_space<hbm>> -> memref<10000xi32, #tpu.memory_space<hbm>>
      %dma_start3A_21 = tpu.memref_slice %arg4[%run_scoped3A, %mul3A_6] : memref<2x320000xi32, #tpu.memory_space<hbm>> -> memref<1x10000xi32, #tpu.memory_space<hbm>>
      %dma_start3A_22 = tpu.memref_squeeze %dma_start3A_21 : memref<1x10000xi32, #tpu.memory_space<hbm>> -> memref<10000xi32, #tpu.memory_space<hbm>>
      tpu.enqueue_dma source(%dma_start3A_22 : memref<10000xi32, #tpu.memory_space<hbm>>) target(%arg6 : memref<10000xi32, #tpu.memory_space<vmem>>) target_semaphore(%run_scoped3A_19 : memref<!tpu.dma_semaphore, #tpu.memory_space<semaphore_mem>>)
      %dma_wait3A = tpu.memref_slice %arg4[%run_scoped3A, %mul3A_6] : memref<2x320000xi32, #tpu.memory_space<hbm>> -> memref<1x10000xi32, #tpu.memory_space<hbm>>
      %dma_wait3A_23 = tpu.memref_squeeze %dma_wait3A : memref<1x10000xi32, #tpu.memory_space<hbm>> -> memref<10000xi32, #tpu.memory_space<hbm>>
      %dma_wait3A_24 = tpu.memref_slice %arg4[%run_scoped3A, %mul3A_6] : memref<2x320000xi32, #tpu.memory_space<hbm>> -> memref<1x10000xi32, #tpu.memory_space<hbm>>
      %dma_wait3A_25 = tpu.memref_squeeze %dma_wait3A_24 : memref<1x10000xi32, #tpu.memory_space<hbm>> -> memref<10000xi32, #tpu.memory_space<hbm>>
      tpu.wait_dma2 semaphore(%run_scoped3A_19 : memref<!tpu.dma_semaphore, #tpu.memory_space<semaphore_mem>>) src(%dma_wait3A_25 : memref<10000xi32, #tpu.memory_space<hbm>>) dst(%arg6 : memref<10000xi32, #tpu.memory_space<vmem>>)
      tpu.yield
    }) : () -> ()
    %barrier3A = arith.constant 0 : index
    tpu.barrier barrier_id(%barrier3A)
    %scan3A = arith.constant 0 : i32
    %scan3A_7 = arith.constant 125 : i32
    %scan3A_8 = arith.addi %scan3A, %scan3A_7 : i32
    %scan3A_9 = arith.constant 1 : i32
    scf.for %scan3A_19 = %scan3A to %scan3A_8 step %scan3A_9  : i32 {
      %mul3A_20 = arith.constant 1 : i32
      %mul3A_21 = arith.muli %scan3A_19, %mul3A_20 : i32
      %add3A_22 = arith.constant 0 : i32
      %add3A_23 = arith.addi %add3A_22, %mul3A_21 : i32
      %mul3A_24 = arith.constant 80 : i32
      %mul3A_25 = arith.muli %add3A_23, %mul3A_24 : i32
      %dma_start3A = tpu.memref_slice %arg6[%mul3A_25] : memref<10000xi32, #tpu.memory_space<vmem>> -> memref<80xi32, #tpu.memory_space<vmem>>
      %dma_start3A_26 = arith.constant 0 : i32
      %dma_start3A_27 = arith.constant 0 : i32
      %dma_start3A_28 = tpu.memref_slice %arg8[%dma_start3A_26, %dma_start3A_27] : memref<10240x16xf32, #tpu.memory_space<vmem_shared>> -> memref<10240x16xf32, #tpu.memory_space<vmem_shared>>
      tpu.enqueue_indirect_dma source(%arg7 : memref<80x16xf32, #tpu.memory_space<vmem>>) target(%dma_start3A_28 : memref<10240x16xf32, #tpu.memory_space<vmem_shared>>) offsets(%dma_start3A : memref<80xi32, #tpu.memory_space<vmem>>) semaphore(%arg9 : memref<!tpu.dma_semaphore, #tpu.memory_space<semaphore_mem>>) {add = true}
    }
    %scan3A_10 = arith.constant 125 : i32
    %scan3A_11 = arith.constant 0 : i32
    %scan3A_12 = arith.constant 125 : i32
    %scan3A_13 = arith.addi %scan3A_11, %scan3A_12 : i32
    %scan3A_14 = arith.constant 1 : i32
    scf.for %scan3A_19 = %scan3A_11 to %scan3A_13 step %scan3A_14  : i32 {
      %mul3A_20 = arith.constant 1 : i32
      %mul3A_21 = arith.muli %scan3A_19, %mul3A_20 : i32
      %add3A_22 = arith.constant 0 : i32
      %add3A_23 = arith.addi %add3A_22, %mul3A_21 : i32
      %mul3A_24 = arith.constant 80 : i32
      %mul3A_25 = arith.muli %add3A_23, %mul3A_24 : i32
      %dma_wait3A = tpu.memref_slice %arg6[%mul3A_25] : memref<10000xi32, #tpu.memory_space<vmem>> -> memref<80xi32, #tpu.memory_space<vmem>>
      %dma_wait3A_26 = arith.constant 0 : i32
      %dma_wait3A_27 = arith.constant 0 : i32
      %dma_wait3A_28 = tpu.memref_slice %arg8[%dma_wait3A_26, %dma_wait3A_27] : memref<10240x16xf32, #tpu.memory_space<vmem_shared>> -> memref<10240x16xf32, #tpu.memory_space<vmem_shared>>
      tpu.wait_indirect_dma semaphore(%arg9 : memref<!tpu.dma_semaphore, #tpu.memory_space<semaphore_mem>>) src(%arg7 : memref<80x16xf32, #tpu.memory_space<vmem>>) dst(%dma_wait3A_28 : memref<10240x16xf32, #tpu.memory_space<vmem_shared>>)
    }
    %scan3A_15 = arith.constant 125 : i32
    %barrier3A_16 = arith.constant 0 : index
    tpu.barrier barrier_id(%barrier3A_16)
    %mul3A_17 = arith.constant 16 : i32
    %mul3A_18 = arith.muli %arg0, %mul3A_17 : i32
    "tpu.region"() ({
      %run_scoped3A_19 = tpu.sem_alloc : memref<!tpu.dma_semaphore, #tpu.memory_space<semaphore_mem>>
      %dma_start3A = tpu.memref_slice %arg5[%mul3A_2, %mul3A_18] : memref<10240x128xf32, #tpu.memory_space<hbm>> -> memref<640x16xf32, #tpu.memory_space<hbm>>
      %dma_start3A_20 = arith.constant 0 : i32
      %dma_start3A_21 = tpu.memref_slice %arg8[%mul3A_2, %dma_start3A_20] : memref<10240x16xf32, #tpu.memory_space<vmem_shared>> -> memref<640x16xf32, #tpu.memory_space<vmem_shared>>
      tpu.enqueue_dma source(%dma_start3A_21 : memref<640x16xf32, #tpu.memory_space<vmem_shared>>) target(%dma_start3A : memref<640x16xf32, #tpu.memory_space<hbm>>) target_semaphore(%run_scoped3A_19 : memref<!tpu.dma_semaphore, #tpu.memory_space<semaphore_mem>>)
      %dma_wait3A = tpu.memref_slice %arg5[%mul3A_2, %mul3A_18] : memref<10240x128xf32, #tpu.memory_space<hbm>> -> memref<640x16xf32, #tpu.memory_space<hbm>>
      %dma_wait3A_22 = arith.constant 0 : i32
      %dma_wait3A_23 = tpu.memref_slice %arg8[%mul3A_2, %dma_wait3A_22] : memref<10240x16xf32, #tpu.memory_space<vmem_shared>> -> memref<640x16xf32, #tpu.memory_space<vmem_shared>>
      tpu.wait_dma2 semaphore(%run_scoped3A_19 : memref<!tpu.dma_semaphore, #tpu.memory_space<semaphore_mem>>) src(%dma_wait3A_23 : memref<640x16xf32, #tpu.memory_space<vmem_shared>>) dst(%dma_wait3A : memref<640x16xf32, #tpu.memory_space<hbm>>)
      tpu.yield
    }) : () -> ()
    return
  }
}

#map = affine_map<(d0, d1) -> (0, 0)>
#map1 = affine_map<(d0, d1) -> (0, 0, 0)>
module attributes {stable_mosaic.version = 14 : i64} {
  func.func @k(%arg0: i32, %arg1: i32, %arg2: memref<10240x64xf32, #tpu.memory_space<hbm>>, %arg3: memref<2x10240x64xf32, #tpu.memory_space<hbm>>, %arg4: memref<2x320000xi32, #tpu.memory_space<hbm>>, %arg5: memref<10240x128xf32, #tpu.memory_space<hbm>>, %arg6: memref<10000xi32, #tpu.memory_space<vmem>>, %arg7: memref<10000xi32, #tpu.memory_space<vmem>>, %arg8: memref<80x64xf32, #tpu.memory_space<vmem>>, %arg9: memref<80x64xf32, #tpu.memory_space<vmem>>, %arg10: memref<80x64xf32, #tpu.memory_space<vmem>>, %arg11: memref<80x64xf32, #tpu.memory_space<vmem>>, %arg12: memref<80x64xf32, #tpu.memory_space<vmem>>, %arg13: memref<80x64xf32, #tpu.memory_space<vmem>>, %arg14: memref<80x64xf32, #tpu.memory_space<vmem>>, %arg15: memref<80x64xf32, #tpu.memory_space<vmem>>, %arg16: memref<80x64xf32, #tpu.memory_space<vmem>>, %arg17: memref<80x64xf32, #tpu.memory_space<vmem>>, %arg18: memref<80x64xf32, #tpu.memory_space<vmem>>, %arg19: memref<80x64xf32, #tpu.memory_space<vmem>>, %arg20: memref<10240x64xf32, #tpu.memory_space<vmem_shared>>, %arg21: memref<!tpu.dma_semaphore, #tpu.memory_space<semaphore_mem>>, %arg22: memref<!tpu.dma_semaphore, #tpu.memory_space<semaphore_mem>>, %arg23: memref<!tpu.dma_semaphore, #tpu.memory_space<semaphore_mem>>, %arg24: memref<!tpu.dma_semaphore, #tpu.memory_space<semaphore_mem>>, %arg25: memref<!tpu.dma_semaphore, #tpu.memory_space<semaphore_mem>>, %arg26: memref<!tpu.dma_semaphore, #tpu.memory_space<semaphore_mem>>, %arg27: memref<!tpu.dma_semaphore, #tpu.memory_space<semaphore_mem>>, %arg28: memref<!tpu.dma_semaphore, #tpu.memory_space<semaphore_mem>>, %arg29: memref<!tpu.dma_semaphore, #tpu.memory_space<semaphore_mem>>, %arg30: memref<!tpu.dma_semaphore, #tpu.memory_space<semaphore_mem>>, %arg31: memref<!tpu.dma_semaphore, #tpu.memory_space<semaphore_mem>>, %arg32: memref<!tpu.dma_semaphore, #tpu.memory_space<semaphore_mem>>) attributes {dimension_semantics = [#tpu.dimension_semantics<core_parallel>, #tpu.dimension_semantics<subcore_parallel>], iteration_bounds = array<i64: 2, 16>, scalar_prefetch = 0 : i64, scratch_operands = 27 : i64, tpu.core_type = #tpu.core_type<sc_vector_subcore>, window_params = [{transform_indices = #map}, {transform_indices = #map1}, {transform_indices = #map}, {transform_indices = #map}]} {
    %mul3A = arith.constant 640 : i32
    %mul3A_0 = arith.muli %arg1, %mul3A : i32
    "tpu.region"() ({
      %run_scoped3A_331 = tpu.sem_alloc : memref<!tpu.dma_semaphore, #tpu.memory_space<semaphore_mem>>
      %dma_start3A_332 = arith.constant 0 : i32
      %dma_start3A_333 = tpu.memref_slice %arg20[%mul3A_0, %dma_start3A_332] : memref<10240x64xf32, #tpu.memory_space<vmem_shared>> -> memref<640x64xf32, #tpu.memory_space<vmem_shared>>
      %dma_start3A_334 = arith.constant 0 : i32
      %dma_start3A_335 = tpu.memref_slice %arg2[%mul3A_0, %dma_start3A_334] : memref<10240x64xf32, #tpu.memory_space<hbm>> -> memref<640x64xf32, #tpu.memory_space<hbm>>
      tpu.enqueue_dma source(%dma_start3A_335 : memref<640x64xf32, #tpu.memory_space<hbm>>) target(%dma_start3A_333 : memref<640x64xf32, #tpu.memory_space<vmem_shared>>) target_semaphore(%run_scoped3A_331 : memref<!tpu.dma_semaphore, #tpu.memory_space<semaphore_mem>>)
      %dma_wait3A_336 = arith.constant 0 : i32
      %dma_wait3A_337 = tpu.memref_slice %arg20[%mul3A_0, %dma_wait3A_336] : memref<10240x64xf32, #tpu.memory_space<vmem_shared>> -> memref<640x64xf32, #tpu.memory_space<vmem_shared>>
      %dma_wait3A_338 = arith.constant 0 : i32
      %dma_wait3A_339 = tpu.memref_slice %arg2[%mul3A_0, %dma_wait3A_338] : memref<10240x64xf32, #tpu.memory_space<hbm>> -> memref<640x64xf32, #tpu.memory_space<hbm>>
      tpu.wait_dma2 semaphore(%run_scoped3A_331 : memref<!tpu.dma_semaphore, #tpu.memory_space<semaphore_mem>>) src(%dma_wait3A_339 : memref<640x64xf32, #tpu.memory_space<hbm>>) dst(%dma_wait3A_337 : memref<640x64xf32, #tpu.memory_space<vmem_shared>>)
      tpu.yield
    }) : () -> ()
    %barrier3A = arith.constant 0 : index
    tpu.barrier barrier_id(%barrier3A)
    %mul3A_1 = arith.constant 250 : i32
    %mul3A_2 = arith.muli %arg1, %mul3A_1 : i32
    %add3A = arith.constant 0 : i32
    %add3A_3 = arith.addi %mul3A_2, %add3A : i32
    %mul3A_4 = arith.constant 80 : i32
    %mul3A_5 = arith.muli %add3A_3, %mul3A_4 : i32
    %run_scoped3A = arith.constant 0 : i32
    "tpu.region"() ({
      %run_scoped3A_331 = tpu.sem_alloc : memref<!tpu.dma_semaphore, #tpu.memory_space<semaphore_mem>>
      %dma_start3A_332 = tpu.memref_slice %arg4[%run_scoped3A, %mul3A_5] : memref<2x320000xi32, #tpu.memory_space<hbm>> -> memref<1x10000xi32, #tpu.memory_space<hbm>>
      %dma_start3A_333 = tpu.memref_squeeze %dma_start3A_332 : memref<1x10000xi32, #tpu.memory_space<hbm>> -> memref<10000xi32, #tpu.memory_space<hbm>>
      %dma_start3A_334 = tpu.memref_slice %arg4[%run_scoped3A, %mul3A_5] : memref<2x320000xi32, #tpu.memory_space<hbm>> -> memref<1x10000xi32, #tpu.memory_space<hbm>>
      %dma_start3A_335 = tpu.memref_squeeze %dma_start3A_334 : memref<1x10000xi32, #tpu.memory_space<hbm>> -> memref<10000xi32, #tpu.memory_space<hbm>>
      tpu.enqueue_dma source(%dma_start3A_335 : memref<10000xi32, #tpu.memory_space<hbm>>) target(%arg6 : memref<10000xi32, #tpu.memory_space<vmem>>) target_semaphore(%run_scoped3A_331 : memref<!tpu.dma_semaphore, #tpu.memory_space<semaphore_mem>>)
      %dma_wait3A_336 = tpu.memref_slice %arg4[%run_scoped3A, %mul3A_5] : memref<2x320000xi32, #tpu.memory_space<hbm>> -> memref<1x10000xi32, #tpu.memory_space<hbm>>
      %dma_wait3A_337 = tpu.memref_squeeze %dma_wait3A_336 : memref<1x10000xi32, #tpu.memory_space<hbm>> -> memref<10000xi32, #tpu.memory_space<hbm>>
      %dma_wait3A_338 = tpu.memref_slice %arg4[%run_scoped3A, %mul3A_5] : memref<2x320000xi32, #tpu.memory_space<hbm>> -> memref<1x10000xi32, #tpu.memory_space<hbm>>
      %dma_wait3A_339 = tpu.memref_squeeze %dma_wait3A_338 : memref<1x10000xi32, #tpu.memory_space<hbm>> -> memref<10000xi32, #tpu.memory_space<hbm>>
      tpu.wait_dma2 semaphore(%run_scoped3A_331 : memref<!tpu.dma_semaphore, #tpu.memory_space<semaphore_mem>>) src(%dma_wait3A_339 : memref<10000xi32, #tpu.memory_space<hbm>>) dst(%arg6 : memref<10000xi32, #tpu.memory_space<vmem>>)
      tpu.yield
    }) : () -> ()
    %run_scoped3A_6 = arith.constant 1 : i32
    "tpu.region"() ({
      %run_scoped3A_331 = tpu.sem_alloc : memref<!tpu.dma_semaphore, #tpu.memory_space<semaphore_mem>>
      %dma_start3A_332 = tpu.memref_slice %arg4[%run_scoped3A_6, %mul3A_5] : memref<2x320000xi32, #tpu.memory_space<hbm>> -> memref<1x10000xi32, #tpu.memory_space<hbm>>
      %dma_start3A_333 = tpu.memref_squeeze %dma_start3A_332 : memref<1x10000xi32, #tpu.memory_space<hbm>> -> memref<10000xi32, #tpu.memory_space<hbm>>
      %dma_start3A_334 = tpu.memref_slice %arg4[%run_scoped3A_6, %mul3A_5] : memref<2x320000xi32, #tpu.memory_space<hbm>> -> memref<1x10000xi32, #tpu.memory_space<hbm>>
      %dma_start3A_335 = tpu.memref_squeeze %dma_start3A_334 : memref<1x10000xi32, #tpu.memory_space<hbm>> -> memref<10000xi32, #tpu.memory_space<hbm>>
      tpu.enqueue_dma source(%dma_start3A_335 : memref<10000xi32, #tpu.memory_space<hbm>>) target(%arg7 : memref<10000xi32, #tpu.memory_space<vmem>>) target_semaphore(%run_scoped3A_331 : memref<!tpu.dma_semaphore, #tpu.memory_space<semaphore_mem>>)
      %dma_wait3A_336 = tpu.memref_slice %arg4[%run_scoped3A_6, %mul3A_5] : memref<2x320000xi32, #tpu.memory_space<hbm>> -> memref<1x10000xi32, #tpu.memory_space<hbm>>
      %dma_wait3A_337 = tpu.memref_squeeze %dma_wait3A_336 : memref<1x10000xi32, #tpu.memory_space<hbm>> -> memref<10000xi32, #tpu.memory_space<hbm>>
      %dma_wait3A_338 = tpu.memref_slice %arg4[%run_scoped3A_6, %mul3A_5] : memref<2x320000xi32, #tpu.memory_space<hbm>> -> memref<1x10000xi32, #tpu.memory_space<hbm>>
      %dma_wait3A_339 = tpu.memref_squeeze %dma_wait3A_338 : memref<1x10000xi32, #tpu.memory_space<hbm>> -> memref<10000xi32, #tpu.memory_space<hbm>>
      tpu.wait_dma2 semaphore(%run_scoped3A_331 : memref<!tpu.dma_semaphore, #tpu.memory_space<semaphore_mem>>) src(%dma_wait3A_339 : memref<10000xi32, #tpu.memory_space<hbm>>) dst(%arg7 : memref<10000xi32, #tpu.memory_space<vmem>>)
      tpu.yield
    }) : () -> ()
    %dma_start3A = arith.constant 0 : i32
    %dma_start3A_7 = tpu.memref_slice %arg6[%dma_start3A] : memref<10000xi32, #tpu.memory_space<vmem>> -> memref<80xi32, #tpu.memory_space<vmem>>
    %dma_start3A_8 = arith.constant 0 : i32
    %dma_start3A_9 = arith.constant 0 : i32
    %dma_start3A_10 = tpu.memref_slice %arg3[%arg0, %dma_start3A_8, %dma_start3A_9] : memref<2x10240x64xf32, #tpu.memory_space<hbm>> -> memref<1x10240x64xf32, #tpu.memory_space<hbm>>
    %dma_start3A_11 = tpu.memref_squeeze %dma_start3A_10 : memref<1x10240x64xf32, #tpu.memory_space<hbm>> -> memref<10240x64xf32, #tpu.memory_space<hbm>>
    %dma_start3A_12 = arith.constant 0 : i32
    %dma_start3A_13 = arith.constant 0 : i32
    %dma_start3A_14 = tpu.memref_slice %dma_start3A_11[%dma_start3A_12, %dma_start3A_13] : memref<10240x64xf32, #tpu.memory_space<hbm>> -> memref<10240x64xf32, #tpu.memory_space<hbm>>
    tpu.enqueue_indirect_dma source(%dma_start3A_14 : memref<10240x64xf32, #tpu.memory_space<hbm>>) target(%arg8 : memref<80x64xf32, #tpu.memory_space<vmem>>) offsets(%dma_start3A_7 : memref<80xi32, #tpu.memory_space<vmem>>) semaphore(%arg21 : memref<!tpu.dma_semaphore, #tpu.memory_space<semaphore_mem>>)
    %dma_start3A_15 = arith.constant 80 : i32
    %dma_start3A_16 = tpu.memref_slice %arg6[%dma_start3A_15] : memref<10000xi32, #tpu.memory_space<vmem>> -> memref<80xi32, #tpu.memory_space<vmem>>
    %dma_start3A_17 = arith.constant 0 : i32
    %dma_start3A_18 = arith.constant 0 : i32
    %dma_start3A_19 = tpu.memref_slice %arg3[%arg0, %dma_start3A_17, %dma_start3A_18] : memref<2x10240x64xf32, #tpu.memory_space<hbm>> -> memref<1x10240x64xf32, #tpu.memory_space<hbm>>
    %dma_start3A_20 = tpu.memref_squeeze %dma_start3A_19 : memref<1x10240x64xf32, #tpu.memory_space<hbm>> -> memref<10240x64xf32, #tpu.memory_space<hbm>>
    %dma_start3A_21 = arith.constant 0 : i32
    %dma_start3A_22 = arith.constant 0 : i32
    %dma_start3A_23 = tpu.memref_slice %dma_start3A_20[%dma_start3A_21, %dma_start3A_22] : memref<10240x64xf32, #tpu.memory_space<hbm>> -> memref<10240x64xf32, #tpu.memory_space<hbm>>
    tpu.enqueue_indirect_dma source(%dma_start3A_23 : memref<10240x64xf32, #tpu.memory_space<hbm>>) target(%arg9 : memref<80x64xf32, #tpu.memory_space<vmem>>) offsets(%dma_start3A_16 : memref<80xi32, #tpu.memory_space<vmem>>) semaphore(%arg22 : memref<!tpu.dma_semaphore, #tpu.memory_space<semaphore_mem>>)
    %dma_start3A_24 = arith.constant 160 : i32
    %dma_start3A_25 = tpu.memref_slice %arg6[%dma_start3A_24] : memref<10000xi32, #tpu.memory_space<vmem>> -> memref<80xi32, #tpu.memory_space<vmem>>
    %dma_start3A_26 = arith.constant 0 : i32
    %dma_start3A_27 = arith.constant 0 : i32
    %dma_start3A_28 = tpu.memref_slice %arg3[%arg0, %dma_start3A_26, %dma_start3A_27] : memref<2x10240x64xf32, #tpu.memory_space<hbm>> -> memref<1x10240x64xf32, #tpu.memory_space<hbm>>
    %dma_start3A_29 = tpu.memref_squeeze %dma_start3A_28 : memref<1x10240x64xf32, #tpu.memory_space<hbm>> -> memref<10240x64xf32, #tpu.memory_space<hbm>>
    %dma_start3A_30 = arith.constant 0 : i32
    %dma_start3A_31 = arith.constant 0 : i32
    %dma_start3A_32 = tpu.memref_slice %dma_start3A_29[%dma_start3A_30, %dma_start3A_31] : memref<10240x64xf32, #tpu.memory_space<hbm>> -> memref<10240x64xf32, #tpu.memory_space<hbm>>
    tpu.enqueue_indirect_dma source(%dma_start3A_32 : memref<10240x64xf32, #tpu.memory_space<hbm>>) target(%arg10 : memref<80x64xf32, #tpu.memory_space<vmem>>) offsets(%dma_start3A_25 : memref<80xi32, #tpu.memory_space<vmem>>) semaphore(%arg23 : memref<!tpu.dma_semaphore, #tpu.memory_space<semaphore_mem>>)
    %dma_start3A_33 = arith.constant 240 : i32
    %dma_start3A_34 = tpu.memref_slice %arg6[%dma_start3A_33] : memref<10000xi32, #tpu.memory_space<vmem>> -> memref<80xi32, #tpu.memory_space<vmem>>
    %dma_start3A_35 = arith.constant 0 : i32
    %dma_start3A_36 = arith.constant 0 : i32
    %dma_start3A_37 = tpu.memref_slice %arg3[%arg0, %dma_start3A_35, %dma_start3A_36] : memref<2x10240x64xf32, #tpu.memory_space<hbm>> -> memref<1x10240x64xf32, #tpu.memory_space<hbm>>
    %dma_start3A_38 = tpu.memref_squeeze %dma_start3A_37 : memref<1x10240x64xf32, #tpu.memory_space<hbm>> -> memref<10240x64xf32, #tpu.memory_space<hbm>>
    %dma_start3A_39 = arith.constant 0 : i32
    %dma_start3A_40 = arith.constant 0 : i32
    %dma_start3A_41 = tpu.memref_slice %dma_start3A_38[%dma_start3A_39, %dma_start3A_40] : memref<10240x64xf32, #tpu.memory_space<hbm>> -> memref<10240x64xf32, #tpu.memory_space<hbm>>
    tpu.enqueue_indirect_dma source(%dma_start3A_41 : memref<10240x64xf32, #tpu.memory_space<hbm>>) target(%arg11 : memref<80x64xf32, #tpu.memory_space<vmem>>) offsets(%dma_start3A_34 : memref<80xi32, #tpu.memory_space<vmem>>) semaphore(%arg24 : memref<!tpu.dma_semaphore, #tpu.memory_space<semaphore_mem>>)
    %dma_start3A_42 = arith.constant 320 : i32
    %dma_start3A_43 = tpu.memref_slice %arg6[%dma_start3A_42] : memref<10000xi32, #tpu.memory_space<vmem>> -> memref<80xi32, #tpu.memory_space<vmem>>
    %dma_start3A_44 = arith.constant 0 : i32
    %dma_start3A_45 = arith.constant 0 : i32
    %dma_start3A_46 = tpu.memref_slice %arg3[%arg0, %dma_start3A_44, %dma_start3A_45] : memref<2x10240x64xf32, #tpu.memory_space<hbm>> -> memref<1x10240x64xf32, #tpu.memory_space<hbm>>
    %dma_start3A_47 = tpu.memref_squeeze %dma_start3A_46 : memref<1x10240x64xf32, #tpu.memory_space<hbm>> -> memref<10240x64xf32, #tpu.memory_space<hbm>>
    %dma_start3A_48 = arith.constant 0 : i32
    %dma_start3A_49 = arith.constant 0 : i32
    %dma_start3A_50 = tpu.memref_slice %dma_start3A_47[%dma_start3A_48, %dma_start3A_49] : memref<10240x64xf32, #tpu.memory_space<hbm>> -> memref<10240x64xf32, #tpu.memory_space<hbm>>
    tpu.enqueue_indirect_dma source(%dma_start3A_50 : memref<10240x64xf32, #tpu.memory_space<hbm>>) target(%arg12 : memref<80x64xf32, #tpu.memory_space<vmem>>) offsets(%dma_start3A_43 : memref<80xi32, #tpu.memory_space<vmem>>) semaphore(%arg25 : memref<!tpu.dma_semaphore, #tpu.memory_space<semaphore_mem>>)
    %dma_start3A_51 = arith.constant 400 : i32
    %dma_start3A_52 = tpu.memref_slice %arg6[%dma_start3A_51] : memref<10000xi32, #tpu.memory_space<vmem>> -> memref<80xi32, #tpu.memory_space<vmem>>
    %dma_start3A_53 = arith.constant 0 : i32
    %dma_start3A_54 = arith.constant 0 : i32
    %dma_start3A_55 = tpu.memref_slice %arg3[%arg0, %dma_start3A_53, %dma_start3A_54] : memref<2x10240x64xf32, #tpu.memory_space<hbm>> -> memref<1x10240x64xf32, #tpu.memory_space<hbm>>
    %dma_start3A_56 = tpu.memref_squeeze %dma_start3A_55 : memref<1x10240x64xf32, #tpu.memory_space<hbm>> -> memref<10240x64xf32, #tpu.memory_space<hbm>>
    %dma_start3A_57 = arith.constant 0 : i32
    %dma_start3A_58 = arith.constant 0 : i32
    %dma_start3A_59 = tpu.memref_slice %dma_start3A_56[%dma_start3A_57, %dma_start3A_58] : memref<10240x64xf32, #tpu.memory_space<hbm>> -> memref<10240x64xf32, #tpu.memory_space<hbm>>
    tpu.enqueue_indirect_dma source(%dma_start3A_59 : memref<10240x64xf32, #tpu.memory_space<hbm>>) target(%arg13 : memref<80x64xf32, #tpu.memory_space<vmem>>) offsets(%dma_start3A_52 : memref<80xi32, #tpu.memory_space<vmem>>) semaphore(%arg26 : memref<!tpu.dma_semaphore, #tpu.memory_space<semaphore_mem>>)
    %dma_start3A_60 = arith.constant 480 : i32
    %dma_start3A_61 = tpu.memref_slice %arg6[%dma_start3A_60] : memref<10000xi32, #tpu.memory_space<vmem>> -> memref<80xi32, #tpu.memory_space<vmem>>
    %dma_start3A_62 = arith.constant 0 : i32
    %dma_start3A_63 = arith.constant 0 : i32
    %dma_start3A_64 = tpu.memref_slice %arg3[%arg0, %dma_start3A_62, %dma_start3A_63] : memref<2x10240x64xf32, #tpu.memory_space<hbm>> -> memref<1x10240x64xf32, #tpu.memory_space<hbm>>
    %dma_start3A_65 = tpu.memref_squeeze %dma_start3A_64 : memref<1x10240x64xf32, #tpu.memory_space<hbm>> -> memref<10240x64xf32, #tpu.memory_space<hbm>>
    %dma_start3A_66 = arith.constant 0 : i32
    %dma_start3A_67 = arith.constant 0 : i32
    %dma_start3A_68 = tpu.memref_slice %dma_start3A_65[%dma_start3A_66, %dma_start3A_67] : memref<10240x64xf32, #tpu.memory_space<hbm>> -> memref<10240x64xf32, #tpu.memory_space<hbm>>
    tpu.enqueue_indirect_dma source(%dma_start3A_68 : memref<10240x64xf32, #tpu.memory_space<hbm>>) target(%arg14 : memref<80x64xf32, #tpu.memory_space<vmem>>) offsets(%dma_start3A_61 : memref<80xi32, #tpu.memory_space<vmem>>) semaphore(%arg27 : memref<!tpu.dma_semaphore, #tpu.memory_space<semaphore_mem>>)
    %dma_start3A_69 = arith.constant 560 : i32
    %dma_start3A_70 = tpu.memref_slice %arg6[%dma_start3A_69] : memref<10000xi32, #tpu.memory_space<vmem>> -> memref<80xi32, #tpu.memory_space<vmem>>
    %dma_start3A_71 = arith.constant 0 : i32
    %dma_start3A_72 = arith.constant 0 : i32
    %dma_start3A_73 = tpu.memref_slice %arg3[%arg0, %dma_start3A_71, %dma_start3A_72] : memref<2x10240x64xf32, #tpu.memory_space<hbm>> -> memref<1x10240x64xf32, #tpu.memory_space<hbm>>
    %dma_start3A_74 = tpu.memref_squeeze %dma_start3A_73 : memref<1x10240x64xf32, #tpu.memory_space<hbm>> -> memref<10240x64xf32, #tpu.memory_space<hbm>>
    %dma_start3A_75 = arith.constant 0 : i32
    %dma_start3A_76 = arith.constant 0 : i32
    %dma_start3A_77 = tpu.memref_slice %dma_start3A_74[%dma_start3A_75, %dma_start3A_76] : memref<10240x64xf32, #tpu.memory_space<hbm>> -> memref<10240x64xf32, #tpu.memory_space<hbm>>
    tpu.enqueue_indirect_dma source(%dma_start3A_77 : memref<10240x64xf32, #tpu.memory_space<hbm>>) target(%arg15 : memref<80x64xf32, #tpu.memory_space<vmem>>) offsets(%dma_start3A_70 : memref<80xi32, #tpu.memory_space<vmem>>) semaphore(%arg28 : memref<!tpu.dma_semaphore, #tpu.memory_space<semaphore_mem>>)
    %dma_start3A_78 = arith.constant 640 : i32
    %dma_start3A_79 = tpu.memref_slice %arg6[%dma_start3A_78] : memref<10000xi32, #tpu.memory_space<vmem>> -> memref<80xi32, #tpu.memory_space<vmem>>
    %dma_start3A_80 = arith.constant 0 : i32
    %dma_start3A_81 = arith.constant 0 : i32
    %dma_start3A_82 = tpu.memref_slice %arg3[%arg0, %dma_start3A_80, %dma_start3A_81] : memref<2x10240x64xf32, #tpu.memory_space<hbm>> -> memref<1x10240x64xf32, #tpu.memory_space<hbm>>
    %dma_start3A_83 = tpu.memref_squeeze %dma_start3A_82 : memref<1x10240x64xf32, #tpu.memory_space<hbm>> -> memref<10240x64xf32, #tpu.memory_space<hbm>>
    %dma_start3A_84 = arith.constant 0 : i32
    %dma_start3A_85 = arith.constant 0 : i32
    %dma_start3A_86 = tpu.memref_slice %dma_start3A_83[%dma_start3A_84, %dma_start3A_85] : memref<10240x64xf32, #tpu.memory_space<hbm>> -> memref<10240x64xf32, #tpu.memory_space<hbm>>
    tpu.enqueue_indirect_dma source(%dma_start3A_86 : memref<10240x64xf32, #tpu.memory_space<hbm>>) target(%arg16 : memref<80x64xf32, #tpu.memory_space<vmem>>) offsets(%dma_start3A_79 : memref<80xi32, #tpu.memory_space<vmem>>) semaphore(%arg29 : memref<!tpu.dma_semaphore, #tpu.memory_space<semaphore_mem>>)
    %dma_start3A_87 = arith.constant 720 : i32
    %dma_start3A_88 = tpu.memref_slice %arg6[%dma_start3A_87] : memref<10000xi32, #tpu.memory_space<vmem>> -> memref<80xi32, #tpu.memory_space<vmem>>
    %dma_start3A_89 = arith.constant 0 : i32
    %dma_start3A_90 = arith.constant 0 : i32
    %dma_start3A_91 = tpu.memref_slice %arg3[%arg0, %dma_start3A_89, %dma_start3A_90] : memref<2x10240x64xf32, #tpu.memory_space<hbm>> -> memref<1x10240x64xf32, #tpu.memory_space<hbm>>
    %dma_start3A_92 = tpu.memref_squeeze %dma_start3A_91 : memref<1x10240x64xf32, #tpu.memory_space<hbm>> -> memref<10240x64xf32, #tpu.memory_space<hbm>>
    %dma_start3A_93 = arith.constant 0 : i32
    %dma_start3A_94 = arith.constant 0 : i32
    %dma_start3A_95 = tpu.memref_slice %dma_start3A_92[%dma_start3A_93, %dma_start3A_94] : memref<10240x64xf32, #tpu.memory_space<hbm>> -> memref<10240x64xf32, #tpu.memory_space<hbm>>
    tpu.enqueue_indirect_dma source(%dma_start3A_95 : memref<10240x64xf32, #tpu.memory_space<hbm>>) target(%arg17 : memref<80x64xf32, #tpu.memory_space<vmem>>) offsets(%dma_start3A_88 : memref<80xi32, #tpu.memory_space<vmem>>) semaphore(%arg30 : memref<!tpu.dma_semaphore, #tpu.memory_space<semaphore_mem>>)
    %dma_start3A_96 = arith.constant 800 : i32
    %dma_start3A_97 = tpu.memref_slice %arg6[%dma_start3A_96] : memref<10000xi32, #tpu.memory_space<vmem>> -> memref<80xi32, #tpu.memory_space<vmem>>
    %dma_start3A_98 = arith.constant 0 : i32
    %dma_start3A_99 = arith.constant 0 : i32
    %dma_start3A_100 = tpu.memref_slice %arg3[%arg0, %dma_start3A_98, %dma_start3A_99] : memref<2x10240x64xf32, #tpu.memory_space<hbm>> -> memref<1x10240x64xf32, #tpu.memory_space<hbm>>
    %dma_start3A_101 = tpu.memref_squeeze %dma_start3A_100 : memref<1x10240x64xf32, #tpu.memory_space<hbm>> -> memref<10240x64xf32, #tpu.memory_space<hbm>>
    %dma_start3A_102 = arith.constant 0 : i32
    %dma_start3A_103 = arith.constant 0 : i32
    %dma_start3A_104 = tpu.memref_slice %dma_start3A_101[%dma_start3A_102, %dma_start3A_103] : memref<10240x64xf32, #tpu.memory_space<hbm>> -> memref<10240x64xf32, #tpu.memory_space<hbm>>
    tpu.enqueue_indirect_dma source(%dma_start3A_104 : memref<10240x64xf32, #tpu.memory_space<hbm>>) target(%arg18 : memref<80x64xf32, #tpu.memory_space<vmem>>) offsets(%dma_start3A_97 : memref<80xi32, #tpu.memory_space<vmem>>) semaphore(%arg31 : memref<!tpu.dma_semaphore, #tpu.memory_space<semaphore_mem>>)
    %dma_start3A_105 = arith.constant 880 : i32
    %dma_start3A_106 = tpu.memref_slice %arg6[%dma_start3A_105] : memref<10000xi32, #tpu.memory_space<vmem>> -> memref<80xi32, #tpu.memory_space<vmem>>
    %dma_start3A_107 = arith.constant 0 : i32
    %dma_start3A_108 = arith.constant 0 : i32
    %dma_start3A_109 = tpu.memref_slice %arg3[%arg0, %dma_start3A_107, %dma_start3A_108] : memref<2x10240x64xf32, #tpu.memory_space<hbm>> -> memref<1x10240x64xf32, #tpu.memory_space<hbm>>
    %dma_start3A_110 = tpu.memref_squeeze %dma_start3A_109 : memref<1x10240x64xf32, #tpu.memory_space<hbm>> -> memref<10240x64xf32, #tpu.memory_space<hbm>>
    %dma_start3A_111 = arith.constant 0 : i32
    %dma_start3A_112 = arith.constant 0 : i32
    %dma_start3A_113 = tpu.memref_slice %dma_start3A_110[%dma_start3A_111, %dma_start3A_112] : memref<10240x64xf32, #tpu.memory_space<hbm>> -> memref<10240x64xf32, #tpu.memory_space<hbm>>
    tpu.enqueue_indirect_dma source(%dma_start3A_113 : memref<10240x64xf32, #tpu.memory_space<hbm>>) target(%arg19 : memref<80x64xf32, #tpu.memory_space<vmem>>) offsets(%dma_start3A_106 : memref<80xi32, #tpu.memory_space<vmem>>) semaphore(%arg32 : memref<!tpu.dma_semaphore, #tpu.memory_space<semaphore_mem>>)
    %scan3A = arith.constant 0 : i32
    %scan3A_114 = arith.constant 10 : i32
    %scan3A_115 = arith.addi %scan3A, %scan3A_114 : i32
    %scan3A_116 = arith.constant 1 : i32
    scf.for %scan3A_331 = %scan3A to %scan3A_115 step %scan3A_116  : i32 {
      %mul3A_332 = arith.constant 12 : i32
      %mul3A_333 = arith.muli %scan3A_331, %mul3A_332 : i32
      %add3A_334 = arith.constant 0 : i32
      %add3A_335 = arith.addi %add3A_334, %mul3A_333 : i32
      %add3A_336 = arith.constant 0 : i32
      %add3A_337 = arith.addi %add3A_335, %add3A_336 : i32
      %mul3A_338 = arith.constant 80 : i32
      %mul3A_339 = arith.muli %add3A_337, %mul3A_338 : i32
      %dma_wait3A_340 = tpu.memref_slice %arg6[%mul3A_339] : memref<10000xi32, #tpu.memory_space<vmem>> -> memref<80xi32, #tpu.memory_space<vmem>>
      %dma_wait3A_341 = arith.constant 0 : i32
      %dma_wait3A_342 = arith.constant 0 : i32
      %dma_wait3A_343 = tpu.memref_slice %arg3[%arg0, %dma_wait3A_341, %dma_wait3A_342] : memref<2x10240x64xf32, #tpu.memory_space<hbm>> -> memref<1x10240x64xf32, #tpu.memory_space<hbm>>
      %dma_wait3A_344 = tpu.memref_squeeze %dma_wait3A_343 : memref<1x10240x64xf32, #tpu.memory_space<hbm>> -> memref<10240x64xf32, #tpu.memory_space<hbm>>
      %dma_wait3A_345 = arith.constant 0 : i32
      %dma_wait3A_346 = arith.constant 0 : i32
      %dma_wait3A_347 = tpu.memref_slice %dma_wait3A_344[%dma_wait3A_345, %dma_wait3A_346] : memref<10240x64xf32, #tpu.memory_space<hbm>> -> memref<10240x64xf32, #tpu.memory_space<hbm>>
      tpu.wait_indirect_dma semaphore(%arg21 : memref<!tpu.dma_semaphore, #tpu.memory_space<semaphore_mem>>) src(%dma_wait3A_347 : memref<10240x64xf32, #tpu.memory_space<hbm>>) dst(%arg8 : memref<80x64xf32, #tpu.memory_space<vmem>>)
      %add3A_348 = arith.constant 0 : i32
      %add3A_349 = arith.addi %add3A_335, %add3A_348 : i32
      %mul3A_350 = arith.constant 80 : i32
      %mul3A_351 = arith.muli %add3A_349, %mul3A_350 : i32
      "tpu.region"() ({
        %run_scoped3A_633 = tpu.sem_alloc : memref<!tpu.dma_semaphore, #tpu.memory_space<semaphore_mem>>
        %dma_start3A_634 = tpu.memref_slice %arg7[%mul3A_351] : memref<10000xi32, #tpu.memory_space<vmem>> -> memref<80xi32, #tpu.memory_space<vmem>>
        %dma_start3A_635 = arith.constant 0 : i32
        %dma_start3A_636 = arith.constant 0 : i32
        %dma_start3A_637 = tpu.memref_slice %arg20[%dma_start3A_635, %dma_start3A_636] : memref<10240x64xf32, #tpu.memory_space<vmem_shared>> -> memref<10240x64xf32, #tpu.memory_space<vmem_shared>>
        tpu.enqueue_indirect_dma source(%arg8 : memref<80x64xf32, #tpu.memory_space<vmem>>) target(%dma_start3A_637 : memref<10240x64xf32, #tpu.memory_space<vmem_shared>>) offsets(%dma_start3A_634 : memref<80xi32, #tpu.memory_space<vmem>>) semaphore(%run_scoped3A_633 : memref<!tpu.dma_semaphore, #tpu.memory_space<semaphore_mem>>) {add = true}
        %dma_wait3A_638 = tpu.memref_slice %arg7[%mul3A_351] : memref<10000xi32, #tpu.memory_space<vmem>> -> memref<80xi32, #tpu.memory_space<vmem>>
        %dma_wait3A_639 = arith.constant 0 : i32
        %dma_wait3A_640 = arith.constant 0 : i32
        %dma_wait3A_641 = tpu.memref_slice %arg20[%dma_wait3A_639, %dma_wait3A_640] : memref<10240x64xf32, #tpu.memory_space<vmem_shared>> -> memref<10240x64xf32, #tpu.memory_space<vmem_shared>>
        tpu.wait_indirect_dma semaphore(%run_scoped3A_633 : memref<!tpu.dma_semaphore, #tpu.memory_space<semaphore_mem>>) src(%arg8 : memref<80x64xf32, #tpu.memory_space<vmem>>) dst(%dma_wait3A_641 : memref<10240x64xf32, #tpu.memory_space<vmem_shared>>)
        tpu.yield
      }) : () -> ()
      %add3A_352 = arith.constant 0 : i32
      %add3A_353 = arith.addi %add3A_335, %add3A_352 : i32
      %add3A_354 = arith.constant 12 : i32
      %add3A_355 = arith.addi %add3A_353, %add3A_354 : i32
      %lt3A = arith.constant 125 : i32
      %lt3A_356 = arith.cmpi slt, %add3A_355, %lt3A : i32
      %convert_element_type3A = arith.extui %lt3A_356 : i1 to i32
      %cond3A = arith.constant 0 : i32
      %cond3A_357 = arith.cmpi ne, %convert_element_type3A, %cond3A : i32
      scf.if %cond3A_357 {
        %add3A_633 = arith.constant 0 : i32
        %add3A_634 = arith.addi %add3A_335, %add3A_633 : i32
        %add3A_635 = arith.constant 12 : i32
        %add3A_636 = arith.addi %add3A_634, %add3A_635 : i32
        %mul3A_637 = arith.constant 80 : i32
        %mul3A_638 = arith.muli %add3A_636, %mul3A_637 : i32
        %dma_start3A_639 = tpu.memref_slice %arg6[%mul3A_638] : memref<10000xi32, #tpu.memory_space<vmem>> -> memref<80xi32, #tpu.memory_space<vmem>>
        %dma_start3A_640 = arith.constant 0 : i32
        %dma_start3A_641 = arith.constant 0 : i32
        %dma_start3A_642 = tpu.memref_slice %arg3[%arg0, %dma_start3A_640, %dma_start3A_641] : memref<2x10240x64xf32, #tpu.memory_space<hbm>> -> memref<1x10240x64xf32, #tpu.memory_space<hbm>>
        %dma_start3A_643 = tpu.memref_squeeze %dma_start3A_642 : memref<1x10240x64xf32, #tpu.memory_space<hbm>> -> memref<10240x64xf32, #tpu.memory_space<hbm>>
        %dma_start3A_644 = arith.constant 0 : i32
        %dma_start3A_645 = arith.constant 0 : i32
        %dma_start3A_646 = tpu.memref_slice %dma_start3A_643[%dma_start3A_644, %dma_start3A_645] : memref<10240x64xf32, #tpu.memory_space<hbm>> -> memref<10240x64xf32, #tpu.memory_space<hbm>>
        tpu.enqueue_indirect_dma source(%dma_start3A_646 : memref<10240x64xf32, #tpu.memory_space<hbm>>) target(%arg8 : memref<80x64xf32, #tpu.memory_space<vmem>>) offsets(%dma_start3A_639 : memref<80xi32, #tpu.memory_space<vmem>>) semaphore(%arg21 : memref<!tpu.dma_semaphore, #tpu.memory_space<semaphore_mem>>)
      } else {
      }
      %add3A_358 = arith.constant 1 : i32
      %add3A_359 = arith.addi %add3A_335, %add3A_358 : i32
      %mul3A_360 = arith.constant 80 : i32
      %mul3A_361 = arith.muli %add3A_359, %mul3A_360 : i32
      %dma_wait3A_362 = tpu.memref_slice %arg6[%mul3A_361] : memref<10000xi32, #tpu.memory_space<vmem>> -> memref<80xi32, #tpu.memory_space<vmem>>
      %dma_wait3A_363 = arith.constant 0 : i32
      %dma_wait3A_364 = arith.constant 0 : i32
      %dma_wait3A_365 = tpu.memref_slice %arg3[%arg0, %dma_wait3A_363, %dma_wait3A_364] : memref<2x10240x64xf32, #tpu.memory_space<hbm>> -> memref<1x10240x64xf32, #tpu.memory_space<hbm>>
      %dma_wait3A_366 = tpu.memref_squeeze %dma_wait3A_365 : memref<1x10240x64xf32, #tpu.memory_space<hbm>> -> memref<10240x64xf32, #tpu.memory_space<hbm>>
      %dma_wait3A_367 = arith.constant 0 : i32
      %dma_wait3A_368 = arith.constant 0 : i32
      %dma_wait3A_369 = tpu.memref_slice %dma_wait3A_366[%dma_wait3A_367, %dma_wait3A_368] : memref<10240x64xf32, #tpu.memory_space<hbm>> -> memref<10240x64xf32, #tpu.memory_space<hbm>>
      tpu.wait_indirect_dma semaphore(%arg22 : memref<!tpu.dma_semaphore, #tpu.memory_space<semaphore_mem>>) src(%dma_wait3A_369 : memref<10240x64xf32, #tpu.memory_space<hbm>>) dst(%arg9 : memref<80x64xf32, #tpu.memory_space<vmem>>)
      %add3A_370 = arith.constant 1 : i32
      %add3A_371 = arith.addi %add3A_335, %add3A_370 : i32
      %mul3A_372 = arith.constant 80 : i32
      %mul3A_373 = arith.muli %add3A_371, %mul3A_372 : i32
      "tpu.region"() ({
        %run_scoped3A_633 = tpu.sem_alloc : memref<!tpu.dma_semaphore, #tpu.memory_space<semaphore_mem>>
        %dma_start3A_634 = tpu.memref_slice %arg7[%mul3A_373] : memref<10000xi32, #tpu.memory_space<vmem>> -> memref<80xi32, #tpu.memory_space<vmem>>
        %dma_start3A_635 = arith.constant 0 : i32
        %dma_start3A_636 = arith.constant 0 : i32
        %dma_start3A_637 = tpu.memref_slice %arg20[%dma_start3A_635, %dma_start3A_636] : memref<10240x64xf32, #tpu.memory_space<vmem_shared>> -> memref<10240x64xf32, #tpu.memory_space<vmem_shared>>
        tpu.enqueue_indirect_dma source(%arg9 : memref<80x64xf32, #tpu.memory_space<vmem>>) target(%dma_start3A_637 : memref<10240x64xf32, #tpu.memory_space<vmem_shared>>) offsets(%dma_start3A_634 : memref<80xi32, #tpu.memory_space<vmem>>) semaphore(%run_scoped3A_633 : memref<!tpu.dma_semaphore, #tpu.memory_space<semaphore_mem>>) {add = true}
        %dma_wait3A_638 = tpu.memref_slice %arg7[%mul3A_373] : memref<10000xi32, #tpu.memory_space<vmem>> -> memref<80xi32, #tpu.memory_space<vmem>>
        %dma_wait3A_639 = arith.constant 0 : i32
        %dma_wait3A_640 = arith.constant 0 : i32
        %dma_wait3A_641 = tpu.memref_slice %arg20[%dma_wait3A_639, %dma_wait3A_640] : memref<10240x64xf32, #tpu.memory_space<vmem_shared>> -> memref<10240x64xf32, #tpu.memory_space<vmem_shared>>
        tpu.wait_indirect_dma semaphore(%run_scoped3A_633 : memref<!tpu.dma_semaphore, #tpu.memory_space<semaphore_mem>>) src(%arg9 : memref<80x64xf32, #tpu.memory_space<vmem>>) dst(%dma_wait3A_641 : memref<10240x64xf32, #tpu.memory_space<vmem_shared>>)
        tpu.yield
      }) : () -> ()
      %add3A_374 = arith.constant 1 : i32
      %add3A_375 = arith.addi %add3A_335, %add3A_374 : i32
      %add3A_376 = arith.constant 12 : i32
      %add3A_377 = arith.addi %add3A_375, %add3A_376 : i32
      %lt3A_378 = arith.constant 125 : i32
      %lt3A_379 = arith.cmpi slt, %add3A_377, %lt3A_378 : i32
      %convert_element_type3A_380 = arith.extui %lt3A_379 : i1 to i32
      %cond3A_381 = arith.constant 0 : i32
      %cond3A_382 = arith.cmpi ne, %convert_element_type3A_380, %cond3A_381 : i32
      scf.if %cond3A_382 {
        %add3A_633 = arith.constant 1 : i32
        %add3A_634 = arith.addi %add3A_335, %add3A_633 : i32
        %add3A_635 = arith.constant 12 : i32
        %add3A_636 = arith.addi %add3A_634, %add3A_635 : i32
        %mul3A_637 = arith.constant 80 : i32
        %mul3A_638 = arith.muli %add3A_636, %mul3A_637 : i32
        %dma_start3A_639 = tpu.memref_slice %arg6[%mul3A_638] : memref<10000xi32, #tpu.memory_space<vmem>> -> memref<80xi32, #tpu.memory_space<vmem>>
        %dma_start3A_640 = arith.constant 0 : i32
        %dma_start3A_641 = arith.constant 0 : i32
        %dma_start3A_642 = tpu.memref_slice %arg3[%arg0, %dma_start3A_640, %dma_start3A_641] : memref<2x10240x64xf32, #tpu.memory_space<hbm>> -> memref<1x10240x64xf32, #tpu.memory_space<hbm>>
        %dma_start3A_643 = tpu.memref_squeeze %dma_start3A_642 : memref<1x10240x64xf32, #tpu.memory_space<hbm>> -> memref<10240x64xf32, #tpu.memory_space<hbm>>
        %dma_start3A_644 = arith.constant 0 : i32
        %dma_start3A_645 = arith.constant 0 : i32
        %dma_start3A_646 = tpu.memref_slice %dma_start3A_643[%dma_start3A_644, %dma_start3A_645] : memref<10240x64xf32, #tpu.memory_space<hbm>> -> memref<10240x64xf32, #tpu.memory_space<hbm>>
        tpu.enqueue_indirect_dma source(%dma_start3A_646 : memref<10240x64xf32, #tpu.memory_space<hbm>>) target(%arg9 : memref<80x64xf32, #tpu.memory_space<vmem>>) offsets(%dma_start3A_639 : memref<80xi32, #tpu.memory_space<vmem>>) semaphore(%arg22 : memref<!tpu.dma_semaphore, #tpu.memory_space<semaphore_mem>>)
      } else {
      }
      %add3A_383 = arith.constant 2 : i32
      %add3A_384 = arith.addi %add3A_335, %add3A_383 : i32
      %mul3A_385 = arith.constant 80 : i32
      %mul3A_386 = arith.muli %add3A_384, %mul3A_385 : i32
      %dma_wait3A_387 = tpu.memref_slice %arg6[%mul3A_386] : memref<10000xi32, #tpu.memory_space<vmem>> -> memref<80xi32, #tpu.memory_space<vmem>>
      %dma_wait3A_388 = arith.constant 0 : i32
      %dma_wait3A_389 = arith.constant 0 : i32
      %dma_wait3A_390 = tpu.memref_slice %arg3[%arg0, %dma_wait3A_388, %dma_wait3A_389] : memref<2x10240x64xf32, #tpu.memory_space<hbm>> -> memref<1x10240x64xf32, #tpu.memory_space<hbm>>
      %dma_wait3A_391 = tpu.memref_squeeze %dma_wait3A_390 : memref<1x10240x64xf32, #tpu.memory_space<hbm>> -> memref<10240x64xf32, #tpu.memory_space<hbm>>
      %dma_wait3A_392 = arith.constant 0 : i32
      %dma_wait3A_393 = arith.constant 0 : i32
      %dma_wait3A_394 = tpu.memref_slice %dma_wait3A_391[%dma_wait3A_392, %dma_wait3A_393] : memref<10240x64xf32, #tpu.memory_space<hbm>> -> memref<10240x64xf32, #tpu.memory_space<hbm>>
      tpu.wait_indirect_dma semaphore(%arg23 : memref<!tpu.dma_semaphore, #tpu.memory_space<semaphore_mem>>) src(%dma_wait3A_394 : memref<10240x64xf32, #tpu.memory_space<hbm>>) dst(%arg10 : memref<80x64xf32, #tpu.memory_space<vmem>>)
      %add3A_395 = arith.constant 2 : i32
      %add3A_396 = arith.addi %add3A_335, %add3A_395 : i32
      %mul3A_397 = arith.constant 80 : i32
      %mul3A_398 = arith.muli %add3A_396, %mul3A_397 : i32
      "tpu.region"() ({
        %run_scoped3A_633 = tpu.sem_alloc : memref<!tpu.dma_semaphore, #tpu.memory_space<semaphore_mem>>
        %dma_start3A_634 = tpu.memref_slice %arg7[%mul3A_398] : memref<10000xi32, #tpu.memory_space<vmem>> -> memref<80xi32, #tpu.memory_space<vmem>>
        %dma_start3A_635 = arith.constant 0 : i32
        %dma_start3A_636 = arith.constant 0 : i32
        %dma_start3A_637 = tpu.memref_slice %arg20[%dma_start3A_635, %dma_start3A_636] : memref<10240x64xf32, #tpu.memory_space<vmem_shared>> -> memref<10240x64xf32, #tpu.memory_space<vmem_shared>>
        tpu.enqueue_indirect_dma source(%arg10 : memref<80x64xf32, #tpu.memory_space<vmem>>) target(%dma_start3A_637 : memref<10240x64xf32, #tpu.memory_space<vmem_shared>>) offsets(%dma_start3A_634 : memref<80xi32, #tpu.memory_space<vmem>>) semaphore(%run_scoped3A_633 : memref<!tpu.dma_semaphore, #tpu.memory_space<semaphore_mem>>) {add = true}
        %dma_wait3A_638 = tpu.memref_slice %arg7[%mul3A_398] : memref<10000xi32, #tpu.memory_space<vmem>> -> memref<80xi32, #tpu.memory_space<vmem>>
        %dma_wait3A_639 = arith.constant 0 : i32
        %dma_wait3A_640 = arith.constant 0 : i32
        %dma_wait3A_641 = tpu.memref_slice %arg20[%dma_wait3A_639, %dma_wait3A_640] : memref<10240x64xf32, #tpu.memory_space<vmem_shared>> -> memref<10240x64xf32, #tpu.memory_space<vmem_shared>>
        tpu.wait_indirect_dma semaphore(%run_scoped3A_633 : memref<!tpu.dma_semaphore, #tpu.memory_space<semaphore_mem>>) src(%arg10 : memref<80x64xf32, #tpu.memory_space<vmem>>) dst(%dma_wait3A_641 : memref<10240x64xf32, #tpu.memory_space<vmem_shared>>)
        tpu.yield
      }) : () -> ()
      %add3A_399 = arith.constant 2 : i32
      %add3A_400 = arith.addi %add3A_335, %add3A_399 : i32
      %add3A_401 = arith.constant 12 : i32
      %add3A_402 = arith.addi %add3A_400, %add3A_401 : i32
      %lt3A_403 = arith.constant 125 : i32
      %lt3A_404 = arith.cmpi slt, %add3A_402, %lt3A_403 : i32
      %convert_element_type3A_405 = arith.extui %lt3A_404 : i1 to i32
      %cond3A_406 = arith.constant 0 : i32
      %cond3A_407 = arith.cmpi ne, %convert_element_type3A_405, %cond3A_406 : i32
      scf.if %cond3A_407 {
        %add3A_633 = arith.constant 2 : i32
        %add3A_634 = arith.addi %add3A_335, %add3A_633 : i32
        %add3A_635 = arith.constant 12 : i32
        %add3A_636 = arith.addi %add3A_634, %add3A_635 : i32
        %mul3A_637 = arith.constant 80 : i32
        %mul3A_638 = arith.muli %add3A_636, %mul3A_637 : i32
        %dma_start3A_639 = tpu.memref_slice %arg6[%mul3A_638] : memref<10000xi32, #tpu.memory_space<vmem>> -> memref<80xi32, #tpu.memory_space<vmem>>
        %dma_start3A_640 = arith.constant 0 : i32
        %dma_start3A_641 = arith.constant 0 : i32
        %dma_start3A_642 = tpu.memref_slice %arg3[%arg0, %dma_start3A_640, %dma_start3A_641] : memref<2x10240x64xf32, #tpu.memory_space<hbm>> -> memref<1x10240x64xf32, #tpu.memory_space<hbm>>
        %dma_start3A_643 = tpu.memref_squeeze %dma_start3A_642 : memref<1x10240x64xf32, #tpu.memory_space<hbm>> -> memref<10240x64xf32, #tpu.memory_space<hbm>>
        %dma_start3A_644 = arith.constant 0 : i32
        %dma_start3A_645 = arith.constant 0 : i32
        %dma_start3A_646 = tpu.memref_slice %dma_start3A_643[%dma_start3A_644, %dma_start3A_645] : memref<10240x64xf32, #tpu.memory_space<hbm>> -> memref<10240x64xf32, #tpu.memory_space<hbm>>
        tpu.enqueue_indirect_dma source(%dma_start3A_646 : memref<10240x64xf32, #tpu.memory_space<hbm>>) target(%arg10 : memref<80x64xf32, #tpu.memory_space<vmem>>) offsets(%dma_start3A_639 : memref<80xi32, #tpu.memory_space<vmem>>) semaphore(%arg23 : memref<!tpu.dma_semaphore, #tpu.memory_space<semaphore_mem>>)
      } else {
      }
      %add3A_408 = arith.constant 3 : i32
      %add3A_409 = arith.addi %add3A_335, %add3A_408 : i32
      %mul3A_410 = arith.constant 80 : i32
      %mul3A_411 = arith.muli %add3A_409, %mul3A_410 : i32
      %dma_wait3A_412 = tpu.memref_slice %arg6[%mul3A_411] : memref<10000xi32, #tpu.memory_space<vmem>> -> memref<80xi32, #tpu.memory_space<vmem>>
      %dma_wait3A_413 = arith.constant 0 : i32
      %dma_wait3A_414 = arith.constant 0 : i32
      %dma_wait3A_415 = tpu.memref_slice %arg3[%arg0, %dma_wait3A_413, %dma_wait3A_414] : memref<2x10240x64xf32, #tpu.memory_space<hbm>> -> memref<1x10240x64xf32, #tpu.memory_space<hbm>>
      %dma_wait3A_416 = tpu.memref_squeeze %dma_wait3A_415 : memref<1x10240x64xf32, #tpu.memory_space<hbm>> -> memref<10240x64xf32, #tpu.memory_space<hbm>>
      %dma_wait3A_417 = arith.constant 0 : i32
      %dma_wait3A_418 = arith.constant 0 : i32
      %dma_wait3A_419 = tpu.memref_slice %dma_wait3A_416[%dma_wait3A_417, %dma_wait3A_418] : memref<10240x64xf32, #tpu.memory_space<hbm>> -> memref<10240x64xf32, #tpu.memory_space<hbm>>
      tpu.wait_indirect_dma semaphore(%arg24 : memref<!tpu.dma_semaphore, #tpu.memory_space<semaphore_mem>>) src(%dma_wait3A_419 : memref<10240x64xf32, #tpu.memory_space<hbm>>) dst(%arg11 : memref<80x64xf32, #tpu.memory_space<vmem>>)
      %add3A_420 = arith.constant 3 : i32
      %add3A_421 = arith.addi %add3A_335, %add3A_420 : i32
      %mul3A_422 = arith.constant 80 : i32
      %mul3A_423 = arith.muli %add3A_421, %mul3A_422 : i32
      "tpu.region"() ({
        %run_scoped3A_633 = tpu.sem_alloc : memref<!tpu.dma_semaphore, #tpu.memory_space<semaphore_mem>>
        %dma_start3A_634 = tpu.memref_slice %arg7[%mul3A_423] : memref<10000xi32, #tpu.memory_space<vmem>> -> memref<80xi32, #tpu.memory_space<vmem>>
        %dma_start3A_635 = arith.constant 0 : i32
        %dma_start3A_636 = arith.constant 0 : i32
        %dma_start3A_637 = tpu.memref_slice %arg20[%dma_start3A_635, %dma_start3A_636] : memref<10240x64xf32, #tpu.memory_space<vmem_shared>> -> memref<10240x64xf32, #tpu.memory_space<vmem_shared>>
        tpu.enqueue_indirect_dma source(%arg11 : memref<80x64xf32, #tpu.memory_space<vmem>>) target(%dma_start3A_637 : memref<10240x64xf32, #tpu.memory_space<vmem_shared>>) offsets(%dma_start3A_634 : memref<80xi32, #tpu.memory_space<vmem>>) semaphore(%run_scoped3A_633 : memref<!tpu.dma_semaphore, #tpu.memory_space<semaphore_mem>>) {add = true}
        %dma_wait3A_638 = tpu.memref_slice %arg7[%mul3A_423] : memref<10000xi32, #tpu.memory_space<vmem>> -> memref<80xi32, #tpu.memory_space<vmem>>
        %dma_wait3A_639 = arith.constant 0 : i32
        %dma_wait3A_640 = arith.constant 0 : i32
        %dma_wait3A_641 = tpu.memref_slice %arg20[%dma_wait3A_639, %dma_wait3A_640] : memref<10240x64xf32, #tpu.memory_space<vmem_shared>> -> memref<10240x64xf32, #tpu.memory_space<vmem_shared>>
        tpu.wait_indirect_dma semaphore(%run_scoped3A_633 : memref<!tpu.dma_semaphore, #tpu.memory_space<semaphore_mem>>) src(%arg11 : memref<80x64xf32, #tpu.memory_space<vmem>>) dst(%dma_wait3A_641 : memref<10240x64xf32, #tpu.memory_space<vmem_shared>>)
        tpu.yield
      }) : () -> ()
      %add3A_424 = arith.constant 3 : i32
      %add3A_425 = arith.addi %add3A_335, %add3A_424 : i32
      %add3A_426 = arith.constant 12 : i32
      %add3A_427 = arith.addi %add3A_425, %add3A_426 : i32
      %lt3A_428 = arith.constant 125 : i32
      %lt3A_429 = arith.cmpi slt, %add3A_427, %lt3A_428 : i32
      %convert_element_type3A_430 = arith.extui %lt3A_429 : i1 to i32
      %cond3A_431 = arith.constant 0 : i32
      %cond3A_432 = arith.cmpi ne, %convert_element_type3A_430, %cond3A_431 : i32
      scf.if %cond3A_432 {
        %add3A_633 = arith.constant 3 : i32
        %add3A_634 = arith.addi %add3A_335, %add3A_633 : i32
        %add3A_635 = arith.constant 12 : i32
        %add3A_636 = arith.addi %add3A_634, %add3A_635 : i32
        %mul3A_637 = arith.constant 80 : i32
        %mul3A_638 = arith.muli %add3A_636, %mul3A_637 : i32
        %dma_start3A_639 = tpu.memref_slice %arg6[%mul3A_638] : memref<10000xi32, #tpu.memory_space<vmem>> -> memref<80xi32, #tpu.memory_space<vmem>>
        %dma_start3A_640 = arith.constant 0 : i32
        %dma_start3A_641 = arith.constant 0 : i32
        %dma_start3A_642 = tpu.memref_slice %arg3[%arg0, %dma_start3A_640, %dma_start3A_641] : memref<2x10240x64xf32, #tpu.memory_space<hbm>> -> memref<1x10240x64xf32, #tpu.memory_space<hbm>>
        %dma_start3A_643 = tpu.memref_squeeze %dma_start3A_642 : memref<1x10240x64xf32, #tpu.memory_space<hbm>> -> memref<10240x64xf32, #tpu.memory_space<hbm>>
        %dma_start3A_644 = arith.constant 0 : i32
        %dma_start3A_645 = arith.constant 0 : i32
        %dma_start3A_646 = tpu.memref_slice %dma_start3A_643[%dma_start3A_644, %dma_start3A_645] : memref<10240x64xf32, #tpu.memory_space<hbm>> -> memref<10240x64xf32, #tpu.memory_space<hbm>>
        tpu.enqueue_indirect_dma source(%dma_start3A_646 : memref<10240x64xf32, #tpu.memory_space<hbm>>) target(%arg11 : memref<80x64xf32, #tpu.memory_space<vmem>>) offsets(%dma_start3A_639 : memref<80xi32, #tpu.memory_space<vmem>>) semaphore(%arg24 : memref<!tpu.dma_semaphore, #tpu.memory_space<semaphore_mem>>)
      } else {
      }
      %add3A_433 = arith.constant 4 : i32
      %add3A_434 = arith.addi %add3A_335, %add3A_433 : i32
      %mul3A_435 = arith.constant 80 : i32
      %mul3A_436 = arith.muli %add3A_434, %mul3A_435 : i32
      %dma_wait3A_437 = tpu.memref_slice %arg6[%mul3A_436] : memref<10000xi32, #tpu.memory_space<vmem>> -> memref<80xi32, #tpu.memory_space<vmem>>
      %dma_wait3A_438 = arith.constant 0 : i32
      %dma_wait3A_439 = arith.constant 0 : i32
      %dma_wait3A_440 = tpu.memref_slice %arg3[%arg0, %dma_wait3A_438, %dma_wait3A_439] : memref<2x10240x64xf32, #tpu.memory_space<hbm>> -> memref<1x10240x64xf32, #tpu.memory_space<hbm>>
      %dma_wait3A_441 = tpu.memref_squeeze %dma_wait3A_440 : memref<1x10240x64xf32, #tpu.memory_space<hbm>> -> memref<10240x64xf32, #tpu.memory_space<hbm>>
      %dma_wait3A_442 = arith.constant 0 : i32
      %dma_wait3A_443 = arith.constant 0 : i32
      %dma_wait3A_444 = tpu.memref_slice %dma_wait3A_441[%dma_wait3A_442, %dma_wait3A_443] : memref<10240x64xf32, #tpu.memory_space<hbm>> -> memref<10240x64xf32, #tpu.memory_space<hbm>>
      tpu.wait_indirect_dma semaphore(%arg25 : memref<!tpu.dma_semaphore, #tpu.memory_space<semaphore_mem>>) src(%dma_wait3A_444 : memref<10240x64xf32, #tpu.memory_space<hbm>>) dst(%arg12 : memref<80x64xf32, #tpu.memory_space<vmem>>)
      %add3A_445 = arith.constant 4 : i32
      %add3A_446 = arith.addi %add3A_335, %add3A_445 : i32
      %mul3A_447 = arith.constant 80 : i32
      %mul3A_448 = arith.muli %add3A_446, %mul3A_447 : i32
      "tpu.region"() ({
        %run_scoped3A_633 = tpu.sem_alloc : memref<!tpu.dma_semaphore, #tpu.memory_space<semaphore_mem>>
        %dma_start3A_634 = tpu.memref_slice %arg7[%mul3A_448] : memref<10000xi32, #tpu.memory_space<vmem>> -> memref<80xi32, #tpu.memory_space<vmem>>
        %dma_start3A_635 = arith.constant 0 : i32
        %dma_start3A_636 = arith.constant 0 : i32
        %dma_start3A_637 = tpu.memref_slice %arg20[%dma_start3A_635, %dma_start3A_636] : memref<10240x64xf32, #tpu.memory_space<vmem_shared>> -> memref<10240x64xf32, #tpu.memory_space<vmem_shared>>
        tpu.enqueue_indirect_dma source(%arg12 : memref<80x64xf32, #tpu.memory_space<vmem>>) target(%dma_start3A_637 : memref<10240x64xf32, #tpu.memory_space<vmem_shared>>) offsets(%dma_start3A_634 : memref<80xi32, #tpu.memory_space<vmem>>) semaphore(%run_scoped3A_633 : memref<!tpu.dma_semaphore, #tpu.memory_space<semaphore_mem>>) {add = true}
        %dma_wait3A_638 = tpu.memref_slice %arg7[%mul3A_448] : memref<10000xi32, #tpu.memory_space<vmem>> -> memref<80xi32, #tpu.memory_space<vmem>>
        %dma_wait3A_639 = arith.constant 0 : i32
        %dma_wait3A_640 = arith.constant 0 : i32
        %dma_wait3A_641 = tpu.memref_slice %arg20[%dma_wait3A_639, %dma_wait3A_640] : memref<10240x64xf32, #tpu.memory_space<vmem_shared>> -> memref<10240x64xf32, #tpu.memory_space<vmem_shared>>
        tpu.wait_indirect_dma semaphore(%run_scoped3A_633 : memref<!tpu.dma_semaphore, #tpu.memory_space<semaphore_mem>>) src(%arg12 : memref<80x64xf32, #tpu.memory_space<vmem>>) dst(%dma_wait3A_641 : memref<10240x64xf32, #tpu.memory_space<vmem_shared>>)
        tpu.yield
      }) : () -> ()
      %add3A_449 = arith.constant 4 : i32
      %add3A_450 = arith.addi %add3A_335, %add3A_449 : i32
      %add3A_451 = arith.constant 12 : i32
      %add3A_452 = arith.addi %add3A_450, %add3A_451 : i32
      %lt3A_453 = arith.constant 125 : i32
      %lt3A_454 = arith.cmpi slt, %add3A_452, %lt3A_453 : i32
      %convert_element_type3A_455 = arith.extui %lt3A_454 : i1 to i32
      %cond3A_456 = arith.constant 0 : i32
      %cond3A_457 = arith.cmpi ne, %convert_element_type3A_455, %cond3A_456 : i32
      scf.if %cond3A_457 {
        %add3A_633 = arith.constant 4 : i32
        %add3A_634 = arith.addi %add3A_335, %add3A_633 : i32
        %add3A_635 = arith.constant 12 : i32
        %add3A_636 = arith.addi %add3A_634, %add3A_635 : i32
        %mul3A_637 = arith.constant 80 : i32
        %mul3A_638 = arith.muli %add3A_636, %mul3A_637 : i32
        %dma_start3A_639 = tpu.memref_slice %arg6[%mul3A_638] : memref<10000xi32, #tpu.memory_space<vmem>> -> memref<80xi32, #tpu.memory_space<vmem>>
        %dma_start3A_640 = arith.constant 0 : i32
        %dma_start3A_641 = arith.constant 0 : i32
        %dma_start3A_642 = tpu.memref_slice %arg3[%arg0, %dma_start3A_640, %dma_start3A_641] : memref<2x10240x64xf32, #tpu.memory_space<hbm>> -> memref<1x10240x64xf32, #tpu.memory_space<hbm>>
        %dma_start3A_643 = tpu.memref_squeeze %dma_start3A_642 : memref<1x10240x64xf32, #tpu.memory_space<hbm>> -> memref<10240x64xf32, #tpu.memory_space<hbm>>
        %dma_start3A_644 = arith.constant 0 : i32
        %dma_start3A_645 = arith.constant 0 : i32
        %dma_start3A_646 = tpu.memref_slice %dma_start3A_643[%dma_start3A_644, %dma_start3A_645] : memref<10240x64xf32, #tpu.memory_space<hbm>> -> memref<10240x64xf32, #tpu.memory_space<hbm>>
        tpu.enqueue_indirect_dma source(%dma_start3A_646 : memref<10240x64xf32, #tpu.memory_space<hbm>>) target(%arg12 : memref<80x64xf32, #tpu.memory_space<vmem>>) offsets(%dma_start3A_639 : memref<80xi32, #tpu.memory_space<vmem>>) semaphore(%arg25 : memref<!tpu.dma_semaphore, #tpu.memory_space<semaphore_mem>>)
      } else {
      }
      %add3A_458 = arith.constant 5 : i32
      %add3A_459 = arith.addi %add3A_335, %add3A_458 : i32
      %mul3A_460 = arith.constant 80 : i32
      %mul3A_461 = arith.muli %add3A_459, %mul3A_460 : i32
      %dma_wait3A_462 = tpu.memref_slice %arg6[%mul3A_461] : memref<10000xi32, #tpu.memory_space<vmem>> -> memref<80xi32, #tpu.memory_space<vmem>>
      %dma_wait3A_463 = arith.constant 0 : i32
      %dma_wait3A_464 = arith.constant 0 : i32
      %dma_wait3A_465 = tpu.memref_slice %arg3[%arg0, %dma_wait3A_463, %dma_wait3A_464] : memref<2x10240x64xf32, #tpu.memory_space<hbm>> -> memref<1x10240x64xf32, #tpu.memory_space<hbm>>
      %dma_wait3A_466 = tpu.memref_squeeze %dma_wait3A_465 : memref<1x10240x64xf32, #tpu.memory_space<hbm>> -> memref<10240x64xf32, #tpu.memory_space<hbm>>
      %dma_wait3A_467 = arith.constant 0 : i32
      %dma_wait3A_468 = arith.constant 0 : i32
      %dma_wait3A_469 = tpu.memref_slice %dma_wait3A_466[%dma_wait3A_467, %dma_wait3A_468] : memref<10240x64xf32, #tpu.memory_space<hbm>> -> memref<10240x64xf32, #tpu.memory_space<hbm>>
      tpu.wait_indirect_dma semaphore(%arg26 : memref<!tpu.dma_semaphore, #tpu.memory_space<semaphore_mem>>) src(%dma_wait3A_469 : memref<10240x64xf32, #tpu.memory_space<hbm>>) dst(%arg13 : memref<80x64xf32, #tpu.memory_space<vmem>>)
      %add3A_470 = arith.constant 5 : i32
      %add3A_471 = arith.addi %add3A_335, %add3A_470 : i32
      %mul3A_472 = arith.constant 80 : i32
      %mul3A_473 = arith.muli %add3A_471, %mul3A_472 : i32
      "tpu.region"() ({
        %run_scoped3A_633 = tpu.sem_alloc : memref<!tpu.dma_semaphore, #tpu.memory_space<semaphore_mem>>
        %dma_start3A_634 = tpu.memref_slice %arg7[%mul3A_473] : memref<10000xi32, #tpu.memory_space<vmem>> -> memref<80xi32, #tpu.memory_space<vmem>>
        %dma_start3A_635 = arith.constant 0 : i32
        %dma_start3A_636 = arith.constant 0 : i32
        %dma_start3A_637 = tpu.memref_slice %arg20[%dma_start3A_635, %dma_start3A_636] : memref<10240x64xf32, #tpu.memory_space<vmem_shared>> -> memref<10240x64xf32, #tpu.memory_space<vmem_shared>>
        tpu.enqueue_indirect_dma source(%arg13 : memref<80x64xf32, #tpu.memory_space<vmem>>) target(%dma_start3A_637 : memref<10240x64xf32, #tpu.memory_space<vmem_shared>>) offsets(%dma_start3A_634 : memref<80xi32, #tpu.memory_space<vmem>>) semaphore(%run_scoped3A_633 : memref<!tpu.dma_semaphore, #tpu.memory_space<semaphore_mem>>) {add = true}
        %dma_wait3A_638 = tpu.memref_slice %arg7[%mul3A_473] : memref<10000xi32, #tpu.memory_space<vmem>> -> memref<80xi32, #tpu.memory_space<vmem>>
        %dma_wait3A_639 = arith.constant 0 : i32
        %dma_wait3A_640 = arith.constant 0 : i32
        %dma_wait3A_641 = tpu.memref_slice %arg20[%dma_wait3A_639, %dma_wait3A_640] : memref<10240x64xf32, #tpu.memory_space<vmem_shared>> -> memref<10240x64xf32, #tpu.memory_space<vmem_shared>>
        tpu.wait_indirect_dma semaphore(%run_scoped3A_633 : memref<!tpu.dma_semaphore, #tpu.memory_space<semaphore_mem>>) src(%arg13 : memref<80x64xf32, #tpu.memory_space<vmem>>) dst(%dma_wait3A_641 : memref<10240x64xf32, #tpu.memory_space<vmem_shared>>)
        tpu.yield
      }) : () -> ()
      %add3A_474 = arith.constant 5 : i32
      %add3A_475 = arith.addi %add3A_335, %add3A_474 : i32
      %add3A_476 = arith.constant 12 : i32
      %add3A_477 = arith.addi %add3A_475, %add3A_476 : i32
      %lt3A_478 = arith.constant 125 : i32
      %lt3A_479 = arith.cmpi slt, %add3A_477, %lt3A_478 : i32
      %convert_element_type3A_480 = arith.extui %lt3A_479 : i1 to i32
      %cond3A_481 = arith.constant 0 : i32
      %cond3A_482 = arith.cmpi ne, %convert_element_type3A_480, %cond3A_481 : i32
      scf.if %cond3A_482 {
        %add3A_633 = arith.constant 5 : i32
        %add3A_634 = arith.addi %add3A_335, %add3A_633 : i32
        %add3A_635 = arith.constant 12 : i32
        %add3A_636 = arith.addi %add3A_634, %add3A_635 : i32
        %mul3A_637 = arith.constant 80 : i32
        %mul3A_638 = arith.muli %add3A_636, %mul3A_637 : i32
        %dma_start3A_639 = tpu.memref_slice %arg6[%mul3A_638] : memref<10000xi32, #tpu.memory_space<vmem>> -> memref<80xi32, #tpu.memory_space<vmem>>
        %dma_start3A_640 = arith.constant 0 : i32
        %dma_start3A_641 = arith.constant 0 : i32
        %dma_start3A_642 = tpu.memref_slice %arg3[%arg0, %dma_start3A_640, %dma_start3A_641] : memref<2x10240x64xf32, #tpu.memory_space<hbm>> -> memref<1x10240x64xf32, #tpu.memory_space<hbm>>
        %dma_start3A_643 = tpu.memref_squeeze %dma_start3A_642 : memref<1x10240x64xf32, #tpu.memory_space<hbm>> -> memref<10240x64xf32, #tpu.memory_space<hbm>>
        %dma_start3A_644 = arith.constant 0 : i32
        %dma_start3A_645 = arith.constant 0 : i32
        %dma_start3A_646 = tpu.memref_slice %dma_start3A_643[%dma_start3A_644, %dma_start3A_645] : memref<10240x64xf32, #tpu.memory_space<hbm>> -> memref<10240x64xf32, #tpu.memory_space<hbm>>
        tpu.enqueue_indirect_dma source(%dma_start3A_646 : memref<10240x64xf32, #tpu.memory_space<hbm>>) target(%arg13 : memref<80x64xf32, #tpu.memory_space<vmem>>) offsets(%dma_start3A_639 : memref<80xi32, #tpu.memory_space<vmem>>) semaphore(%arg26 : memref<!tpu.dma_semaphore, #tpu.memory_space<semaphore_mem>>)
      } else {
      }
      %add3A_483 = arith.constant 6 : i32
      %add3A_484 = arith.addi %add3A_335, %add3A_483 : i32
      %mul3A_485 = arith.constant 80 : i32
      %mul3A_486 = arith.muli %add3A_484, %mul3A_485 : i32
      %dma_wait3A_487 = tpu.memref_slice %arg6[%mul3A_486] : memref<10000xi32, #tpu.memory_space<vmem>> -> memref<80xi32, #tpu.memory_space<vmem>>
      %dma_wait3A_488 = arith.constant 0 : i32
      %dma_wait3A_489 = arith.constant 0 : i32
      %dma_wait3A_490 = tpu.memref_slice %arg3[%arg0, %dma_wait3A_488, %dma_wait3A_489] : memref<2x10240x64xf32, #tpu.memory_space<hbm>> -> memref<1x10240x64xf32, #tpu.memory_space<hbm>>
      %dma_wait3A_491 = tpu.memref_squeeze %dma_wait3A_490 : memref<1x10240x64xf32, #tpu.memory_space<hbm>> -> memref<10240x64xf32, #tpu.memory_space<hbm>>
      %dma_wait3A_492 = arith.constant 0 : i32
      %dma_wait3A_493 = arith.constant 0 : i32
      %dma_wait3A_494 = tpu.memref_slice %dma_wait3A_491[%dma_wait3A_492, %dma_wait3A_493] : memref<10240x64xf32, #tpu.memory_space<hbm>> -> memref<10240x64xf32, #tpu.memory_space<hbm>>
      tpu.wait_indirect_dma semaphore(%arg27 : memref<!tpu.dma_semaphore, #tpu.memory_space<semaphore_mem>>) src(%dma_wait3A_494 : memref<10240x64xf32, #tpu.memory_space<hbm>>) dst(%arg14 : memref<80x64xf32, #tpu.memory_space<vmem>>)
      %add3A_495 = arith.constant 6 : i32
      %add3A_496 = arith.addi %add3A_335, %add3A_495 : i32
      %mul3A_497 = arith.constant 80 : i32
      %mul3A_498 = arith.muli %add3A_496, %mul3A_497 : i32
      "tpu.region"() ({
        %run_scoped3A_633 = tpu.sem_alloc : memref<!tpu.dma_semaphore, #tpu.memory_space<semaphore_mem>>
        %dma_start3A_634 = tpu.memref_slice %arg7[%mul3A_498] : memref<10000xi32, #tpu.memory_space<vmem>> -> memref<80xi32, #tpu.memory_space<vmem>>
        %dma_start3A_635 = arith.constant 0 : i32
        %dma_start3A_636 = arith.constant 0 : i32
        %dma_start3A_637 = tpu.memref_slice %arg20[%dma_start3A_635, %dma_start3A_636] : memref<10240x64xf32, #tpu.memory_space<vmem_shared>> -> memref<10240x64xf32, #tpu.memory_space<vmem_shared>>
        tpu.enqueue_indirect_dma source(%arg14 : memref<80x64xf32, #tpu.memory_space<vmem>>) target(%dma_start3A_637 : memref<10240x64xf32, #tpu.memory_space<vmem_shared>>) offsets(%dma_start3A_634 : memref<80xi32, #tpu.memory_space<vmem>>) semaphore(%run_scoped3A_633 : memref<!tpu.dma_semaphore, #tpu.memory_space<semaphore_mem>>) {add = true}
        %dma_wait3A_638 = tpu.memref_slice %arg7[%mul3A_498] : memref<10000xi32, #tpu.memory_space<vmem>> -> memref<80xi32, #tpu.memory_space<vmem>>
        %dma_wait3A_639 = arith.constant 0 : i32
        %dma_wait3A_640 = arith.constant 0 : i32
        %dma_wait3A_641 = tpu.memref_slice %arg20[%dma_wait3A_639, %dma_wait3A_640] : memref<10240x64xf32, #tpu.memory_space<vmem_shared>> -> memref<10240x64xf32, #tpu.memory_space<vmem_shared>>
        tpu.wait_indirect_dma semaphore(%run_scoped3A_633 : memref<!tpu.dma_semaphore, #tpu.memory_space<semaphore_mem>>) src(%arg14 : memref<80x64xf32, #tpu.memory_space<vmem>>) dst(%dma_wait3A_641 : memref<10240x64xf32, #tpu.memory_space<vmem_shared>>)
        tpu.yield
      }) : () -> ()
      %add3A_499 = arith.constant 6 : i32
      %add3A_500 = arith.addi %add3A_335, %add3A_499 : i32
      %add3A_501 = arith.constant 12 : i32
      %add3A_502 = arith.addi %add3A_500, %add3A_501 : i32
      %lt3A_503 = arith.constant 125 : i32
      %lt3A_504 = arith.cmpi slt, %add3A_502, %lt3A_503 : i32
      %convert_element_type3A_505 = arith.extui %lt3A_504 : i1 to i32
      %cond3A_506 = arith.constant 0 : i32
      %cond3A_507 = arith.cmpi ne, %convert_element_type3A_505, %cond3A_506 : i32
      scf.if %cond3A_507 {
        %add3A_633 = arith.constant 6 : i32
        %add3A_634 = arith.addi %add3A_335, %add3A_633 : i32
        %add3A_635 = arith.constant 12 : i32
        %add3A_636 = arith.addi %add3A_634, %add3A_635 : i32
        %mul3A_637 = arith.constant 80 : i32
        %mul3A_638 = arith.muli %add3A_636, %mul3A_637 : i32
        %dma_start3A_639 = tpu.memref_slice %arg6[%mul3A_638] : memref<10000xi32, #tpu.memory_space<vmem>> -> memref<80xi32, #tpu.memory_space<vmem>>
        %dma_start3A_640 = arith.constant 0 : i32
        %dma_start3A_641 = arith.constant 0 : i32
        %dma_start3A_642 = tpu.memref_slice %arg3[%arg0, %dma_start3A_640, %dma_start3A_641] : memref<2x10240x64xf32, #tpu.memory_space<hbm>> -> memref<1x10240x64xf32, #tpu.memory_space<hbm>>
        %dma_start3A_643 = tpu.memref_squeeze %dma_start3A_642 : memref<1x10240x64xf32, #tpu.memory_space<hbm>> -> memref<10240x64xf32, #tpu.memory_space<hbm>>
        %dma_start3A_644 = arith.constant 0 : i32
        %dma_start3A_645 = arith.constant 0 : i32
        %dma_start3A_646 = tpu.memref_slice %dma_start3A_643[%dma_start3A_644, %dma_start3A_645] : memref<10240x64xf32, #tpu.memory_space<hbm>> -> memref<10240x64xf32, #tpu.memory_space<hbm>>
        tpu.enqueue_indirect_dma source(%dma_start3A_646 : memref<10240x64xf32, #tpu.memory_space<hbm>>) target(%arg14 : memref<80x64xf32, #tpu.memory_space<vmem>>) offsets(%dma_start3A_639 : memref<80xi32, #tpu.memory_space<vmem>>) semaphore(%arg27 : memref<!tpu.dma_semaphore, #tpu.memory_space<semaphore_mem>>)
      } else {
      }
      %add3A_508 = arith.constant 7 : i32
      %add3A_509 = arith.addi %add3A_335, %add3A_508 : i32
      %mul3A_510 = arith.constant 80 : i32
      %mul3A_511 = arith.muli %add3A_509, %mul3A_510 : i32
      %dma_wait3A_512 = tpu.memref_slice %arg6[%mul3A_511] : memref<10000xi32, #tpu.memory_space<vmem>> -> memref<80xi32, #tpu.memory_space<vmem>>
      %dma_wait3A_513 = arith.constant 0 : i32
      %dma_wait3A_514 = arith.constant 0 : i32
      %dma_wait3A_515 = tpu.memref_slice %arg3[%arg0, %dma_wait3A_513, %dma_wait3A_514] : memref<2x10240x64xf32, #tpu.memory_space<hbm>> -> memref<1x10240x64xf32, #tpu.memory_space<hbm>>
      %dma_wait3A_516 = tpu.memref_squeeze %dma_wait3A_515 : memref<1x10240x64xf32, #tpu.memory_space<hbm>> -> memref<10240x64xf32, #tpu.memory_space<hbm>>
      %dma_wait3A_517 = arith.constant 0 : i32
      %dma_wait3A_518 = arith.constant 0 : i32
      %dma_wait3A_519 = tpu.memref_slice %dma_wait3A_516[%dma_wait3A_517, %dma_wait3A_518] : memref<10240x64xf32, #tpu.memory_space<hbm>> -> memref<10240x64xf32, #tpu.memory_space<hbm>>
      tpu.wait_indirect_dma semaphore(%arg28 : memref<!tpu.dma_semaphore, #tpu.memory_space<semaphore_mem>>) src(%dma_wait3A_519 : memref<10240x64xf32, #tpu.memory_space<hbm>>) dst(%arg15 : memref<80x64xf32, #tpu.memory_space<vmem>>)
      %add3A_520 = arith.constant 7 : i32
      %add3A_521 = arith.addi %add3A_335, %add3A_520 : i32
      %mul3A_522 = arith.constant 80 : i32
      %mul3A_523 = arith.muli %add3A_521, %mul3A_522 : i32
      "tpu.region"() ({
        %run_scoped3A_633 = tpu.sem_alloc : memref<!tpu.dma_semaphore, #tpu.memory_space<semaphore_mem>>
        %dma_start3A_634 = tpu.memref_slice %arg7[%mul3A_523] : memref<10000xi32, #tpu.memory_space<vmem>> -> memref<80xi32, #tpu.memory_space<vmem>>
        %dma_start3A_635 = arith.constant 0 : i32
        %dma_start3A_636 = arith.constant 0 : i32
        %dma_start3A_637 = tpu.memref_slice %arg20[%dma_start3A_635, %dma_start3A_636] : memref<10240x64xf32, #tpu.memory_space<vmem_shared>> -> memref<10240x64xf32, #tpu.memory_space<vmem_shared>>
        tpu.enqueue_indirect_dma source(%arg15 : memref<80x64xf32, #tpu.memory_space<vmem>>) target(%dma_start3A_637 : memref<10240x64xf32, #tpu.memory_space<vmem_shared>>) offsets(%dma_start3A_634 : memref<80xi32, #tpu.memory_space<vmem>>) semaphore(%run_scoped3A_633 : memref<!tpu.dma_semaphore, #tpu.memory_space<semaphore_mem>>) {add = true}
        %dma_wait3A_638 = tpu.memref_slice %arg7[%mul3A_523] : memref<10000xi32, #tpu.memory_space<vmem>> -> memref<80xi32, #tpu.memory_space<vmem>>
        %dma_wait3A_639 = arith.constant 0 : i32
        %dma_wait3A_640 = arith.constant 0 : i32
        %dma_wait3A_641 = tpu.memref_slice %arg20[%dma_wait3A_639, %dma_wait3A_640] : memref<10240x64xf32, #tpu.memory_space<vmem_shared>> -> memref<10240x64xf32, #tpu.memory_space<vmem_shared>>
        tpu.wait_indirect_dma semaphore(%run_scoped3A_633 : memref<!tpu.dma_semaphore, #tpu.memory_space<semaphore_mem>>) src(%arg15 : memref<80x64xf32, #tpu.memory_space<vmem>>) dst(%dma_wait3A_641 : memref<10240x64xf32, #tpu.memory_space<vmem_shared>>)
        tpu.yield
      }) : () -> ()
      %add3A_524 = arith.constant 7 : i32
      %add3A_525 = arith.addi %add3A_335, %add3A_524 : i32
      %add3A_526 = arith.constant 12 : i32
      %add3A_527 = arith.addi %add3A_525, %add3A_526 : i32
      %lt3A_528 = arith.constant 125 : i32
      %lt3A_529 = arith.cmpi slt, %add3A_527, %lt3A_528 : i32
      %convert_element_type3A_530 = arith.extui %lt3A_529 : i1 to i32
      %cond3A_531 = arith.constant 0 : i32
      %cond3A_532 = arith.cmpi ne, %convert_element_type3A_530, %cond3A_531 : i32
      scf.if %cond3A_532 {
        %add3A_633 = arith.constant 7 : i32
        %add3A_634 = arith.addi %add3A_335, %add3A_633 : i32
        %add3A_635 = arith.constant 12 : i32
        %add3A_636 = arith.addi %add3A_634, %add3A_635 : i32
        %mul3A_637 = arith.constant 80 : i32
        %mul3A_638 = arith.muli %add3A_636, %mul3A_637 : i32
        %dma_start3A_639 = tpu.memref_slice %arg6[%mul3A_638] : memref<10000xi32, #tpu.memory_space<vmem>> -> memref<80xi32, #tpu.memory_space<vmem>>
        %dma_start3A_640 = arith.constant 0 : i32
        %dma_start3A_641 = arith.constant 0 : i32
        %dma_start3A_642 = tpu.memref_slice %arg3[%arg0, %dma_start3A_640, %dma_start3A_641] : memref<2x10240x64xf32, #tpu.memory_space<hbm>> -> memref<1x10240x64xf32, #tpu.memory_space<hbm>>
        %dma_start3A_643 = tpu.memref_squeeze %dma_start3A_642 : memref<1x10240x64xf32, #tpu.memory_space<hbm>> -> memref<10240x64xf32, #tpu.memory_space<hbm>>
        %dma_start3A_644 = arith.constant 0 : i32
        %dma_start3A_645 = arith.constant 0 : i32
        %dma_start3A_646 = tpu.memref_slice %dma_start3A_643[%dma_start3A_644, %dma_start3A_645] : memref<10240x64xf32, #tpu.memory_space<hbm>> -> memref<10240x64xf32, #tpu.memory_space<hbm>>
        tpu.enqueue_indirect_dma source(%dma_start3A_646 : memref<10240x64xf32, #tpu.memory_space<hbm>>) target(%arg15 : memref<80x64xf32, #tpu.memory_space<vmem>>) offsets(%dma_start3A_639 : memref<80xi32, #tpu.memory_space<vmem>>) semaphore(%arg28 : memref<!tpu.dma_semaphore, #tpu.memory_space<semaphore_mem>>)
      } else {
      }
      %add3A_533 = arith.constant 8 : i32
      %add3A_534 = arith.addi %add3A_335, %add3A_533 : i32
      %mul3A_535 = arith.constant 80 : i32
      %mul3A_536 = arith.muli %add3A_534, %mul3A_535 : i32
      %dma_wait3A_537 = tpu.memref_slice %arg6[%mul3A_536] : memref<10000xi32, #tpu.memory_space<vmem>> -> memref<80xi32, #tpu.memory_space<vmem>>
      %dma_wait3A_538 = arith.constant 0 : i32
      %dma_wait3A_539 = arith.constant 0 : i32
      %dma_wait3A_540 = tpu.memref_slice %arg3[%arg0, %dma_wait3A_538, %dma_wait3A_539] : memref<2x10240x64xf32, #tpu.memory_space<hbm>> -> memref<1x10240x64xf32, #tpu.memory_space<hbm>>
      %dma_wait3A_541 = tpu.memref_squeeze %dma_wait3A_540 : memref<1x10240x64xf32, #tpu.memory_space<hbm>> -> memref<10240x64xf32, #tpu.memory_space<hbm>>
      %dma_wait3A_542 = arith.constant 0 : i32
      %dma_wait3A_543 = arith.constant 0 : i32
      %dma_wait3A_544 = tpu.memref_slice %dma_wait3A_541[%dma_wait3A_542, %dma_wait3A_543] : memref<10240x64xf32, #tpu.memory_space<hbm>> -> memref<10240x64xf32, #tpu.memory_space<hbm>>
      tpu.wait_indirect_dma semaphore(%arg29 : memref<!tpu.dma_semaphore, #tpu.memory_space<semaphore_mem>>) src(%dma_wait3A_544 : memref<10240x64xf32, #tpu.memory_space<hbm>>) dst(%arg16 : memref<80x64xf32, #tpu.memory_space<vmem>>)
      %add3A_545 = arith.constant 8 : i32
      %add3A_546 = arith.addi %add3A_335, %add3A_545 : i32
      %mul3A_547 = arith.constant 80 : i32
      %mul3A_548 = arith.muli %add3A_546, %mul3A_547 : i32
      "tpu.region"() ({
        %run_scoped3A_633 = tpu.sem_alloc : memref<!tpu.dma_semaphore, #tpu.memory_space<semaphore_mem>>
        %dma_start3A_634 = tpu.memref_slice %arg7[%mul3A_548] : memref<10000xi32, #tpu.memory_space<vmem>> -> memref<80xi32, #tpu.memory_space<vmem>>
        %dma_start3A_635 = arith.constant 0 : i32
        %dma_start3A_636 = arith.constant 0 : i32
        %dma_start3A_637 = tpu.memref_slice %arg20[%dma_start3A_635, %dma_start3A_636] : memref<10240x64xf32, #tpu.memory_space<vmem_shared>> -> memref<10240x64xf32, #tpu.memory_space<vmem_shared>>
        tpu.enqueue_indirect_dma source(%arg16 : memref<80x64xf32, #tpu.memory_space<vmem>>) target(%dma_start3A_637 : memref<10240x64xf32, #tpu.memory_space<vmem_shared>>) offsets(%dma_start3A_634 : memref<80xi32, #tpu.memory_space<vmem>>) semaphore(%run_scoped3A_633 : memref<!tpu.dma_semaphore, #tpu.memory_space<semaphore_mem>>) {add = true}
        %dma_wait3A_638 = tpu.memref_slice %arg7[%mul3A_548] : memref<10000xi32, #tpu.memory_space<vmem>> -> memref<80xi32, #tpu.memory_space<vmem>>
        %dma_wait3A_639 = arith.constant 0 : i32
        %dma_wait3A_640 = arith.constant 0 : i32
        %dma_wait3A_641 = tpu.memref_slice %arg20[%dma_wait3A_639, %dma_wait3A_640] : memref<10240x64xf32, #tpu.memory_space<vmem_shared>> -> memref<10240x64xf32, #tpu.memory_space<vmem_shared>>
        tpu.wait_indirect_dma semaphore(%run_scoped3A_633 : memref<!tpu.dma_semaphore, #tpu.memory_space<semaphore_mem>>) src(%arg16 : memref<80x64xf32, #tpu.memory_space<vmem>>) dst(%dma_wait3A_641 : memref<10240x64xf32, #tpu.memory_space<vmem_shared>>)
        tpu.yield
      }) : () -> ()
      %add3A_549 = arith.constant 8 : i32
      %add3A_550 = arith.addi %add3A_335, %add3A_549 : i32
      %add3A_551 = arith.constant 12 : i32
      %add3A_552 = arith.addi %add3A_550, %add3A_551 : i32
      %lt3A_553 = arith.constant 125 : i32
      %lt3A_554 = arith.cmpi slt, %add3A_552, %lt3A_553 : i32
      %convert_element_type3A_555 = arith.extui %lt3A_554 : i1 to i32
      %cond3A_556 = arith.constant 0 : i32
      %cond3A_557 = arith.cmpi ne, %convert_element_type3A_555, %cond3A_556 : i32
      scf.if %cond3A_557 {
        %add3A_633 = arith.constant 8 : i32
        %add3A_634 = arith.addi %add3A_335, %add3A_633 : i32
        %add3A_635 = arith.constant 12 : i32
        %add3A_636 = arith.addi %add3A_634, %add3A_635 : i32
        %mul3A_637 = arith.constant 80 : i32
        %mul3A_638 = arith.muli %add3A_636, %mul3A_637 : i32
        %dma_start3A_639 = tpu.memref_slice %arg6[%mul3A_638] : memref<10000xi32, #tpu.memory_space<vmem>> -> memref<80xi32, #tpu.memory_space<vmem>>
        %dma_start3A_640 = arith.constant 0 : i32
        %dma_start3A_641 = arith.constant 0 : i32
        %dma_start3A_642 = tpu.memref_slice %arg3[%arg0, %dma_start3A_640, %dma_start3A_641] : memref<2x10240x64xf32, #tpu.memory_space<hbm>> -> memref<1x10240x64xf32, #tpu.memory_space<hbm>>
        %dma_start3A_643 = tpu.memref_squeeze %dma_start3A_642 : memref<1x10240x64xf32, #tpu.memory_space<hbm>> -> memref<10240x64xf32, #tpu.memory_space<hbm>>
        %dma_start3A_644 = arith.constant 0 : i32
        %dma_start3A_645 = arith.constant 0 : i32
        %dma_start3A_646 = tpu.memref_slice %dma_start3A_643[%dma_start3A_644, %dma_start3A_645] : memref<10240x64xf32, #tpu.memory_space<hbm>> -> memref<10240x64xf32, #tpu.memory_space<hbm>>
        tpu.enqueue_indirect_dma source(%dma_start3A_646 : memref<10240x64xf32, #tpu.memory_space<hbm>>) target(%arg16 : memref<80x64xf32, #tpu.memory_space<vmem>>) offsets(%dma_start3A_639 : memref<80xi32, #tpu.memory_space<vmem>>) semaphore(%arg29 : memref<!tpu.dma_semaphore, #tpu.memory_space<semaphore_mem>>)
      } else {
      }
      %add3A_558 = arith.constant 9 : i32
      %add3A_559 = arith.addi %add3A_335, %add3A_558 : i32
      %mul3A_560 = arith.constant 80 : i32
      %mul3A_561 = arith.muli %add3A_559, %mul3A_560 : i32
      %dma_wait3A_562 = tpu.memref_slice %arg6[%mul3A_561] : memref<10000xi32, #tpu.memory_space<vmem>> -> memref<80xi32, #tpu.memory_space<vmem>>
      %dma_wait3A_563 = arith.constant 0 : i32
      %dma_wait3A_564 = arith.constant 0 : i32
      %dma_wait3A_565 = tpu.memref_slice %arg3[%arg0, %dma_wait3A_563, %dma_wait3A_564] : memref<2x10240x64xf32, #tpu.memory_space<hbm>> -> memref<1x10240x64xf32, #tpu.memory_space<hbm>>
      %dma_wait3A_566 = tpu.memref_squeeze %dma_wait3A_565 : memref<1x10240x64xf32, #tpu.memory_space<hbm>> -> memref<10240x64xf32, #tpu.memory_space<hbm>>
      %dma_wait3A_567 = arith.constant 0 : i32
      %dma_wait3A_568 = arith.constant 0 : i32
      %dma_wait3A_569 = tpu.memref_slice %dma_wait3A_566[%dma_wait3A_567, %dma_wait3A_568] : memref<10240x64xf32, #tpu.memory_space<hbm>> -> memref<10240x64xf32, #tpu.memory_space<hbm>>
      tpu.wait_indirect_dma semaphore(%arg30 : memref<!tpu.dma_semaphore, #tpu.memory_space<semaphore_mem>>) src(%dma_wait3A_569 : memref<10240x64xf32, #tpu.memory_space<hbm>>) dst(%arg17 : memref<80x64xf32, #tpu.memory_space<vmem>>)
      %add3A_570 = arith.constant 9 : i32
      %add3A_571 = arith.addi %add3A_335, %add3A_570 : i32
      %mul3A_572 = arith.constant 80 : i32
      %mul3A_573 = arith.muli %add3A_571, %mul3A_572 : i32
      "tpu.region"() ({
        %run_scoped3A_633 = tpu.sem_alloc : memref<!tpu.dma_semaphore, #tpu.memory_space<semaphore_mem>>
        %dma_start3A_634 = tpu.memref_slice %arg7[%mul3A_573] : memref<10000xi32, #tpu.memory_space<vmem>> -> memref<80xi32, #tpu.memory_space<vmem>>
        %dma_start3A_635 = arith.constant 0 : i32
        %dma_start3A_636 = arith.constant 0 : i32
        %dma_start3A_637 = tpu.memref_slice %arg20[%dma_start3A_635, %dma_start3A_636] : memref<10240x64xf32, #tpu.memory_space<vmem_shared>> -> memref<10240x64xf32, #tpu.memory_space<vmem_shared>>
        tpu.enqueue_indirect_dma source(%arg17 : memref<80x64xf32, #tpu.memory_space<vmem>>) target(%dma_start3A_637 : memref<10240x64xf32, #tpu.memory_space<vmem_shared>>) offsets(%dma_start3A_634 : memref<80xi32, #tpu.memory_space<vmem>>) semaphore(%run_scoped3A_633 : memref<!tpu.dma_semaphore, #tpu.memory_space<semaphore_mem>>) {add = true}
        %dma_wait3A_638 = tpu.memref_slice %arg7[%mul3A_573] : memref<10000xi32, #tpu.memory_space<vmem>> -> memref<80xi32, #tpu.memory_space<vmem>>
        %dma_wait3A_639 = arith.constant 0 : i32
        %dma_wait3A_640 = arith.constant 0 : i32
        %dma_wait3A_641 = tpu.memref_slice %arg20[%dma_wait3A_639, %dma_wait3A_640] : memref<10240x64xf32, #tpu.memory_space<vmem_shared>> -> memref<10240x64xf32, #tpu.memory_space<vmem_shared>>
        tpu.wait_indirect_dma semaphore(%run_scoped3A_633 : memref<!tpu.dma_semaphore, #tpu.memory_space<semaphore_mem>>) src(%arg17 : memref<80x64xf32, #tpu.memory_space<vmem>>) dst(%dma_wait3A_641 : memref<10240x64xf32, #tpu.memory_space<vmem_shared>>)
        tpu.yield
      }) : () -> ()
      %add3A_574 = arith.constant 9 : i32
      %add3A_575 = arith.addi %add3A_335, %add3A_574 : i32
      %add3A_576 = arith.constant 12 : i32
      %add3A_577 = arith.addi %add3A_575, %add3A_576 : i32
      %lt3A_578 = arith.constant 125 : i32
      %lt3A_579 = arith.cmpi slt, %add3A_577, %lt3A_578 : i32
      %convert_element_type3A_580 = arith.extui %lt3A_579 : i1 to i32
      %cond3A_581 = arith.constant 0 : i32
      %cond3A_582 = arith.cmpi ne, %convert_element_type3A_580, %cond3A_581 : i32
      scf.if %cond3A_582 {
        %add3A_633 = arith.constant 9 : i32
        %add3A_634 = arith.addi %add3A_335, %add3A_633 : i32
        %add3A_635 = arith.constant 12 : i32
        %add3A_636 = arith.addi %add3A_634, %add3A_635 : i32
        %mul3A_637 = arith.constant 80 : i32
        %mul3A_638 = arith.muli %add3A_636, %mul3A_637 : i32
        %dma_start3A_639 = tpu.memref_slice %arg6[%mul3A_638] : memref<10000xi32, #tpu.memory_space<vmem>> -> memref<80xi32, #tpu.memory_space<vmem>>
        %dma_start3A_640 = arith.constant 0 : i32
        %dma_start3A_641 = arith.constant 0 : i32
        %dma_start3A_642 = tpu.memref_slice %arg3[%arg0, %dma_start3A_640, %dma_start3A_641] : memref<2x10240x64xf32, #tpu.memory_space<hbm>> -> memref<1x10240x64xf32, #tpu.memory_space<hbm>>
        %dma_start3A_643 = tpu.memref_squeeze %dma_start3A_642 : memref<1x10240x64xf32, #tpu.memory_space<hbm>> -> memref<10240x64xf32, #tpu.memory_space<hbm>>
        %dma_start3A_644 = arith.constant 0 : i32
        %dma_start3A_645 = arith.constant 0 : i32
        %dma_start3A_646 = tpu.memref_slice %dma_start3A_643[%dma_start3A_644, %dma_start3A_645] : memref<10240x64xf32, #tpu.memory_space<hbm>> -> memref<10240x64xf32, #tpu.memory_space<hbm>>
        tpu.enqueue_indirect_dma source(%dma_start3A_646 : memref<10240x64xf32, #tpu.memory_space<hbm>>) target(%arg17 : memref<80x64xf32, #tpu.memory_space<vmem>>) offsets(%dma_start3A_639 : memref<80xi32, #tpu.memory_space<vmem>>) semaphore(%arg30 : memref<!tpu.dma_semaphore, #tpu.memory_space<semaphore_mem>>)
      } else {
      }
      %add3A_583 = arith.constant 10 : i32
      %add3A_584 = arith.addi %add3A_335, %add3A_583 : i32
      %mul3A_585 = arith.constant 80 : i32
      %mul3A_586 = arith.muli %add3A_584, %mul3A_585 : i32
      %dma_wait3A_587 = tpu.memref_slice %arg6[%mul3A_586] : memref<10000xi32, #tpu.memory_space<vmem>> -> memref<80xi32, #tpu.memory_space<vmem>>
      %dma_wait3A_588 = arith.constant 0 : i32
      %dma_wait3A_589 = arith.constant 0 : i32
      %dma_wait3A_590 = tpu.memref_slice %arg3[%arg0, %dma_wait3A_588, %dma_wait3A_589] : memref<2x10240x64xf32, #tpu.memory_space<hbm>> -> memref<1x10240x64xf32, #tpu.memory_space<hbm>>
      %dma_wait3A_591 = tpu.memref_squeeze %dma_wait3A_590 : memref<1x10240x64xf32, #tpu.memory_space<hbm>> -> memref<10240x64xf32, #tpu.memory_space<hbm>>
      %dma_wait3A_592 = arith.constant 0 : i32
      %dma_wait3A_593 = arith.constant 0 : i32
      %dma_wait3A_594 = tpu.memref_slice %dma_wait3A_591[%dma_wait3A_592, %dma_wait3A_593] : memref<10240x64xf32, #tpu.memory_space<hbm>> -> memref<10240x64xf32, #tpu.memory_space<hbm>>
      tpu.wait_indirect_dma semaphore(%arg31 : memref<!tpu.dma_semaphore, #tpu.memory_space<semaphore_mem>>) src(%dma_wait3A_594 : memref<10240x64xf32, #tpu.memory_space<hbm>>) dst(%arg18 : memref<80x64xf32, #tpu.memory_space<vmem>>)
      %add3A_595 = arith.constant 10 : i32
      %add3A_596 = arith.addi %add3A_335, %add3A_595 : i32
      %mul3A_597 = arith.constant 80 : i32
      %mul3A_598 = arith.muli %add3A_596, %mul3A_597 : i32
      "tpu.region"() ({
        %run_scoped3A_633 = tpu.sem_alloc : memref<!tpu.dma_semaphore, #tpu.memory_space<semaphore_mem>>
        %dma_start3A_634 = tpu.memref_slice %arg7[%mul3A_598] : memref<10000xi32, #tpu.memory_space<vmem>> -> memref<80xi32, #tpu.memory_space<vmem>>
        %dma_start3A_635 = arith.constant 0 : i32
        %dma_start3A_636 = arith.constant 0 : i32
        %dma_start3A_637 = tpu.memref_slice %arg20[%dma_start3A_635, %dma_start3A_636] : memref<10240x64xf32, #tpu.memory_space<vmem_shared>> -> memref<10240x64xf32, #tpu.memory_space<vmem_shared>>
        tpu.enqueue_indirect_dma source(%arg18 : memref<80x64xf32, #tpu.memory_space<vmem>>) target(%dma_start3A_637 : memref<10240x64xf32, #tpu.memory_space<vmem_shared>>) offsets(%dma_start3A_634 : memref<80xi32, #tpu.memory_space<vmem>>) semaphore(%run_scoped3A_633 : memref<!tpu.dma_semaphore, #tpu.memory_space<semaphore_mem>>) {add = true}
        %dma_wait3A_638 = tpu.memref_slice %arg7[%mul3A_598] : memref<10000xi32, #tpu.memory_space<vmem>> -> memref<80xi32, #tpu.memory_space<vmem>>
        %dma_wait3A_639 = arith.constant 0 : i32
        %dma_wait3A_640 = arith.constant 0 : i32
        %dma_wait3A_641 = tpu.memref_slice %arg20[%dma_wait3A_639, %dma_wait3A_640] : memref<10240x64xf32, #tpu.memory_space<vmem_shared>> -> memref<10240x64xf32, #tpu.memory_space<vmem_shared>>
        tpu.wait_indirect_dma semaphore(%run_scoped3A_633 : memref<!tpu.dma_semaphore, #tpu.memory_space<semaphore_mem>>) src(%arg18 : memref<80x64xf32, #tpu.memory_space<vmem>>) dst(%dma_wait3A_641 : memref<10240x64xf32, #tpu.memory_space<vmem_shared>>)
        tpu.yield
      }) : () -> ()
      %add3A_599 = arith.constant 10 : i32
      %add3A_600 = arith.addi %add3A_335, %add3A_599 : i32
      %add3A_601 = arith.constant 12 : i32
      %add3A_602 = arith.addi %add3A_600, %add3A_601 : i32
      %lt3A_603 = arith.constant 125 : i32
      %lt3A_604 = arith.cmpi slt, %add3A_602, %lt3A_603 : i32
      %convert_element_type3A_605 = arith.extui %lt3A_604 : i1 to i32
      %cond3A_606 = arith.constant 0 : i32
      %cond3A_607 = arith.cmpi ne, %convert_element_type3A_605, %cond3A_606 : i32
      scf.if %cond3A_607 {
        %add3A_633 = arith.constant 10 : i32
        %add3A_634 = arith.addi %add3A_335, %add3A_633 : i32
        %add3A_635 = arith.constant 12 : i32
        %add3A_636 = arith.addi %add3A_634, %add3A_635 : i32
        %mul3A_637 = arith.constant 80 : i32
        %mul3A_638 = arith.muli %add3A_636, %mul3A_637 : i32
        %dma_start3A_639 = tpu.memref_slice %arg6[%mul3A_638] : memref<10000xi32, #tpu.memory_space<vmem>> -> memref<80xi32, #tpu.memory_space<vmem>>
        %dma_start3A_640 = arith.constant 0 : i32
        %dma_start3A_641 = arith.constant 0 : i32
        %dma_start3A_642 = tpu.memref_slice %arg3[%arg0, %dma_start3A_640, %dma_start3A_641] : memref<2x10240x64xf32, #tpu.memory_space<hbm>> -> memref<1x10240x64xf32, #tpu.memory_space<hbm>>
        %dma_start3A_643 = tpu.memref_squeeze %dma_start3A_642 : memref<1x10240x64xf32, #tpu.memory_space<hbm>> -> memref<10240x64xf32, #tpu.memory_space<hbm>>
        %dma_start3A_644 = arith.constant 0 : i32
        %dma_start3A_645 = arith.constant 0 : i32
        %dma_start3A_646 = tpu.memref_slice %dma_start3A_643[%dma_start3A_644, %dma_start3A_645] : memref<10240x64xf32, #tpu.memory_space<hbm>> -> memref<10240x64xf32, #tpu.memory_space<hbm>>
        tpu.enqueue_indirect_dma source(%dma_start3A_646 : memref<10240x64xf32, #tpu.memory_space<hbm>>) target(%arg18 : memref<80x64xf32, #tpu.memory_space<vmem>>) offsets(%dma_start3A_639 : memref<80xi32, #tpu.memory_space<vmem>>) semaphore(%arg31 : memref<!tpu.dma_semaphore, #tpu.memory_space<semaphore_mem>>)
      } else {
      }
      %add3A_608 = arith.constant 11 : i32
      %add3A_609 = arith.addi %add3A_335, %add3A_608 : i32
      %mul3A_610 = arith.constant 80 : i32
      %mul3A_611 = arith.muli %add3A_609, %mul3A_610 : i32
      %dma_wait3A_612 = tpu.memref_slice %arg6[%mul3A_611] : memref<10000xi32, #tpu.memory_space<vmem>> -> memref<80xi32, #tpu.memory_space<vmem>>
      %dma_wait3A_613 = arith.constant 0 : i32
      %dma_wait3A_614 = arith.constant 0 : i32
      %dma_wait3A_615 = tpu.memref_slice %arg3[%arg0, %dma_wait3A_613, %dma_wait3A_614] : memref<2x10240x64xf32, #tpu.memory_space<hbm>> -> memref<1x10240x64xf32, #tpu.memory_space<hbm>>
      %dma_wait3A_616 = tpu.memref_squeeze %dma_wait3A_615 : memref<1x10240x64xf32, #tpu.memory_space<hbm>> -> memref<10240x64xf32, #tpu.memory_space<hbm>>
      %dma_wait3A_617 = arith.constant 0 : i32
      %dma_wait3A_618 = arith.constant 0 : i32
      %dma_wait3A_619 = tpu.memref_slice %dma_wait3A_616[%dma_wait3A_617, %dma_wait3A_618] : memref<10240x64xf32, #tpu.memory_space<hbm>> -> memref<10240x64xf32, #tpu.memory_space<hbm>>
      tpu.wait_indirect_dma semaphore(%arg32 : memref<!tpu.dma_semaphore, #tpu.memory_space<semaphore_mem>>) src(%dma_wait3A_619 : memref<10240x64xf32, #tpu.memory_space<hbm>>) dst(%arg19 : memref<80x64xf32, #tpu.memory_space<vmem>>)
      %add3A_620 = arith.constant 11 : i32
      %add3A_621 = arith.addi %add3A_335, %add3A_620 : i32
      %mul3A_622 = arith.constant 80 : i32
      %mul3A_623 = arith.muli %add3A_621, %mul3A_622 : i32
      "tpu.region"() ({
        %run_scoped3A_633 = tpu.sem_alloc : memref<!tpu.dma_semaphore, #tpu.memory_space<semaphore_mem>>
        %dma_start3A_634 = tpu.memref_slice %arg7[%mul3A_623] : memref<10000xi32, #tpu.memory_space<vmem>> -> memref<80xi32, #tpu.memory_space<vmem>>
        %dma_start3A_635 = arith.constant 0 : i32
        %dma_start3A_636 = arith.constant 0 : i32
        %dma_start3A_637 = tpu.memref_slice %arg20[%dma_start3A_635, %dma_start3A_636] : memref<10240x64xf32, #tpu.memory_space<vmem_shared>> -> memref<10240x64xf32, #tpu.memory_space<vmem_shared>>
        tpu.enqueue_indirect_dma source(%arg19 : memref<80x64xf32, #tpu.memory_space<vmem>>) target(%dma_start3A_637 : memref<10240x64xf32, #tpu.memory_space<vmem_shared>>) offsets(%dma_start3A_634 : memref<80xi32, #tpu.memory_space<vmem>>) semaphore(%run_scoped3A_633 : memref<!tpu.dma_semaphore, #tpu.memory_space<semaphore_mem>>) {add = true}
        %dma_wait3A_638 = tpu.memref_slice %arg7[%mul3A_623] : memref<10000xi32, #tpu.memory_space<vmem>> -> memref<80xi32, #tpu.memory_space<vmem>>
        %dma_wait3A_639 = arith.constant 0 : i32
        %dma_wait3A_640 = arith.constant 0 : i32
        %dma_wait3A_641 = tpu.memref_slice %arg20[%dma_wait3A_639, %dma_wait3A_640] : memref<10240x64xf32, #tpu.memory_space<vmem_shared>> -> memref<10240x64xf32, #tpu.memory_space<vmem_shared>>
        tpu.wait_indirect_dma semaphore(%run_scoped3A_633 : memref<!tpu.dma_semaphore, #tpu.memory_space<semaphore_mem>>) src(%arg19 : memref<80x64xf32, #tpu.memory_space<vmem>>) dst(%dma_wait3A_641 : memref<10240x64xf32, #tpu.memory_space<vmem_shared>>)
        tpu.yield
      }) : () -> ()
      %add3A_624 = arith.constant 11 : i32
      %add3A_625 = arith.addi %add3A_335, %add3A_624 : i32
      %add3A_626 = arith.constant 12 : i32
      %add3A_627 = arith.addi %add3A_625, %add3A_626 : i32
      %lt3A_628 = arith.constant 125 : i32
      %lt3A_629 = arith.cmpi slt, %add3A_627, %lt3A_628 : i32
      %convert_element_type3A_630 = arith.extui %lt3A_629 : i1 to i32
      %cond3A_631 = arith.constant 0 : i32
      %cond3A_632 = arith.cmpi ne, %convert_element_type3A_630, %cond3A_631 : i32
      scf.if %cond3A_632 {
        %add3A_633 = arith.constant 11 : i32
        %add3A_634 = arith.addi %add3A_335, %add3A_633 : i32
        %add3A_635 = arith.constant 12 : i32
        %add3A_636 = arith.addi %add3A_634, %add3A_635 : i32
        %mul3A_637 = arith.constant 80 : i32
        %mul3A_638 = arith.muli %add3A_636, %mul3A_637 : i32
        %dma_start3A_639 = tpu.memref_slice %arg6[%mul3A_638] : memref<10000xi32, #tpu.memory_space<vmem>> -> memref<80xi32, #tpu.memory_space<vmem>>
        %dma_start3A_640 = arith.constant 0 : i32
        %dma_start3A_641 = arith.constant 0 : i32
        %dma_start3A_642 = tpu.memref_slice %arg3[%arg0, %dma_start3A_640, %dma_start3A_641] : memref<2x10240x64xf32, #tpu.memory_space<hbm>> -> memref<1x10240x64xf32, #tpu.memory_space<hbm>>
        %dma_start3A_643 = tpu.memref_squeeze %dma_start3A_642 : memref<1x10240x64xf32, #tpu.memory_space<hbm>> -> memref<10240x64xf32, #tpu.memory_space<hbm>>
        %dma_start3A_644 = arith.constant 0 : i32
        %dma_start3A_645 = arith.constant 0 : i32
        %dma_start3A_646 = tpu.memref_slice %dma_start3A_643[%dma_start3A_644, %dma_start3A_645] : memref<10240x64xf32, #tpu.memory_space<hbm>> -> memref<10240x64xf32, #tpu.memory_space<hbm>>
        tpu.enqueue_indirect_dma source(%dma_start3A_646 : memref<10240x64xf32, #tpu.memory_space<hbm>>) target(%arg19 : memref<80x64xf32, #tpu.memory_space<vmem>>) offsets(%dma_start3A_639 : memref<80xi32, #tpu.memory_space<vmem>>) semaphore(%arg32 : memref<!tpu.dma_semaphore, #tpu.memory_space<semaphore_mem>>)
      } else {
      }
    }
    %scan3A_117 = arith.constant 10 : i32
    %dma_wait3A = arith.constant 9600 : i32
    %dma_wait3A_118 = tpu.memref_slice %arg6[%dma_wait3A] : memref<10000xi32, #tpu.memory_space<vmem>> -> memref<80xi32, #tpu.memory_space<vmem>>
    %dma_wait3A_119 = arith.constant 0 : i32
    %dma_wait3A_120 = arith.constant 0 : i32
    %dma_wait3A_121 = tpu.memref_slice %arg3[%arg0, %dma_wait3A_119, %dma_wait3A_120] : memref<2x10240x64xf32, #tpu.memory_space<hbm>> -> memref<1x10240x64xf32, #tpu.memory_space<hbm>>
    %dma_wait3A_122 = tpu.memref_squeeze %dma_wait3A_121 : memref<1x10240x64xf32, #tpu.memory_space<hbm>> -> memref<10240x64xf32, #tpu.memory_space<hbm>>
    %dma_wait3A_123 = arith.constant 0 : i32
    %dma_wait3A_124 = arith.constant 0 : i32
    %dma_wait3A_125 = tpu.memref_slice %dma_wait3A_122[%dma_wait3A_123, %dma_wait3A_124] : memref<10240x64xf32, #tpu.memory_space<hbm>> -> memref<10240x64xf32, #tpu.memory_space<hbm>>
    tpu.wait_indirect_dma semaphore(%arg21 : memref<!tpu.dma_semaphore, #tpu.memory_space<semaphore_mem>>) src(%dma_wait3A_125 : memref<10240x64xf32, #tpu.memory_space<hbm>>) dst(%arg8 : memref<80x64xf32, #tpu.memory_space<vmem>>)
    "tpu.region"() ({
      %run_scoped3A_331 = tpu.sem_alloc : memref<!tpu.dma_semaphore, #tpu.memory_space<semaphore_mem>>
      %dma_start3A_332 = arith.constant 9600 : i32
      %dma_start3A_333 = tpu.memref_slice %arg7[%dma_start3A_332] : memref<10000xi32, #tpu.memory_space<vmem>> -> memref<80xi32, #tpu.memory_space<vmem>>
      %dma_start3A_334 = arith.constant 0 : i32
      %dma_start3A_335 = arith.constant 0 : i32
      %dma_start3A_336 = tpu.memref_slice %arg20[%dma_start3A_334, %dma_start3A_335] : memref<10240x64xf32, #tpu.memory_space<vmem_shared>> -> memref<10240x64xf32, #tpu.memory_space<vmem_shared>>
      tpu.enqueue_indirect_dma source(%arg8 : memref<80x64xf32, #tpu.memory_space<vmem>>) target(%dma_start3A_336 : memref<10240x64xf32, #tpu.memory_space<vmem_shared>>) offsets(%dma_start3A_333 : memref<80xi32, #tpu.memory_space<vmem>>) semaphore(%run_scoped3A_331 : memref<!tpu.dma_semaphore, #tpu.memory_space<semaphore_mem>>) {add = true}
      %dma_wait3A_337 = arith.constant 9600 : i32
      %dma_wait3A_338 = tpu.memref_slice %arg7[%dma_wait3A_337] : memref<10000xi32, #tpu.memory_space<vmem>> -> memref<80xi32, #tpu.memory_space<vmem>>
      %dma_wait3A_339 = arith.constant 0 : i32
      %dma_wait3A_340 = arith.constant 0 : i32
      %dma_wait3A_341 = tpu.memref_slice %arg20[%dma_wait3A_339, %dma_wait3A_340] : memref<10240x64xf32, #tpu.memory_space<vmem_shared>> -> memref<10240x64xf32, #tpu.memory_space<vmem_shared>>
      tpu.wait_indirect_dma semaphore(%run_scoped3A_331 : memref<!tpu.dma_semaphore, #tpu.memory_space<semaphore_mem>>) src(%arg8 : memref<80x64xf32, #tpu.memory_space<vmem>>) dst(%dma_wait3A_341 : memref<10240x64xf32, #tpu.memory_space<vmem_shared>>)
      tpu.yield
    }) : () -> ()
    %dma_wait3A_126 = arith.constant 9680 : i32
    %dma_wait3A_127 = tpu.memref_slice %arg6[%dma_wait3A_126] : memref<10000xi32, #tpu.memory_space<vmem>> -> memref<80xi32, #tpu.memory_space<vmem>>
    %dma_wait3A_128 = arith.constant 0 : i32
    %dma_wait3A_129 = arith.constant 0 : i32
    %dma_wait3A_130 = tpu.memref_slice %arg3[%arg0, %dma_wait3A_128, %dma_wait3A_129] : memref<2x10240x64xf32, #tpu.memory_space<hbm>> -> memref<1x10240x64xf32, #tpu.memory_space<hbm>>
    %dma_wait3A_131 = tpu.memref_squeeze %dma_wait3A_130 : memref<1x10240x64xf32, #tpu.memory_space<hbm>> -> memref<10240x64xf32, #tpu.memory_space<hbm>>
    %dma_wait3A_132 = arith.constant 0 : i32
    %dma_wait3A_133 = arith.constant 0 : i32
    %dma_wait3A_134 = tpu.memref_slice %dma_wait3A_131[%dma_wait3A_132, %dma_wait3A_133] : memref<10240x64xf32, #tpu.memory_space<hbm>> -> memref<10240x64xf32, #tpu.memory_space<hbm>>
    tpu.wait_indirect_dma semaphore(%arg22 : memref<!tpu.dma_semaphore, #tpu.memory_space<semaphore_mem>>) src(%dma_wait3A_134 : memref<10240x64xf32, #tpu.memory_space<hbm>>) dst(%arg9 : memref<80x64xf32, #tpu.memory_space<vmem>>)
    "tpu.region"() ({
      %run_scoped3A_331 = tpu.sem_alloc : memref<!tpu.dma_semaphore, #tpu.memory_space<semaphore_mem>>
      %dma_start3A_332 = arith.constant 9680 : i32
      %dma_start3A_333 = tpu.memref_slice %arg7[%dma_start3A_332] : memref<10000xi32, #tpu.memory_space<vmem>> -> memref<80xi32, #tpu.memory_space<vmem>>
      %dma_start3A_334 = arith.constant 0 : i32
      %dma_start3A_335 = arith.constant 0 : i32
      %dma_start3A_336 = tpu.memref_slice %arg20[%dma_start3A_334, %dma_start3A_335] : memref<10240x64xf32, #tpu.memory_space<vmem_shared>> -> memref<10240x64xf32, #tpu.memory_space<vmem_shared>>
      tpu.enqueue_indirect_dma source(%arg9 : memref<80x64xf32, #tpu.memory_space<vmem>>) target(%dma_start3A_336 : memref<10240x64xf32, #tpu.memory_space<vmem_shared>>) offsets(%dma_start3A_333 : memref<80xi32, #tpu.memory_space<vmem>>) semaphore(%run_scoped3A_331 : memref<!tpu.dma_semaphore, #tpu.memory_space<semaphore_mem>>) {add = true}
      %dma_wait3A_337 = arith.constant 9680 : i32
      %dma_wait3A_338 = tpu.memref_slice %arg7[%dma_wait3A_337] : memref<10000xi32, #tpu.memory_space<vmem>> -> memref<80xi32, #tpu.memory_space<vmem>>
      %dma_wait3A_339 = arith.constant 0 : i32
      %dma_wait3A_340 = arith.constant 0 : i32
      %dma_wait3A_341 = tpu.memref_slice %arg20[%dma_wait3A_339, %dma_wait3A_340] : memref<10240x64xf32, #tpu.memory_space<vmem_shared>> -> memref<10240x64xf32, #tpu.memory_space<vmem_shared>>
      tpu.wait_indirect_dma semaphore(%run_scoped3A_331 : memref<!tpu.dma_semaphore, #tpu.memory_space<semaphore_mem>>) src(%arg9 : memref<80x64xf32, #tpu.memory_space<vmem>>) dst(%dma_wait3A_341 : memref<10240x64xf32, #tpu.memory_space<vmem_shared>>)
      tpu.yield
    }) : () -> ()
    %dma_wait3A_135 = arith.constant 9760 : i32
    %dma_wait3A_136 = tpu.memref_slice %arg6[%dma_wait3A_135] : memref<10000xi32, #tpu.memory_space<vmem>> -> memref<80xi32, #tpu.memory_space<vmem>>
    %dma_wait3A_137 = arith.constant 0 : i32
    %dma_wait3A_138 = arith.constant 0 : i32
    %dma_wait3A_139 = tpu.memref_slice %arg3[%arg0, %dma_wait3A_137, %dma_wait3A_138] : memref<2x10240x64xf32, #tpu.memory_space<hbm>> -> memref<1x10240x64xf32, #tpu.memory_space<hbm>>
    %dma_wait3A_140 = tpu.memref_squeeze %dma_wait3A_139 : memref<1x10240x64xf32, #tpu.memory_space<hbm>> -> memref<10240x64xf32, #tpu.memory_space<hbm>>
    %dma_wait3A_141 = arith.constant 0 : i32
    %dma_wait3A_142 = arith.constant 0 : i32
    %dma_wait3A_143 = tpu.memref_slice %dma_wait3A_140[%dma_wait3A_141, %dma_wait3A_142] : memref<10240x64xf32, #tpu.memory_space<hbm>> -> memref<10240x64xf32, #tpu.memory_space<hbm>>
    tpu.wait_indirect_dma semaphore(%arg23 : memref<!tpu.dma_semaphore, #tpu.memory_space<semaphore_mem>>) src(%dma_wait3A_143 : memref<10240x64xf32, #tpu.memory_space<hbm>>) dst(%arg10 : memref<80x64xf32, #tpu.memory_space<vmem>>)
    "tpu.region"() ({
      %run_scoped3A_331 = tpu.sem_alloc : memref<!tpu.dma_semaphore, #tpu.memory_space<semaphore_mem>>
      %dma_start3A_332 = arith.constant 9760 : i32
      %dma_start3A_333 = tpu.memref_slice %arg7[%dma_start3A_332] : memref<10000xi32, #tpu.memory_space<vmem>> -> memref<80xi32, #tpu.memory_space<vmem>>
      %dma_start3A_334 = arith.constant 0 : i32
      %dma_start3A_335 = arith.constant 0 : i32
      %dma_start3A_336 = tpu.memref_slice %arg20[%dma_start3A_334, %dma_start3A_335] : memref<10240x64xf32, #tpu.memory_space<vmem_shared>> -> memref<10240x64xf32, #tpu.memory_space<vmem_shared>>
      tpu.enqueue_indirect_dma source(%arg10 : memref<80x64xf32, #tpu.memory_space<vmem>>) target(%dma_start3A_336 : memref<10240x64xf32, #tpu.memory_space<vmem_shared>>) offsets(%dma_start3A_333 : memref<80xi32, #tpu.memory_space<vmem>>) semaphore(%run_scoped3A_331 : memref<!tpu.dma_semaphore, #tpu.memory_space<semaphore_mem>>) {add = true}
      %dma_wait3A_337 = arith.constant 9760 : i32
      %dma_wait3A_338 = tpu.memref_slice %arg7[%dma_wait3A_337] : memref<10000xi32, #tpu.memory_space<vmem>> -> memref<80xi32, #tpu.memory_space<vmem>>
      %dma_wait3A_339 = arith.constant 0 : i32
      %dma_wait3A_340 = arith.constant 0 : i32
      %dma_wait3A_341 = tpu.memref_slice %arg20[%dma_wait3A_339, %dma_wait3A_340] : memref<10240x64xf32, #tpu.memory_space<vmem_shared>> -> memref<10240x64xf32, #tpu.memory_space<vmem_shared>>
      tpu.wait_indirect_dma semaphore(%run_scoped3A_331 : memref<!tpu.dma_semaphore, #tpu.memory_space<semaphore_mem>>) src(%arg10 : memref<80x64xf32, #tpu.memory_space<vmem>>) dst(%dma_wait3A_341 : memref<10240x64xf32, #tpu.memory_space<vmem_shared>>)
      tpu.yield
    }) : () -> ()
    %dma_wait3A_144 = arith.constant 9840 : i32
    %dma_wait3A_145 = tpu.memref_slice %arg6[%dma_wait3A_144] : memref<10000xi32, #tpu.memory_space<vmem>> -> memref<80xi32, #tpu.memory_space<vmem>>
    %dma_wait3A_146 = arith.constant 0 : i32
    %dma_wait3A_147 = arith.constant 0 : i32
    %dma_wait3A_148 = tpu.memref_slice %arg3[%arg0, %dma_wait3A_146, %dma_wait3A_147] : memref<2x10240x64xf32, #tpu.memory_space<hbm>> -> memref<1x10240x64xf32, #tpu.memory_space<hbm>>
    %dma_wait3A_149 = tpu.memref_squeeze %dma_wait3A_148 : memref<1x10240x64xf32, #tpu.memory_space<hbm>> -> memref<10240x64xf32, #tpu.memory_space<hbm>>
    %dma_wait3A_150 = arith.constant 0 : i32
    %dma_wait3A_151 = arith.constant 0 : i32
    %dma_wait3A_152 = tpu.memref_slice %dma_wait3A_149[%dma_wait3A_150, %dma_wait3A_151] : memref<10240x64xf32, #tpu.memory_space<hbm>> -> memref<10240x64xf32, #tpu.memory_space<hbm>>
    tpu.wait_indirect_dma semaphore(%arg24 : memref<!tpu.dma_semaphore, #tpu.memory_space<semaphore_mem>>) src(%dma_wait3A_152 : memref<10240x64xf32, #tpu.memory_space<hbm>>) dst(%arg11 : memref<80x64xf32, #tpu.memory_space<vmem>>)
    "tpu.region"() ({
      %run_scoped3A_331 = tpu.sem_alloc : memref<!tpu.dma_semaphore, #tpu.memory_space<semaphore_mem>>
      %dma_start3A_332 = arith.constant 9840 : i32
      %dma_start3A_333 = tpu.memref_slice %arg7[%dma_start3A_332] : memref<10000xi32, #tpu.memory_space<vmem>> -> memref<80xi32, #tpu.memory_space<vmem>>
      %dma_start3A_334 = arith.constant 0 : i32
      %dma_start3A_335 = arith.constant 0 : i32
      %dma_start3A_336 = tpu.memref_slice %arg20[%dma_start3A_334, %dma_start3A_335] : memref<10240x64xf32, #tpu.memory_space<vmem_shared>> -> memref<10240x64xf32, #tpu.memory_space<vmem_shared>>
      tpu.enqueue_indirect_dma source(%arg11 : memref<80x64xf32, #tpu.memory_space<vmem>>) target(%dma_start3A_336 : memref<10240x64xf32, #tpu.memory_space<vmem_shared>>) offsets(%dma_start3A_333 : memref<80xi32, #tpu.memory_space<vmem>>) semaphore(%run_scoped3A_331 : memref<!tpu.dma_semaphore, #tpu.memory_space<semaphore_mem>>) {add = true}
      %dma_wait3A_337 = arith.constant 9840 : i32
      %dma_wait3A_338 = tpu.memref_slice %arg7[%dma_wait3A_337] : memref<10000xi32, #tpu.memory_space<vmem>> -> memref<80xi32, #tpu.memory_space<vmem>>
      %dma_wait3A_339 = arith.constant 0 : i32
      %dma_wait3A_340 = arith.constant 0 : i32
      %dma_wait3A_341 = tpu.memref_slice %arg20[%dma_wait3A_339, %dma_wait3A_340] : memref<10240x64xf32, #tpu.memory_space<vmem_shared>> -> memref<10240x64xf32, #tpu.memory_space<vmem_shared>>
      tpu.wait_indirect_dma semaphore(%run_scoped3A_331 : memref<!tpu.dma_semaphore, #tpu.memory_space<semaphore_mem>>) src(%arg11 : memref<80x64xf32, #tpu.memory_space<vmem>>) dst(%dma_wait3A_341 : memref<10240x64xf32, #tpu.memory_space<vmem_shared>>)
      tpu.yield
    }) : () -> ()
    %dma_wait3A_153 = arith.constant 9920 : i32
    %dma_wait3A_154 = tpu.memref_slice %arg6[%dma_wait3A_153] : memref<10000xi32, #tpu.memory_space<vmem>> -> memref<80xi32, #tpu.memory_space<vmem>>
    %dma_wait3A_155 = arith.constant 0 : i32
    %dma_wait3A_156 = arith.constant 0 : i32
    %dma_wait3A_157 = tpu.memref_slice %arg3[%arg0, %dma_wait3A_155, %dma_wait3A_156] : memref<2x10240x64xf32, #tpu.memory_space<hbm>> -> memref<1x10240x64xf32, #tpu.memory_space<hbm>>
    %dma_wait3A_158 = tpu.memref_squeeze %dma_wait3A_157 : memref<1x10240x64xf32, #tpu.memory_space<hbm>> -> memref<10240x64xf32, #tpu.memory_space<hbm>>
    %dma_wait3A_159 = arith.constant 0 : i32
    %dma_wait3A_160 = arith.constant 0 : i32
    %dma_wait3A_161 = tpu.memref_slice %dma_wait3A_158[%dma_wait3A_159, %dma_wait3A_160] : memref<10240x64xf32, #tpu.memory_space<hbm>> -> memref<10240x64xf32, #tpu.memory_space<hbm>>
    tpu.wait_indirect_dma semaphore(%arg25 : memref<!tpu.dma_semaphore, #tpu.memory_space<semaphore_mem>>) src(%dma_wait3A_161 : memref<10240x64xf32, #tpu.memory_space<hbm>>) dst(%arg12 : memref<80x64xf32, #tpu.memory_space<vmem>>)
    "tpu.region"() ({
      %run_scoped3A_331 = tpu.sem_alloc : memref<!tpu.dma_semaphore, #tpu.memory_space<semaphore_mem>>
      %dma_start3A_332 = arith.constant 9920 : i32
      %dma_start3A_333 = tpu.memref_slice %arg7[%dma_start3A_332] : memref<10000xi32, #tpu.memory_space<vmem>> -> memref<80xi32, #tpu.memory_space<vmem>>
      %dma_start3A_334 = arith.constant 0 : i32
      %dma_start3A_335 = arith.constant 0 : i32
      %dma_start3A_336 = tpu.memref_slice %arg20[%dma_start3A_334, %dma_start3A_335] : memref<10240x64xf32, #tpu.memory_space<vmem_shared>> -> memref<10240x64xf32, #tpu.memory_space<vmem_shared>>
      tpu.enqueue_indirect_dma source(%arg12 : memref<80x64xf32, #tpu.memory_space<vmem>>) target(%dma_start3A_336 : memref<10240x64xf32, #tpu.memory_space<vmem_shared>>) offsets(%dma_start3A_333 : memref<80xi32, #tpu.memory_space<vmem>>) semaphore(%run_scoped3A_331 : memref<!tpu.dma_semaphore, #tpu.memory_space<semaphore_mem>>) {add = true}
      %dma_wait3A_337 = arith.constant 9920 : i32
      %dma_wait3A_338 = tpu.memref_slice %arg7[%dma_wait3A_337] : memref<10000xi32, #tpu.memory_space<vmem>> -> memref<80xi32, #tpu.memory_space<vmem>>
      %dma_wait3A_339 = arith.constant 0 : i32
      %dma_wait3A_340 = arith.constant 0 : i32
      %dma_wait3A_341 = tpu.memref_slice %arg20[%dma_wait3A_339, %dma_wait3A_340] : memref<10240x64xf32, #tpu.memory_space<vmem_shared>> -> memref<10240x64xf32, #tpu.memory_space<vmem_shared>>
      tpu.wait_indirect_dma semaphore(%run_scoped3A_331 : memref<!tpu.dma_semaphore, #tpu.memory_space<semaphore_mem>>) src(%arg12 : memref<80x64xf32, #tpu.memory_space<vmem>>) dst(%dma_wait3A_341 : memref<10240x64xf32, #tpu.memory_space<vmem_shared>>)
      tpu.yield
    }) : () -> ()
    %mul3A_162 = arith.constant 250 : i32
    %mul3A_163 = arith.muli %arg1, %mul3A_162 : i32
    %add3A_164 = arith.constant 125 : i32
    %add3A_165 = arith.addi %mul3A_163, %add3A_164 : i32
    %mul3A_166 = arith.constant 80 : i32
    %mul3A_167 = arith.muli %add3A_165, %mul3A_166 : i32
    %run_scoped3A_168 = arith.constant 0 : i32
    "tpu.region"() ({
      %run_scoped3A_331 = tpu.sem_alloc : memref<!tpu.dma_semaphore, #tpu.memory_space<semaphore_mem>>
      %dma_start3A_332 = tpu.memref_slice %arg4[%run_scoped3A_168, %mul3A_167] : memref<2x320000xi32, #tpu.memory_space<hbm>> -> memref<1x10000xi32, #tpu.memory_space<hbm>>
      %dma_start3A_333 = tpu.memref_squeeze %dma_start3A_332 : memref<1x10000xi32, #tpu.memory_space<hbm>> -> memref<10000xi32, #tpu.memory_space<hbm>>
      %dma_start3A_334 = tpu.memref_slice %arg4[%run_scoped3A_168, %mul3A_167] : memref<2x320000xi32, #tpu.memory_space<hbm>> -> memref<1x10000xi32, #tpu.memory_space<hbm>>
      %dma_start3A_335 = tpu.memref_squeeze %dma_start3A_334 : memref<1x10000xi32, #tpu.memory_space<hbm>> -> memref<10000xi32, #tpu.memory_space<hbm>>
      tpu.enqueue_dma source(%dma_start3A_335 : memref<10000xi32, #tpu.memory_space<hbm>>) target(%arg6 : memref<10000xi32, #tpu.memory_space<vmem>>) target_semaphore(%run_scoped3A_331 : memref<!tpu.dma_semaphore, #tpu.memory_space<semaphore_mem>>)
      %dma_wait3A_336 = tpu.memref_slice %arg4[%run_scoped3A_168, %mul3A_167] : memref<2x320000xi32, #tpu.memory_space<hbm>> -> memref<1x10000xi32, #tpu.memory_space<hbm>>
      %dma_wait3A_337 = tpu.memref_squeeze %dma_wait3A_336 : memref<1x10000xi32, #tpu.memory_space<hbm>> -> memref<10000xi32, #tpu.memory_space<hbm>>
      %dma_wait3A_338 = tpu.memref_slice %arg4[%run_scoped3A_168, %mul3A_167] : memref<2x320000xi32, #tpu.memory_space<hbm>> -> memref<1x10000xi32, #tpu.memory_space<hbm>>
      %dma_wait3A_339 = tpu.memref_squeeze %dma_wait3A_338 : memref<1x10000xi32, #tpu.memory_space<hbm>> -> memref<10000xi32, #tpu.memory_space<hbm>>
      tpu.wait_dma2 semaphore(%run_scoped3A_331 : memref<!tpu.dma_semaphore, #tpu.memory_space<semaphore_mem>>) src(%dma_wait3A_339 : memref<10000xi32, #tpu.memory_space<hbm>>) dst(%arg6 : memref<10000xi32, #tpu.memory_space<vmem>>)
      tpu.yield
    }) : () -> ()
    %run_scoped3A_169 = arith.constant 1 : i32
    "tpu.region"() ({
      %run_scoped3A_331 = tpu.sem_alloc : memref<!tpu.dma_semaphore, #tpu.memory_space<semaphore_mem>>
      %dma_start3A_332 = tpu.memref_slice %arg4[%run_scoped3A_169, %mul3A_167] : memref<2x320000xi32, #tpu.memory_space<hbm>> -> memref<1x10000xi32, #tpu.memory_space<hbm>>
      %dma_start3A_333 = tpu.memref_squeeze %dma_start3A_332 : memref<1x10000xi32, #tpu.memory_space<hbm>> -> memref<10000xi32, #tpu.memory_space<hbm>>
      %dma_start3A_334 = tpu.memref_slice %arg4[%run_scoped3A_169, %mul3A_167] : memref<2x320000xi32, #tpu.memory_space<hbm>> -> memref<1x10000xi32, #tpu.memory_space<hbm>>
      %dma_start3A_335 = tpu.memref_squeeze %dma_start3A_334 : memref<1x10000xi32, #tpu.memory_space<hbm>> -> memref<10000xi32, #tpu.memory_space<hbm>>
      tpu.enqueue_dma source(%dma_start3A_335 : memref<10000xi32, #tpu.memory_space<hbm>>) target(%arg7 : memref<10000xi32, #tpu.memory_space<vmem>>) target_semaphore(%run_scoped3A_331 : memref<!tpu.dma_semaphore, #tpu.memory_space<semaphore_mem>>)
      %dma_wait3A_336 = tpu.memref_slice %arg4[%run_scoped3A_169, %mul3A_167] : memref<2x320000xi32, #tpu.memory_space<hbm>> -> memref<1x10000xi32, #tpu.memory_space<hbm>>
      %dma_wait3A_337 = tpu.memref_squeeze %dma_wait3A_336 : memref<1x10000xi32, #tpu.memory_space<hbm>> -> memref<10000xi32, #tpu.memory_space<hbm>>
      %dma_wait3A_338 = tpu.memref_slice %arg4[%run_scoped3A_169, %mul3A_167] : memref<2x320000xi32, #tpu.memory_space<hbm>> -> memref<1x10000xi32, #tpu.memory_space<hbm>>
      %dma_wait3A_339 = tpu.memref_squeeze %dma_wait3A_338 : memref<1x10000xi32, #tpu.memory_space<hbm>> -> memref<10000xi32, #tpu.memory_space<hbm>>
      tpu.wait_dma2 semaphore(%run_scoped3A_331 : memref<!tpu.dma_semaphore, #tpu.memory_space<semaphore_mem>>) src(%dma_wait3A_339 : memref<10000xi32, #tpu.memory_space<hbm>>) dst(%arg7 : memref<10000xi32, #tpu.memory_space<vmem>>)
      tpu.yield
    }) : () -> ()
    %dma_start3A_170 = arith.constant 0 : i32
    %dma_start3A_171 = tpu.memref_slice %arg6[%dma_start3A_170] : memref<10000xi32, #tpu.memory_space<vmem>> -> memref<80xi32, #tpu.memory_space<vmem>>
    %dma_start3A_172 = arith.constant 0 : i32
    %dma_start3A_173 = arith.constant 0 : i32
    %dma_start3A_174 = tpu.memref_slice %arg3[%arg0, %dma_start3A_172, %dma_start3A_173] : memref<2x10240x64xf32, #tpu.memory_space<hbm>> -> memref<1x10240x64xf32, #tpu.memory_space<hbm>>
    %dma_start3A_175 = tpu.memref_squeeze %dma_start3A_174 : memref<1x10240x64xf32, #tpu.memory_space<hbm>> -> memref<10240x64xf32, #tpu.memory_space<hbm>>
    %dma_start3A_176 = arith.constant 0 : i32
    %dma_start3A_177 = arith.constant 0 : i32
    %dma_start3A_178 = tpu.memref_slice %dma_start3A_175[%dma_start3A_176, %dma_start3A_177] : memref<10240x64xf32, #tpu.memory_space<hbm>> -> memref<10240x64xf32, #tpu.memory_space<hbm>>
    tpu.enqueue_indirect_dma source(%dma_start3A_178 : memref<10240x64xf32, #tpu.memory_space<hbm>>) target(%arg8 : memref<80x64xf32, #tpu.memory_space<vmem>>) offsets(%dma_start3A_171 : memref<80xi32, #tpu.memory_space<vmem>>) semaphore(%arg21 : memref<!tpu.dma_semaphore, #tpu.memory_space<semaphore_mem>>)
    %dma_start3A_179 = arith.constant 80 : i32
    %dma_start3A_180 = tpu.memref_slice %arg6[%dma_start3A_179] : memref<10000xi32, #tpu.memory_space<vmem>> -> memref<80xi32, #tpu.memory_space<vmem>>
    %dma_start3A_181 = arith.constant 0 : i32
    %dma_start3A_182 = arith.constant 0 : i32
    %dma_start3A_183 = tpu.memref_slice %arg3[%arg0, %dma_start3A_181, %dma_start3A_182] : memref<2x10240x64xf32, #tpu.memory_space<hbm>> -> memref<1x10240x64xf32, #tpu.memory_space<hbm>>
    %dma_start3A_184 = tpu.memref_squeeze %dma_start3A_183 : memref<1x10240x64xf32, #tpu.memory_space<hbm>> -> memref<10240x64xf32, #tpu.memory_space<hbm>>
    %dma_start3A_185 = arith.constant 0 : i32
    %dma_start3A_186 = arith.constant 0 : i32
    %dma_start3A_187 = tpu.memref_slice %dma_start3A_184[%dma_start3A_185, %dma_start3A_186] : memref<10240x64xf32, #tpu.memory_space<hbm>> -> memref<10240x64xf32, #tpu.memory_space<hbm>>
    tpu.enqueue_indirect_dma source(%dma_start3A_187 : memref<10240x64xf32, #tpu.memory_space<hbm>>) target(%arg9 : memref<80x64xf32, #tpu.memory_space<vmem>>) offsets(%dma_start3A_180 : memref<80xi32, #tpu.memory_space<vmem>>) semaphore(%arg22 : memref<!tpu.dma_semaphore, #tpu.memory_space<semaphore_mem>>)
    %dma_start3A_188 = arith.constant 160 : i32
    %dma_start3A_189 = tpu.memref_slice %arg6[%dma_start3A_188] : memref<10000xi32, #tpu.memory_space<vmem>> -> memref<80xi32, #tpu.memory_space<vmem>>
    %dma_start3A_190 = arith.constant 0 : i32
    %dma_start3A_191 = arith.constant 0 : i32
    %dma_start3A_192 = tpu.memref_slice %arg3[%arg0, %dma_start3A_190, %dma_start3A_191] : memref<2x10240x64xf32, #tpu.memory_space<hbm>> -> memref<1x10240x64xf32, #tpu.memory_space<hbm>>
    %dma_start3A_193 = tpu.memref_squeeze %dma_start3A_192 : memref<1x10240x64xf32, #tpu.memory_space<hbm>> -> memref<10240x64xf32, #tpu.memory_space<hbm>>
    %dma_start3A_194 = arith.constant 0 : i32
    %dma_start3A_195 = arith.constant 0 : i32
    %dma_start3A_196 = tpu.memref_slice %dma_start3A_193[%dma_start3A_194, %dma_start3A_195] : memref<10240x64xf32, #tpu.memory_space<hbm>> -> memref<10240x64xf32, #tpu.memory_space<hbm>>
    tpu.enqueue_indirect_dma source(%dma_start3A_196 : memref<10240x64xf32, #tpu.memory_space<hbm>>) target(%arg10 : memref<80x64xf32, #tpu.memory_space<vmem>>) offsets(%dma_start3A_189 : memref<80xi32, #tpu.memory_space<vmem>>) semaphore(%arg23 : memref<!tpu.dma_semaphore, #tpu.memory_space<semaphore_mem>>)
    %dma_start3A_197 = arith.constant 240 : i32
    %dma_start3A_198 = tpu.memref_slice %arg6[%dma_start3A_197] : memref<10000xi32, #tpu.memory_space<vmem>> -> memref<80xi32, #tpu.memory_space<vmem>>
    %dma_start3A_199 = arith.constant 0 : i32
    %dma_start3A_200 = arith.constant 0 : i32
    %dma_start3A_201 = tpu.memref_slice %arg3[%arg0, %dma_start3A_199, %dma_start3A_200] : memref<2x10240x64xf32, #tpu.memory_space<hbm>> -> memref<1x10240x64xf32, #tpu.memory_space<hbm>>
    %dma_start3A_202 = tpu.memref_squeeze %dma_start3A_201 : memref<1x10240x64xf32, #tpu.memory_space<hbm>> -> memref<10240x64xf32, #tpu.memory_space<hbm>>
    %dma_start3A_203 = arith.constant 0 : i32
    %dma_start3A_204 = arith.constant 0 : i32
    %dma_start3A_205 = tpu.memref_slice %dma_start3A_202[%dma_start3A_203, %dma_start3A_204] : memref<10240x64xf32, #tpu.memory_space<hbm>> -> memref<10240x64xf32, #tpu.memory_space<hbm>>
    tpu.enqueue_indirect_dma source(%dma_start3A_205 : memref<10240x64xf32, #tpu.memory_space<hbm>>) target(%arg11 : memref<80x64xf32, #tpu.memory_space<vmem>>) offsets(%dma_start3A_198 : memref<80xi32, #tpu.memory_space<vmem>>) semaphore(%arg24 : memref<!tpu.dma_semaphore, #tpu.memory_space<semaphore_mem>>)
    %dma_start3A_206 = arith.constant 320 : i32
    %dma_start3A_207 = tpu.memref_slice %arg6[%dma_start3A_206] : memref<10000xi32, #tpu.memory_space<vmem>> -> memref<80xi32, #tpu.memory_space<vmem>>
    %dma_start3A_208 = arith.constant 0 : i32
    %dma_start3A_209 = arith.constant 0 : i32
    %dma_start3A_210 = tpu.memref_slice %arg3[%arg0, %dma_start3A_208, %dma_start3A_209] : memref<2x10240x64xf32, #tpu.memory_space<hbm>> -> memref<1x10240x64xf32, #tpu.memory_space<hbm>>
    %dma_start3A_211 = tpu.memref_squeeze %dma_start3A_210 : memref<1x10240x64xf32, #tpu.memory_space<hbm>> -> memref<10240x64xf32, #tpu.memory_space<hbm>>
    %dma_start3A_212 = arith.constant 0 : i32
    %dma_start3A_213 = arith.constant 0 : i32
    %dma_start3A_214 = tpu.memref_slice %dma_start3A_211[%dma_start3A_212, %dma_start3A_213] : memref<10240x64xf32, #tpu.memory_space<hbm>> -> memref<10240x64xf32, #tpu.memory_space<hbm>>
    tpu.enqueue_indirect_dma source(%dma_start3A_214 : memref<10240x64xf32, #tpu.memory_space<hbm>>) target(%arg12 : memref<80x64xf32, #tpu.memory_space<vmem>>) offsets(%dma_start3A_207 : memref<80xi32, #tpu.memory_space<vmem>>) semaphore(%arg25 : memref<!tpu.dma_semaphore, #tpu.memory_space<semaphore_mem>>)
    %dma_start3A_215 = arith.constant 400 : i32
    %dma_start3A_216 = tpu.memref_slice %arg6[%dma_start3A_215] : memref<10000xi32, #tpu.memory_space<vmem>> -> memref<80xi32, #tpu.memory_space<vmem>>
    %dma_start3A_217 = arith.constant 0 : i32
    %dma_start3A_218 = arith.constant 0 : i32
    %dma_start3A_219 = tpu.memref_slice %arg3[%arg0, %dma_start3A_217, %dma_start3A_218] : memref<2x10240x64xf32, #tpu.memory_space<hbm>> -> memref<1x10240x64xf32, #tpu.memory_space<hbm>>
    %dma_start3A_220 = tpu.memref_squeeze %dma_start3A_219 : memref<1x10240x64xf32, #tpu.memory_space<hbm>> -> memref<10240x64xf32, #tpu.memory_space<hbm>>
    %dma_start3A_221 = arith.constant 0 : i32
    %dma_start3A_222 = arith.constant 0 : i32
    %dma_start3A_223 = tpu.memref_slice %dma_start3A_220[%dma_start3A_221, %dma_start3A_222] : memref<10240x64xf32, #tpu.memory_space<hbm>> -> memref<10240x64xf32, #tpu.memory_space<hbm>>
    tpu.enqueue_indirect_dma source(%dma_start3A_223 : memref<10240x64xf32, #tpu.memory_space<hbm>>) target(%arg13 : memref<80x64xf32, #tpu.memory_space<vmem>>) offsets(%dma_start3A_216 : memref<80xi32, #tpu.memory_space<vmem>>) semaphore(%arg26 : memref<!tpu.dma_semaphore, #tpu.memory_space<semaphore_mem>>)
    %dma_start3A_224 = arith.constant 480 : i32
    %dma_start3A_225 = tpu.memref_slice %arg6[%dma_start3A_224] : memref<10000xi32, #tpu.memory_space<vmem>> -> memref<80xi32, #tpu.memory_space<vmem>>
    %dma_start3A_226 = arith.constant 0 : i32
    %dma_start3A_227 = arith.constant 0 : i32
    %dma_start3A_228 = tpu.memref_slice %arg3[%arg0, %dma_start3A_226, %dma_start3A_227] : memref<2x10240x64xf32, #tpu.memory_space<hbm>> -> memref<1x10240x64xf32, #tpu.memory_space<hbm>>
    %dma_start3A_229 = tpu.memref_squeeze %dma_start3A_228 : memref<1x10240x64xf32, #tpu.memory_space<hbm>> -> memref<10240x64xf32, #tpu.memory_space<hbm>>
    %dma_start3A_230 = arith.constant 0 : i32
    %dma_start3A_231 = arith.constant 0 : i32
    %dma_start3A_232 = tpu.memref_slice %dma_start3A_229[%dma_start3A_230, %dma_start3A_231] : memref<10240x64xf32, #tpu.memory_space<hbm>> -> memref<10240x64xf32, #tpu.memory_space<hbm>>
    tpu.enqueue_indirect_dma source(%dma_start3A_232 : memref<10240x64xf32, #tpu.memory_space<hbm>>) target(%arg14 : memref<80x64xf32, #tpu.memory_space<vmem>>) offsets(%dma_start3A_225 : memref<80xi32, #tpu.memory_space<vmem>>) semaphore(%arg27 : memref<!tpu.dma_semaphore, #tpu.memory_space<semaphore_mem>>)
    %dma_start3A_233 = arith.constant 560 : i32
    %dma_start3A_234 = tpu.memref_slice %arg6[%dma_start3A_233] : memref<10000xi32, #tpu.memory_space<vmem>> -> memref<80xi32, #tpu.memory_space<vmem>>
    %dma_start3A_235 = arith.constant 0 : i32
    %dma_start3A_236 = arith.constant 0 : i32
    %dma_start3A_237 = tpu.memref_slice %arg3[%arg0, %dma_start3A_235, %dma_start3A_236] : memref<2x10240x64xf32, #tpu.memory_space<hbm>> -> memref<1x10240x64xf32, #tpu.memory_space<hbm>>
    %dma_start3A_238 = tpu.memref_squeeze %dma_start3A_237 : memref<1x10240x64xf32, #tpu.memory_space<hbm>> -> memref<10240x64xf32, #tpu.memory_space<hbm>>
    %dma_start3A_239 = arith.constant 0 : i32
    %dma_start3A_240 = arith.constant 0 : i32
    %dma_start3A_241 = tpu.memref_slice %dma_start3A_238[%dma_start3A_239, %dma_start3A_240] : memref<10240x64xf32, #tpu.memory_space<hbm>> -> memref<10240x64xf32, #tpu.memory_space<hbm>>
    tpu.enqueue_indirect_dma source(%dma_start3A_241 : memref<10240x64xf32, #tpu.memory_space<hbm>>) target(%arg15 : memref<80x64xf32, #tpu.memory_space<vmem>>) offsets(%dma_start3A_234 : memref<80xi32, #tpu.memory_space<vmem>>) semaphore(%arg28 : memref<!tpu.dma_semaphore, #tpu.memory_space<semaphore_mem>>)
    %dma_start3A_242 = arith.constant 640 : i32
    %dma_start3A_243 = tpu.memref_slice %arg6[%dma_start3A_242] : memref<10000xi32, #tpu.memory_space<vmem>> -> memref<80xi32, #tpu.memory_space<vmem>>
    %dma_start3A_244 = arith.constant 0 : i32
    %dma_start3A_245 = arith.constant 0 : i32
    %dma_start3A_246 = tpu.memref_slice %arg3[%arg0, %dma_start3A_244, %dma_start3A_245] : memref<2x10240x64xf32, #tpu.memory_space<hbm>> -> memref<1x10240x64xf32, #tpu.memory_space<hbm>>
    %dma_start3A_247 = tpu.memref_squeeze %dma_start3A_246 : memref<1x10240x64xf32, #tpu.memory_space<hbm>> -> memref<10240x64xf32, #tpu.memory_space<hbm>>
    %dma_start3A_248 = arith.constant 0 : i32
    %dma_start3A_249 = arith.constant 0 : i32
    %dma_start3A_250 = tpu.memref_slice %dma_start3A_247[%dma_start3A_248, %dma_start3A_249] : memref<10240x64xf32, #tpu.memory_space<hbm>> -> memref<10240x64xf32, #tpu.memory_space<hbm>>
    tpu.enqueue_indirect_dma source(%dma_start3A_250 : memref<10240x64xf32, #tpu.memory_space<hbm>>) target(%arg16 : memref<80x64xf32, #tpu.memory_space<vmem>>) offsets(%dma_start3A_243 : memref<80xi32, #tpu.memory_space<vmem>>) semaphore(%arg29 : memref<!tpu.dma_semaphore, #tpu.memory_space<semaphore_mem>>)
    %dma_start3A_251 = arith.constant 720 : i32
    %dma_start3A_252 = tpu.memref_slice %arg6[%dma_start3A_251] : memref<10000xi32, #tpu.memory_space<vmem>> -> memref<80xi32, #tpu.memory_space<vmem>>
    %dma_start3A_253 = arith.constant 0 : i32
    %dma_start3A_254 = arith.constant 0 : i32
    %dma_start3A_255 = tpu.memref_slice %arg3[%arg0, %dma_start3A_253, %dma_start3A_254] : memref<2x10240x64xf32, #tpu.memory_space<hbm>> -> memref<1x10240x64xf32, #tpu.memory_space<hbm>>
    %dma_start3A_256 = tpu.memref_squeeze %dma_start3A_255 : memref<1x10240x64xf32, #tpu.memory_space<hbm>> -> memref<10240x64xf32, #tpu.memory_space<hbm>>
    %dma_start3A_257 = arith.constant 0 : i32
    %dma_start3A_258 = arith.constant 0 : i32
    %dma_start3A_259 = tpu.memref_slice %dma_start3A_256[%dma_start3A_257, %dma_start3A_258] : memref<10240x64xf32, #tpu.memory_space<hbm>> -> memref<10240x64xf32, #tpu.memory_space<hbm>>
    tpu.enqueue_indirect_dma source(%dma_start3A_259 : memref<10240x64xf32, #tpu.memory_space<hbm>>) target(%arg17 : memref<80x64xf32, #tpu.memory_space<vmem>>) offsets(%dma_start3A_252 : memref<80xi32, #tpu.memory_space<vmem>>) semaphore(%arg30 : memref<!tpu.dma_semaphore, #tpu.memory_space<semaphore_mem>>)
    %dma_start3A_260 = arith.constant 800 : i32
    %dma_start3A_261 = tpu.memref_slice %arg6[%dma_start3A_260] : memref<10000xi32, #tpu.memory_space<vmem>> -> memref<80xi32, #tpu.memory_space<vmem>>
    %dma_start3A_262 = arith.constant 0 : i32
    %dma_start3A_263 = arith.constant 0 : i32
    %dma_start3A_264 = tpu.memref_slice %arg3[%arg0, %dma_start3A_262, %dma_start3A_263] : memref<2x10240x64xf32, #tpu.memory_space<hbm>> -> memref<1x10240x64xf32, #tpu.memory_space<hbm>>
    %dma_start3A_265 = tpu.memref_squeeze %dma_start3A_264 : memref<1x10240x64xf32, #tpu.memory_space<hbm>> -> memref<10240x64xf32, #tpu.memory_space<hbm>>
    %dma_start3A_266 = arith.constant 0 : i32
    %dma_start3A_267 = arith.constant 0 : i32
    %dma_start3A_268 = tpu.memref_slice %dma_start3A_265[%dma_start3A_266, %dma_start3A_267] : memref<10240x64xf32, #tpu.memory_space<hbm>> -> memref<10240x64xf32, #tpu.memory_space<hbm>>
    tpu.enqueue_indirect_dma source(%dma_start3A_268 : memref<10240x64xf32, #tpu.memory_space<hbm>>) target(%arg18 : memref<80x64xf32, #tpu.memory_space<vmem>>) offsets(%dma_start3A_261 : memref<80xi32, #tpu.memory_space<vmem>>) semaphore(%arg31 : memref<!tpu.dma_semaphore, #tpu.memory_space<semaphore_mem>>)
    %dma_start3A_269 = arith.constant 880 : i32
    %dma_start3A_270 = tpu.memref_slice %arg6[%dma_start3A_269] : memref<10000xi32, #tpu.memory_space<vmem>> -> memref<80xi32, #tpu.memory_space<vmem>>
    %dma_start3A_271 = arith.constant 0 : i32
    %dma_start3A_272 = arith.constant 0 : i32
    %dma_start3A_273 = tpu.memref_slice %arg3[%arg0, %dma_start3A_271, %dma_start3A_272] : memref<2x10240x64xf32, #tpu.memory_space<hbm>> -> memref<1x10240x64xf32, #tpu.memory_space<hbm>>
    %dma_start3A_274 = tpu.memref_squeeze %dma_start3A_273 : memref<1x10240x64xf32, #tpu.memory_space<hbm>> -> memref<10240x64xf32, #tpu.memory_space<hbm>>
    %dma_start3A_275 = arith.constant 0 : i32
    %dma_start3A_276 = arith.constant 0 : i32
    %dma_start3A_277 = tpu.memref_slice %dma_start3A_274[%dma_start3A_275, %dma_start3A_276] : memref<10240x64xf32, #tpu.memory_space<hbm>> -> memref<10240x64xf32, #tpu.memory_space<hbm>>
    tpu.enqueue_indirect_dma source(%dma_start3A_277 : memref<10240x64xf32, #tpu.memory_space<hbm>>) target(%arg19 : memref<80x64xf32, #tpu.memory_space<vmem>>) offsets(%dma_start3A_270 : memref<80xi32, #tpu.memory_space<vmem>>) semaphore(%arg32 : memref<!tpu.dma_semaphore, #tpu.memory_space<semaphore_mem>>)
    %scan3A_278 = arith.constant 0 : i32
    %scan3A_279 = arith.constant 10 : i32
    %scan3A_280 = arith.addi %scan3A_278, %scan3A_279 : i32
    %scan3A_281 = arith.constant 1 : i32
    scf.for %scan3A_331 = %scan3A_278 to %scan3A_280 step %scan3A_281  : i32 {
      %mul3A_332 = arith.constant 12 : i32
      %mul3A_333 = arith.muli %scan3A_331, %mul3A_332 : i32
      %add3A_334 = arith.constant 0 : i32
      %add3A_335 = arith.addi %add3A_334, %mul3A_333 : i32
      %add3A_336 = arith.constant 0 : i32
      %add3A_337 = arith.addi %add3A_335, %add3A_336 : i32
      %mul3A_338 = arith.constant 80 : i32
      %mul3A_339 = arith.muli %add3A_337, %mul3A_338 : i32
      %dma_wait3A_340 = tpu.memref_slice %arg6[%mul3A_339] : memref<10000xi32, #tpu.memory_space<vmem>> -> memref<80xi32, #tpu.memory_space<vmem>>
      %dma_wait3A_341 = arith.constant 0 : i32
      %dma_wait3A_342 = arith.constant 0 : i32
      %dma_wait3A_343 = tpu.memref_slice %arg3[%arg0, %dma_wait3A_341, %dma_wait3A_342] : memref<2x10240x64xf32, #tpu.memory_space<hbm>> -> memref<1x10240x64xf32, #tpu.memory_space<hbm>>
      %dma_wait3A_344 = tpu.memref_squeeze %dma_wait3A_343 : memref<1x10240x64xf32, #tpu.memory_space<hbm>> -> memref<10240x64xf32, #tpu.memory_space<hbm>>
      %dma_wait3A_345 = arith.constant 0 : i32
      %dma_wait3A_346 = arith.constant 0 : i32
      %dma_wait3A_347 = tpu.memref_slice %dma_wait3A_344[%dma_wait3A_345, %dma_wait3A_346] : memref<10240x64xf32, #tpu.memory_space<hbm>> -> memref<10240x64xf32, #tpu.memory_space<hbm>>
      tpu.wait_indirect_dma semaphore(%arg21 : memref<!tpu.dma_semaphore, #tpu.memory_space<semaphore_mem>>) src(%dma_wait3A_347 : memref<10240x64xf32, #tpu.memory_space<hbm>>) dst(%arg8 : memref<80x64xf32, #tpu.memory_space<vmem>>)
      %add3A_348 = arith.constant 0 : i32
      %add3A_349 = arith.addi %add3A_335, %add3A_348 : i32
      %mul3A_350 = arith.constant 80 : i32
      %mul3A_351 = arith.muli %add3A_349, %mul3A_350 : i32
      "tpu.region"() ({
        %run_scoped3A_633 = tpu.sem_alloc : memref<!tpu.dma_semaphore, #tpu.memory_space<semaphore_mem>>
        %dma_start3A_634 = tpu.memref_slice %arg7[%mul3A_351] : memref<10000xi32, #tpu.memory_space<vmem>> -> memref<80xi32, #tpu.memory_space<vmem>>
        %dma_start3A_635 = arith.constant 0 : i32
        %dma_start3A_636 = arith.constant 0 : i32
        %dma_start3A_637 = tpu.memref_slice %arg20[%dma_start3A_635, %dma_start3A_636] : memref<10240x64xf32, #tpu.memory_space<vmem_shared>> -> memref<10240x64xf32, #tpu.memory_space<vmem_shared>>
        tpu.enqueue_indirect_dma source(%arg8 : memref<80x64xf32, #tpu.memory_space<vmem>>) target(%dma_start3A_637 : memref<10240x64xf32, #tpu.memory_space<vmem_shared>>) offsets(%dma_start3A_634 : memref<80xi32, #tpu.memory_space<vmem>>) semaphore(%run_scoped3A_633 : memref<!tpu.dma_semaphore, #tpu.memory_space<semaphore_mem>>) {add = true}
        %dma_wait3A_638 = tpu.memref_slice %arg7[%mul3A_351] : memref<10000xi32, #tpu.memory_space<vmem>> -> memref<80xi32, #tpu.memory_space<vmem>>
        %dma_wait3A_639 = arith.constant 0 : i32
        %dma_wait3A_640 = arith.constant 0 : i32
        %dma_wait3A_641 = tpu.memref_slice %arg20[%dma_wait3A_639, %dma_wait3A_640] : memref<10240x64xf32, #tpu.memory_space<vmem_shared>> -> memref<10240x64xf32, #tpu.memory_space<vmem_shared>>
        tpu.wait_indirect_dma semaphore(%run_scoped3A_633 : memref<!tpu.dma_semaphore, #tpu.memory_space<semaphore_mem>>) src(%arg8 : memref<80x64xf32, #tpu.memory_space<vmem>>) dst(%dma_wait3A_641 : memref<10240x64xf32, #tpu.memory_space<vmem_shared>>)
        tpu.yield
      }) : () -> ()
      %add3A_352 = arith.constant 0 : i32
      %add3A_353 = arith.addi %add3A_335, %add3A_352 : i32
      %add3A_354 = arith.constant 12 : i32
      %add3A_355 = arith.addi %add3A_353, %add3A_354 : i32
      %lt3A = arith.constant 125 : i32
      %lt3A_356 = arith.cmpi slt, %add3A_355, %lt3A : i32
      %convert_element_type3A = arith.extui %lt3A_356 : i1 to i32
      %cond3A = arith.constant 0 : i32
      %cond3A_357 = arith.cmpi ne, %convert_element_type3A, %cond3A : i32
      scf.if %cond3A_357 {
        %add3A_633 = arith.constant 0 : i32
        %add3A_634 = arith.addi %add3A_335, %add3A_633 : i32
        %add3A_635 = arith.constant 12 : i32
        %add3A_636 = arith.addi %add3A_634, %add3A_635 : i32
        %mul3A_637 = arith.constant 80 : i32
        %mul3A_638 = arith.muli %add3A_636, %mul3A_637 : i32
        %dma_start3A_639 = tpu.memref_slice %arg6[%mul3A_638] : memref<10000xi32, #tpu.memory_space<vmem>> -> memref<80xi32, #tpu.memory_space<vmem>>
        %dma_start3A_640 = arith.constant 0 : i32
        %dma_start3A_641 = arith.constant 0 : i32
        %dma_start3A_642 = tpu.memref_slice %arg3[%arg0, %dma_start3A_640, %dma_start3A_641] : memref<2x10240x64xf32, #tpu.memory_space<hbm>> -> memref<1x10240x64xf32, #tpu.memory_space<hbm>>
        %dma_start3A_643 = tpu.memref_squeeze %dma_start3A_642 : memref<1x10240x64xf32, #tpu.memory_space<hbm>> -> memref<10240x64xf32, #tpu.memory_space<hbm>>
        %dma_start3A_644 = arith.constant 0 : i32
        %dma_start3A_645 = arith.constant 0 : i32
        %dma_start3A_646 = tpu.memref_slice %dma_start3A_643[%dma_start3A_644, %dma_start3A_645] : memref<10240x64xf32, #tpu.memory_space<hbm>> -> memref<10240x64xf32, #tpu.memory_space<hbm>>
        tpu.enqueue_indirect_dma source(%dma_start3A_646 : memref<10240x64xf32, #tpu.memory_space<hbm>>) target(%arg8 : memref<80x64xf32, #tpu.memory_space<vmem>>) offsets(%dma_start3A_639 : memref<80xi32, #tpu.memory_space<vmem>>) semaphore(%arg21 : memref<!tpu.dma_semaphore, #tpu.memory_space<semaphore_mem>>)
      } else {
      }
      %add3A_358 = arith.constant 1 : i32
      %add3A_359 = arith.addi %add3A_335, %add3A_358 : i32
      %mul3A_360 = arith.constant 80 : i32
      %mul3A_361 = arith.muli %add3A_359, %mul3A_360 : i32
      %dma_wait3A_362 = tpu.memref_slice %arg6[%mul3A_361] : memref<10000xi32, #tpu.memory_space<vmem>> -> memref<80xi32, #tpu.memory_space<vmem>>
      %dma_wait3A_363 = arith.constant 0 : i32
      %dma_wait3A_364 = arith.constant 0 : i32
      %dma_wait3A_365 = tpu.memref_slice %arg3[%arg0, %dma_wait3A_363, %dma_wait3A_364] : memref<2x10240x64xf32, #tpu.memory_space<hbm>> -> memref<1x10240x64xf32, #tpu.memory_space<hbm>>
      %dma_wait3A_366 = tpu.memref_squeeze %dma_wait3A_365 : memref<1x10240x64xf32, #tpu.memory_space<hbm>> -> memref<10240x64xf32, #tpu.memory_space<hbm>>
      %dma_wait3A_367 = arith.constant 0 : i32
      %dma_wait3A_368 = arith.constant 0 : i32
      %dma_wait3A_369 = tpu.memref_slice %dma_wait3A_366[%dma_wait3A_367, %dma_wait3A_368] : memref<10240x64xf32, #tpu.memory_space<hbm>> -> memref<10240x64xf32, #tpu.memory_space<hbm>>
      tpu.wait_indirect_dma semaphore(%arg22 : memref<!tpu.dma_semaphore, #tpu.memory_space<semaphore_mem>>) src(%dma_wait3A_369 : memref<10240x64xf32, #tpu.memory_space<hbm>>) dst(%arg9 : memref<80x64xf32, #tpu.memory_space<vmem>>)
      %add3A_370 = arith.constant 1 : i32
      %add3A_371 = arith.addi %add3A_335, %add3A_370 : i32
      %mul3A_372 = arith.constant 80 : i32
      %mul3A_373 = arith.muli %add3A_371, %mul3A_372 : i32
      "tpu.region"() ({
        %run_scoped3A_633 = tpu.sem_alloc : memref<!tpu.dma_semaphore, #tpu.memory_space<semaphore_mem>>
        %dma_start3A_634 = tpu.memref_slice %arg7[%mul3A_373] : memref<10000xi32, #tpu.memory_space<vmem>> -> memref<80xi32, #tpu.memory_space<vmem>>
        %dma_start3A_635 = arith.constant 0 : i32
        %dma_start3A_636 = arith.constant 0 : i32
        %dma_start3A_637 = tpu.memref_slice %arg20[%dma_start3A_635, %dma_start3A_636] : memref<10240x64xf32, #tpu.memory_space<vmem_shared>> -> memref<10240x64xf32, #tpu.memory_space<vmem_shared>>
        tpu.enqueue_indirect_dma source(%arg9 : memref<80x64xf32, #tpu.memory_space<vmem>>) target(%dma_start3A_637 : memref<10240x64xf32, #tpu.memory_space<vmem_shared>>) offsets(%dma_start3A_634 : memref<80xi32, #tpu.memory_space<vmem>>) semaphore(%run_scoped3A_633 : memref<!tpu.dma_semaphore, #tpu.memory_space<semaphore_mem>>) {add = true}
        %dma_wait3A_638 = tpu.memref_slice %arg7[%mul3A_373] : memref<10000xi32, #tpu.memory_space<vmem>> -> memref<80xi32, #tpu.memory_space<vmem>>
        %dma_wait3A_639 = arith.constant 0 : i32
        %dma_wait3A_640 = arith.constant 0 : i32
        %dma_wait3A_641 = tpu.memref_slice %arg20[%dma_wait3A_639, %dma_wait3A_640] : memref<10240x64xf32, #tpu.memory_space<vmem_shared>> -> memref<10240x64xf32, #tpu.memory_space<vmem_shared>>
        tpu.wait_indirect_dma semaphore(%run_scoped3A_633 : memref<!tpu.dma_semaphore, #tpu.memory_space<semaphore_mem>>) src(%arg9 : memref<80x64xf32, #tpu.memory_space<vmem>>) dst(%dma_wait3A_641 : memref<10240x64xf32, #tpu.memory_space<vmem_shared>>)
        tpu.yield
      }) : () -> ()
      %add3A_374 = arith.constant 1 : i32
      %add3A_375 = arith.addi %add3A_335, %add3A_374 : i32
      %add3A_376 = arith.constant 12 : i32
      %add3A_377 = arith.addi %add3A_375, %add3A_376 : i32
      %lt3A_378 = arith.constant 125 : i32
      %lt3A_379 = arith.cmpi slt, %add3A_377, %lt3A_378 : i32
      %convert_element_type3A_380 = arith.extui %lt3A_379 : i1 to i32
      %cond3A_381 = arith.constant 0 : i32
      %cond3A_382 = arith.cmpi ne, %convert_element_type3A_380, %cond3A_381 : i32
      scf.if %cond3A_382 {
        %add3A_633 = arith.constant 1 : i32
        %add3A_634 = arith.addi %add3A_335, %add3A_633 : i32
        %add3A_635 = arith.constant 12 : i32
        %add3A_636 = arith.addi %add3A_634, %add3A_635 : i32
        %mul3A_637 = arith.constant 80 : i32
        %mul3A_638 = arith.muli %add3A_636, %mul3A_637 : i32
        %dma_start3A_639 = tpu.memref_slice %arg6[%mul3A_638] : memref<10000xi32, #tpu.memory_space<vmem>> -> memref<80xi32, #tpu.memory_space<vmem>>
        %dma_start3A_640 = arith.constant 0 : i32
        %dma_start3A_641 = arith.constant 0 : i32
        %dma_start3A_642 = tpu.memref_slice %arg3[%arg0, %dma_start3A_640, %dma_start3A_641] : memref<2x10240x64xf32, #tpu.memory_space<hbm>> -> memref<1x10240x64xf32, #tpu.memory_space<hbm>>
        %dma_start3A_643 = tpu.memref_squeeze %dma_start3A_642 : memref<1x10240x64xf32, #tpu.memory_space<hbm>> -> memref<10240x64xf32, #tpu.memory_space<hbm>>
        %dma_start3A_644 = arith.constant 0 : i32
        %dma_start3A_645 = arith.constant 0 : i32
        %dma_start3A_646 = tpu.memref_slice %dma_start3A_643[%dma_start3A_644, %dma_start3A_645] : memref<10240x64xf32, #tpu.memory_space<hbm>> -> memref<10240x64xf32, #tpu.memory_space<hbm>>
        tpu.enqueue_indirect_dma source(%dma_start3A_646 : memref<10240x64xf32, #tpu.memory_space<hbm>>) target(%arg9 : memref<80x64xf32, #tpu.memory_space<vmem>>) offsets(%dma_start3A_639 : memref<80xi32, #tpu.memory_space<vmem>>) semaphore(%arg22 : memref<!tpu.dma_semaphore, #tpu.memory_space<semaphore_mem>>)
      } else {
      }
      %add3A_383 = arith.constant 2 : i32
      %add3A_384 = arith.addi %add3A_335, %add3A_383 : i32
      %mul3A_385 = arith.constant 80 : i32
      %mul3A_386 = arith.muli %add3A_384, %mul3A_385 : i32
      %dma_wait3A_387 = tpu.memref_slice %arg6[%mul3A_386] : memref<10000xi32, #tpu.memory_space<vmem>> -> memref<80xi32, #tpu.memory_space<vmem>>
      %dma_wait3A_388 = arith.constant 0 : i32
      %dma_wait3A_389 = arith.constant 0 : i32
      %dma_wait3A_390 = tpu.memref_slice %arg3[%arg0, %dma_wait3A_388, %dma_wait3A_389] : memref<2x10240x64xf32, #tpu.memory_space<hbm>> -> memref<1x10240x64xf32, #tpu.memory_space<hbm>>
      %dma_wait3A_391 = tpu.memref_squeeze %dma_wait3A_390 : memref<1x10240x64xf32, #tpu.memory_space<hbm>> -> memref<10240x64xf32, #tpu.memory_space<hbm>>
      %dma_wait3A_392 = arith.constant 0 : i32
      %dma_wait3A_393 = arith.constant 0 : i32
      %dma_wait3A_394 = tpu.memref_slice %dma_wait3A_391[%dma_wait3A_392, %dma_wait3A_393] : memref<10240x64xf32, #tpu.memory_space<hbm>> -> memref<10240x64xf32, #tpu.memory_space<hbm>>
      tpu.wait_indirect_dma semaphore(%arg23 : memref<!tpu.dma_semaphore, #tpu.memory_space<semaphore_mem>>) src(%dma_wait3A_394 : memref<10240x64xf32, #tpu.memory_space<hbm>>) dst(%arg10 : memref<80x64xf32, #tpu.memory_space<vmem>>)
      %add3A_395 = arith.constant 2 : i32
      %add3A_396 = arith.addi %add3A_335, %add3A_395 : i32
      %mul3A_397 = arith.constant 80 : i32
      %mul3A_398 = arith.muli %add3A_396, %mul3A_397 : i32
      "tpu.region"() ({
        %run_scoped3A_633 = tpu.sem_alloc : memref<!tpu.dma_semaphore, #tpu.memory_space<semaphore_mem>>
        %dma_start3A_634 = tpu.memref_slice %arg7[%mul3A_398] : memref<10000xi32, #tpu.memory_space<vmem>> -> memref<80xi32, #tpu.memory_space<vmem>>
        %dma_start3A_635 = arith.constant 0 : i32
        %dma_start3A_636 = arith.constant 0 : i32
        %dma_start3A_637 = tpu.memref_slice %arg20[%dma_start3A_635, %dma_start3A_636] : memref<10240x64xf32, #tpu.memory_space<vmem_shared>> -> memref<10240x64xf32, #tpu.memory_space<vmem_shared>>
        tpu.enqueue_indirect_dma source(%arg10 : memref<80x64xf32, #tpu.memory_space<vmem>>) target(%dma_start3A_637 : memref<10240x64xf32, #tpu.memory_space<vmem_shared>>) offsets(%dma_start3A_634 : memref<80xi32, #tpu.memory_space<vmem>>) semaphore(%run_scoped3A_633 : memref<!tpu.dma_semaphore, #tpu.memory_space<semaphore_mem>>) {add = true}
        %dma_wait3A_638 = tpu.memref_slice %arg7[%mul3A_398] : memref<10000xi32, #tpu.memory_space<vmem>> -> memref<80xi32, #tpu.memory_space<vmem>>
        %dma_wait3A_639 = arith.constant 0 : i32
        %dma_wait3A_640 = arith.constant 0 : i32
        %dma_wait3A_641 = tpu.memref_slice %arg20[%dma_wait3A_639, %dma_wait3A_640] : memref<10240x64xf32, #tpu.memory_space<vmem_shared>> -> memref<10240x64xf32, #tpu.memory_space<vmem_shared>>
        tpu.wait_indirect_dma semaphore(%run_scoped3A_633 : memref<!tpu.dma_semaphore, #tpu.memory_space<semaphore_mem>>) src(%arg10 : memref<80x64xf32, #tpu.memory_space<vmem>>) dst(%dma_wait3A_641 : memref<10240x64xf32, #tpu.memory_space<vmem_shared>>)
        tpu.yield
      }) : () -> ()
      %add3A_399 = arith.constant 2 : i32
      %add3A_400 = arith.addi %add3A_335, %add3A_399 : i32
      %add3A_401 = arith.constant 12 : i32
      %add3A_402 = arith.addi %add3A_400, %add3A_401 : i32
      %lt3A_403 = arith.constant 125 : i32
      %lt3A_404 = arith.cmpi slt, %add3A_402, %lt3A_403 : i32
      %convert_element_type3A_405 = arith.extui %lt3A_404 : i1 to i32
      %cond3A_406 = arith.constant 0 : i32
      %cond3A_407 = arith.cmpi ne, %convert_element_type3A_405, %cond3A_406 : i32
      scf.if %cond3A_407 {
        %add3A_633 = arith.constant 2 : i32
        %add3A_634 = arith.addi %add3A_335, %add3A_633 : i32
        %add3A_635 = arith.constant 12 : i32
        %add3A_636 = arith.addi %add3A_634, %add3A_635 : i32
        %mul3A_637 = arith.constant 80 : i32
        %mul3A_638 = arith.muli %add3A_636, %mul3A_637 : i32
        %dma_start3A_639 = tpu.memref_slice %arg6[%mul3A_638] : memref<10000xi32, #tpu.memory_space<vmem>> -> memref<80xi32, #tpu.memory_space<vmem>>
        %dma_start3A_640 = arith.constant 0 : i32
        %dma_start3A_641 = arith.constant 0 : i32
        %dma_start3A_642 = tpu.memref_slice %arg3[%arg0, %dma_start3A_640, %dma_start3A_641] : memref<2x10240x64xf32, #tpu.memory_space<hbm>> -> memref<1x10240x64xf32, #tpu.memory_space<hbm>>
        %dma_start3A_643 = tpu.memref_squeeze %dma_start3A_642 : memref<1x10240x64xf32, #tpu.memory_space<hbm>> -> memref<10240x64xf32, #tpu.memory_space<hbm>>
        %dma_start3A_644 = arith.constant 0 : i32
        %dma_start3A_645 = arith.constant 0 : i32
        %dma_start3A_646 = tpu.memref_slice %dma_start3A_643[%dma_start3A_644, %dma_start3A_645] : memref<10240x64xf32, #tpu.memory_space<hbm>> -> memref<10240x64xf32, #tpu.memory_space<hbm>>
        tpu.enqueue_indirect_dma source(%dma_start3A_646 : memref<10240x64xf32, #tpu.memory_space<hbm>>) target(%arg10 : memref<80x64xf32, #tpu.memory_space<vmem>>) offsets(%dma_start3A_639 : memref<80xi32, #tpu.memory_space<vmem>>) semaphore(%arg23 : memref<!tpu.dma_semaphore, #tpu.memory_space<semaphore_mem>>)
      } else {
      }
      %add3A_408 = arith.constant 3 : i32
      %add3A_409 = arith.addi %add3A_335, %add3A_408 : i32
      %mul3A_410 = arith.constant 80 : i32
      %mul3A_411 = arith.muli %add3A_409, %mul3A_410 : i32
      %dma_wait3A_412 = tpu.memref_slice %arg6[%mul3A_411] : memref<10000xi32, #tpu.memory_space<vmem>> -> memref<80xi32, #tpu.memory_space<vmem>>
      %dma_wait3A_413 = arith.constant 0 : i32
      %dma_wait3A_414 = arith.constant 0 : i32
      %dma_wait3A_415 = tpu.memref_slice %arg3[%arg0, %dma_wait3A_413, %dma_wait3A_414] : memref<2x10240x64xf32, #tpu.memory_space<hbm>> -> memref<1x10240x64xf32, #tpu.memory_space<hbm>>
      %dma_wait3A_416 = tpu.memref_squeeze %dma_wait3A_415 : memref<1x10240x64xf32, #tpu.memory_space<hbm>> -> memref<10240x64xf32, #tpu.memory_space<hbm>>
      %dma_wait3A_417 = arith.constant 0 : i32
      %dma_wait3A_418 = arith.constant 0 : i32
      %dma_wait3A_419 = tpu.memref_slice %dma_wait3A_416[%dma_wait3A_417, %dma_wait3A_418] : memref<10240x64xf32, #tpu.memory_space<hbm>> -> memref<10240x64xf32, #tpu.memory_space<hbm>>
      tpu.wait_indirect_dma semaphore(%arg24 : memref<!tpu.dma_semaphore, #tpu.memory_space<semaphore_mem>>) src(%dma_wait3A_419 : memref<10240x64xf32, #tpu.memory_space<hbm>>) dst(%arg11 : memref<80x64xf32, #tpu.memory_space<vmem>>)
      %add3A_420 = arith.constant 3 : i32
      %add3A_421 = arith.addi %add3A_335, %add3A_420 : i32
      %mul3A_422 = arith.constant 80 : i32
      %mul3A_423 = arith.muli %add3A_421, %mul3A_422 : i32
      "tpu.region"() ({
        %run_scoped3A_633 = tpu.sem_alloc : memref<!tpu.dma_semaphore, #tpu.memory_space<semaphore_mem>>
        %dma_start3A_634 = tpu.memref_slice %arg7[%mul3A_423] : memref<10000xi32, #tpu.memory_space<vmem>> -> memref<80xi32, #tpu.memory_space<vmem>>
        %dma_start3A_635 = arith.constant 0 : i32
        %dma_start3A_636 = arith.constant 0 : i32
        %dma_start3A_637 = tpu.memref_slice %arg20[%dma_start3A_635, %dma_start3A_636] : memref<10240x64xf32, #tpu.memory_space<vmem_shared>> -> memref<10240x64xf32, #tpu.memory_space<vmem_shared>>
        tpu.enqueue_indirect_dma source(%arg11 : memref<80x64xf32, #tpu.memory_space<vmem>>) target(%dma_start3A_637 : memref<10240x64xf32, #tpu.memory_space<vmem_shared>>) offsets(%dma_start3A_634 : memref<80xi32, #tpu.memory_space<vmem>>) semaphore(%run_scoped3A_633 : memref<!tpu.dma_semaphore, #tpu.memory_space<semaphore_mem>>) {add = true}
        %dma_wait3A_638 = tpu.memref_slice %arg7[%mul3A_423] : memref<10000xi32, #tpu.memory_space<vmem>> -> memref<80xi32, #tpu.memory_space<vmem>>
        %dma_wait3A_639 = arith.constant 0 : i32
        %dma_wait3A_640 = arith.constant 0 : i32
        %dma_wait3A_641 = tpu.memref_slice %arg20[%dma_wait3A_639, %dma_wait3A_640] : memref<10240x64xf32, #tpu.memory_space<vmem_shared>> -> memref<10240x64xf32, #tpu.memory_space<vmem_shared>>
        tpu.wait_indirect_dma semaphore(%run_scoped3A_633 : memref<!tpu.dma_semaphore, #tpu.memory_space<semaphore_mem>>) src(%arg11 : memref<80x64xf32, #tpu.memory_space<vmem>>) dst(%dma_wait3A_641 : memref<10240x64xf32, #tpu.memory_space<vmem_shared>>)
        tpu.yield
      }) : () -> ()
      %add3A_424 = arith.constant 3 : i32
      %add3A_425 = arith.addi %add3A_335, %add3A_424 : i32
      %add3A_426 = arith.constant 12 : i32
      %add3A_427 = arith.addi %add3A_425, %add3A_426 : i32
      %lt3A_428 = arith.constant 125 : i32
      %lt3A_429 = arith.cmpi slt, %add3A_427, %lt3A_428 : i32
      %convert_element_type3A_430 = arith.extui %lt3A_429 : i1 to i32
      %cond3A_431 = arith.constant 0 : i32
      %cond3A_432 = arith.cmpi ne, %convert_element_type3A_430, %cond3A_431 : i32
      scf.if %cond3A_432 {
        %add3A_633 = arith.constant 3 : i32
        %add3A_634 = arith.addi %add3A_335, %add3A_633 : i32
        %add3A_635 = arith.constant 12 : i32
        %add3A_636 = arith.addi %add3A_634, %add3A_635 : i32
        %mul3A_637 = arith.constant 80 : i32
        %mul3A_638 = arith.muli %add3A_636, %mul3A_637 : i32
        %dma_start3A_639 = tpu.memref_slice %arg6[%mul3A_638] : memref<10000xi32, #tpu.memory_space<vmem>> -> memref<80xi32, #tpu.memory_space<vmem>>
        %dma_start3A_640 = arith.constant 0 : i32
        %dma_start3A_641 = arith.constant 0 : i32
        %dma_start3A_642 = tpu.memref_slice %arg3[%arg0, %dma_start3A_640, %dma_start3A_641] : memref<2x10240x64xf32, #tpu.memory_space<hbm>> -> memref<1x10240x64xf32, #tpu.memory_space<hbm>>
        %dma_start3A_643 = tpu.memref_squeeze %dma_start3A_642 : memref<1x10240x64xf32, #tpu.memory_space<hbm>> -> memref<10240x64xf32, #tpu.memory_space<hbm>>
        %dma_start3A_644 = arith.constant 0 : i32
        %dma_start3A_645 = arith.constant 0 : i32
        %dma_start3A_646 = tpu.memref_slice %dma_start3A_643[%dma_start3A_644, %dma_start3A_645] : memref<10240x64xf32, #tpu.memory_space<hbm>> -> memref<10240x64xf32, #tpu.memory_space<hbm>>
        tpu.enqueue_indirect_dma source(%dma_start3A_646 : memref<10240x64xf32, #tpu.memory_space<hbm>>) target(%arg11 : memref<80x64xf32, #tpu.memory_space<vmem>>) offsets(%dma_start3A_639 : memref<80xi32, #tpu.memory_space<vmem>>) semaphore(%arg24 : memref<!tpu.dma_semaphore, #tpu.memory_space<semaphore_mem>>)
      } else {
      }
      %add3A_433 = arith.constant 4 : i32
      %add3A_434 = arith.addi %add3A_335, %add3A_433 : i32
      %mul3A_435 = arith.constant 80 : i32
      %mul3A_436 = arith.muli %add3A_434, %mul3A_435 : i32
      %dma_wait3A_437 = tpu.memref_slice %arg6[%mul3A_436] : memref<10000xi32, #tpu.memory_space<vmem>> -> memref<80xi32, #tpu.memory_space<vmem>>
      %dma_wait3A_438 = arith.constant 0 : i32
      %dma_wait3A_439 = arith.constant 0 : i32
      %dma_wait3A_440 = tpu.memref_slice %arg3[%arg0, %dma_wait3A_438, %dma_wait3A_439] : memref<2x10240x64xf32, #tpu.memory_space<hbm>> -> memref<1x10240x64xf32, #tpu.memory_space<hbm>>
      %dma_wait3A_441 = tpu.memref_squeeze %dma_wait3A_440 : memref<1x10240x64xf32, #tpu.memory_space<hbm>> -> memref<10240x64xf32, #tpu.memory_space<hbm>>
      %dma_wait3A_442 = arith.constant 0 : i32
      %dma_wait3A_443 = arith.constant 0 : i32
      %dma_wait3A_444 = tpu.memref_slice %dma_wait3A_441[%dma_wait3A_442, %dma_wait3A_443] : memref<10240x64xf32, #tpu.memory_space<hbm>> -> memref<10240x64xf32, #tpu.memory_space<hbm>>
      tpu.wait_indirect_dma semaphore(%arg25 : memref<!tpu.dma_semaphore, #tpu.memory_space<semaphore_mem>>) src(%dma_wait3A_444 : memref<10240x64xf32, #tpu.memory_space<hbm>>) dst(%arg12 : memref<80x64xf32, #tpu.memory_space<vmem>>)
      %add3A_445 = arith.constant 4 : i32
      %add3A_446 = arith.addi %add3A_335, %add3A_445 : i32
      %mul3A_447 = arith.constant 80 : i32
      %mul3A_448 = arith.muli %add3A_446, %mul3A_447 : i32
      "tpu.region"() ({
        %run_scoped3A_633 = tpu.sem_alloc : memref<!tpu.dma_semaphore, #tpu.memory_space<semaphore_mem>>
        %dma_start3A_634 = tpu.memref_slice %arg7[%mul3A_448] : memref<10000xi32, #tpu.memory_space<vmem>> -> memref<80xi32, #tpu.memory_space<vmem>>
        %dma_start3A_635 = arith.constant 0 : i32
        %dma_start3A_636 = arith.constant 0 : i32
        %dma_start3A_637 = tpu.memref_slice %arg20[%dma_start3A_635, %dma_start3A_636] : memref<10240x64xf32, #tpu.memory_space<vmem_shared>> -> memref<10240x64xf32, #tpu.memory_space<vmem_shared>>
        tpu.enqueue_indirect_dma source(%arg12 : memref<80x64xf32, #tpu.memory_space<vmem>>) target(%dma_start3A_637 : memref<10240x64xf32, #tpu.memory_space<vmem_shared>>) offsets(%dma_start3A_634 : memref<80xi32, #tpu.memory_space<vmem>>) semaphore(%run_scoped3A_633 : memref<!tpu.dma_semaphore, #tpu.memory_space<semaphore_mem>>) {add = true}
        %dma_wait3A_638 = tpu.memref_slice %arg7[%mul3A_448] : memref<10000xi32, #tpu.memory_space<vmem>> -> memref<80xi32, #tpu.memory_space<vmem>>
        %dma_wait3A_639 = arith.constant 0 : i32
        %dma_wait3A_640 = arith.constant 0 : i32
        %dma_wait3A_641 = tpu.memref_slice %arg20[%dma_wait3A_639, %dma_wait3A_640] : memref<10240x64xf32, #tpu.memory_space<vmem_shared>> -> memref<10240x64xf32, #tpu.memory_space<vmem_shared>>
        tpu.wait_indirect_dma semaphore(%run_scoped3A_633 : memref<!tpu.dma_semaphore, #tpu.memory_space<semaphore_mem>>) src(%arg12 : memref<80x64xf32, #tpu.memory_space<vmem>>) dst(%dma_wait3A_641 : memref<10240x64xf32, #tpu.memory_space<vmem_shared>>)
        tpu.yield
      }) : () -> ()
      %add3A_449 = arith.constant 4 : i32
      %add3A_450 = arith.addi %add3A_335, %add3A_449 : i32
      %add3A_451 = arith.constant 12 : i32
      %add3A_452 = arith.addi %add3A_450, %add3A_451 : i32
      %lt3A_453 = arith.constant 125 : i32
      %lt3A_454 = arith.cmpi slt, %add3A_452, %lt3A_453 : i32
      %convert_element_type3A_455 = arith.extui %lt3A_454 : i1 to i32
      %cond3A_456 = arith.constant 0 : i32
      %cond3A_457 = arith.cmpi ne, %convert_element_type3A_455, %cond3A_456 : i32
      scf.if %cond3A_457 {
        %add3A_633 = arith.constant 4 : i32
        %add3A_634 = arith.addi %add3A_335, %add3A_633 : i32
        %add3A_635 = arith.constant 12 : i32
        %add3A_636 = arith.addi %add3A_634, %add3A_635 : i32
        %mul3A_637 = arith.constant 80 : i32
        %mul3A_638 = arith.muli %add3A_636, %mul3A_637 : i32
        %dma_start3A_639 = tpu.memref_slice %arg6[%mul3A_638] : memref<10000xi32, #tpu.memory_space<vmem>> -> memref<80xi32, #tpu.memory_space<vmem>>
        %dma_start3A_640 = arith.constant 0 : i32
        %dma_start3A_641 = arith.constant 0 : i32
        %dma_start3A_642 = tpu.memref_slice %arg3[%arg0, %dma_start3A_640, %dma_start3A_641] : memref<2x10240x64xf32, #tpu.memory_space<hbm>> -> memref<1x10240x64xf32, #tpu.memory_space<hbm>>
        %dma_start3A_643 = tpu.memref_squeeze %dma_start3A_642 : memref<1x10240x64xf32, #tpu.memory_space<hbm>> -> memref<10240x64xf32, #tpu.memory_space<hbm>>
        %dma_start3A_644 = arith.constant 0 : i32
        %dma_start3A_645 = arith.constant 0 : i32
        %dma_start3A_646 = tpu.memref_slice %dma_start3A_643[%dma_start3A_644, %dma_start3A_645] : memref<10240x64xf32, #tpu.memory_space<hbm>> -> memref<10240x64xf32, #tpu.memory_space<hbm>>
        tpu.enqueue_indirect_dma source(%dma_start3A_646 : memref<10240x64xf32, #tpu.memory_space<hbm>>) target(%arg12 : memref<80x64xf32, #tpu.memory_space<vmem>>) offsets(%dma_start3A_639 : memref<80xi32, #tpu.memory_space<vmem>>) semaphore(%arg25 : memref<!tpu.dma_semaphore, #tpu.memory_space<semaphore_mem>>)
      } else {
      }
      %add3A_458 = arith.constant 5 : i32
      %add3A_459 = arith.addi %add3A_335, %add3A_458 : i32
      %mul3A_460 = arith.constant 80 : i32
      %mul3A_461 = arith.muli %add3A_459, %mul3A_460 : i32
      %dma_wait3A_462 = tpu.memref_slice %arg6[%mul3A_461] : memref<10000xi32, #tpu.memory_space<vmem>> -> memref<80xi32, #tpu.memory_space<vmem>>
      %dma_wait3A_463 = arith.constant 0 : i32
      %dma_wait3A_464 = arith.constant 0 : i32
      %dma_wait3A_465 = tpu.memref_slice %arg3[%arg0, %dma_wait3A_463, %dma_wait3A_464] : memref<2x10240x64xf32, #tpu.memory_space<hbm>> -> memref<1x10240x64xf32, #tpu.memory_space<hbm>>
      %dma_wait3A_466 = tpu.memref_squeeze %dma_wait3A_465 : memref<1x10240x64xf32, #tpu.memory_space<hbm>> -> memref<10240x64xf32, #tpu.memory_space<hbm>>
      %dma_wait3A_467 = arith.constant 0 : i32
      %dma_wait3A_468 = arith.constant 0 : i32
      %dma_wait3A_469 = tpu.memref_slice %dma_wait3A_466[%dma_wait3A_467, %dma_wait3A_468] : memref<10240x64xf32, #tpu.memory_space<hbm>> -> memref<10240x64xf32, #tpu.memory_space<hbm>>
      tpu.wait_indirect_dma semaphore(%arg26 : memref<!tpu.dma_semaphore, #tpu.memory_space<semaphore_mem>>) src(%dma_wait3A_469 : memref<10240x64xf32, #tpu.memory_space<hbm>>) dst(%arg13 : memref<80x64xf32, #tpu.memory_space<vmem>>)
      %add3A_470 = arith.constant 5 : i32
      %add3A_471 = arith.addi %add3A_335, %add3A_470 : i32
      %mul3A_472 = arith.constant 80 : i32
      %mul3A_473 = arith.muli %add3A_471, %mul3A_472 : i32
      "tpu.region"() ({
        %run_scoped3A_633 = tpu.sem_alloc : memref<!tpu.dma_semaphore, #tpu.memory_space<semaphore_mem>>
        %dma_start3A_634 = tpu.memref_slice %arg7[%mul3A_473] : memref<10000xi32, #tpu.memory_space<vmem>> -> memref<80xi32, #tpu.memory_space<vmem>>
        %dma_start3A_635 = arith.constant 0 : i32
        %dma_start3A_636 = arith.constant 0 : i32
        %dma_start3A_637 = tpu.memref_slice %arg20[%dma_start3A_635, %dma_start3A_636] : memref<10240x64xf32, #tpu.memory_space<vmem_shared>> -> memref<10240x64xf32, #tpu.memory_space<vmem_shared>>
        tpu.enqueue_indirect_dma source(%arg13 : memref<80x64xf32, #tpu.memory_space<vmem>>) target(%dma_start3A_637 : memref<10240x64xf32, #tpu.memory_space<vmem_shared>>) offsets(%dma_start3A_634 : memref<80xi32, #tpu.memory_space<vmem>>) semaphore(%run_scoped3A_633 : memref<!tpu.dma_semaphore, #tpu.memory_space<semaphore_mem>>) {add = true}
        %dma_wait3A_638 = tpu.memref_slice %arg7[%mul3A_473] : memref<10000xi32, #tpu.memory_space<vmem>> -> memref<80xi32, #tpu.memory_space<vmem>>
        %dma_wait3A_639 = arith.constant 0 : i32
        %dma_wait3A_640 = arith.constant 0 : i32
        %dma_wait3A_641 = tpu.memref_slice %arg20[%dma_wait3A_639, %dma_wait3A_640] : memref<10240x64xf32, #tpu.memory_space<vmem_shared>> -> memref<10240x64xf32, #tpu.memory_space<vmem_shared>>
        tpu.wait_indirect_dma semaphore(%run_scoped3A_633 : memref<!tpu.dma_semaphore, #tpu.memory_space<semaphore_mem>>) src(%arg13 : memref<80x64xf32, #tpu.memory_space<vmem>>) dst(%dma_wait3A_641 : memref<10240x64xf32, #tpu.memory_space<vmem_shared>>)
        tpu.yield
      }) : () -> ()
      %add3A_474 = arith.constant 5 : i32
      %add3A_475 = arith.addi %add3A_335, %add3A_474 : i32
      %add3A_476 = arith.constant 12 : i32
      %add3A_477 = arith.addi %add3A_475, %add3A_476 : i32
      %lt3A_478 = arith.constant 125 : i32
      %lt3A_479 = arith.cmpi slt, %add3A_477, %lt3A_478 : i32
      %convert_element_type3A_480 = arith.extui %lt3A_479 : i1 to i32
      %cond3A_481 = arith.constant 0 : i32
      %cond3A_482 = arith.cmpi ne, %convert_element_type3A_480, %cond3A_481 : i32
      scf.if %cond3A_482 {
        %add3A_633 = arith.constant 5 : i32
        %add3A_634 = arith.addi %add3A_335, %add3A_633 : i32
        %add3A_635 = arith.constant 12 : i32
        %add3A_636 = arith.addi %add3A_634, %add3A_635 : i32
        %mul3A_637 = arith.constant 80 : i32
        %mul3A_638 = arith.muli %add3A_636, %mul3A_637 : i32
        %dma_start3A_639 = tpu.memref_slice %arg6[%mul3A_638] : memref<10000xi32, #tpu.memory_space<vmem>> -> memref<80xi32, #tpu.memory_space<vmem>>
        %dma_start3A_640 = arith.constant 0 : i32
        %dma_start3A_641 = arith.constant 0 : i32
        %dma_start3A_642 = tpu.memref_slice %arg3[%arg0, %dma_start3A_640, %dma_start3A_641] : memref<2x10240x64xf32, #tpu.memory_space<hbm>> -> memref<1x10240x64xf32, #tpu.memory_space<hbm>>
        %dma_start3A_643 = tpu.memref_squeeze %dma_start3A_642 : memref<1x10240x64xf32, #tpu.memory_space<hbm>> -> memref<10240x64xf32, #tpu.memory_space<hbm>>
        %dma_start3A_644 = arith.constant 0 : i32
        %dma_start3A_645 = arith.constant 0 : i32
        %dma_start3A_646 = tpu.memref_slice %dma_start3A_643[%dma_start3A_644, %dma_start3A_645] : memref<10240x64xf32, #tpu.memory_space<hbm>> -> memref<10240x64xf32, #tpu.memory_space<hbm>>
        tpu.enqueue_indirect_dma source(%dma_start3A_646 : memref<10240x64xf32, #tpu.memory_space<hbm>>) target(%arg13 : memref<80x64xf32, #tpu.memory_space<vmem>>) offsets(%dma_start3A_639 : memref<80xi32, #tpu.memory_space<vmem>>) semaphore(%arg26 : memref<!tpu.dma_semaphore, #tpu.memory_space<semaphore_mem>>)
      } else {
      }
      %add3A_483 = arith.constant 6 : i32
      %add3A_484 = arith.addi %add3A_335, %add3A_483 : i32
      %mul3A_485 = arith.constant 80 : i32
      %mul3A_486 = arith.muli %add3A_484, %mul3A_485 : i32
      %dma_wait3A_487 = tpu.memref_slice %arg6[%mul3A_486] : memref<10000xi32, #tpu.memory_space<vmem>> -> memref<80xi32, #tpu.memory_space<vmem>>
      %dma_wait3A_488 = arith.constant 0 : i32
      %dma_wait3A_489 = arith.constant 0 : i32
      %dma_wait3A_490 = tpu.memref_slice %arg3[%arg0, %dma_wait3A_488, %dma_wait3A_489] : memref<2x10240x64xf32, #tpu.memory_space<hbm>> -> memref<1x10240x64xf32, #tpu.memory_space<hbm>>
      %dma_wait3A_491 = tpu.memref_squeeze %dma_wait3A_490 : memref<1x10240x64xf32, #tpu.memory_space<hbm>> -> memref<10240x64xf32, #tpu.memory_space<hbm>>
      %dma_wait3A_492 = arith.constant 0 : i32
      %dma_wait3A_493 = arith.constant 0 : i32
      %dma_wait3A_494 = tpu.memref_slice %dma_wait3A_491[%dma_wait3A_492, %dma_wait3A_493] : memref<10240x64xf32, #tpu.memory_space<hbm>> -> memref<10240x64xf32, #tpu.memory_space<hbm>>
      tpu.wait_indirect_dma semaphore(%arg27 : memref<!tpu.dma_semaphore, #tpu.memory_space<semaphore_mem>>) src(%dma_wait3A_494 : memref<10240x64xf32, #tpu.memory_space<hbm>>) dst(%arg14 : memref<80x64xf32, #tpu.memory_space<vmem>>)
      %add3A_495 = arith.constant 6 : i32
      %add3A_496 = arith.addi %add3A_335, %add3A_495 : i32
      %mul3A_497 = arith.constant 80 : i32
      %mul3A_498 = arith.muli %add3A_496, %mul3A_497 : i32
      "tpu.region"() ({
        %run_scoped3A_633 = tpu.sem_alloc : memref<!tpu.dma_semaphore, #tpu.memory_space<semaphore_mem>>
        %dma_start3A_634 = tpu.memref_slice %arg7[%mul3A_498] : memref<10000xi32, #tpu.memory_space<vmem>> -> memref<80xi32, #tpu.memory_space<vmem>>
        %dma_start3A_635 = arith.constant 0 : i32
        %dma_start3A_636 = arith.constant 0 : i32
        %dma_start3A_637 = tpu.memref_slice %arg20[%dma_start3A_635, %dma_start3A_636] : memref<10240x64xf32, #tpu.memory_space<vmem_shared>> -> memref<10240x64xf32, #tpu.memory_space<vmem_shared>>
        tpu.enqueue_indirect_dma source(%arg14 : memref<80x64xf32, #tpu.memory_space<vmem>>) target(%dma_start3A_637 : memref<10240x64xf32, #tpu.memory_space<vmem_shared>>) offsets(%dma_start3A_634 : memref<80xi32, #tpu.memory_space<vmem>>) semaphore(%run_scoped3A_633 : memref<!tpu.dma_semaphore, #tpu.memory_space<semaphore_mem>>) {add = true}
        %dma_wait3A_638 = tpu.memref_slice %arg7[%mul3A_498] : memref<10000xi32, #tpu.memory_space<vmem>> -> memref<80xi32, #tpu.memory_space<vmem>>
        %dma_wait3A_639 = arith.constant 0 : i32
        %dma_wait3A_640 = arith.constant 0 : i32
        %dma_wait3A_641 = tpu.memref_slice %arg20[%dma_wait3A_639, %dma_wait3A_640] : memref<10240x64xf32, #tpu.memory_space<vmem_shared>> -> memref<10240x64xf32, #tpu.memory_space<vmem_shared>>
        tpu.wait_indirect_dma semaphore(%run_scoped3A_633 : memref<!tpu.dma_semaphore, #tpu.memory_space<semaphore_mem>>) src(%arg14 : memref<80x64xf32, #tpu.memory_space<vmem>>) dst(%dma_wait3A_641 : memref<10240x64xf32, #tpu.memory_space<vmem_shared>>)
        tpu.yield
      }) : () -> ()
      %add3A_499 = arith.constant 6 : i32
      %add3A_500 = arith.addi %add3A_335, %add3A_499 : i32
      %add3A_501 = arith.constant 12 : i32
      %add3A_502 = arith.addi %add3A_500, %add3A_501 : i32
      %lt3A_503 = arith.constant 125 : i32
      %lt3A_504 = arith.cmpi slt, %add3A_502, %lt3A_503 : i32
      %convert_element_type3A_505 = arith.extui %lt3A_504 : i1 to i32
      %cond3A_506 = arith.constant 0 : i32
      %cond3A_507 = arith.cmpi ne, %convert_element_type3A_505, %cond3A_506 : i32
      scf.if %cond3A_507 {
        %add3A_633 = arith.constant 6 : i32
        %add3A_634 = arith.addi %add3A_335, %add3A_633 : i32
        %add3A_635 = arith.constant 12 : i32
        %add3A_636 = arith.addi %add3A_634, %add3A_635 : i32
        %mul3A_637 = arith.constant 80 : i32
        %mul3A_638 = arith.muli %add3A_636, %mul3A_637 : i32
        %dma_start3A_639 = tpu.memref_slice %arg6[%mul3A_638] : memref<10000xi32, #tpu.memory_space<vmem>> -> memref<80xi32, #tpu.memory_space<vmem>>
        %dma_start3A_640 = arith.constant 0 : i32
        %dma_start3A_641 = arith.constant 0 : i32
        %dma_start3A_642 = tpu.memref_slice %arg3[%arg0, %dma_start3A_640, %dma_start3A_641] : memref<2x10240x64xf32, #tpu.memory_space<hbm>> -> memref<1x10240x64xf32, #tpu.memory_space<hbm>>
        %dma_start3A_643 = tpu.memref_squeeze %dma_start3A_642 : memref<1x10240x64xf32, #tpu.memory_space<hbm>> -> memref<10240x64xf32, #tpu.memory_space<hbm>>
        %dma_start3A_644 = arith.constant 0 : i32
        %dma_start3A_645 = arith.constant 0 : i32
        %dma_start3A_646 = tpu.memref_slice %dma_start3A_643[%dma_start3A_644, %dma_start3A_645] : memref<10240x64xf32, #tpu.memory_space<hbm>> -> memref<10240x64xf32, #tpu.memory_space<hbm>>
        tpu.enqueue_indirect_dma source(%dma_start3A_646 : memref<10240x64xf32, #tpu.memory_space<hbm>>) target(%arg14 : memref<80x64xf32, #tpu.memory_space<vmem>>) offsets(%dma_start3A_639 : memref<80xi32, #tpu.memory_space<vmem>>) semaphore(%arg27 : memref<!tpu.dma_semaphore, #tpu.memory_space<semaphore_mem>>)
      } else {
      }
      %add3A_508 = arith.constant 7 : i32
      %add3A_509 = arith.addi %add3A_335, %add3A_508 : i32
      %mul3A_510 = arith.constant 80 : i32
      %mul3A_511 = arith.muli %add3A_509, %mul3A_510 : i32
      %dma_wait3A_512 = tpu.memref_slice %arg6[%mul3A_511] : memref<10000xi32, #tpu.memory_space<vmem>> -> memref<80xi32, #tpu.memory_space<vmem>>
      %dma_wait3A_513 = arith.constant 0 : i32
      %dma_wait3A_514 = arith.constant 0 : i32
      %dma_wait3A_515 = tpu.memref_slice %arg3[%arg0, %dma_wait3A_513, %dma_wait3A_514] : memref<2x10240x64xf32, #tpu.memory_space<hbm>> -> memref<1x10240x64xf32, #tpu.memory_space<hbm>>
      %dma_wait3A_516 = tpu.memref_squeeze %dma_wait3A_515 : memref<1x10240x64xf32, #tpu.memory_space<hbm>> -> memref<10240x64xf32, #tpu.memory_space<hbm>>
      %dma_wait3A_517 = arith.constant 0 : i32
      %dma_wait3A_518 = arith.constant 0 : i32
      %dma_wait3A_519 = tpu.memref_slice %dma_wait3A_516[%dma_wait3A_517, %dma_wait3A_518] : memref<10240x64xf32, #tpu.memory_space<hbm>> -> memref<10240x64xf32, #tpu.memory_space<hbm>>
      tpu.wait_indirect_dma semaphore(%arg28 : memref<!tpu.dma_semaphore, #tpu.memory_space<semaphore_mem>>) src(%dma_wait3A_519 : memref<10240x64xf32, #tpu.memory_space<hbm>>) dst(%arg15 : memref<80x64xf32, #tpu.memory_space<vmem>>)
      %add3A_520 = arith.constant 7 : i32
      %add3A_521 = arith.addi %add3A_335, %add3A_520 : i32
      %mul3A_522 = arith.constant 80 : i32
      %mul3A_523 = arith.muli %add3A_521, %mul3A_522 : i32
      "tpu.region"() ({
        %run_scoped3A_633 = tpu.sem_alloc : memref<!tpu.dma_semaphore, #tpu.memory_space<semaphore_mem>>
        %dma_start3A_634 = tpu.memref_slice %arg7[%mul3A_523] : memref<10000xi32, #tpu.memory_space<vmem>> -> memref<80xi32, #tpu.memory_space<vmem>>
        %dma_start3A_635 = arith.constant 0 : i32
        %dma_start3A_636 = arith.constant 0 : i32
        %dma_start3A_637 = tpu.memref_slice %arg20[%dma_start3A_635, %dma_start3A_636] : memref<10240x64xf32, #tpu.memory_space<vmem_shared>> -> memref<10240x64xf32, #tpu.memory_space<vmem_shared>>
        tpu.enqueue_indirect_dma source(%arg15 : memref<80x64xf32, #tpu.memory_space<vmem>>) target(%dma_start3A_637 : memref<10240x64xf32, #tpu.memory_space<vmem_shared>>) offsets(%dma_start3A_634 : memref<80xi32, #tpu.memory_space<vmem>>) semaphore(%run_scoped3A_633 : memref<!tpu.dma_semaphore, #tpu.memory_space<semaphore_mem>>) {add = true}
        %dma_wait3A_638 = tpu.memref_slice %arg7[%mul3A_523] : memref<10000xi32, #tpu.memory_space<vmem>> -> memref<80xi32, #tpu.memory_space<vmem>>
        %dma_wait3A_639 = arith.constant 0 : i32
        %dma_wait3A_640 = arith.constant 0 : i32
        %dma_wait3A_641 = tpu.memref_slice %arg20[%dma_wait3A_639, %dma_wait3A_640] : memref<10240x64xf32, #tpu.memory_space<vmem_shared>> -> memref<10240x64xf32, #tpu.memory_space<vmem_shared>>
        tpu.wait_indirect_dma semaphore(%run_scoped3A_633 : memref<!tpu.dma_semaphore, #tpu.memory_space<semaphore_mem>>) src(%arg15 : memref<80x64xf32, #tpu.memory_space<vmem>>) dst(%dma_wait3A_641 : memref<10240x64xf32, #tpu.memory_space<vmem_shared>>)
        tpu.yield
      }) : () -> ()
      %add3A_524 = arith.constant 7 : i32
      %add3A_525 = arith.addi %add3A_335, %add3A_524 : i32
      %add3A_526 = arith.constant 12 : i32
      %add3A_527 = arith.addi %add3A_525, %add3A_526 : i32
      %lt3A_528 = arith.constant 125 : i32
      %lt3A_529 = arith.cmpi slt, %add3A_527, %lt3A_528 : i32
      %convert_element_type3A_530 = arith.extui %lt3A_529 : i1 to i32
      %cond3A_531 = arith.constant 0 : i32
      %cond3A_532 = arith.cmpi ne, %convert_element_type3A_530, %cond3A_531 : i32
      scf.if %cond3A_532 {
        %add3A_633 = arith.constant 7 : i32
        %add3A_634 = arith.addi %add3A_335, %add3A_633 : i32
        %add3A_635 = arith.constant 12 : i32
        %add3A_636 = arith.addi %add3A_634, %add3A_635 : i32
        %mul3A_637 = arith.constant 80 : i32
        %mul3A_638 = arith.muli %add3A_636, %mul3A_637 : i32
        %dma_start3A_639 = tpu.memref_slice %arg6[%mul3A_638] : memref<10000xi32, #tpu.memory_space<vmem>> -> memref<80xi32, #tpu.memory_space<vmem>>
        %dma_start3A_640 = arith.constant 0 : i32
        %dma_start3A_641 = arith.constant 0 : i32
        %dma_start3A_642 = tpu.memref_slice %arg3[%arg0, %dma_start3A_640, %dma_start3A_641] : memref<2x10240x64xf32, #tpu.memory_space<hbm>> -> memref<1x10240x64xf32, #tpu.memory_space<hbm>>
        %dma_start3A_643 = tpu.memref_squeeze %dma_start3A_642 : memref<1x10240x64xf32, #tpu.memory_space<hbm>> -> memref<10240x64xf32, #tpu.memory_space<hbm>>
        %dma_start3A_644 = arith.constant 0 : i32
        %dma_start3A_645 = arith.constant 0 : i32
        %dma_start3A_646 = tpu.memref_slice %dma_start3A_643[%dma_start3A_644, %dma_start3A_645] : memref<10240x64xf32, #tpu.memory_space<hbm>> -> memref<10240x64xf32, #tpu.memory_space<hbm>>
        tpu.enqueue_indirect_dma source(%dma_start3A_646 : memref<10240x64xf32, #tpu.memory_space<hbm>>) target(%arg15 : memref<80x64xf32, #tpu.memory_space<vmem>>) offsets(%dma_start3A_639 : memref<80xi32, #tpu.memory_space<vmem>>) semaphore(%arg28 : memref<!tpu.dma_semaphore, #tpu.memory_space<semaphore_mem>>)
      } else {
      }
      %add3A_533 = arith.constant 8 : i32
      %add3A_534 = arith.addi %add3A_335, %add3A_533 : i32
      %mul3A_535 = arith.constant 80 : i32
      %mul3A_536 = arith.muli %add3A_534, %mul3A_535 : i32
      %dma_wait3A_537 = tpu.memref_slice %arg6[%mul3A_536] : memref<10000xi32, #tpu.memory_space<vmem>> -> memref<80xi32, #tpu.memory_space<vmem>>
      %dma_wait3A_538 = arith.constant 0 : i32
      %dma_wait3A_539 = arith.constant 0 : i32
      %dma_wait3A_540 = tpu.memref_slice %arg3[%arg0, %dma_wait3A_538, %dma_wait3A_539] : memref<2x10240x64xf32, #tpu.memory_space<hbm>> -> memref<1x10240x64xf32, #tpu.memory_space<hbm>>
      %dma_wait3A_541 = tpu.memref_squeeze %dma_wait3A_540 : memref<1x10240x64xf32, #tpu.memory_space<hbm>> -> memref<10240x64xf32, #tpu.memory_space<hbm>>
      %dma_wait3A_542 = arith.constant 0 : i32
      %dma_wait3A_543 = arith.constant 0 : i32
      %dma_wait3A_544 = tpu.memref_slice %dma_wait3A_541[%dma_wait3A_542, %dma_wait3A_543] : memref<10240x64xf32, #tpu.memory_space<hbm>> -> memref<10240x64xf32, #tpu.memory_space<hbm>>
      tpu.wait_indirect_dma semaphore(%arg29 : memref<!tpu.dma_semaphore, #tpu.memory_space<semaphore_mem>>) src(%dma_wait3A_544 : memref<10240x64xf32, #tpu.memory_space<hbm>>) dst(%arg16 : memref<80x64xf32, #tpu.memory_space<vmem>>)
      %add3A_545 = arith.constant 8 : i32
      %add3A_546 = arith.addi %add3A_335, %add3A_545 : i32
      %mul3A_547 = arith.constant 80 : i32
      %mul3A_548 = arith.muli %add3A_546, %mul3A_547 : i32
      "tpu.region"() ({
        %run_scoped3A_633 = tpu.sem_alloc : memref<!tpu.dma_semaphore, #tpu.memory_space<semaphore_mem>>
        %dma_start3A_634 = tpu.memref_slice %arg7[%mul3A_548] : memref<10000xi32, #tpu.memory_space<vmem>> -> memref<80xi32, #tpu.memory_space<vmem>>
        %dma_start3A_635 = arith.constant 0 : i32
        %dma_start3A_636 = arith.constant 0 : i32
        %dma_start3A_637 = tpu.memref_slice %arg20[%dma_start3A_635, %dma_start3A_636] : memref<10240x64xf32, #tpu.memory_space<vmem_shared>> -> memref<10240x64xf32, #tpu.memory_space<vmem_shared>>
        tpu.enqueue_indirect_dma source(%arg16 : memref<80x64xf32, #tpu.memory_space<vmem>>) target(%dma_start3A_637 : memref<10240x64xf32, #tpu.memory_space<vmem_shared>>) offsets(%dma_start3A_634 : memref<80xi32, #tpu.memory_space<vmem>>) semaphore(%run_scoped3A_633 : memref<!tpu.dma_semaphore, #tpu.memory_space<semaphore_mem>>) {add = true}
        %dma_wait3A_638 = tpu.memref_slice %arg7[%mul3A_548] : memref<10000xi32, #tpu.memory_space<vmem>> -> memref<80xi32, #tpu.memory_space<vmem>>
        %dma_wait3A_639 = arith.constant 0 : i32
        %dma_wait3A_640 = arith.constant 0 : i32
        %dma_wait3A_641 = tpu.memref_slice %arg20[%dma_wait3A_639, %dma_wait3A_640] : memref<10240x64xf32, #tpu.memory_space<vmem_shared>> -> memref<10240x64xf32, #tpu.memory_space<vmem_shared>>
        tpu.wait_indirect_dma semaphore(%run_scoped3A_633 : memref<!tpu.dma_semaphore, #tpu.memory_space<semaphore_mem>>) src(%arg16 : memref<80x64xf32, #tpu.memory_space<vmem>>) dst(%dma_wait3A_641 : memref<10240x64xf32, #tpu.memory_space<vmem_shared>>)
        tpu.yield
      }) : () -> ()
      %add3A_549 = arith.constant 8 : i32
      %add3A_550 = arith.addi %add3A_335, %add3A_549 : i32
      %add3A_551 = arith.constant 12 : i32
      %add3A_552 = arith.addi %add3A_550, %add3A_551 : i32
      %lt3A_553 = arith.constant 125 : i32
      %lt3A_554 = arith.cmpi slt, %add3A_552, %lt3A_553 : i32
      %convert_element_type3A_555 = arith.extui %lt3A_554 : i1 to i32
      %cond3A_556 = arith.constant 0 : i32
      %cond3A_557 = arith.cmpi ne, %convert_element_type3A_555, %cond3A_556 : i32
      scf.if %cond3A_557 {
        %add3A_633 = arith.constant 8 : i32
        %add3A_634 = arith.addi %add3A_335, %add3A_633 : i32
        %add3A_635 = arith.constant 12 : i32
        %add3A_636 = arith.addi %add3A_634, %add3A_635 : i32
        %mul3A_637 = arith.constant 80 : i32
        %mul3A_638 = arith.muli %add3A_636, %mul3A_637 : i32
        %dma_start3A_639 = tpu.memref_slice %arg6[%mul3A_638] : memref<10000xi32, #tpu.memory_space<vmem>> -> memref<80xi32, #tpu.memory_space<vmem>>
        %dma_start3A_640 = arith.constant 0 : i32
        %dma_start3A_641 = arith.constant 0 : i32
        %dma_start3A_642 = tpu.memref_slice %arg3[%arg0, %dma_start3A_640, %dma_start3A_641] : memref<2x10240x64xf32, #tpu.memory_space<hbm>> -> memref<1x10240x64xf32, #tpu.memory_space<hbm>>
        %dma_start3A_643 = tpu.memref_squeeze %dma_start3A_642 : memref<1x10240x64xf32, #tpu.memory_space<hbm>> -> memref<10240x64xf32, #tpu.memory_space<hbm>>
        %dma_start3A_644 = arith.constant 0 : i32
        %dma_start3A_645 = arith.constant 0 : i32
        %dma_start3A_646 = tpu.memref_slice %dma_start3A_643[%dma_start3A_644, %dma_start3A_645] : memref<10240x64xf32, #tpu.memory_space<hbm>> -> memref<10240x64xf32, #tpu.memory_space<hbm>>
        tpu.enqueue_indirect_dma source(%dma_start3A_646 : memref<10240x64xf32, #tpu.memory_space<hbm>>) target(%arg16 : memref<80x64xf32, #tpu.memory_space<vmem>>) offsets(%dma_start3A_639 : memref<80xi32, #tpu.memory_space<vmem>>) semaphore(%arg29 : memref<!tpu.dma_semaphore, #tpu.memory_space<semaphore_mem>>)
      } else {
      }
      %add3A_558 = arith.constant 9 : i32
      %add3A_559 = arith.addi %add3A_335, %add3A_558 : i32
      %mul3A_560 = arith.constant 80 : i32
      %mul3A_561 = arith.muli %add3A_559, %mul3A_560 : i32
      %dma_wait3A_562 = tpu.memref_slice %arg6[%mul3A_561] : memref<10000xi32, #tpu.memory_space<vmem>> -> memref<80xi32, #tpu.memory_space<vmem>>
      %dma_wait3A_563 = arith.constant 0 : i32
      %dma_wait3A_564 = arith.constant 0 : i32
      %dma_wait3A_565 = tpu.memref_slice %arg3[%arg0, %dma_wait3A_563, %dma_wait3A_564] : memref<2x10240x64xf32, #tpu.memory_space<hbm>> -> memref<1x10240x64xf32, #tpu.memory_space<hbm>>
      %dma_wait3A_566 = tpu.memref_squeeze %dma_wait3A_565 : memref<1x10240x64xf32, #tpu.memory_space<hbm>> -> memref<10240x64xf32, #tpu.memory_space<hbm>>
      %dma_wait3A_567 = arith.constant 0 : i32
      %dma_wait3A_568 = arith.constant 0 : i32
      %dma_wait3A_569 = tpu.memref_slice %dma_wait3A_566[%dma_wait3A_567, %dma_wait3A_568] : memref<10240x64xf32, #tpu.memory_space<hbm>> -> memref<10240x64xf32, #tpu.memory_space<hbm>>
      tpu.wait_indirect_dma semaphore(%arg30 : memref<!tpu.dma_semaphore, #tpu.memory_space<semaphore_mem>>) src(%dma_wait3A_569 : memref<10240x64xf32, #tpu.memory_space<hbm>>) dst(%arg17 : memref<80x64xf32, #tpu.memory_space<vmem>>)
      %add3A_570 = arith.constant 9 : i32
      %add3A_571 = arith.addi %add3A_335, %add3A_570 : i32
      %mul3A_572 = arith.constant 80 : i32
      %mul3A_573 = arith.muli %add3A_571, %mul3A_572 : i32
      "tpu.region"() ({
        %run_scoped3A_633 = tpu.sem_alloc : memref<!tpu.dma_semaphore, #tpu.memory_space<semaphore_mem>>
        %dma_start3A_634 = tpu.memref_slice %arg7[%mul3A_573] : memref<10000xi32, #tpu.memory_space<vmem>> -> memref<80xi32, #tpu.memory_space<vmem>>
        %dma_start3A_635 = arith.constant 0 : i32
        %dma_start3A_636 = arith.constant 0 : i32
        %dma_start3A_637 = tpu.memref_slice %arg20[%dma_start3A_635, %dma_start3A_636] : memref<10240x64xf32, #tpu.memory_space<vmem_shared>> -> memref<10240x64xf32, #tpu.memory_space<vmem_shared>>
        tpu.enqueue_indirect_dma source(%arg17 : memref<80x64xf32, #tpu.memory_space<vmem>>) target(%dma_start3A_637 : memref<10240x64xf32, #tpu.memory_space<vmem_shared>>) offsets(%dma_start3A_634 : memref<80xi32, #tpu.memory_space<vmem>>) semaphore(%run_scoped3A_633 : memref<!tpu.dma_semaphore, #tpu.memory_space<semaphore_mem>>) {add = true}
        %dma_wait3A_638 = tpu.memref_slice %arg7[%mul3A_573] : memref<10000xi32, #tpu.memory_space<vmem>> -> memref<80xi32, #tpu.memory_space<vmem>>
        %dma_wait3A_639 = arith.constant 0 : i32
        %dma_wait3A_640 = arith.constant 0 : i32
        %dma_wait3A_641 = tpu.memref_slice %arg20[%dma_wait3A_639, %dma_wait3A_640] : memref<10240x64xf32, #tpu.memory_space<vmem_shared>> -> memref<10240x64xf32, #tpu.memory_space<vmem_shared>>
        tpu.wait_indirect_dma semaphore(%run_scoped3A_633 : memref<!tpu.dma_semaphore, #tpu.memory_space<semaphore_mem>>) src(%arg17 : memref<80x64xf32, #tpu.memory_space<vmem>>) dst(%dma_wait3A_641 : memref<10240x64xf32, #tpu.memory_space<vmem_shared>>)
        tpu.yield
      }) : () -> ()
      %add3A_574 = arith.constant 9 : i32
      %add3A_575 = arith.addi %add3A_335, %add3A_574 : i32
      %add3A_576 = arith.constant 12 : i32
      %add3A_577 = arith.addi %add3A_575, %add3A_576 : i32
      %lt3A_578 = arith.constant 125 : i32
      %lt3A_579 = arith.cmpi slt, %add3A_577, %lt3A_578 : i32
      %convert_element_type3A_580 = arith.extui %lt3A_579 : i1 to i32
      %cond3A_581 = arith.constant 0 : i32
      %cond3A_582 = arith.cmpi ne, %convert_element_type3A_580, %cond3A_581 : i32
      scf.if %cond3A_582 {
        %add3A_633 = arith.constant 9 : i32
        %add3A_634 = arith.addi %add3A_335, %add3A_633 : i32
        %add3A_635 = arith.constant 12 : i32
        %add3A_636 = arith.addi %add3A_634, %add3A_635 : i32
        %mul3A_637 = arith.constant 80 : i32
        %mul3A_638 = arith.muli %add3A_636, %mul3A_637 : i32
        %dma_start3A_639 = tpu.memref_slice %arg6[%mul3A_638] : memref<10000xi32, #tpu.memory_space<vmem>> -> memref<80xi32, #tpu.memory_space<vmem>>
        %dma_start3A_640 = arith.constant 0 : i32
        %dma_start3A_641 = arith.constant 0 : i32
        %dma_start3A_642 = tpu.memref_slice %arg3[%arg0, %dma_start3A_640, %dma_start3A_641] : memref<2x10240x64xf32, #tpu.memory_space<hbm>> -> memref<1x10240x64xf32, #tpu.memory_space<hbm>>
        %dma_start3A_643 = tpu.memref_squeeze %dma_start3A_642 : memref<1x10240x64xf32, #tpu.memory_space<hbm>> -> memref<10240x64xf32, #tpu.memory_space<hbm>>
        %dma_start3A_644 = arith.constant 0 : i32
        %dma_start3A_645 = arith.constant 0 : i32
        %dma_start3A_646 = tpu.memref_slice %dma_start3A_643[%dma_start3A_644, %dma_start3A_645] : memref<10240x64xf32, #tpu.memory_space<hbm>> -> memref<10240x64xf32, #tpu.memory_space<hbm>>
        tpu.enqueue_indirect_dma source(%dma_start3A_646 : memref<10240x64xf32, #tpu.memory_space<hbm>>) target(%arg17 : memref<80x64xf32, #tpu.memory_space<vmem>>) offsets(%dma_start3A_639 : memref<80xi32, #tpu.memory_space<vmem>>) semaphore(%arg30 : memref<!tpu.dma_semaphore, #tpu.memory_space<semaphore_mem>>)
      } else {
      }
      %add3A_583 = arith.constant 10 : i32
      %add3A_584 = arith.addi %add3A_335, %add3A_583 : i32
      %mul3A_585 = arith.constant 80 : i32
      %mul3A_586 = arith.muli %add3A_584, %mul3A_585 : i32
      %dma_wait3A_587 = tpu.memref_slice %arg6[%mul3A_586] : memref<10000xi32, #tpu.memory_space<vmem>> -> memref<80xi32, #tpu.memory_space<vmem>>
      %dma_wait3A_588 = arith.constant 0 : i32
      %dma_wait3A_589 = arith.constant 0 : i32
      %dma_wait3A_590 = tpu.memref_slice %arg3[%arg0, %dma_wait3A_588, %dma_wait3A_589] : memref<2x10240x64xf32, #tpu.memory_space<hbm>> -> memref<1x10240x64xf32, #tpu.memory_space<hbm>>
      %dma_wait3A_591 = tpu.memref_squeeze %dma_wait3A_590 : memref<1x10240x64xf32, #tpu.memory_space<hbm>> -> memref<10240x64xf32, #tpu.memory_space<hbm>>
      %dma_wait3A_592 = arith.constant 0 : i32
      %dma_wait3A_593 = arith.constant 0 : i32
      %dma_wait3A_594 = tpu.memref_slice %dma_wait3A_591[%dma_wait3A_592, %dma_wait3A_593] : memref<10240x64xf32, #tpu.memory_space<hbm>> -> memref<10240x64xf32, #tpu.memory_space<hbm>>
      tpu.wait_indirect_dma semaphore(%arg31 : memref<!tpu.dma_semaphore, #tpu.memory_space<semaphore_mem>>) src(%dma_wait3A_594 : memref<10240x64xf32, #tpu.memory_space<hbm>>) dst(%arg18 : memref<80x64xf32, #tpu.memory_space<vmem>>)
      %add3A_595 = arith.constant 10 : i32
      %add3A_596 = arith.addi %add3A_335, %add3A_595 : i32
      %mul3A_597 = arith.constant 80 : i32
      %mul3A_598 = arith.muli %add3A_596, %mul3A_597 : i32
      "tpu.region"() ({
        %run_scoped3A_633 = tpu.sem_alloc : memref<!tpu.dma_semaphore, #tpu.memory_space<semaphore_mem>>
        %dma_start3A_634 = tpu.memref_slice %arg7[%mul3A_598] : memref<10000xi32, #tpu.memory_space<vmem>> -> memref<80xi32, #tpu.memory_space<vmem>>
        %dma_start3A_635 = arith.constant 0 : i32
        %dma_start3A_636 = arith.constant 0 : i32
        %dma_start3A_637 = tpu.memref_slice %arg20[%dma_start3A_635, %dma_start3A_636] : memref<10240x64xf32, #tpu.memory_space<vmem_shared>> -> memref<10240x64xf32, #tpu.memory_space<vmem_shared>>
        tpu.enqueue_indirect_dma source(%arg18 : memref<80x64xf32, #tpu.memory_space<vmem>>) target(%dma_start3A_637 : memref<10240x64xf32, #tpu.memory_space<vmem_shared>>) offsets(%dma_start3A_634 : memref<80xi32, #tpu.memory_space<vmem>>) semaphore(%run_scoped3A_633 : memref<!tpu.dma_semaphore, #tpu.memory_space<semaphore_mem>>) {add = true}
        %dma_wait3A_638 = tpu.memref_slice %arg7[%mul3A_598] : memref<10000xi32, #tpu.memory_space<vmem>> -> memref<80xi32, #tpu.memory_space<vmem>>
        %dma_wait3A_639 = arith.constant 0 : i32
        %dma_wait3A_640 = arith.constant 0 : i32
        %dma_wait3A_641 = tpu.memref_slice %arg20[%dma_wait3A_639, %dma_wait3A_640] : memref<10240x64xf32, #tpu.memory_space<vmem_shared>> -> memref<10240x64xf32, #tpu.memory_space<vmem_shared>>
        tpu.wait_indirect_dma semaphore(%run_scoped3A_633 : memref<!tpu.dma_semaphore, #tpu.memory_space<semaphore_mem>>) src(%arg18 : memref<80x64xf32, #tpu.memory_space<vmem>>) dst(%dma_wait3A_641 : memref<10240x64xf32, #tpu.memory_space<vmem_shared>>)
        tpu.yield
      }) : () -> ()
      %add3A_599 = arith.constant 10 : i32
      %add3A_600 = arith.addi %add3A_335, %add3A_599 : i32
      %add3A_601 = arith.constant 12 : i32
      %add3A_602 = arith.addi %add3A_600, %add3A_601 : i32
      %lt3A_603 = arith.constant 125 : i32
      %lt3A_604 = arith.cmpi slt, %add3A_602, %lt3A_603 : i32
      %convert_element_type3A_605 = arith.extui %lt3A_604 : i1 to i32
      %cond3A_606 = arith.constant 0 : i32
      %cond3A_607 = arith.cmpi ne, %convert_element_type3A_605, %cond3A_606 : i32
      scf.if %cond3A_607 {
        %add3A_633 = arith.constant 10 : i32
        %add3A_634 = arith.addi %add3A_335, %add3A_633 : i32
        %add3A_635 = arith.constant 12 : i32
        %add3A_636 = arith.addi %add3A_634, %add3A_635 : i32
        %mul3A_637 = arith.constant 80 : i32
        %mul3A_638 = arith.muli %add3A_636, %mul3A_637 : i32
        %dma_start3A_639 = tpu.memref_slice %arg6[%mul3A_638] : memref<10000xi32, #tpu.memory_space<vmem>> -> memref<80xi32, #tpu.memory_space<vmem>>
        %dma_start3A_640 = arith.constant 0 : i32
        %dma_start3A_641 = arith.constant 0 : i32
        %dma_start3A_642 = tpu.memref_slice %arg3[%arg0, %dma_start3A_640, %dma_start3A_641] : memref<2x10240x64xf32, #tpu.memory_space<hbm>> -> memref<1x10240x64xf32, #tpu.memory_space<hbm>>
        %dma_start3A_643 = tpu.memref_squeeze %dma_start3A_642 : memref<1x10240x64xf32, #tpu.memory_space<hbm>> -> memref<10240x64xf32, #tpu.memory_space<hbm>>
        %dma_start3A_644 = arith.constant 0 : i32
        %dma_start3A_645 = arith.constant 0 : i32
        %dma_start3A_646 = tpu.memref_slice %dma_start3A_643[%dma_start3A_644, %dma_start3A_645] : memref<10240x64xf32, #tpu.memory_space<hbm>> -> memref<10240x64xf32, #tpu.memory_space<hbm>>
        tpu.enqueue_indirect_dma source(%dma_start3A_646 : memref<10240x64xf32, #tpu.memory_space<hbm>>) target(%arg18 : memref<80x64xf32, #tpu.memory_space<vmem>>) offsets(%dma_start3A_639 : memref<80xi32, #tpu.memory_space<vmem>>) semaphore(%arg31 : memref<!tpu.dma_semaphore, #tpu.memory_space<semaphore_mem>>)
      } else {
      }
      %add3A_608 = arith.constant 11 : i32
      %add3A_609 = arith.addi %add3A_335, %add3A_608 : i32
      %mul3A_610 = arith.constant 80 : i32
      %mul3A_611 = arith.muli %add3A_609, %mul3A_610 : i32
      %dma_wait3A_612 = tpu.memref_slice %arg6[%mul3A_611] : memref<10000xi32, #tpu.memory_space<vmem>> -> memref<80xi32, #tpu.memory_space<vmem>>
      %dma_wait3A_613 = arith.constant 0 : i32
      %dma_wait3A_614 = arith.constant 0 : i32
      %dma_wait3A_615 = tpu.memref_slice %arg3[%arg0, %dma_wait3A_613, %dma_wait3A_614] : memref<2x10240x64xf32, #tpu.memory_space<hbm>> -> memref<1x10240x64xf32, #tpu.memory_space<hbm>>
      %dma_wait3A_616 = tpu.memref_squeeze %dma_wait3A_615 : memref<1x10240x64xf32, #tpu.memory_space<hbm>> -> memref<10240x64xf32, #tpu.memory_space<hbm>>
      %dma_wait3A_617 = arith.constant 0 : i32
      %dma_wait3A_618 = arith.constant 0 : i32
      %dma_wait3A_619 = tpu.memref_slice %dma_wait3A_616[%dma_wait3A_617, %dma_wait3A_618] : memref<10240x64xf32, #tpu.memory_space<hbm>> -> memref<10240x64xf32, #tpu.memory_space<hbm>>
      tpu.wait_indirect_dma semaphore(%arg32 : memref<!tpu.dma_semaphore, #tpu.memory_space<semaphore_mem>>) src(%dma_wait3A_619 : memref<10240x64xf32, #tpu.memory_space<hbm>>) dst(%arg19 : memref<80x64xf32, #tpu.memory_space<vmem>>)
      %add3A_620 = arith.constant 11 : i32
      %add3A_621 = arith.addi %add3A_335, %add3A_620 : i32
      %mul3A_622 = arith.constant 80 : i32
      %mul3A_623 = arith.muli %add3A_621, %mul3A_622 : i32
      "tpu.region"() ({
        %run_scoped3A_633 = tpu.sem_alloc : memref<!tpu.dma_semaphore, #tpu.memory_space<semaphore_mem>>
        %dma_start3A_634 = tpu.memref_slice %arg7[%mul3A_623] : memref<10000xi32, #tpu.memory_space<vmem>> -> memref<80xi32, #tpu.memory_space<vmem>>
        %dma_start3A_635 = arith.constant 0 : i32
        %dma_start3A_636 = arith.constant 0 : i32
        %dma_start3A_637 = tpu.memref_slice %arg20[%dma_start3A_635, %dma_start3A_636] : memref<10240x64xf32, #tpu.memory_space<vmem_shared>> -> memref<10240x64xf32, #tpu.memory_space<vmem_shared>>
        tpu.enqueue_indirect_dma source(%arg19 : memref<80x64xf32, #tpu.memory_space<vmem>>) target(%dma_start3A_637 : memref<10240x64xf32, #tpu.memory_space<vmem_shared>>) offsets(%dma_start3A_634 : memref<80xi32, #tpu.memory_space<vmem>>) semaphore(%run_scoped3A_633 : memref<!tpu.dma_semaphore, #tpu.memory_space<semaphore_mem>>) {add = true}
        %dma_wait3A_638 = tpu.memref_slice %arg7[%mul3A_623] : memref<10000xi32, #tpu.memory_space<vmem>> -> memref<80xi32, #tpu.memory_space<vmem>>
        %dma_wait3A_639 = arith.constant 0 : i32
        %dma_wait3A_640 = arith.constant 0 : i32
        %dma_wait3A_641 = tpu.memref_slice %arg20[%dma_wait3A_639, %dma_wait3A_640] : memref<10240x64xf32, #tpu.memory_space<vmem_shared>> -> memref<10240x64xf32, #tpu.memory_space<vmem_shared>>
        tpu.wait_indirect_dma semaphore(%run_scoped3A_633 : memref<!tpu.dma_semaphore, #tpu.memory_space<semaphore_mem>>) src(%arg19 : memref<80x64xf32, #tpu.memory_space<vmem>>) dst(%dma_wait3A_641 : memref<10240x64xf32, #tpu.memory_space<vmem_shared>>)
        tpu.yield
      }) : () -> ()
      %add3A_624 = arith.constant 11 : i32
      %add3A_625 = arith.addi %add3A_335, %add3A_624 : i32
      %add3A_626 = arith.constant 12 : i32
      %add3A_627 = arith.addi %add3A_625, %add3A_626 : i32
      %lt3A_628 = arith.constant 125 : i32
      %lt3A_629 = arith.cmpi slt, %add3A_627, %lt3A_628 : i32
      %convert_element_type3A_630 = arith.extui %lt3A_629 : i1 to i32
      %cond3A_631 = arith.constant 0 : i32
      %cond3A_632 = arith.cmpi ne, %convert_element_type3A_630, %cond3A_631 : i32
      scf.if %cond3A_632 {
        %add3A_633 = arith.constant 11 : i32
        %add3A_634 = arith.addi %add3A_335, %add3A_633 : i32
        %add3A_635 = arith.constant 12 : i32
        %add3A_636 = arith.addi %add3A_634, %add3A_635 : i32
        %mul3A_637 = arith.constant 80 : i32
        %mul3A_638 = arith.muli %add3A_636, %mul3A_637 : i32
        %dma_start3A_639 = tpu.memref_slice %arg6[%mul3A_638] : memref<10000xi32, #tpu.memory_space<vmem>> -> memref<80xi32, #tpu.memory_space<vmem>>
        %dma_start3A_640 = arith.constant 0 : i32
        %dma_start3A_641 = arith.constant 0 : i32
        %dma_start3A_642 = tpu.memref_slice %arg3[%arg0, %dma_start3A_640, %dma_start3A_641] : memref<2x10240x64xf32, #tpu.memory_space<hbm>> -> memref<1x10240x64xf32, #tpu.memory_space<hbm>>
        %dma_start3A_643 = tpu.memref_squeeze %dma_start3A_642 : memref<1x10240x64xf32, #tpu.memory_space<hbm>> -> memref<10240x64xf32, #tpu.memory_space<hbm>>
        %dma_start3A_644 = arith.constant 0 : i32
        %dma_start3A_645 = arith.constant 0 : i32
        %dma_start3A_646 = tpu.memref_slice %dma_start3A_643[%dma_start3A_644, %dma_start3A_645] : memref<10240x64xf32, #tpu.memory_space<hbm>> -> memref<10240x64xf32, #tpu.memory_space<hbm>>
        tpu.enqueue_indirect_dma source(%dma_start3A_646 : memref<10240x64xf32, #tpu.memory_space<hbm>>) target(%arg19 : memref<80x64xf32, #tpu.memory_space<vmem>>) offsets(%dma_start3A_639 : memref<80xi32, #tpu.memory_space<vmem>>) semaphore(%arg32 : memref<!tpu.dma_semaphore, #tpu.memory_space<semaphore_mem>>)
      } else {
      }
    }
    %scan3A_282 = arith.constant 10 : i32
    %dma_wait3A_283 = arith.constant 9600 : i32
    %dma_wait3A_284 = tpu.memref_slice %arg6[%dma_wait3A_283] : memref<10000xi32, #tpu.memory_space<vmem>> -> memref<80xi32, #tpu.memory_space<vmem>>
    %dma_wait3A_285 = arith.constant 0 : i32
    %dma_wait3A_286 = arith.constant 0 : i32
    %dma_wait3A_287 = tpu.memref_slice %arg3[%arg0, %dma_wait3A_285, %dma_wait3A_286] : memref<2x10240x64xf32, #tpu.memory_space<hbm>> -> memref<1x10240x64xf32, #tpu.memory_space<hbm>>
    %dma_wait3A_288 = tpu.memref_squeeze %dma_wait3A_287 : memref<1x10240x64xf32, #tpu.memory_space<hbm>> -> memref<10240x64xf32, #tpu.memory_space<hbm>>
    %dma_wait3A_289 = arith.constant 0 : i32
    %dma_wait3A_290 = arith.constant 0 : i32
    %dma_wait3A_291 = tpu.memref_slice %dma_wait3A_288[%dma_wait3A_289, %dma_wait3A_290] : memref<10240x64xf32, #tpu.memory_space<hbm>> -> memref<10240x64xf32, #tpu.memory_space<hbm>>
    tpu.wait_indirect_dma semaphore(%arg21 : memref<!tpu.dma_semaphore, #tpu.memory_space<semaphore_mem>>) src(%dma_wait3A_291 : memref<10240x64xf32, #tpu.memory_space<hbm>>) dst(%arg8 : memref<80x64xf32, #tpu.memory_space<vmem>>)
    "tpu.region"() ({
      %run_scoped3A_331 = tpu.sem_alloc : memref<!tpu.dma_semaphore, #tpu.memory_space<semaphore_mem>>
      %dma_start3A_332 = arith.constant 9600 : i32
      %dma_start3A_333 = tpu.memref_slice %arg7[%dma_start3A_332] : memref<10000xi32, #tpu.memory_space<vmem>> -> memref<80xi32, #tpu.memory_space<vmem>>
      %dma_start3A_334 = arith.constant 0 : i32
      %dma_start3A_335 = arith.constant 0 : i32
      %dma_start3A_336 = tpu.memref_slice %arg20[%dma_start3A_334, %dma_start3A_335] : memref<10240x64xf32, #tpu.memory_space<vmem_shared>> -> memref<10240x64xf32, #tpu.memory_space<vmem_shared>>
      tpu.enqueue_indirect_dma source(%arg8 : memref<80x64xf32, #tpu.memory_space<vmem>>) target(%dma_start3A_336 : memref<10240x64xf32, #tpu.memory_space<vmem_shared>>) offsets(%dma_start3A_333 : memref<80xi32, #tpu.memory_space<vmem>>) semaphore(%run_scoped3A_331 : memref<!tpu.dma_semaphore, #tpu.memory_space<semaphore_mem>>) {add = true}
      %dma_wait3A_337 = arith.constant 9600 : i32
      %dma_wait3A_338 = tpu.memref_slice %arg7[%dma_wait3A_337] : memref<10000xi32, #tpu.memory_space<vmem>> -> memref<80xi32, #tpu.memory_space<vmem>>
      %dma_wait3A_339 = arith.constant 0 : i32
      %dma_wait3A_340 = arith.constant 0 : i32
      %dma_wait3A_341 = tpu.memref_slice %arg20[%dma_wait3A_339, %dma_wait3A_340] : memref<10240x64xf32, #tpu.memory_space<vmem_shared>> -> memref<10240x64xf32, #tpu.memory_space<vmem_shared>>
      tpu.wait_indirect_dma semaphore(%run_scoped3A_331 : memref<!tpu.dma_semaphore, #tpu.memory_space<semaphore_mem>>) src(%arg8 : memref<80x64xf32, #tpu.memory_space<vmem>>) dst(%dma_wait3A_341 : memref<10240x64xf32, #tpu.memory_space<vmem_shared>>)
      tpu.yield
    }) : () -> ()
    %dma_wait3A_292 = arith.constant 9680 : i32
    %dma_wait3A_293 = tpu.memref_slice %arg6[%dma_wait3A_292] : memref<10000xi32, #tpu.memory_space<vmem>> -> memref<80xi32, #tpu.memory_space<vmem>>
    %dma_wait3A_294 = arith.constant 0 : i32
    %dma_wait3A_295 = arith.constant 0 : i32
    %dma_wait3A_296 = tpu.memref_slice %arg3[%arg0, %dma_wait3A_294, %dma_wait3A_295] : memref<2x10240x64xf32, #tpu.memory_space<hbm>> -> memref<1x10240x64xf32, #tpu.memory_space<hbm>>
    %dma_wait3A_297 = tpu.memref_squeeze %dma_wait3A_296 : memref<1x10240x64xf32, #tpu.memory_space<hbm>> -> memref<10240x64xf32, #tpu.memory_space<hbm>>
    %dma_wait3A_298 = arith.constant 0 : i32
    %dma_wait3A_299 = arith.constant 0 : i32
    %dma_wait3A_300 = tpu.memref_slice %dma_wait3A_297[%dma_wait3A_298, %dma_wait3A_299] : memref<10240x64xf32, #tpu.memory_space<hbm>> -> memref<10240x64xf32, #tpu.memory_space<hbm>>
    tpu.wait_indirect_dma semaphore(%arg22 : memref<!tpu.dma_semaphore, #tpu.memory_space<semaphore_mem>>) src(%dma_wait3A_300 : memref<10240x64xf32, #tpu.memory_space<hbm>>) dst(%arg9 : memref<80x64xf32, #tpu.memory_space<vmem>>)
    "tpu.region"() ({
      %run_scoped3A_331 = tpu.sem_alloc : memref<!tpu.dma_semaphore, #tpu.memory_space<semaphore_mem>>
      %dma_start3A_332 = arith.constant 9680 : i32
      %dma_start3A_333 = tpu.memref_slice %arg7[%dma_start3A_332] : memref<10000xi32, #tpu.memory_space<vmem>> -> memref<80xi32, #tpu.memory_space<vmem>>
      %dma_start3A_334 = arith.constant 0 : i32
      %dma_start3A_335 = arith.constant 0 : i32
      %dma_start3A_336 = tpu.memref_slice %arg20[%dma_start3A_334, %dma_start3A_335] : memref<10240x64xf32, #tpu.memory_space<vmem_shared>> -> memref<10240x64xf32, #tpu.memory_space<vmem_shared>>
      tpu.enqueue_indirect_dma source(%arg9 : memref<80x64xf32, #tpu.memory_space<vmem>>) target(%dma_start3A_336 : memref<10240x64xf32, #tpu.memory_space<vmem_shared>>) offsets(%dma_start3A_333 : memref<80xi32, #tpu.memory_space<vmem>>) semaphore(%run_scoped3A_331 : memref<!tpu.dma_semaphore, #tpu.memory_space<semaphore_mem>>) {add = true}
      %dma_wait3A_337 = arith.constant 9680 : i32
      %dma_wait3A_338 = tpu.memref_slice %arg7[%dma_wait3A_337] : memref<10000xi32, #tpu.memory_space<vmem>> -> memref<80xi32, #tpu.memory_space<vmem>>
      %dma_wait3A_339 = arith.constant 0 : i32
      %dma_wait3A_340 = arith.constant 0 : i32
      %dma_wait3A_341 = tpu.memref_slice %arg20[%dma_wait3A_339, %dma_wait3A_340] : memref<10240x64xf32, #tpu.memory_space<vmem_shared>> -> memref<10240x64xf32, #tpu.memory_space<vmem_shared>>
      tpu.wait_indirect_dma semaphore(%run_scoped3A_331 : memref<!tpu.dma_semaphore, #tpu.memory_space<semaphore_mem>>) src(%arg9 : memref<80x64xf32, #tpu.memory_space<vmem>>) dst(%dma_wait3A_341 : memref<10240x64xf32, #tpu.memory_space<vmem_shared>>)
      tpu.yield
    }) : () -> ()
    %dma_wait3A_301 = arith.constant 9760 : i32
    %dma_wait3A_302 = tpu.memref_slice %arg6[%dma_wait3A_301] : memref<10000xi32, #tpu.memory_space<vmem>> -> memref<80xi32, #tpu.memory_space<vmem>>
    %dma_wait3A_303 = arith.constant 0 : i32
    %dma_wait3A_304 = arith.constant 0 : i32
    %dma_wait3A_305 = tpu.memref_slice %arg3[%arg0, %dma_wait3A_303, %dma_wait3A_304] : memref<2x10240x64xf32, #tpu.memory_space<hbm>> -> memref<1x10240x64xf32, #tpu.memory_space<hbm>>
    %dma_wait3A_306 = tpu.memref_squeeze %dma_wait3A_305 : memref<1x10240x64xf32, #tpu.memory_space<hbm>> -> memref<10240x64xf32, #tpu.memory_space<hbm>>
    %dma_wait3A_307 = arith.constant 0 : i32
    %dma_wait3A_308 = arith.constant 0 : i32
    %dma_wait3A_309 = tpu.memref_slice %dma_wait3A_306[%dma_wait3A_307, %dma_wait3A_308] : memref<10240x64xf32, #tpu.memory_space<hbm>> -> memref<10240x64xf32, #tpu.memory_space<hbm>>
    tpu.wait_indirect_dma semaphore(%arg23 : memref<!tpu.dma_semaphore, #tpu.memory_space<semaphore_mem>>) src(%dma_wait3A_309 : memref<10240x64xf32, #tpu.memory_space<hbm>>) dst(%arg10 : memref<80x64xf32, #tpu.memory_space<vmem>>)
    "tpu.region"() ({
      %run_scoped3A_331 = tpu.sem_alloc : memref<!tpu.dma_semaphore, #tpu.memory_space<semaphore_mem>>
      %dma_start3A_332 = arith.constant 9760 : i32
      %dma_start3A_333 = tpu.memref_slice %arg7[%dma_start3A_332] : memref<10000xi32, #tpu.memory_space<vmem>> -> memref<80xi32, #tpu.memory_space<vmem>>
      %dma_start3A_334 = arith.constant 0 : i32
      %dma_start3A_335 = arith.constant 0 : i32
      %dma_start3A_336 = tpu.memref_slice %arg20[%dma_start3A_334, %dma_start3A_335] : memref<10240x64xf32, #tpu.memory_space<vmem_shared>> -> memref<10240x64xf32, #tpu.memory_space<vmem_shared>>
      tpu.enqueue_indirect_dma source(%arg10 : memref<80x64xf32, #tpu.memory_space<vmem>>) target(%dma_start3A_336 : memref<10240x64xf32, #tpu.memory_space<vmem_shared>>) offsets(%dma_start3A_333 : memref<80xi32, #tpu.memory_space<vmem>>) semaphore(%run_scoped3A_331 : memref<!tpu.dma_semaphore, #tpu.memory_space<semaphore_mem>>) {add = true}
      %dma_wait3A_337 = arith.constant 9760 : i32
      %dma_wait3A_338 = tpu.memref_slice %arg7[%dma_wait3A_337] : memref<10000xi32, #tpu.memory_space<vmem>> -> memref<80xi32, #tpu.memory_space<vmem>>
      %dma_wait3A_339 = arith.constant 0 : i32
      %dma_wait3A_340 = arith.constant 0 : i32
      %dma_wait3A_341 = tpu.memref_slice %arg20[%dma_wait3A_339, %dma_wait3A_340] : memref<10240x64xf32, #tpu.memory_space<vmem_shared>> -> memref<10240x64xf32, #tpu.memory_space<vmem_shared>>
      tpu.wait_indirect_dma semaphore(%run_scoped3A_331 : memref<!tpu.dma_semaphore, #tpu.memory_space<semaphore_mem>>) src(%arg10 : memref<80x64xf32, #tpu.memory_space<vmem>>) dst(%dma_wait3A_341 : memref<10240x64xf32, #tpu.memory_space<vmem_shared>>)
      tpu.yield
    }) : () -> ()
    %dma_wait3A_310 = arith.constant 9840 : i32
    %dma_wait3A_311 = tpu.memref_slice %arg6[%dma_wait3A_310] : memref<10000xi32, #tpu.memory_space<vmem>> -> memref<80xi32, #tpu.memory_space<vmem>>
    %dma_wait3A_312 = arith.constant 0 : i32
    %dma_wait3A_313 = arith.constant 0 : i32
    %dma_wait3A_314 = tpu.memref_slice %arg3[%arg0, %dma_wait3A_312, %dma_wait3A_313] : memref<2x10240x64xf32, #tpu.memory_space<hbm>> -> memref<1x10240x64xf32, #tpu.memory_space<hbm>>
    %dma_wait3A_315 = tpu.memref_squeeze %dma_wait3A_314 : memref<1x10240x64xf32, #tpu.memory_space<hbm>> -> memref<10240x64xf32, #tpu.memory_space<hbm>>
    %dma_wait3A_316 = arith.constant 0 : i32
    %dma_wait3A_317 = arith.constant 0 : i32
    %dma_wait3A_318 = tpu.memref_slice %dma_wait3A_315[%dma_wait3A_316, %dma_wait3A_317] : memref<10240x64xf32, #tpu.memory_space<hbm>> -> memref<10240x64xf32, #tpu.memory_space<hbm>>
    tpu.wait_indirect_dma semaphore(%arg24 : memref<!tpu.dma_semaphore, #tpu.memory_space<semaphore_mem>>) src(%dma_wait3A_318 : memref<10240x64xf32, #tpu.memory_space<hbm>>) dst(%arg11 : memref<80x64xf32, #tpu.memory_space<vmem>>)
    "tpu.region"() ({
      %run_scoped3A_331 = tpu.sem_alloc : memref<!tpu.dma_semaphore, #tpu.memory_space<semaphore_mem>>
      %dma_start3A_332 = arith.constant 9840 : i32
      %dma_start3A_333 = tpu.memref_slice %arg7[%dma_start3A_332] : memref<10000xi32, #tpu.memory_space<vmem>> -> memref<80xi32, #tpu.memory_space<vmem>>
      %dma_start3A_334 = arith.constant 0 : i32
      %dma_start3A_335 = arith.constant 0 : i32
      %dma_start3A_336 = tpu.memref_slice %arg20[%dma_start3A_334, %dma_start3A_335] : memref<10240x64xf32, #tpu.memory_space<vmem_shared>> -> memref<10240x64xf32, #tpu.memory_space<vmem_shared>>
      tpu.enqueue_indirect_dma source(%arg11 : memref<80x64xf32, #tpu.memory_space<vmem>>) target(%dma_start3A_336 : memref<10240x64xf32, #tpu.memory_space<vmem_shared>>) offsets(%dma_start3A_333 : memref<80xi32, #tpu.memory_space<vmem>>) semaphore(%run_scoped3A_331 : memref<!tpu.dma_semaphore, #tpu.memory_space<semaphore_mem>>) {add = true}
      %dma_wait3A_337 = arith.constant 9840 : i32
      %dma_wait3A_338 = tpu.memref_slice %arg7[%dma_wait3A_337] : memref<10000xi32, #tpu.memory_space<vmem>> -> memref<80xi32, #tpu.memory_space<vmem>>
      %dma_wait3A_339 = arith.constant 0 : i32
      %dma_wait3A_340 = arith.constant 0 : i32
      %dma_wait3A_341 = tpu.memref_slice %arg20[%dma_wait3A_339, %dma_wait3A_340] : memref<10240x64xf32, #tpu.memory_space<vmem_shared>> -> memref<10240x64xf32, #tpu.memory_space<vmem_shared>>
      tpu.wait_indirect_dma semaphore(%run_scoped3A_331 : memref<!tpu.dma_semaphore, #tpu.memory_space<semaphore_mem>>) src(%arg11 : memref<80x64xf32, #tpu.memory_space<vmem>>) dst(%dma_wait3A_341 : memref<10240x64xf32, #tpu.memory_space<vmem_shared>>)
      tpu.yield
    }) : () -> ()
    %dma_wait3A_319 = arith.constant 9920 : i32
    %dma_wait3A_320 = tpu.memref_slice %arg6[%dma_wait3A_319] : memref<10000xi32, #tpu.memory_space<vmem>> -> memref<80xi32, #tpu.memory_space<vmem>>
    %dma_wait3A_321 = arith.constant 0 : i32
    %dma_wait3A_322 = arith.constant 0 : i32
    %dma_wait3A_323 = tpu.memref_slice %arg3[%arg0, %dma_wait3A_321, %dma_wait3A_322] : memref<2x10240x64xf32, #tpu.memory_space<hbm>> -> memref<1x10240x64xf32, #tpu.memory_space<hbm>>
    %dma_wait3A_324 = tpu.memref_squeeze %dma_wait3A_323 : memref<1x10240x64xf32, #tpu.memory_space<hbm>> -> memref<10240x64xf32, #tpu.memory_space<hbm>>
    %dma_wait3A_325 = arith.constant 0 : i32
    %dma_wait3A_326 = arith.constant 0 : i32
    %dma_wait3A_327 = tpu.memref_slice %dma_wait3A_324[%dma_wait3A_325, %dma_wait3A_326] : memref<10240x64xf32, #tpu.memory_space<hbm>> -> memref<10240x64xf32, #tpu.memory_space<hbm>>
    tpu.wait_indirect_dma semaphore(%arg25 : memref<!tpu.dma_semaphore, #tpu.memory_space<semaphore_mem>>) src(%dma_wait3A_327 : memref<10240x64xf32, #tpu.memory_space<hbm>>) dst(%arg12 : memref<80x64xf32, #tpu.memory_space<vmem>>)
    "tpu.region"() ({
      %run_scoped3A_331 = tpu.sem_alloc : memref<!tpu.dma_semaphore, #tpu.memory_space<semaphore_mem>>
      %dma_start3A_332 = arith.constant 9920 : i32
      %dma_start3A_333 = tpu.memref_slice %arg7[%dma_start3A_332] : memref<10000xi32, #tpu.memory_space<vmem>> -> memref<80xi32, #tpu.memory_space<vmem>>
      %dma_start3A_334 = arith.constant 0 : i32
      %dma_start3A_335 = arith.constant 0 : i32
      %dma_start3A_336 = tpu.memref_slice %arg20[%dma_start3A_334, %dma_start3A_335] : memref<10240x64xf32, #tpu.memory_space<vmem_shared>> -> memref<10240x64xf32, #tpu.memory_space<vmem_shared>>
      tpu.enqueue_indirect_dma source(%arg12 : memref<80x64xf32, #tpu.memory_space<vmem>>) target(%dma_start3A_336 : memref<10240x64xf32, #tpu.memory_space<vmem_shared>>) offsets(%dma_start3A_333 : memref<80xi32, #tpu.memory_space<vmem>>) semaphore(%run_scoped3A_331 : memref<!tpu.dma_semaphore, #tpu.memory_space<semaphore_mem>>) {add = true}
      %dma_wait3A_337 = arith.constant 9920 : i32
      %dma_wait3A_338 = tpu.memref_slice %arg7[%dma_wait3A_337] : memref<10000xi32, #tpu.memory_space<vmem>> -> memref<80xi32, #tpu.memory_space<vmem>>
      %dma_wait3A_339 = arith.constant 0 : i32
      %dma_wait3A_340 = arith.constant 0 : i32
      %dma_wait3A_341 = tpu.memref_slice %arg20[%dma_wait3A_339, %dma_wait3A_340] : memref<10240x64xf32, #tpu.memory_space<vmem_shared>> -> memref<10240x64xf32, #tpu.memory_space<vmem_shared>>
      tpu.wait_indirect_dma semaphore(%run_scoped3A_331 : memref<!tpu.dma_semaphore, #tpu.memory_space<semaphore_mem>>) src(%arg12 : memref<80x64xf32, #tpu.memory_space<vmem>>) dst(%dma_wait3A_341 : memref<10240x64xf32, #tpu.memory_space<vmem_shared>>)
      tpu.yield
    }) : () -> ()
    %barrier3A_328 = arith.constant 0 : index
    tpu.barrier barrier_id(%barrier3A_328)
    %mul3A_329 = arith.constant 64 : i32
    %mul3A_330 = arith.muli %arg0, %mul3A_329 : i32
    "tpu.region"() ({
      %run_scoped3A_331 = tpu.sem_alloc : memref<!tpu.dma_semaphore, #tpu.memory_space<semaphore_mem>>
      %dma_start3A_332 = tpu.memref_slice %arg5[%mul3A_0, %mul3A_330] : memref<10240x128xf32, #tpu.memory_space<hbm>> -> memref<640x64xf32, #tpu.memory_space<hbm>>
      %dma_start3A_333 = arith.constant 0 : i32
      %dma_start3A_334 = tpu.memref_slice %arg20[%mul3A_0, %dma_start3A_333] : memref<10240x64xf32, #tpu.memory_space<vmem_shared>> -> memref<640x64xf32, #tpu.memory_space<vmem_shared>>
      tpu.enqueue_dma source(%dma_start3A_334 : memref<640x64xf32, #tpu.memory_space<vmem_shared>>) target(%dma_start3A_332 : memref<640x64xf32, #tpu.memory_space<hbm>>) target_semaphore(%run_scoped3A_331 : memref<!tpu.dma_semaphore, #tpu.memory_space<semaphore_mem>>)
      %dma_wait3A_335 = tpu.memref_slice %arg5[%mul3A_0, %mul3A_330] : memref<10240x128xf32, #tpu.memory_space<hbm>> -> memref<640x64xf32, #tpu.memory_space<hbm>>
      %dma_wait3A_336 = arith.constant 0 : i32
      %dma_wait3A_337 = tpu.memref_slice %arg20[%mul3A_0, %dma_wait3A_336] : memref<10240x64xf32, #tpu.memory_space<vmem_shared>> -> memref<640x64xf32, #tpu.memory_space<vmem_shared>>
      tpu.wait_dma2 semaphore(%run_scoped3A_331 : memref<!tpu.dma_semaphore, #tpu.memory_space<semaphore_mem>>) src(%dma_wait3A_337 : memref<640x64xf32, #tpu.memory_space<vmem_shared>>) dst(%dma_wait3A_335 : memref<640x64xf32, #tpu.memory_space<hbm>>)
      tpu.yield
    }) : () -> ()
    return
  }
}

#map = affine_map<(d0, d1) -> (0, 0)>
module attributes {stable_mosaic.version = 14 : i64} {
  func.func @k(%arg0: i32, %arg1: i32, %arg2: memref<10240x48xf32, #tpu.memory_space<hbm>>, %arg3: memref<10240x48xf32, #tpu.memory_space<hbm>>, %arg4: memref<2x320000xi32, #tpu.memory_space<hbm>>, %arg5: memref<10240x128xf32, #tpu.memory_space<hbm>>, %arg6: memref<10000xi32, #tpu.memory_space<vmem>>, %arg7: memref<10000xi32, #tpu.memory_space<vmem>>, %arg8: memref<80x48xf32, #tpu.memory_space<vmem>>, %arg9: memref<80x48xf32, #tpu.memory_space<vmem>>, %arg10: memref<80x48xf32, #tpu.memory_space<vmem>>, %arg11: memref<80x48xf32, #tpu.memory_space<vmem>>, %arg12: memref<80x48xf32, #tpu.memory_space<vmem>>, %arg13: memref<80x48xf32, #tpu.memory_space<vmem>>, %arg14: memref<80x48xf32, #tpu.memory_space<vmem>>, %arg15: memref<80x48xf32, #tpu.memory_space<vmem>>, %arg16: memref<10240x48xf32, #tpu.memory_space<vmem_shared>>, %arg17: memref<!tpu.dma_semaphore, #tpu.memory_space<semaphore_mem>>, %arg18: memref<!tpu.dma_semaphore, #tpu.memory_space<semaphore_mem>>, %arg19: memref<!tpu.dma_semaphore, #tpu.memory_space<semaphore_mem>>, %arg20: memref<!tpu.dma_semaphore, #tpu.memory_space<semaphore_mem>>, %arg21: memref<!tpu.dma_semaphore, #tpu.memory_space<semaphore_mem>>, %arg22: memref<!tpu.dma_semaphore, #tpu.memory_space<semaphore_mem>>, %arg23: memref<!tpu.dma_semaphore, #tpu.memory_space<semaphore_mem>>, %arg24: memref<!tpu.dma_semaphore, #tpu.memory_space<semaphore_mem>>) attributes {dimension_semantics = [#tpu.dimension_semantics<core_parallel>, #tpu.dimension_semantics<subcore_parallel>], iteration_bounds = array<i64: 2, 16>, scalar_prefetch = 0 : i64, scratch_operands = 19 : i64, tpu.core_type = #tpu.core_type<sc_vector_subcore>, window_params = [{transform_indices = #map}, {transform_indices = #map}, {transform_indices = #map}, {transform_indices = #map}]} {
    %mul3A = arith.constant 16 : i32
    %mul3A_0 = arith.muli %arg0, %mul3A : i32
    %add3A = arith.addi %mul3A_0, %arg1 : i32
    %mul3A_1 = arith.constant 640 : i32
    %mul3A_2 = arith.muli %arg1, %mul3A_1 : i32
    "tpu.region"() ({
      %run_scoped3A_82 = tpu.sem_alloc : memref<!tpu.dma_semaphore, #tpu.memory_space<semaphore_mem>>
      %dma_start3A_83 = arith.constant 0 : i32
      %dma_start3A_84 = tpu.memref_slice %arg16[%mul3A_2, %dma_start3A_83] : memref<10240x48xf32, #tpu.memory_space<vmem_shared>> -> memref<640x48xf32, #tpu.memory_space<vmem_shared>>
      %dma_start3A_85 = arith.constant 0 : i32
      %dma_start3A_86 = tpu.memref_slice %arg2[%mul3A_2, %dma_start3A_85] : memref<10240x48xf32, #tpu.memory_space<hbm>> -> memref<640x48xf32, #tpu.memory_space<hbm>>
      tpu.enqueue_dma source(%dma_start3A_86 : memref<640x48xf32, #tpu.memory_space<hbm>>) target(%dma_start3A_84 : memref<640x48xf32, #tpu.memory_space<vmem_shared>>) target_semaphore(%run_scoped3A_82 : memref<!tpu.dma_semaphore, #tpu.memory_space<semaphore_mem>>)
      %dma_wait3A_87 = arith.constant 0 : i32
      %dma_wait3A_88 = tpu.memref_slice %arg16[%mul3A_2, %dma_wait3A_87] : memref<10240x48xf32, #tpu.memory_space<vmem_shared>> -> memref<640x48xf32, #tpu.memory_space<vmem_shared>>
      %dma_wait3A_89 = arith.constant 0 : i32
      %dma_wait3A_90 = tpu.memref_slice %arg2[%mul3A_2, %dma_wait3A_89] : memref<10240x48xf32, #tpu.memory_space<hbm>> -> memref<640x48xf32, #tpu.memory_space<hbm>>
      tpu.wait_dma2 semaphore(%run_scoped3A_82 : memref<!tpu.dma_semaphore, #tpu.memory_space<semaphore_mem>>) src(%dma_wait3A_90 : memref<640x48xf32, #tpu.memory_space<hbm>>) dst(%dma_wait3A_88 : memref<640x48xf32, #tpu.memory_space<vmem_shared>>)
      tpu.yield
    }) : () -> ()
    %mul3A_3 = arith.constant 125 : i32
    %mul3A_4 = arith.muli %add3A, %mul3A_3 : i32
    %mul3A_5 = arith.constant 80 : i32
    %mul3A_6 = arith.muli %mul3A_4, %mul3A_5 : i32
    %run_scoped3A = arith.constant 0 : i32
    "tpu.region"() ({
      %run_scoped3A_82 = tpu.sem_alloc : memref<!tpu.dma_semaphore, #tpu.memory_space<semaphore_mem>>
      %dma_start3A_83 = tpu.memref_slice %arg4[%run_scoped3A, %mul3A_6] : memref<2x320000xi32, #tpu.memory_space<hbm>> -> memref<1x10000xi32, #tpu.memory_space<hbm>>
      %dma_start3A_84 = tpu.memref_squeeze %dma_start3A_83 : memref<1x10000xi32, #tpu.memory_space<hbm>> -> memref<10000xi32, #tpu.memory_space<hbm>>
      %dma_start3A_85 = tpu.memref_slice %arg4[%run_scoped3A, %mul3A_6] : memref<2x320000xi32, #tpu.memory_space<hbm>> -> memref<1x10000xi32, #tpu.memory_space<hbm>>
      %dma_start3A_86 = tpu.memref_squeeze %dma_start3A_85 : memref<1x10000xi32, #tpu.memory_space<hbm>> -> memref<10000xi32, #tpu.memory_space<hbm>>
      tpu.enqueue_dma source(%dma_start3A_86 : memref<10000xi32, #tpu.memory_space<hbm>>) target(%arg6 : memref<10000xi32, #tpu.memory_space<vmem>>) target_semaphore(%run_scoped3A_82 : memref<!tpu.dma_semaphore, #tpu.memory_space<semaphore_mem>>)
      %dma_wait3A_87 = tpu.memref_slice %arg4[%run_scoped3A, %mul3A_6] : memref<2x320000xi32, #tpu.memory_space<hbm>> -> memref<1x10000xi32, #tpu.memory_space<hbm>>
      %dma_wait3A_88 = tpu.memref_squeeze %dma_wait3A_87 : memref<1x10000xi32, #tpu.memory_space<hbm>> -> memref<10000xi32, #tpu.memory_space<hbm>>
      %dma_wait3A_89 = tpu.memref_slice %arg4[%run_scoped3A, %mul3A_6] : memref<2x320000xi32, #tpu.memory_space<hbm>> -> memref<1x10000xi32, #tpu.memory_space<hbm>>
      %dma_wait3A_90 = tpu.memref_squeeze %dma_wait3A_89 : memref<1x10000xi32, #tpu.memory_space<hbm>> -> memref<10000xi32, #tpu.memory_space<hbm>>
      tpu.wait_dma2 semaphore(%run_scoped3A_82 : memref<!tpu.dma_semaphore, #tpu.memory_space<semaphore_mem>>) src(%dma_wait3A_90 : memref<10000xi32, #tpu.memory_space<hbm>>) dst(%arg6 : memref<10000xi32, #tpu.memory_space<vmem>>)
      tpu.yield
    }) : () -> ()
    %mul3A_7 = arith.constant 125 : i32
    %mul3A_8 = arith.muli %add3A, %mul3A_7 : i32
    %mul3A_9 = arith.constant 80 : i32
    %mul3A_10 = arith.muli %mul3A_8, %mul3A_9 : i32
    %run_scoped3A_11 = arith.constant 1 : i32
    "tpu.region"() ({
      %run_scoped3A_82 = tpu.sem_alloc : memref<!tpu.dma_semaphore, #tpu.memory_space<semaphore_mem>>
      %dma_start3A_83 = tpu.memref_slice %arg4[%run_scoped3A_11, %mul3A_10] : memref<2x320000xi32, #tpu.memory_space<hbm>> -> memref<1x10000xi32, #tpu.memory_space<hbm>>
      %dma_start3A_84 = tpu.memref_squeeze %dma_start3A_83 : memref<1x10000xi32, #tpu.memory_space<hbm>> -> memref<10000xi32, #tpu.memory_space<hbm>>
      %dma_start3A_85 = tpu.memref_slice %arg4[%run_scoped3A_11, %mul3A_10] : memref<2x320000xi32, #tpu.memory_space<hbm>> -> memref<1x10000xi32, #tpu.memory_space<hbm>>
      %dma_start3A_86 = tpu.memref_squeeze %dma_start3A_85 : memref<1x10000xi32, #tpu.memory_space<hbm>> -> memref<10000xi32, #tpu.memory_space<hbm>>
      tpu.enqueue_dma source(%dma_start3A_86 : memref<10000xi32, #tpu.memory_space<hbm>>) target(%arg7 : memref<10000xi32, #tpu.memory_space<vmem>>) target_semaphore(%run_scoped3A_82 : memref<!tpu.dma_semaphore, #tpu.memory_space<semaphore_mem>>)
      %dma_wait3A_87 = tpu.memref_slice %arg4[%run_scoped3A_11, %mul3A_10] : memref<2x320000xi32, #tpu.memory_space<hbm>> -> memref<1x10000xi32, #tpu.memory_space<hbm>>
      %dma_wait3A_88 = tpu.memref_squeeze %dma_wait3A_87 : memref<1x10000xi32, #tpu.memory_space<hbm>> -> memref<10000xi32, #tpu.memory_space<hbm>>
      %dma_wait3A_89 = tpu.memref_slice %arg4[%run_scoped3A_11, %mul3A_10] : memref<2x320000xi32, #tpu.memory_space<hbm>> -> memref<1x10000xi32, #tpu.memory_space<hbm>>
      %dma_wait3A_90 = tpu.memref_squeeze %dma_wait3A_89 : memref<1x10000xi32, #tpu.memory_space<hbm>> -> memref<10000xi32, #tpu.memory_space<hbm>>
      tpu.wait_dma2 semaphore(%run_scoped3A_82 : memref<!tpu.dma_semaphore, #tpu.memory_space<semaphore_mem>>) src(%dma_wait3A_90 : memref<10000xi32, #tpu.memory_space<hbm>>) dst(%arg7 : memref<10000xi32, #tpu.memory_space<vmem>>)
      tpu.yield
    }) : () -> ()
    %barrier3A = arith.constant 0 : index
    tpu.barrier barrier_id(%barrier3A)
    %dma_start3A = arith.constant 0 : i32
    %dma_start3A_12 = tpu.memref_slice %arg6[%dma_start3A] : memref<10000xi32, #tpu.memory_space<vmem>> -> memref<80xi32, #tpu.memory_space<vmem>>
    %dma_start3A_13 = arith.constant 0 : i32
    %dma_start3A_14 = arith.constant 0 : i32
    %dma_start3A_15 = tpu.memref_slice %arg3[%dma_start3A_13, %dma_start3A_14] : memref<10240x48xf32, #tpu.memory_space<hbm>> -> memref<10240x48xf32, #tpu.memory_space<hbm>>
    tpu.enqueue_indirect_dma source(%dma_start3A_15 : memref<10240x48xf32, #tpu.memory_space<hbm>>) target(%arg8 : memref<80x48xf32, #tpu.memory_space<vmem>>) offsets(%dma_start3A_12 : memref<80xi32, #tpu.memory_space<vmem>>) semaphore(%arg17 : memref<!tpu.dma_semaphore, #tpu.memory_space<semaphore_mem>>)
    %dma_start3A_16 = arith.constant 80 : i32
    %dma_start3A_17 = tpu.memref_slice %arg6[%dma_start3A_16] : memref<10000xi32, #tpu.memory_space<vmem>> -> memref<80xi32, #tpu.memory_space<vmem>>
    %dma_start3A_18 = arith.constant 0 : i32
    %dma_start3A_19 = arith.constant 0 : i32
    %dma_start3A_20 = tpu.memref_slice %arg3[%dma_start3A_18, %dma_start3A_19] : memref<10240x48xf32, #tpu.memory_space<hbm>> -> memref<10240x48xf32, #tpu.memory_space<hbm>>
    tpu.enqueue_indirect_dma source(%dma_start3A_20 : memref<10240x48xf32, #tpu.memory_space<hbm>>) target(%arg9 : memref<80x48xf32, #tpu.memory_space<vmem>>) offsets(%dma_start3A_17 : memref<80xi32, #tpu.memory_space<vmem>>) semaphore(%arg18 : memref<!tpu.dma_semaphore, #tpu.memory_space<semaphore_mem>>)
    %dma_start3A_21 = arith.constant 160 : i32
    %dma_start3A_22 = tpu.memref_slice %arg6[%dma_start3A_21] : memref<10000xi32, #tpu.memory_space<vmem>> -> memref<80xi32, #tpu.memory_space<vmem>>
    %dma_start3A_23 = arith.constant 0 : i32
    %dma_start3A_24 = arith.constant 0 : i32
    %dma_start3A_25 = tpu.memref_slice %arg3[%dma_start3A_23, %dma_start3A_24] : memref<10240x48xf32, #tpu.memory_space<hbm>> -> memref<10240x48xf32, #tpu.memory_space<hbm>>
    tpu.enqueue_indirect_dma source(%dma_start3A_25 : memref<10240x48xf32, #tpu.memory_space<hbm>>) target(%arg10 : memref<80x48xf32, #tpu.memory_space<vmem>>) offsets(%dma_start3A_22 : memref<80xi32, #tpu.memory_space<vmem>>) semaphore(%arg19 : memref<!tpu.dma_semaphore, #tpu.memory_space<semaphore_mem>>)
    %dma_start3A_26 = arith.constant 240 : i32
    %dma_start3A_27 = tpu.memref_slice %arg6[%dma_start3A_26] : memref<10000xi32, #tpu.memory_space<vmem>> -> memref<80xi32, #tpu.memory_space<vmem>>
    %dma_start3A_28 = arith.constant 0 : i32
    %dma_start3A_29 = arith.constant 0 : i32
    %dma_start3A_30 = tpu.memref_slice %arg3[%dma_start3A_28, %dma_start3A_29] : memref<10240x48xf32, #tpu.memory_space<hbm>> -> memref<10240x48xf32, #tpu.memory_space<hbm>>
    tpu.enqueue_indirect_dma source(%dma_start3A_30 : memref<10240x48xf32, #tpu.memory_space<hbm>>) target(%arg11 : memref<80x48xf32, #tpu.memory_space<vmem>>) offsets(%dma_start3A_27 : memref<80xi32, #tpu.memory_space<vmem>>) semaphore(%arg20 : memref<!tpu.dma_semaphore, #tpu.memory_space<semaphore_mem>>)
    %dma_start3A_31 = arith.constant 320 : i32
    %dma_start3A_32 = tpu.memref_slice %arg6[%dma_start3A_31] : memref<10000xi32, #tpu.memory_space<vmem>> -> memref<80xi32, #tpu.memory_space<vmem>>
    %dma_start3A_33 = arith.constant 0 : i32
    %dma_start3A_34 = arith.constant 0 : i32
    %dma_start3A_35 = tpu.memref_slice %arg3[%dma_start3A_33, %dma_start3A_34] : memref<10240x48xf32, #tpu.memory_space<hbm>> -> memref<10240x48xf32, #tpu.memory_space<hbm>>
    tpu.enqueue_indirect_dma source(%dma_start3A_35 : memref<10240x48xf32, #tpu.memory_space<hbm>>) target(%arg12 : memref<80x48xf32, #tpu.memory_space<vmem>>) offsets(%dma_start3A_32 : memref<80xi32, #tpu.memory_space<vmem>>) semaphore(%arg21 : memref<!tpu.dma_semaphore, #tpu.memory_space<semaphore_mem>>)
    %dma_start3A_36 = arith.constant 400 : i32
    %dma_start3A_37 = tpu.memref_slice %arg6[%dma_start3A_36] : memref<10000xi32, #tpu.memory_space<vmem>> -> memref<80xi32, #tpu.memory_space<vmem>>
    %dma_start3A_38 = arith.constant 0 : i32
    %dma_start3A_39 = arith.constant 0 : i32
    %dma_start3A_40 = tpu.memref_slice %arg3[%dma_start3A_38, %dma_start3A_39] : memref<10240x48xf32, #tpu.memory_space<hbm>> -> memref<10240x48xf32, #tpu.memory_space<hbm>>
    tpu.enqueue_indirect_dma source(%dma_start3A_40 : memref<10240x48xf32, #tpu.memory_space<hbm>>) target(%arg13 : memref<80x48xf32, #tpu.memory_space<vmem>>) offsets(%dma_start3A_37 : memref<80xi32, #tpu.memory_space<vmem>>) semaphore(%arg22 : memref<!tpu.dma_semaphore, #tpu.memory_space<semaphore_mem>>)
    %dma_start3A_41 = arith.constant 480 : i32
    %dma_start3A_42 = tpu.memref_slice %arg6[%dma_start3A_41] : memref<10000xi32, #tpu.memory_space<vmem>> -> memref<80xi32, #tpu.memory_space<vmem>>
    %dma_start3A_43 = arith.constant 0 : i32
    %dma_start3A_44 = arith.constant 0 : i32
    %dma_start3A_45 = tpu.memref_slice %arg3[%dma_start3A_43, %dma_start3A_44] : memref<10240x48xf32, #tpu.memory_space<hbm>> -> memref<10240x48xf32, #tpu.memory_space<hbm>>
    tpu.enqueue_indirect_dma source(%dma_start3A_45 : memref<10240x48xf32, #tpu.memory_space<hbm>>) target(%arg14 : memref<80x48xf32, #tpu.memory_space<vmem>>) offsets(%dma_start3A_42 : memref<80xi32, #tpu.memory_space<vmem>>) semaphore(%arg23 : memref<!tpu.dma_semaphore, #tpu.memory_space<semaphore_mem>>)
    %dma_start3A_46 = arith.constant 560 : i32
    %dma_start3A_47 = tpu.memref_slice %arg6[%dma_start3A_46] : memref<10000xi32, #tpu.memory_space<vmem>> -> memref<80xi32, #tpu.memory_space<vmem>>
    %dma_start3A_48 = arith.constant 0 : i32
    %dma_start3A_49 = arith.constant 0 : i32
    %dma_start3A_50 = tpu.memref_slice %arg3[%dma_start3A_48, %dma_start3A_49] : memref<10240x48xf32, #tpu.memory_space<hbm>> -> memref<10240x48xf32, #tpu.memory_space<hbm>>
    tpu.enqueue_indirect_dma source(%dma_start3A_50 : memref<10240x48xf32, #tpu.memory_space<hbm>>) target(%arg15 : memref<80x48xf32, #tpu.memory_space<vmem>>) offsets(%dma_start3A_47 : memref<80xi32, #tpu.memory_space<vmem>>) semaphore(%arg24 : memref<!tpu.dma_semaphore, #tpu.memory_space<semaphore_mem>>)
    %scan3A = arith.constant 0 : i32
    %scan3A_51 = arith.constant 15 : i32
    %scan3A_52 = arith.addi %scan3A, %scan3A_51 : i32
    %scan3A_53 = arith.constant 1 : i32
    scf.for %scan3A_82 = %scan3A to %scan3A_52 step %scan3A_53  : i32 {
      %mul3A_83 = arith.constant 8 : i32
      %mul3A_84 = arith.muli %scan3A_82, %mul3A_83 : i32
      %add3A_85 = arith.constant 0 : i32
      %add3A_86 = arith.addi %add3A_85, %mul3A_84 : i32
      %add3A_87 = arith.constant 0 : i32
      %add3A_88 = arith.addi %add3A_86, %add3A_87 : i32
      %mul3A_89 = arith.constant 80 : i32
      %mul3A_90 = arith.muli %add3A_88, %mul3A_89 : i32
      %dma_wait3A_91 = tpu.memref_slice %arg6[%mul3A_90] : memref<10000xi32, #tpu.memory_space<vmem>> -> memref<80xi32, #tpu.memory_space<vmem>>
      %dma_wait3A_92 = arith.constant 0 : i32
      %dma_wait3A_93 = arith.constant 0 : i32
      %dma_wait3A_94 = tpu.memref_slice %arg3[%dma_wait3A_92, %dma_wait3A_93] : memref<10240x48xf32, #tpu.memory_space<hbm>> -> memref<10240x48xf32, #tpu.memory_space<hbm>>
      tpu.wait_indirect_dma semaphore(%arg17 : memref<!tpu.dma_semaphore, #tpu.memory_space<semaphore_mem>>) src(%dma_wait3A_94 : memref<10240x48xf32, #tpu.memory_space<hbm>>) dst(%arg8 : memref<80x48xf32, #tpu.memory_space<vmem>>)
      %add3A_95 = arith.constant 0 : i32
      %add3A_96 = arith.addi %add3A_86, %add3A_95 : i32
      %mul3A_97 = arith.constant 80 : i32
      %mul3A_98 = arith.muli %add3A_96, %mul3A_97 : i32
      "tpu.region"() ({
        %run_scoped3A_252 = tpu.sem_alloc : memref<!tpu.dma_semaphore, #tpu.memory_space<semaphore_mem>>
        %dma_start3A_253 = tpu.memref_slice %arg7[%mul3A_98] : memref<10000xi32, #tpu.memory_space<vmem>> -> memref<80xi32, #tpu.memory_space<vmem>>
        %dma_start3A_254 = arith.constant 0 : i32
        %dma_start3A_255 = arith.constant 0 : i32
        %dma_start3A_256 = tpu.memref_slice %arg16[%dma_start3A_254, %dma_start3A_255] : memref<10240x48xf32, #tpu.memory_space<vmem_shared>> -> memref<10240x48xf32, #tpu.memory_space<vmem_shared>>
        tpu.enqueue_indirect_dma source(%arg8 : memref<80x48xf32, #tpu.memory_space<vmem>>) target(%dma_start3A_256 : memref<10240x48xf32, #tpu.memory_space<vmem_shared>>) offsets(%dma_start3A_253 : memref<80xi32, #tpu.memory_space<vmem>>) semaphore(%run_scoped3A_252 : memref<!tpu.dma_semaphore, #tpu.memory_space<semaphore_mem>>) {add = true}
        %dma_wait3A_257 = tpu.memref_slice %arg7[%mul3A_98] : memref<10000xi32, #tpu.memory_space<vmem>> -> memref<80xi32, #tpu.memory_space<vmem>>
        %dma_wait3A_258 = arith.constant 0 : i32
        %dma_wait3A_259 = arith.constant 0 : i32
        %dma_wait3A_260 = tpu.memref_slice %arg16[%dma_wait3A_258, %dma_wait3A_259] : memref<10240x48xf32, #tpu.memory_space<vmem_shared>> -> memref<10240x48xf32, #tpu.memory_space<vmem_shared>>
        tpu.wait_indirect_dma semaphore(%run_scoped3A_252 : memref<!tpu.dma_semaphore, #tpu.memory_space<semaphore_mem>>) src(%arg8 : memref<80x48xf32, #tpu.memory_space<vmem>>) dst(%dma_wait3A_260 : memref<10240x48xf32, #tpu.memory_space<vmem_shared>>)
        tpu.yield
      }) : () -> ()
      %add3A_99 = arith.constant 0 : i32
      %add3A_100 = arith.addi %add3A_86, %add3A_99 : i32
      %add3A_101 = arith.constant 8 : i32
      %add3A_102 = arith.addi %add3A_100, %add3A_101 : i32
      %lt3A = arith.constant 125 : i32
      %lt3A_103 = arith.cmpi slt, %add3A_102, %lt3A : i32
      %convert_element_type3A = arith.extui %lt3A_103 : i1 to i32
      %cond3A = arith.constant 0 : i32
      %cond3A_104 = arith.cmpi ne, %convert_element_type3A, %cond3A : i32
      scf.if %cond3A_104 {
        %add3A_252 = arith.constant 0 : i32
        %add3A_253 = arith.addi %add3A_86, %add3A_252 : i32
        %add3A_254 = arith.constant 8 : i32
        %add3A_255 = arith.addi %add3A_253, %add3A_254 : i32
        %mul3A_256 = arith.constant 80 : i32
        %mul3A_257 = arith.muli %add3A_255, %mul3A_256 : i32
        %dma_start3A_258 = tpu.memref_slice %arg6[%mul3A_257] : memref<10000xi32, #tpu.memory_space<vmem>> -> memref<80xi32, #tpu.memory_space<vmem>>
        %dma_start3A_259 = arith.constant 0 : i32
        %dma_start3A_260 = arith.constant 0 : i32
        %dma_start3A_261 = tpu.memref_slice %arg3[%dma_start3A_259, %dma_start3A_260] : memref<10240x48xf32, #tpu.memory_space<hbm>> -> memref<10240x48xf32, #tpu.memory_space<hbm>>
        tpu.enqueue_indirect_dma source(%dma_start3A_261 : memref<10240x48xf32, #tpu.memory_space<hbm>>) target(%arg8 : memref<80x48xf32, #tpu.memory_space<vmem>>) offsets(%dma_start3A_258 : memref<80xi32, #tpu.memory_space<vmem>>) semaphore(%arg17 : memref<!tpu.dma_semaphore, #tpu.memory_space<semaphore_mem>>)
      } else {
      }
      %add3A_105 = arith.constant 1 : i32
      %add3A_106 = arith.addi %add3A_86, %add3A_105 : i32
      %mul3A_107 = arith.constant 80 : i32
      %mul3A_108 = arith.muli %add3A_106, %mul3A_107 : i32
      %dma_wait3A_109 = tpu.memref_slice %arg6[%mul3A_108] : memref<10000xi32, #tpu.memory_space<vmem>> -> memref<80xi32, #tpu.memory_space<vmem>>
      %dma_wait3A_110 = arith.constant 0 : i32
      %dma_wait3A_111 = arith.constant 0 : i32
      %dma_wait3A_112 = tpu.memref_slice %arg3[%dma_wait3A_110, %dma_wait3A_111] : memref<10240x48xf32, #tpu.memory_space<hbm>> -> memref<10240x48xf32, #tpu.memory_space<hbm>>
      tpu.wait_indirect_dma semaphore(%arg18 : memref<!tpu.dma_semaphore, #tpu.memory_space<semaphore_mem>>) src(%dma_wait3A_112 : memref<10240x48xf32, #tpu.memory_space<hbm>>) dst(%arg9 : memref<80x48xf32, #tpu.memory_space<vmem>>)
      %add3A_113 = arith.constant 1 : i32
      %add3A_114 = arith.addi %add3A_86, %add3A_113 : i32
      %mul3A_115 = arith.constant 80 : i32
      %mul3A_116 = arith.muli %add3A_114, %mul3A_115 : i32
      "tpu.region"() ({
        %run_scoped3A_252 = tpu.sem_alloc : memref<!tpu.dma_semaphore, #tpu.memory_space<semaphore_mem>>
        %dma_start3A_253 = tpu.memref_slice %arg7[%mul3A_116] : memref<10000xi32, #tpu.memory_space<vmem>> -> memref<80xi32, #tpu.memory_space<vmem>>
        %dma_start3A_254 = arith.constant 0 : i32
        %dma_start3A_255 = arith.constant 0 : i32
        %dma_start3A_256 = tpu.memref_slice %arg16[%dma_start3A_254, %dma_start3A_255] : memref<10240x48xf32, #tpu.memory_space<vmem_shared>> -> memref<10240x48xf32, #tpu.memory_space<vmem_shared>>
        tpu.enqueue_indirect_dma source(%arg9 : memref<80x48xf32, #tpu.memory_space<vmem>>) target(%dma_start3A_256 : memref<10240x48xf32, #tpu.memory_space<vmem_shared>>) offsets(%dma_start3A_253 : memref<80xi32, #tpu.memory_space<vmem>>) semaphore(%run_scoped3A_252 : memref<!tpu.dma_semaphore, #tpu.memory_space<semaphore_mem>>) {add = true}
        %dma_wait3A_257 = tpu.memref_slice %arg7[%mul3A_116] : memref<10000xi32, #tpu.memory_space<vmem>> -> memref<80xi32, #tpu.memory_space<vmem>>
        %dma_wait3A_258 = arith.constant 0 : i32
        %dma_wait3A_259 = arith.constant 0 : i32
        %dma_wait3A_260 = tpu.memref_slice %arg16[%dma_wait3A_258, %dma_wait3A_259] : memref<10240x48xf32, #tpu.memory_space<vmem_shared>> -> memref<10240x48xf32, #tpu.memory_space<vmem_shared>>
        tpu.wait_indirect_dma semaphore(%run_scoped3A_252 : memref<!tpu.dma_semaphore, #tpu.memory_space<semaphore_mem>>) src(%arg9 : memref<80x48xf32, #tpu.memory_space<vmem>>) dst(%dma_wait3A_260 : memref<10240x48xf32, #tpu.memory_space<vmem_shared>>)
        tpu.yield
      }) : () -> ()
      %add3A_117 = arith.constant 1 : i32
      %add3A_118 = arith.addi %add3A_86, %add3A_117 : i32
      %add3A_119 = arith.constant 8 : i32
      %add3A_120 = arith.addi %add3A_118, %add3A_119 : i32
      %lt3A_121 = arith.constant 125 : i32
      %lt3A_122 = arith.cmpi slt, %add3A_120, %lt3A_121 : i32
      %convert_element_type3A_123 = arith.extui %lt3A_122 : i1 to i32
      %cond3A_124 = arith.constant 0 : i32
      %cond3A_125 = arith.cmpi ne, %convert_element_type3A_123, %cond3A_124 : i32
      scf.if %cond3A_125 {
        %add3A_252 = arith.constant 1 : i32
        %add3A_253 = arith.addi %add3A_86, %add3A_252 : i32
        %add3A_254 = arith.constant 8 : i32
        %add3A_255 = arith.addi %add3A_253, %add3A_254 : i32
        %mul3A_256 = arith.constant 80 : i32
        %mul3A_257 = arith.muli %add3A_255, %mul3A_256 : i32
        %dma_start3A_258 = tpu.memref_slice %arg6[%mul3A_257] : memref<10000xi32, #tpu.memory_space<vmem>> -> memref<80xi32, #tpu.memory_space<vmem>>
        %dma_start3A_259 = arith.constant 0 : i32
        %dma_start3A_260 = arith.constant 0 : i32
        %dma_start3A_261 = tpu.memref_slice %arg3[%dma_start3A_259, %dma_start3A_260] : memref<10240x48xf32, #tpu.memory_space<hbm>> -> memref<10240x48xf32, #tpu.memory_space<hbm>>
        tpu.enqueue_indirect_dma source(%dma_start3A_261 : memref<10240x48xf32, #tpu.memory_space<hbm>>) target(%arg9 : memref<80x48xf32, #tpu.memory_space<vmem>>) offsets(%dma_start3A_258 : memref<80xi32, #tpu.memory_space<vmem>>) semaphore(%arg18 : memref<!tpu.dma_semaphore, #tpu.memory_space<semaphore_mem>>)
      } else {
      }
      %add3A_126 = arith.constant 2 : i32
      %add3A_127 = arith.addi %add3A_86, %add3A_126 : i32
      %mul3A_128 = arith.constant 80 : i32
      %mul3A_129 = arith.muli %add3A_127, %mul3A_128 : i32
      %dma_wait3A_130 = tpu.memref_slice %arg6[%mul3A_129] : memref<10000xi32, #tpu.memory_space<vmem>> -> memref<80xi32, #tpu.memory_space<vmem>>
      %dma_wait3A_131 = arith.constant 0 : i32
      %dma_wait3A_132 = arith.constant 0 : i32
      %dma_wait3A_133 = tpu.memref_slice %arg3[%dma_wait3A_131, %dma_wait3A_132] : memref<10240x48xf32, #tpu.memory_space<hbm>> -> memref<10240x48xf32, #tpu.memory_space<hbm>>
      tpu.wait_indirect_dma semaphore(%arg19 : memref<!tpu.dma_semaphore, #tpu.memory_space<semaphore_mem>>) src(%dma_wait3A_133 : memref<10240x48xf32, #tpu.memory_space<hbm>>) dst(%arg10 : memref<80x48xf32, #tpu.memory_space<vmem>>)
      %add3A_134 = arith.constant 2 : i32
      %add3A_135 = arith.addi %add3A_86, %add3A_134 : i32
      %mul3A_136 = arith.constant 80 : i32
      %mul3A_137 = arith.muli %add3A_135, %mul3A_136 : i32
      "tpu.region"() ({
        %run_scoped3A_252 = tpu.sem_alloc : memref<!tpu.dma_semaphore, #tpu.memory_space<semaphore_mem>>
        %dma_start3A_253 = tpu.memref_slice %arg7[%mul3A_137] : memref<10000xi32, #tpu.memory_space<vmem>> -> memref<80xi32, #tpu.memory_space<vmem>>
        %dma_start3A_254 = arith.constant 0 : i32
        %dma_start3A_255 = arith.constant 0 : i32
        %dma_start3A_256 = tpu.memref_slice %arg16[%dma_start3A_254, %dma_start3A_255] : memref<10240x48xf32, #tpu.memory_space<vmem_shared>> -> memref<10240x48xf32, #tpu.memory_space<vmem_shared>>
        tpu.enqueue_indirect_dma source(%arg10 : memref<80x48xf32, #tpu.memory_space<vmem>>) target(%dma_start3A_256 : memref<10240x48xf32, #tpu.memory_space<vmem_shared>>) offsets(%dma_start3A_253 : memref<80xi32, #tpu.memory_space<vmem>>) semaphore(%run_scoped3A_252 : memref<!tpu.dma_semaphore, #tpu.memory_space<semaphore_mem>>) {add = true}
        %dma_wait3A_257 = tpu.memref_slice %arg7[%mul3A_137] : memref<10000xi32, #tpu.memory_space<vmem>> -> memref<80xi32, #tpu.memory_space<vmem>>
        %dma_wait3A_258 = arith.constant 0 : i32
        %dma_wait3A_259 = arith.constant 0 : i32
        %dma_wait3A_260 = tpu.memref_slice %arg16[%dma_wait3A_258, %dma_wait3A_259] : memref<10240x48xf32, #tpu.memory_space<vmem_shared>> -> memref<10240x48xf32, #tpu.memory_space<vmem_shared>>
        tpu.wait_indirect_dma semaphore(%run_scoped3A_252 : memref<!tpu.dma_semaphore, #tpu.memory_space<semaphore_mem>>) src(%arg10 : memref<80x48xf32, #tpu.memory_space<vmem>>) dst(%dma_wait3A_260 : memref<10240x48xf32, #tpu.memory_space<vmem_shared>>)
        tpu.yield
      }) : () -> ()
      %add3A_138 = arith.constant 2 : i32
      %add3A_139 = arith.addi %add3A_86, %add3A_138 : i32
      %add3A_140 = arith.constant 8 : i32
      %add3A_141 = arith.addi %add3A_139, %add3A_140 : i32
      %lt3A_142 = arith.constant 125 : i32
      %lt3A_143 = arith.cmpi slt, %add3A_141, %lt3A_142 : i32
      %convert_element_type3A_144 = arith.extui %lt3A_143 : i1 to i32
      %cond3A_145 = arith.constant 0 : i32
      %cond3A_146 = arith.cmpi ne, %convert_element_type3A_144, %cond3A_145 : i32
      scf.if %cond3A_146 {
        %add3A_252 = arith.constant 2 : i32
        %add3A_253 = arith.addi %add3A_86, %add3A_252 : i32
        %add3A_254 = arith.constant 8 : i32
        %add3A_255 = arith.addi %add3A_253, %add3A_254 : i32
        %mul3A_256 = arith.constant 80 : i32
        %mul3A_257 = arith.muli %add3A_255, %mul3A_256 : i32
        %dma_start3A_258 = tpu.memref_slice %arg6[%mul3A_257] : memref<10000xi32, #tpu.memory_space<vmem>> -> memref<80xi32, #tpu.memory_space<vmem>>
        %dma_start3A_259 = arith.constant 0 : i32
        %dma_start3A_260 = arith.constant 0 : i32
        %dma_start3A_261 = tpu.memref_slice %arg3[%dma_start3A_259, %dma_start3A_260] : memref<10240x48xf32, #tpu.memory_space<hbm>> -> memref<10240x48xf32, #tpu.memory_space<hbm>>
        tpu.enqueue_indirect_dma source(%dma_start3A_261 : memref<10240x48xf32, #tpu.memory_space<hbm>>) target(%arg10 : memref<80x48xf32, #tpu.memory_space<vmem>>) offsets(%dma_start3A_258 : memref<80xi32, #tpu.memory_space<vmem>>) semaphore(%arg19 : memref<!tpu.dma_semaphore, #tpu.memory_space<semaphore_mem>>)
      } else {
      }
      %add3A_147 = arith.constant 3 : i32
      %add3A_148 = arith.addi %add3A_86, %add3A_147 : i32
      %mul3A_149 = arith.constant 80 : i32
      %mul3A_150 = arith.muli %add3A_148, %mul3A_149 : i32
      %dma_wait3A_151 = tpu.memref_slice %arg6[%mul3A_150] : memref<10000xi32, #tpu.memory_space<vmem>> -> memref<80xi32, #tpu.memory_space<vmem>>
      %dma_wait3A_152 = arith.constant 0 : i32
      %dma_wait3A_153 = arith.constant 0 : i32
      %dma_wait3A_154 = tpu.memref_slice %arg3[%dma_wait3A_152, %dma_wait3A_153] : memref<10240x48xf32, #tpu.memory_space<hbm>> -> memref<10240x48xf32, #tpu.memory_space<hbm>>
      tpu.wait_indirect_dma semaphore(%arg20 : memref<!tpu.dma_semaphore, #tpu.memory_space<semaphore_mem>>) src(%dma_wait3A_154 : memref<10240x48xf32, #tpu.memory_space<hbm>>) dst(%arg11 : memref<80x48xf32, #tpu.memory_space<vmem>>)
      %add3A_155 = arith.constant 3 : i32
      %add3A_156 = arith.addi %add3A_86, %add3A_155 : i32
      %mul3A_157 = arith.constant 80 : i32
      %mul3A_158 = arith.muli %add3A_156, %mul3A_157 : i32
      "tpu.region"() ({
        %run_scoped3A_252 = tpu.sem_alloc : memref<!tpu.dma_semaphore, #tpu.memory_space<semaphore_mem>>
        %dma_start3A_253 = tpu.memref_slice %arg7[%mul3A_158] : memref<10000xi32, #tpu.memory_space<vmem>> -> memref<80xi32, #tpu.memory_space<vmem>>
        %dma_start3A_254 = arith.constant 0 : i32
        %dma_start3A_255 = arith.constant 0 : i32
        %dma_start3A_256 = tpu.memref_slice %arg16[%dma_start3A_254, %dma_start3A_255] : memref<10240x48xf32, #tpu.memory_space<vmem_shared>> -> memref<10240x48xf32, #tpu.memory_space<vmem_shared>>
        tpu.enqueue_indirect_dma source(%arg11 : memref<80x48xf32, #tpu.memory_space<vmem>>) target(%dma_start3A_256 : memref<10240x48xf32, #tpu.memory_space<vmem_shared>>) offsets(%dma_start3A_253 : memref<80xi32, #tpu.memory_space<vmem>>) semaphore(%run_scoped3A_252 : memref<!tpu.dma_semaphore, #tpu.memory_space<semaphore_mem>>) {add = true}
        %dma_wait3A_257 = tpu.memref_slice %arg7[%mul3A_158] : memref<10000xi32, #tpu.memory_space<vmem>> -> memref<80xi32, #tpu.memory_space<vmem>>
        %dma_wait3A_258 = arith.constant 0 : i32
        %dma_wait3A_259 = arith.constant 0 : i32
        %dma_wait3A_260 = tpu.memref_slice %arg16[%dma_wait3A_258, %dma_wait3A_259] : memref<10240x48xf32, #tpu.memory_space<vmem_shared>> -> memref<10240x48xf32, #tpu.memory_space<vmem_shared>>
        tpu.wait_indirect_dma semaphore(%run_scoped3A_252 : memref<!tpu.dma_semaphore, #tpu.memory_space<semaphore_mem>>) src(%arg11 : memref<80x48xf32, #tpu.memory_space<vmem>>) dst(%dma_wait3A_260 : memref<10240x48xf32, #tpu.memory_space<vmem_shared>>)
        tpu.yield
      }) : () -> ()
      %add3A_159 = arith.constant 3 : i32
      %add3A_160 = arith.addi %add3A_86, %add3A_159 : i32
      %add3A_161 = arith.constant 8 : i32
      %add3A_162 = arith.addi %add3A_160, %add3A_161 : i32
      %lt3A_163 = arith.constant 125 : i32
      %lt3A_164 = arith.cmpi slt, %add3A_162, %lt3A_163 : i32
      %convert_element_type3A_165 = arith.extui %lt3A_164 : i1 to i32
      %cond3A_166 = arith.constant 0 : i32
      %cond3A_167 = arith.cmpi ne, %convert_element_type3A_165, %cond3A_166 : i32
      scf.if %cond3A_167 {
        %add3A_252 = arith.constant 3 : i32
        %add3A_253 = arith.addi %add3A_86, %add3A_252 : i32
        %add3A_254 = arith.constant 8 : i32
        %add3A_255 = arith.addi %add3A_253, %add3A_254 : i32
        %mul3A_256 = arith.constant 80 : i32
        %mul3A_257 = arith.muli %add3A_255, %mul3A_256 : i32
        %dma_start3A_258 = tpu.memref_slice %arg6[%mul3A_257] : memref<10000xi32, #tpu.memory_space<vmem>> -> memref<80xi32, #tpu.memory_space<vmem>>
        %dma_start3A_259 = arith.constant 0 : i32
        %dma_start3A_260 = arith.constant 0 : i32
        %dma_start3A_261 = tpu.memref_slice %arg3[%dma_start3A_259, %dma_start3A_260] : memref<10240x48xf32, #tpu.memory_space<hbm>> -> memref<10240x48xf32, #tpu.memory_space<hbm>>
        tpu.enqueue_indirect_dma source(%dma_start3A_261 : memref<10240x48xf32, #tpu.memory_space<hbm>>) target(%arg11 : memref<80x48xf32, #tpu.memory_space<vmem>>) offsets(%dma_start3A_258 : memref<80xi32, #tpu.memory_space<vmem>>) semaphore(%arg20 : memref<!tpu.dma_semaphore, #tpu.memory_space<semaphore_mem>>)
      } else {
      }
      %add3A_168 = arith.constant 4 : i32
      %add3A_169 = arith.addi %add3A_86, %add3A_168 : i32
      %mul3A_170 = arith.constant 80 : i32
      %mul3A_171 = arith.muli %add3A_169, %mul3A_170 : i32
      %dma_wait3A_172 = tpu.memref_slice %arg6[%mul3A_171] : memref<10000xi32, #tpu.memory_space<vmem>> -> memref<80xi32, #tpu.memory_space<vmem>>
      %dma_wait3A_173 = arith.constant 0 : i32
      %dma_wait3A_174 = arith.constant 0 : i32
      %dma_wait3A_175 = tpu.memref_slice %arg3[%dma_wait3A_173, %dma_wait3A_174] : memref<10240x48xf32, #tpu.memory_space<hbm>> -> memref<10240x48xf32, #tpu.memory_space<hbm>>
      tpu.wait_indirect_dma semaphore(%arg21 : memref<!tpu.dma_semaphore, #tpu.memory_space<semaphore_mem>>) src(%dma_wait3A_175 : memref<10240x48xf32, #tpu.memory_space<hbm>>) dst(%arg12 : memref<80x48xf32, #tpu.memory_space<vmem>>)
      %add3A_176 = arith.constant 4 : i32
      %add3A_177 = arith.addi %add3A_86, %add3A_176 : i32
      %mul3A_178 = arith.constant 80 : i32
      %mul3A_179 = arith.muli %add3A_177, %mul3A_178 : i32
      "tpu.region"() ({
        %run_scoped3A_252 = tpu.sem_alloc : memref<!tpu.dma_semaphore, #tpu.memory_space<semaphore_mem>>
        %dma_start3A_253 = tpu.memref_slice %arg7[%mul3A_179] : memref<10000xi32, #tpu.memory_space<vmem>> -> memref<80xi32, #tpu.memory_space<vmem>>
        %dma_start3A_254 = arith.constant 0 : i32
        %dma_start3A_255 = arith.constant 0 : i32
        %dma_start3A_256 = tpu.memref_slice %arg16[%dma_start3A_254, %dma_start3A_255] : memref<10240x48xf32, #tpu.memory_space<vmem_shared>> -> memref<10240x48xf32, #tpu.memory_space<vmem_shared>>
        tpu.enqueue_indirect_dma source(%arg12 : memref<80x48xf32, #tpu.memory_space<vmem>>) target(%dma_start3A_256 : memref<10240x48xf32, #tpu.memory_space<vmem_shared>>) offsets(%dma_start3A_253 : memref<80xi32, #tpu.memory_space<vmem>>) semaphore(%run_scoped3A_252 : memref<!tpu.dma_semaphore, #tpu.memory_space<semaphore_mem>>) {add = true}
        %dma_wait3A_257 = tpu.memref_slice %arg7[%mul3A_179] : memref<10000xi32, #tpu.memory_space<vmem>> -> memref<80xi32, #tpu.memory_space<vmem>>
        %dma_wait3A_258 = arith.constant 0 : i32
        %dma_wait3A_259 = arith.constant 0 : i32
        %dma_wait3A_260 = tpu.memref_slice %arg16[%dma_wait3A_258, %dma_wait3A_259] : memref<10240x48xf32, #tpu.memory_space<vmem_shared>> -> memref<10240x48xf32, #tpu.memory_space<vmem_shared>>
        tpu.wait_indirect_dma semaphore(%run_scoped3A_252 : memref<!tpu.dma_semaphore, #tpu.memory_space<semaphore_mem>>) src(%arg12 : memref<80x48xf32, #tpu.memory_space<vmem>>) dst(%dma_wait3A_260 : memref<10240x48xf32, #tpu.memory_space<vmem_shared>>)
        tpu.yield
      }) : () -> ()
      %add3A_180 = arith.constant 4 : i32
      %add3A_181 = arith.addi %add3A_86, %add3A_180 : i32
      %add3A_182 = arith.constant 8 : i32
      %add3A_183 = arith.addi %add3A_181, %add3A_182 : i32
      %lt3A_184 = arith.constant 125 : i32
      %lt3A_185 = arith.cmpi slt, %add3A_183, %lt3A_184 : i32
      %convert_element_type3A_186 = arith.extui %lt3A_185 : i1 to i32
      %cond3A_187 = arith.constant 0 : i32
      %cond3A_188 = arith.cmpi ne, %convert_element_type3A_186, %cond3A_187 : i32
      scf.if %cond3A_188 {
        %add3A_252 = arith.constant 4 : i32
        %add3A_253 = arith.addi %add3A_86, %add3A_252 : i32
        %add3A_254 = arith.constant 8 : i32
        %add3A_255 = arith.addi %add3A_253, %add3A_254 : i32
        %mul3A_256 = arith.constant 80 : i32
        %mul3A_257 = arith.muli %add3A_255, %mul3A_256 : i32
        %dma_start3A_258 = tpu.memref_slice %arg6[%mul3A_257] : memref<10000xi32, #tpu.memory_space<vmem>> -> memref<80xi32, #tpu.memory_space<vmem>>
        %dma_start3A_259 = arith.constant 0 : i32
        %dma_start3A_260 = arith.constant 0 : i32
        %dma_start3A_261 = tpu.memref_slice %arg3[%dma_start3A_259, %dma_start3A_260] : memref<10240x48xf32, #tpu.memory_space<hbm>> -> memref<10240x48xf32, #tpu.memory_space<hbm>>
        tpu.enqueue_indirect_dma source(%dma_start3A_261 : memref<10240x48xf32, #tpu.memory_space<hbm>>) target(%arg12 : memref<80x48xf32, #tpu.memory_space<vmem>>) offsets(%dma_start3A_258 : memref<80xi32, #tpu.memory_space<vmem>>) semaphore(%arg21 : memref<!tpu.dma_semaphore, #tpu.memory_space<semaphore_mem>>)
      } else {
      }
      %add3A_189 = arith.constant 5 : i32
      %add3A_190 = arith.addi %add3A_86, %add3A_189 : i32
      %mul3A_191 = arith.constant 80 : i32
      %mul3A_192 = arith.muli %add3A_190, %mul3A_191 : i32
      %dma_wait3A_193 = tpu.memref_slice %arg6[%mul3A_192] : memref<10000xi32, #tpu.memory_space<vmem>> -> memref<80xi32, #tpu.memory_space<vmem>>
      %dma_wait3A_194 = arith.constant 0 : i32
      %dma_wait3A_195 = arith.constant 0 : i32
      %dma_wait3A_196 = tpu.memref_slice %arg3[%dma_wait3A_194, %dma_wait3A_195] : memref<10240x48xf32, #tpu.memory_space<hbm>> -> memref<10240x48xf32, #tpu.memory_space<hbm>>
      tpu.wait_indirect_dma semaphore(%arg22 : memref<!tpu.dma_semaphore, #tpu.memory_space<semaphore_mem>>) src(%dma_wait3A_196 : memref<10240x48xf32, #tpu.memory_space<hbm>>) dst(%arg13 : memref<80x48xf32, #tpu.memory_space<vmem>>)
      %add3A_197 = arith.constant 5 : i32
      %add3A_198 = arith.addi %add3A_86, %add3A_197 : i32
      %mul3A_199 = arith.constant 80 : i32
      %mul3A_200 = arith.muli %add3A_198, %mul3A_199 : i32
      "tpu.region"() ({
        %run_scoped3A_252 = tpu.sem_alloc : memref<!tpu.dma_semaphore, #tpu.memory_space<semaphore_mem>>
        %dma_start3A_253 = tpu.memref_slice %arg7[%mul3A_200] : memref<10000xi32, #tpu.memory_space<vmem>> -> memref<80xi32, #tpu.memory_space<vmem>>
        %dma_start3A_254 = arith.constant 0 : i32
        %dma_start3A_255 = arith.constant 0 : i32
        %dma_start3A_256 = tpu.memref_slice %arg16[%dma_start3A_254, %dma_start3A_255] : memref<10240x48xf32, #tpu.memory_space<vmem_shared>> -> memref<10240x48xf32, #tpu.memory_space<vmem_shared>>
        tpu.enqueue_indirect_dma source(%arg13 : memref<80x48xf32, #tpu.memory_space<vmem>>) target(%dma_start3A_256 : memref<10240x48xf32, #tpu.memory_space<vmem_shared>>) offsets(%dma_start3A_253 : memref<80xi32, #tpu.memory_space<vmem>>) semaphore(%run_scoped3A_252 : memref<!tpu.dma_semaphore, #tpu.memory_space<semaphore_mem>>) {add = true}
        %dma_wait3A_257 = tpu.memref_slice %arg7[%mul3A_200] : memref<10000xi32, #tpu.memory_space<vmem>> -> memref<80xi32, #tpu.memory_space<vmem>>
        %dma_wait3A_258 = arith.constant 0 : i32
        %dma_wait3A_259 = arith.constant 0 : i32
        %dma_wait3A_260 = tpu.memref_slice %arg16[%dma_wait3A_258, %dma_wait3A_259] : memref<10240x48xf32, #tpu.memory_space<vmem_shared>> -> memref<10240x48xf32, #tpu.memory_space<vmem_shared>>
        tpu.wait_indirect_dma semaphore(%run_scoped3A_252 : memref<!tpu.dma_semaphore, #tpu.memory_space<semaphore_mem>>) src(%arg13 : memref<80x48xf32, #tpu.memory_space<vmem>>) dst(%dma_wait3A_260 : memref<10240x48xf32, #tpu.memory_space<vmem_shared>>)
        tpu.yield
      }) : () -> ()
      %add3A_201 = arith.constant 5 : i32
      %add3A_202 = arith.addi %add3A_86, %add3A_201 : i32
      %add3A_203 = arith.constant 8 : i32
      %add3A_204 = arith.addi %add3A_202, %add3A_203 : i32
      %lt3A_205 = arith.constant 125 : i32
      %lt3A_206 = arith.cmpi slt, %add3A_204, %lt3A_205 : i32
      %convert_element_type3A_207 = arith.extui %lt3A_206 : i1 to i32
      %cond3A_208 = arith.constant 0 : i32
      %cond3A_209 = arith.cmpi ne, %convert_element_type3A_207, %cond3A_208 : i32
      scf.if %cond3A_209 {
        %add3A_252 = arith.constant 5 : i32
        %add3A_253 = arith.addi %add3A_86, %add3A_252 : i32
        %add3A_254 = arith.constant 8 : i32
        %add3A_255 = arith.addi %add3A_253, %add3A_254 : i32
        %mul3A_256 = arith.constant 80 : i32
        %mul3A_257 = arith.muli %add3A_255, %mul3A_256 : i32
        %dma_start3A_258 = tpu.memref_slice %arg6[%mul3A_257] : memref<10000xi32, #tpu.memory_space<vmem>> -> memref<80xi32, #tpu.memory_space<vmem>>
        %dma_start3A_259 = arith.constant 0 : i32
        %dma_start3A_260 = arith.constant 0 : i32
        %dma_start3A_261 = tpu.memref_slice %arg3[%dma_start3A_259, %dma_start3A_260] : memref<10240x48xf32, #tpu.memory_space<hbm>> -> memref<10240x48xf32, #tpu.memory_space<hbm>>
        tpu.enqueue_indirect_dma source(%dma_start3A_261 : memref<10240x48xf32, #tpu.memory_space<hbm>>) target(%arg13 : memref<80x48xf32, #tpu.memory_space<vmem>>) offsets(%dma_start3A_258 : memref<80xi32, #tpu.memory_space<vmem>>) semaphore(%arg22 : memref<!tpu.dma_semaphore, #tpu.memory_space<semaphore_mem>>)
      } else {
      }
      %add3A_210 = arith.constant 6 : i32
      %add3A_211 = arith.addi %add3A_86, %add3A_210 : i32
      %mul3A_212 = arith.constant 80 : i32
      %mul3A_213 = arith.muli %add3A_211, %mul3A_212 : i32
      %dma_wait3A_214 = tpu.memref_slice %arg6[%mul3A_213] : memref<10000xi32, #tpu.memory_space<vmem>> -> memref<80xi32, #tpu.memory_space<vmem>>
      %dma_wait3A_215 = arith.constant 0 : i32
      %dma_wait3A_216 = arith.constant 0 : i32
      %dma_wait3A_217 = tpu.memref_slice %arg3[%dma_wait3A_215, %dma_wait3A_216] : memref<10240x48xf32, #tpu.memory_space<hbm>> -> memref<10240x48xf32, #tpu.memory_space<hbm>>
      tpu.wait_indirect_dma semaphore(%arg23 : memref<!tpu.dma_semaphore, #tpu.memory_space<semaphore_mem>>) src(%dma_wait3A_217 : memref<10240x48xf32, #tpu.memory_space<hbm>>) dst(%arg14 : memref<80x48xf32, #tpu.memory_space<vmem>>)
      %add3A_218 = arith.constant 6 : i32
      %add3A_219 = arith.addi %add3A_86, %add3A_218 : i32
      %mul3A_220 = arith.constant 80 : i32
      %mul3A_221 = arith.muli %add3A_219, %mul3A_220 : i32
      "tpu.region"() ({
        %run_scoped3A_252 = tpu.sem_alloc : memref<!tpu.dma_semaphore, #tpu.memory_space<semaphore_mem>>
        %dma_start3A_253 = tpu.memref_slice %arg7[%mul3A_221] : memref<10000xi32, #tpu.memory_space<vmem>> -> memref<80xi32, #tpu.memory_space<vmem>>
        %dma_start3A_254 = arith.constant 0 : i32
        %dma_start3A_255 = arith.constant 0 : i32
        %dma_start3A_256 = tpu.memref_slice %arg16[%dma_start3A_254, %dma_start3A_255] : memref<10240x48xf32, #tpu.memory_space<vmem_shared>> -> memref<10240x48xf32, #tpu.memory_space<vmem_shared>>
        tpu.enqueue_indirect_dma source(%arg14 : memref<80x48xf32, #tpu.memory_space<vmem>>) target(%dma_start3A_256 : memref<10240x48xf32, #tpu.memory_space<vmem_shared>>) offsets(%dma_start3A_253 : memref<80xi32, #tpu.memory_space<vmem>>) semaphore(%run_scoped3A_252 : memref<!tpu.dma_semaphore, #tpu.memory_space<semaphore_mem>>) {add = true}
        %dma_wait3A_257 = tpu.memref_slice %arg7[%mul3A_221] : memref<10000xi32, #tpu.memory_space<vmem>> -> memref<80xi32, #tpu.memory_space<vmem>>
        %dma_wait3A_258 = arith.constant 0 : i32
        %dma_wait3A_259 = arith.constant 0 : i32
        %dma_wait3A_260 = tpu.memref_slice %arg16[%dma_wait3A_258, %dma_wait3A_259] : memref<10240x48xf32, #tpu.memory_space<vmem_shared>> -> memref<10240x48xf32, #tpu.memory_space<vmem_shared>>
        tpu.wait_indirect_dma semaphore(%run_scoped3A_252 : memref<!tpu.dma_semaphore, #tpu.memory_space<semaphore_mem>>) src(%arg14 : memref<80x48xf32, #tpu.memory_space<vmem>>) dst(%dma_wait3A_260 : memref<10240x48xf32, #tpu.memory_space<vmem_shared>>)
        tpu.yield
      }) : () -> ()
      %add3A_222 = arith.constant 6 : i32
      %add3A_223 = arith.addi %add3A_86, %add3A_222 : i32
      %add3A_224 = arith.constant 8 : i32
      %add3A_225 = arith.addi %add3A_223, %add3A_224 : i32
      %lt3A_226 = arith.constant 125 : i32
      %lt3A_227 = arith.cmpi slt, %add3A_225, %lt3A_226 : i32
      %convert_element_type3A_228 = arith.extui %lt3A_227 : i1 to i32
      %cond3A_229 = arith.constant 0 : i32
      %cond3A_230 = arith.cmpi ne, %convert_element_type3A_228, %cond3A_229 : i32
      scf.if %cond3A_230 {
        %add3A_252 = arith.constant 6 : i32
        %add3A_253 = arith.addi %add3A_86, %add3A_252 : i32
        %add3A_254 = arith.constant 8 : i32
        %add3A_255 = arith.addi %add3A_253, %add3A_254 : i32
        %mul3A_256 = arith.constant 80 : i32
        %mul3A_257 = arith.muli %add3A_255, %mul3A_256 : i32
        %dma_start3A_258 = tpu.memref_slice %arg6[%mul3A_257] : memref<10000xi32, #tpu.memory_space<vmem>> -> memref<80xi32, #tpu.memory_space<vmem>>
        %dma_start3A_259 = arith.constant 0 : i32
        %dma_start3A_260 = arith.constant 0 : i32
        %dma_start3A_261 = tpu.memref_slice %arg3[%dma_start3A_259, %dma_start3A_260] : memref<10240x48xf32, #tpu.memory_space<hbm>> -> memref<10240x48xf32, #tpu.memory_space<hbm>>
        tpu.enqueue_indirect_dma source(%dma_start3A_261 : memref<10240x48xf32, #tpu.memory_space<hbm>>) target(%arg14 : memref<80x48xf32, #tpu.memory_space<vmem>>) offsets(%dma_start3A_258 : memref<80xi32, #tpu.memory_space<vmem>>) semaphore(%arg23 : memref<!tpu.dma_semaphore, #tpu.memory_space<semaphore_mem>>)
      } else {
      }
      %add3A_231 = arith.constant 7 : i32
      %add3A_232 = arith.addi %add3A_86, %add3A_231 : i32
      %mul3A_233 = arith.constant 80 : i32
      %mul3A_234 = arith.muli %add3A_232, %mul3A_233 : i32
      %dma_wait3A_235 = tpu.memref_slice %arg6[%mul3A_234] : memref<10000xi32, #tpu.memory_space<vmem>> -> memref<80xi32, #tpu.memory_space<vmem>>
      %dma_wait3A_236 = arith.constant 0 : i32
      %dma_wait3A_237 = arith.constant 0 : i32
      %dma_wait3A_238 = tpu.memref_slice %arg3[%dma_wait3A_236, %dma_wait3A_237] : memref<10240x48xf32, #tpu.memory_space<hbm>> -> memref<10240x48xf32, #tpu.memory_space<hbm>>
      tpu.wait_indirect_dma semaphore(%arg24 : memref<!tpu.dma_semaphore, #tpu.memory_space<semaphore_mem>>) src(%dma_wait3A_238 : memref<10240x48xf32, #tpu.memory_space<hbm>>) dst(%arg15 : memref<80x48xf32, #tpu.memory_space<vmem>>)
      %add3A_239 = arith.constant 7 : i32
      %add3A_240 = arith.addi %add3A_86, %add3A_239 : i32
      %mul3A_241 = arith.constant 80 : i32
      %mul3A_242 = arith.muli %add3A_240, %mul3A_241 : i32
      "tpu.region"() ({
        %run_scoped3A_252 = tpu.sem_alloc : memref<!tpu.dma_semaphore, #tpu.memory_space<semaphore_mem>>
        %dma_start3A_253 = tpu.memref_slice %arg7[%mul3A_242] : memref<10000xi32, #tpu.memory_space<vmem>> -> memref<80xi32, #tpu.memory_space<vmem>>
        %dma_start3A_254 = arith.constant 0 : i32
        %dma_start3A_255 = arith.constant 0 : i32
        %dma_start3A_256 = tpu.memref_slice %arg16[%dma_start3A_254, %dma_start3A_255] : memref<10240x48xf32, #tpu.memory_space<vmem_shared>> -> memref<10240x48xf32, #tpu.memory_space<vmem_shared>>
        tpu.enqueue_indirect_dma source(%arg15 : memref<80x48xf32, #tpu.memory_space<vmem>>) target(%dma_start3A_256 : memref<10240x48xf32, #tpu.memory_space<vmem_shared>>) offsets(%dma_start3A_253 : memref<80xi32, #tpu.memory_space<vmem>>) semaphore(%run_scoped3A_252 : memref<!tpu.dma_semaphore, #tpu.memory_space<semaphore_mem>>) {add = true}
        %dma_wait3A_257 = tpu.memref_slice %arg7[%mul3A_242] : memref<10000xi32, #tpu.memory_space<vmem>> -> memref<80xi32, #tpu.memory_space<vmem>>
        %dma_wait3A_258 = arith.constant 0 : i32
        %dma_wait3A_259 = arith.constant 0 : i32
        %dma_wait3A_260 = tpu.memref_slice %arg16[%dma_wait3A_258, %dma_wait3A_259] : memref<10240x48xf32, #tpu.memory_space<vmem_shared>> -> memref<10240x48xf32, #tpu.memory_space<vmem_shared>>
        tpu.wait_indirect_dma semaphore(%run_scoped3A_252 : memref<!tpu.dma_semaphore, #tpu.memory_space<semaphore_mem>>) src(%arg15 : memref<80x48xf32, #tpu.memory_space<vmem>>) dst(%dma_wait3A_260 : memref<10240x48xf32, #tpu.memory_space<vmem_shared>>)
        tpu.yield
      }) : () -> ()
      %add3A_243 = arith.constant 7 : i32
      %add3A_244 = arith.addi %add3A_86, %add3A_243 : i32
      %add3A_245 = arith.constant 8 : i32
      %add3A_246 = arith.addi %add3A_244, %add3A_245 : i32
      %lt3A_247 = arith.constant 125 : i32
      %lt3A_248 = arith.cmpi slt, %add3A_246, %lt3A_247 : i32
      %convert_element_type3A_249 = arith.extui %lt3A_248 : i1 to i32
      %cond3A_250 = arith.constant 0 : i32
      %cond3A_251 = arith.cmpi ne, %convert_element_type3A_249, %cond3A_250 : i32
      scf.if %cond3A_251 {
        %add3A_252 = arith.constant 7 : i32
        %add3A_253 = arith.addi %add3A_86, %add3A_252 : i32
        %add3A_254 = arith.constant 8 : i32
        %add3A_255 = arith.addi %add3A_253, %add3A_254 : i32
        %mul3A_256 = arith.constant 80 : i32
        %mul3A_257 = arith.muli %add3A_255, %mul3A_256 : i32
        %dma_start3A_258 = tpu.memref_slice %arg6[%mul3A_257] : memref<10000xi32, #tpu.memory_space<vmem>> -> memref<80xi32, #tpu.memory_space<vmem>>
        %dma_start3A_259 = arith.constant 0 : i32
        %dma_start3A_260 = arith.constant 0 : i32
        %dma_start3A_261 = tpu.memref_slice %arg3[%dma_start3A_259, %dma_start3A_260] : memref<10240x48xf32, #tpu.memory_space<hbm>> -> memref<10240x48xf32, #tpu.memory_space<hbm>>
        tpu.enqueue_indirect_dma source(%dma_start3A_261 : memref<10240x48xf32, #tpu.memory_space<hbm>>) target(%arg15 : memref<80x48xf32, #tpu.memory_space<vmem>>) offsets(%dma_start3A_258 : memref<80xi32, #tpu.memory_space<vmem>>) semaphore(%arg24 : memref<!tpu.dma_semaphore, #tpu.memory_space<semaphore_mem>>)
      } else {
      }
    }
    %scan3A_54 = arith.constant 15 : i32
    %dma_wait3A = arith.constant 9600 : i32
    %dma_wait3A_55 = tpu.memref_slice %arg6[%dma_wait3A] : memref<10000xi32, #tpu.memory_space<vmem>> -> memref<80xi32, #tpu.memory_space<vmem>>
    %dma_wait3A_56 = arith.constant 0 : i32
    %dma_wait3A_57 = arith.constant 0 : i32
    %dma_wait3A_58 = tpu.memref_slice %arg3[%dma_wait3A_56, %dma_wait3A_57] : memref<10240x48xf32, #tpu.memory_space<hbm>> -> memref<10240x48xf32, #tpu.memory_space<hbm>>
    tpu.wait_indirect_dma semaphore(%arg17 : memref<!tpu.dma_semaphore, #tpu.memory_space<semaphore_mem>>) src(%dma_wait3A_58 : memref<10240x48xf32, #tpu.memory_space<hbm>>) dst(%arg8 : memref<80x48xf32, #tpu.memory_space<vmem>>)
    "tpu.region"() ({
      %run_scoped3A_82 = tpu.sem_alloc : memref<!tpu.dma_semaphore, #tpu.memory_space<semaphore_mem>>
      %dma_start3A_83 = arith.constant 9600 : i32
      %dma_start3A_84 = tpu.memref_slice %arg7[%dma_start3A_83] : memref<10000xi32, #tpu.memory_space<vmem>> -> memref<80xi32, #tpu.memory_space<vmem>>
      %dma_start3A_85 = arith.constant 0 : i32
      %dma_start3A_86 = arith.constant 0 : i32
      %dma_start3A_87 = tpu.memref_slice %arg16[%dma_start3A_85, %dma_start3A_86] : memref<10240x48xf32, #tpu.memory_space<vmem_shared>> -> memref<10240x48xf32, #tpu.memory_space<vmem_shared>>
      tpu.enqueue_indirect_dma source(%arg8 : memref<80x48xf32, #tpu.memory_space<vmem>>) target(%dma_start3A_87 : memref<10240x48xf32, #tpu.memory_space<vmem_shared>>) offsets(%dma_start3A_84 : memref<80xi32, #tpu.memory_space<vmem>>) semaphore(%run_scoped3A_82 : memref<!tpu.dma_semaphore, #tpu.memory_space<semaphore_mem>>) {add = true}
      %dma_wait3A_88 = arith.constant 9600 : i32
      %dma_wait3A_89 = tpu.memref_slice %arg7[%dma_wait3A_88] : memref<10000xi32, #tpu.memory_space<vmem>> -> memref<80xi32, #tpu.memory_space<vmem>>
      %dma_wait3A_90 = arith.constant 0 : i32
      %dma_wait3A_91 = arith.constant 0 : i32
      %dma_wait3A_92 = tpu.memref_slice %arg16[%dma_wait3A_90, %dma_wait3A_91] : memref<10240x48xf32, #tpu.memory_space<vmem_shared>> -> memref<10240x48xf32, #tpu.memory_space<vmem_shared>>
      tpu.wait_indirect_dma semaphore(%run_scoped3A_82 : memref<!tpu.dma_semaphore, #tpu.memory_space<semaphore_mem>>) src(%arg8 : memref<80x48xf32, #tpu.memory_space<vmem>>) dst(%dma_wait3A_92 : memref<10240x48xf32, #tpu.memory_space<vmem_shared>>)
      tpu.yield
    }) : () -> ()
    %dma_wait3A_59 = arith.constant 9680 : i32
    %dma_wait3A_60 = tpu.memref_slice %arg6[%dma_wait3A_59] : memref<10000xi32, #tpu.memory_space<vmem>> -> memref<80xi32, #tpu.memory_space<vmem>>
    %dma_wait3A_61 = arith.constant 0 : i32
    %dma_wait3A_62 = arith.constant 0 : i32
    %dma_wait3A_63 = tpu.memref_slice %arg3[%dma_wait3A_61, %dma_wait3A_62] : memref<10240x48xf32, #tpu.memory_space<hbm>> -> memref<10240x48xf32, #tpu.memory_space<hbm>>
    tpu.wait_indirect_dma semaphore(%arg18 : memref<!tpu.dma_semaphore, #tpu.memory_space<semaphore_mem>>) src(%dma_wait3A_63 : memref<10240x48xf32, #tpu.memory_space<hbm>>) dst(%arg9 : memref<80x48xf32, #tpu.memory_space<vmem>>)
    "tpu.region"() ({
      %run_scoped3A_82 = tpu.sem_alloc : memref<!tpu.dma_semaphore, #tpu.memory_space<semaphore_mem>>
      %dma_start3A_83 = arith.constant 9680 : i32
      %dma_start3A_84 = tpu.memref_slice %arg7[%dma_start3A_83] : memref<10000xi32, #tpu.memory_space<vmem>> -> memref<80xi32, #tpu.memory_space<vmem>>
      %dma_start3A_85 = arith.constant 0 : i32
      %dma_start3A_86 = arith.constant 0 : i32
      %dma_start3A_87 = tpu.memref_slice %arg16[%dma_start3A_85, %dma_start3A_86] : memref<10240x48xf32, #tpu.memory_space<vmem_shared>> -> memref<10240x48xf32, #tpu.memory_space<vmem_shared>>
      tpu.enqueue_indirect_dma source(%arg9 : memref<80x48xf32, #tpu.memory_space<vmem>>) target(%dma_start3A_87 : memref<10240x48xf32, #tpu.memory_space<vmem_shared>>) offsets(%dma_start3A_84 : memref<80xi32, #tpu.memory_space<vmem>>) semaphore(%run_scoped3A_82 : memref<!tpu.dma_semaphore, #tpu.memory_space<semaphore_mem>>) {add = true}
      %dma_wait3A_88 = arith.constant 9680 : i32
      %dma_wait3A_89 = tpu.memref_slice %arg7[%dma_wait3A_88] : memref<10000xi32, #tpu.memory_space<vmem>> -> memref<80xi32, #tpu.memory_space<vmem>>
      %dma_wait3A_90 = arith.constant 0 : i32
      %dma_wait3A_91 = arith.constant 0 : i32
      %dma_wait3A_92 = tpu.memref_slice %arg16[%dma_wait3A_90, %dma_wait3A_91] : memref<10240x48xf32, #tpu.memory_space<vmem_shared>> -> memref<10240x48xf32, #tpu.memory_space<vmem_shared>>
      tpu.wait_indirect_dma semaphore(%run_scoped3A_82 : memref<!tpu.dma_semaphore, #tpu.memory_space<semaphore_mem>>) src(%arg9 : memref<80x48xf32, #tpu.memory_space<vmem>>) dst(%dma_wait3A_92 : memref<10240x48xf32, #tpu.memory_space<vmem_shared>>)
      tpu.yield
    }) : () -> ()
    %dma_wait3A_64 = arith.constant 9760 : i32
    %dma_wait3A_65 = tpu.memref_slice %arg6[%dma_wait3A_64] : memref<10000xi32, #tpu.memory_space<vmem>> -> memref<80xi32, #tpu.memory_space<vmem>>
    %dma_wait3A_66 = arith.constant 0 : i32
    %dma_wait3A_67 = arith.constant 0 : i32
    %dma_wait3A_68 = tpu.memref_slice %arg3[%dma_wait3A_66, %dma_wait3A_67] : memref<10240x48xf32, #tpu.memory_space<hbm>> -> memref<10240x48xf32, #tpu.memory_space<hbm>>
    tpu.wait_indirect_dma semaphore(%arg19 : memref<!tpu.dma_semaphore, #tpu.memory_space<semaphore_mem>>) src(%dma_wait3A_68 : memref<10240x48xf32, #tpu.memory_space<hbm>>) dst(%arg10 : memref<80x48xf32, #tpu.memory_space<vmem>>)
    "tpu.region"() ({
      %run_scoped3A_82 = tpu.sem_alloc : memref<!tpu.dma_semaphore, #tpu.memory_space<semaphore_mem>>
      %dma_start3A_83 = arith.constant 9760 : i32
      %dma_start3A_84 = tpu.memref_slice %arg7[%dma_start3A_83] : memref<10000xi32, #tpu.memory_space<vmem>> -> memref<80xi32, #tpu.memory_space<vmem>>
      %dma_start3A_85 = arith.constant 0 : i32
      %dma_start3A_86 = arith.constant 0 : i32
      %dma_start3A_87 = tpu.memref_slice %arg16[%dma_start3A_85, %dma_start3A_86] : memref<10240x48xf32, #tpu.memory_space<vmem_shared>> -> memref<10240x48xf32, #tpu.memory_space<vmem_shared>>
      tpu.enqueue_indirect_dma source(%arg10 : memref<80x48xf32, #tpu.memory_space<vmem>>) target(%dma_start3A_87 : memref<10240x48xf32, #tpu.memory_space<vmem_shared>>) offsets(%dma_start3A_84 : memref<80xi32, #tpu.memory_space<vmem>>) semaphore(%run_scoped3A_82 : memref<!tpu.dma_semaphore, #tpu.memory_space<semaphore_mem>>) {add = true}
      %dma_wait3A_88 = arith.constant 9760 : i32
      %dma_wait3A_89 = tpu.memref_slice %arg7[%dma_wait3A_88] : memref<10000xi32, #tpu.memory_space<vmem>> -> memref<80xi32, #tpu.memory_space<vmem>>
      %dma_wait3A_90 = arith.constant 0 : i32
      %dma_wait3A_91 = arith.constant 0 : i32
      %dma_wait3A_92 = tpu.memref_slice %arg16[%dma_wait3A_90, %dma_wait3A_91] : memref<10240x48xf32, #tpu.memory_space<vmem_shared>> -> memref<10240x48xf32, #tpu.memory_space<vmem_shared>>
      tpu.wait_indirect_dma semaphore(%run_scoped3A_82 : memref<!tpu.dma_semaphore, #tpu.memory_space<semaphore_mem>>) src(%arg10 : memref<80x48xf32, #tpu.memory_space<vmem>>) dst(%dma_wait3A_92 : memref<10240x48xf32, #tpu.memory_space<vmem_shared>>)
      tpu.yield
    }) : () -> ()
    %dma_wait3A_69 = arith.constant 9840 : i32
    %dma_wait3A_70 = tpu.memref_slice %arg6[%dma_wait3A_69] : memref<10000xi32, #tpu.memory_space<vmem>> -> memref<80xi32, #tpu.memory_space<vmem>>
    %dma_wait3A_71 = arith.constant 0 : i32
    %dma_wait3A_72 = arith.constant 0 : i32
    %dma_wait3A_73 = tpu.memref_slice %arg3[%dma_wait3A_71, %dma_wait3A_72] : memref<10240x48xf32, #tpu.memory_space<hbm>> -> memref<10240x48xf32, #tpu.memory_space<hbm>>
    tpu.wait_indirect_dma semaphore(%arg20 : memref<!tpu.dma_semaphore, #tpu.memory_space<semaphore_mem>>) src(%dma_wait3A_73 : memref<10240x48xf32, #tpu.memory_space<hbm>>) dst(%arg11 : memref<80x48xf32, #tpu.memory_space<vmem>>)
    "tpu.region"() ({
      %run_scoped3A_82 = tpu.sem_alloc : memref<!tpu.dma_semaphore, #tpu.memory_space<semaphore_mem>>
      %dma_start3A_83 = arith.constant 9840 : i32
      %dma_start3A_84 = tpu.memref_slice %arg7[%dma_start3A_83] : memref<10000xi32, #tpu.memory_space<vmem>> -> memref<80xi32, #tpu.memory_space<vmem>>
      %dma_start3A_85 = arith.constant 0 : i32
      %dma_start3A_86 = arith.constant 0 : i32
      %dma_start3A_87 = tpu.memref_slice %arg16[%dma_start3A_85, %dma_start3A_86] : memref<10240x48xf32, #tpu.memory_space<vmem_shared>> -> memref<10240x48xf32, #tpu.memory_space<vmem_shared>>
      tpu.enqueue_indirect_dma source(%arg11 : memref<80x48xf32, #tpu.memory_space<vmem>>) target(%dma_start3A_87 : memref<10240x48xf32, #tpu.memory_space<vmem_shared>>) offsets(%dma_start3A_84 : memref<80xi32, #tpu.memory_space<vmem>>) semaphore(%run_scoped3A_82 : memref<!tpu.dma_semaphore, #tpu.memory_space<semaphore_mem>>) {add = true}
      %dma_wait3A_88 = arith.constant 9840 : i32
      %dma_wait3A_89 = tpu.memref_slice %arg7[%dma_wait3A_88] : memref<10000xi32, #tpu.memory_space<vmem>> -> memref<80xi32, #tpu.memory_space<vmem>>
      %dma_wait3A_90 = arith.constant 0 : i32
      %dma_wait3A_91 = arith.constant 0 : i32
      %dma_wait3A_92 = tpu.memref_slice %arg16[%dma_wait3A_90, %dma_wait3A_91] : memref<10240x48xf32, #tpu.memory_space<vmem_shared>> -> memref<10240x48xf32, #tpu.memory_space<vmem_shared>>
      tpu.wait_indirect_dma semaphore(%run_scoped3A_82 : memref<!tpu.dma_semaphore, #tpu.memory_space<semaphore_mem>>) src(%arg11 : memref<80x48xf32, #tpu.memory_space<vmem>>) dst(%dma_wait3A_92 : memref<10240x48xf32, #tpu.memory_space<vmem_shared>>)
      tpu.yield
    }) : () -> ()
    %dma_wait3A_74 = arith.constant 9920 : i32
    %dma_wait3A_75 = tpu.memref_slice %arg6[%dma_wait3A_74] : memref<10000xi32, #tpu.memory_space<vmem>> -> memref<80xi32, #tpu.memory_space<vmem>>
    %dma_wait3A_76 = arith.constant 0 : i32
    %dma_wait3A_77 = arith.constant 0 : i32
    %dma_wait3A_78 = tpu.memref_slice %arg3[%dma_wait3A_76, %dma_wait3A_77] : memref<10240x48xf32, #tpu.memory_space<hbm>> -> memref<10240x48xf32, #tpu.memory_space<hbm>>
    tpu.wait_indirect_dma semaphore(%arg21 : memref<!tpu.dma_semaphore, #tpu.memory_space<semaphore_mem>>) src(%dma_wait3A_78 : memref<10240x48xf32, #tpu.memory_space<hbm>>) dst(%arg12 : memref<80x48xf32, #tpu.memory_space<vmem>>)
    "tpu.region"() ({
      %run_scoped3A_82 = tpu.sem_alloc : memref<!tpu.dma_semaphore, #tpu.memory_space<semaphore_mem>>
      %dma_start3A_83 = arith.constant 9920 : i32
      %dma_start3A_84 = tpu.memref_slice %arg7[%dma_start3A_83] : memref<10000xi32, #tpu.memory_space<vmem>> -> memref<80xi32, #tpu.memory_space<vmem>>
      %dma_start3A_85 = arith.constant 0 : i32
      %dma_start3A_86 = arith.constant 0 : i32
      %dma_start3A_87 = tpu.memref_slice %arg16[%dma_start3A_85, %dma_start3A_86] : memref<10240x48xf32, #tpu.memory_space<vmem_shared>> -> memref<10240x48xf32, #tpu.memory_space<vmem_shared>>
      tpu.enqueue_indirect_dma source(%arg12 : memref<80x48xf32, #tpu.memory_space<vmem>>) target(%dma_start3A_87 : memref<10240x48xf32, #tpu.memory_space<vmem_shared>>) offsets(%dma_start3A_84 : memref<80xi32, #tpu.memory_space<vmem>>) semaphore(%run_scoped3A_82 : memref<!tpu.dma_semaphore, #tpu.memory_space<semaphore_mem>>) {add = true}
      %dma_wait3A_88 = arith.constant 9920 : i32
      %dma_wait3A_89 = tpu.memref_slice %arg7[%dma_wait3A_88] : memref<10000xi32, #tpu.memory_space<vmem>> -> memref<80xi32, #tpu.memory_space<vmem>>
      %dma_wait3A_90 = arith.constant 0 : i32
      %dma_wait3A_91 = arith.constant 0 : i32
      %dma_wait3A_92 = tpu.memref_slice %arg16[%dma_wait3A_90, %dma_wait3A_91] : memref<10240x48xf32, #tpu.memory_space<vmem_shared>> -> memref<10240x48xf32, #tpu.memory_space<vmem_shared>>
      tpu.wait_indirect_dma semaphore(%run_scoped3A_82 : memref<!tpu.dma_semaphore, #tpu.memory_space<semaphore_mem>>) src(%arg12 : memref<80x48xf32, #tpu.memory_space<vmem>>) dst(%dma_wait3A_92 : memref<10240x48xf32, #tpu.memory_space<vmem_shared>>)
      tpu.yield
    }) : () -> ()
    %barrier3A_79 = arith.constant 0 : index
    tpu.barrier barrier_id(%barrier3A_79)
    %mul3A_80 = arith.constant 48 : i32
    %mul3A_81 = arith.muli %arg0, %mul3A_80 : i32
    "tpu.region"() ({
      %run_scoped3A_82 = tpu.sem_alloc : memref<!tpu.dma_semaphore, #tpu.memory_space<semaphore_mem>>
      %dma_start3A_83 = tpu.memref_slice %arg5[%mul3A_2, %mul3A_81] : memref<10240x128xf32, #tpu.memory_space<hbm>> -> memref<640x48xf32, #tpu.memory_space<hbm>>
      %dma_start3A_84 = arith.constant 0 : i32
      %dma_start3A_85 = tpu.memref_slice %arg16[%mul3A_2, %dma_start3A_84] : memref<10240x48xf32, #tpu.memory_space<vmem_shared>> -> memref<640x48xf32, #tpu.memory_space<vmem_shared>>
      tpu.enqueue_dma source(%dma_start3A_85 : memref<640x48xf32, #tpu.memory_space<vmem_shared>>) target(%dma_start3A_83 : memref<640x48xf32, #tpu.memory_space<hbm>>) target_semaphore(%run_scoped3A_82 : memref<!tpu.dma_semaphore, #tpu.memory_space<semaphore_mem>>)
      %dma_wait3A_86 = tpu.memref_slice %arg5[%mul3A_2, %mul3A_81] : memref<10240x128xf32, #tpu.memory_space<hbm>> -> memref<640x48xf32, #tpu.memory_space<hbm>>
      %dma_wait3A_87 = arith.constant 0 : i32
      %dma_wait3A_88 = tpu.memref_slice %arg16[%mul3A_2, %dma_wait3A_87] : memref<10240x48xf32, #tpu.memory_space<vmem_shared>> -> memref<640x48xf32, #tpu.memory_space<vmem_shared>>
      tpu.wait_dma2 semaphore(%run_scoped3A_82 : memref<!tpu.dma_semaphore, #tpu.memory_space<semaphore_mem>>) src(%dma_wait3A_88 : memref<640x48xf32, #tpu.memory_space<vmem_shared>>) dst(%dma_wait3A_86 : memref<640x48xf32, #tpu.memory_space<hbm>>)
      tpu.yield
    }) : () -> ()
    return
  }
}

module attributes {stable_mosaic.version = 14 : i64} {
  func.func @_l1_body(%arg0: i32, %arg1: memref<2560x128xf32, #tpu.memory_space<vmem>>, %arg2: memref<2560x128xf32, #tpu.memory_space<vmem>>, %arg3: memref<128x128xf32, #tpu.memory_space<vmem>>, %arg4: memref<2x2560x64xf32, #tpu.memory_space<vmem>>) attributes {dimension_semantics = [#tpu.dimension_semantics<parallel>], iteration_bounds = array<i64: 4>, scalar_prefetch = 0 : i64, scratch_operands = 0 : i64, tpu.core_type = #tpu.core_type<tc>, window_params = [{transform_indices = @transform_0, window_bounds = array<i64: 2560, 128>}, {transform_indices = @transform_1, window_bounds = array<i64: 2560, 128>}, {pipeline_mode = #tpu.pipeline_mode<synchronous>, transform_indices = @transform_2, window_bounds = array<i64: 128, 128>}, {transform_indices = @transform_3, window_bounds = array<i64: 2, 2560, 64>}]} {
    %get3A = arith.constant 0 : index
    %get3A_0 = arith.constant 0 : index
    %get3A_1 = vector.load %arg2[%get3A, %get3A_0] : memref<2560x128xf32, #tpu.memory_space<vmem>>, vector<2560x128xf32>
    %get3A_2 = arith.constant 0 : index
    %get3A_3 = arith.constant 0 : index
    %get3A_4 = vector.load %arg3[%get3A_2, %get3A_3] : memref<128x128xf32, #tpu.memory_space<vmem>>, vector<128x128xf32>
    %dot_general3A = arith.constant dense<0.000000e+00> : vector<2560x128xf32>
    %dot_general3A_5 = tpu.matmul %get3A_1, %get3A_4, %dot_general3A {dimension_numbers = #tpu.dot_dimension_numbers<[1], [0], [0], [1], [0, 0, 1, 1], [], []>, transpose_lhs_hint = false} : vector<2560x128xf32>, vector<128x128xf32>, vector<2560x128xf32> -> vector<2560x128xf32>
    %get3A_6 = arith.constant 0 : index
    %get3A_7 = arith.constant 0 : index
    %get3A_8 = vector.load %arg1[%get3A_6, %get3A_7] : memref<2560x128xf32, #tpu.memory_space<vmem>>, vector<2560x1xf32>
    %get3A_9 = arith.constant 0 : index
    %get3A_10 = arith.constant 16 : index
    %get3A_11 = vector.load %arg1[%get3A_9, %get3A_10] : memref<2560x128xf32, #tpu.memory_space<vmem>>, vector<2560x1xf32>
    %add3A = arith.addf %get3A_8, %get3A_11 : vector<2560x1xf32>
    %add3A_12 = arith.constant 1.000000e+00 : f32
    %add3A_13 = vector.broadcast %add3A_12 : f32 to vector<2560x1xf32>
    %add3A_14 = arith.addf %add3A, %add3A_13 : vector<2560x1xf32>
    %rsqrt3A = math.rsqrt %add3A_14 : vector<2560x1xf32>
    %mul3A = vector.broadcast %rsqrt3A : vector<2560x1xf32> to vector<2560x128xf32>
    %mul3A_15 = arith.mulf %dot_general3A_5, %mul3A : vector<2560x128xf32>
    %slice3A = vector.extract_strided_slice %mul3A_15 {offsets = [0, 0], sizes = [2560, 64], strides = [1, 1]} : vector<2560x128xf32> to vector<2560x64xf32>
    %swap3A = arith.constant 0 : index
    %swap3A_16 = arith.constant 0 : index
    %swap3A_17 = arith.constant 0 : index
    %swap3A_18 = vector.load %arg4[%swap3A, %swap3A_16, %swap3A_17] : memref<2x2560x64xf32, #tpu.memory_space<vmem>>, vector<1x2560x64xf32>
    %swap3A_19 = vector.shape_cast %swap3A_18 : vector<1x2560x64xf32> to vector<2560x64xf32>
    %swap3A_20 = vector.shape_cast %slice3A : vector<2560x64xf32> to vector<1x2560x64xf32>
    tpu.vector_store %arg4[%swap3A, %swap3A_16, %swap3A_17], %swap3A_20 {strides = array<i32>} : memref<2x2560x64xf32, #tpu.memory_space<vmem>>, vector<1x2560x64xf32>,
    %slice3A_21 = vector.extract_strided_slice %mul3A_15 {offsets = [0, 64], sizes = [2560, 64], strides = [1, 1]} : vector<2560x128xf32> to vector<2560x64xf32>
    %swap3A_22 = arith.constant 1 : index
    %swap3A_23 = arith.constant 0 : index
    %swap3A_24 = arith.constant 0 : index
    %swap3A_25 = vector.load %arg4[%swap3A_22, %swap3A_23, %swap3A_24] : memref<2x2560x64xf32, #tpu.memory_space<vmem>>, vector<1x2560x64xf32>
    %swap3A_26 = vector.shape_cast %swap3A_25 : vector<1x2560x64xf32> to vector<2560x64xf32>
    %swap3A_27 = vector.shape_cast %slice3A_21 : vector<2560x64xf32> to vector<1x2560x64xf32>
    tpu.vector_store %arg4[%swap3A_22, %swap3A_23, %swap3A_24], %swap3A_27 {strides = array<i32>} : memref<2x2560x64xf32, #tpu.memory_space<vmem>>, vector<1x2560x64xf32>,
    return
  }
  func.func @transform_0(%arg0: i32) -> (i32, i32) {
    %c0_i32 = arith.constant 0 : i32
    %c0_i32_0 = arith.constant 0 : i32
    return %arg0, %c0_i32 : i32, i32
  }
  func.func @transform_1(%arg0: i32) -> (i32, i32) {
    %c0_i32 = arith.constant 0 : i32
    %c0_i32_0 = arith.constant 0 : i32
    return %arg0, %c0_i32 : i32, i32
  }
  func.func @transform_2(%arg0: i32) -> (i32, i32) {
    %c0_i32 = arith.constant 0 : i32
    %c0_i32_0 = arith.constant 0 : i32
    %c0_i32_1 = arith.constant 0 : i32
    return %c0_i32, %c0_i32_0 : i32, i32
  }
  func.func @transform_3(%arg0: i32) -> (i32, i32, i32) {
    %c0_i32 = arith.constant 0 : i32
    %c0_i32_0 = arith.constant 0 : i32
    %c0_i32_1 = arith.constant 0 : i32
    return %c0_i32, %arg0, %c0_i32_0 : i32, i32, i32
  }
}

module attributes {stable_mosaic.version = 14 : i64} {
  func.func @_l2_body(%arg0: i32, %arg1: memref<2560x128xf32, #tpu.memory_space<vmem>>, %arg2: memref<2560x128xf32, #tpu.memory_space<vmem>>, %arg3: memref<2x2560x64xf32, #tpu.memory_space<vmem>>, %arg4: memref<1x128xf32, #tpu.memory_space<vmem>>, %arg5: memref<128x48xf32, #tpu.memory_space<vmem>>, %arg6: memref<2560x48xf32, #tpu.memory_space<vmem>>) attributes {dimension_semantics = [#tpu.dimension_semantics<parallel>], iteration_bounds = array<i64: 4>, scalar_prefetch = 0 : i64, scratch_operands = 0 : i64, tpu.core_type = #tpu.core_type<tc>, window_params = [{transform_indices = @transform_0, window_bounds = array<i64: 2560, 128>}, {transform_indices = @transform_1, window_bounds = array<i64: 2560, 128>}, {transform_indices = @transform_2, window_bounds = array<i64: 2, 2560, 64>}, {pipeline_mode = #tpu.pipeline_mode<synchronous>, transform_indices = @transform_3, window_bounds = array<i64: 1, 128>}, {pipeline_mode = #tpu.pipeline_mode<synchronous>, transform_indices = @transform_4, window_bounds = array<i64: 128, 48>}, {transform_indices = @transform_5, window_bounds = array<i64: 2560, 48>}]} {
    %get3A = arith.constant 0 : index
    %get3A_0 = arith.constant 0 : index
    %get3A_1 = vector.load %arg1[%get3A, %get3A_0] : memref<2560x128xf32, #tpu.memory_space<vmem>>, vector<2560x1xf32>
    %get3A_2 = arith.constant 0 : index
    %get3A_3 = arith.constant 16 : index
    %get3A_4 = vector.load %arg1[%get3A_2, %get3A_3] : memref<2560x128xf32, #tpu.memory_space<vmem>>, vector<2560x1xf32>
    %add3A = arith.addf %get3A_1, %get3A_4 : vector<2560x1xf32>
    %add3A_5 = arith.constant 1.000000e+00 : f32
    %add3A_6 = vector.broadcast %add3A_5 : f32 to vector<2560x1xf32>
    %add3A_7 = arith.addf %add3A, %add3A_6 : vector<2560x1xf32>
    %rsqrt3A = math.rsqrt %add3A_7 : vector<2560x1xf32>
    %get3A_8 = arith.constant 0 : index
    %get3A_9 = arith.constant 0 : index
    %get3A_10 = arith.constant 0 : index
    %get3A_11 = vector.load %arg3[%get3A_8, %get3A_9, %get3A_10] : memref<2x2560x64xf32, #tpu.memory_space<vmem>>, vector<2x2560x64xf32>
    %get3A_12 = arith.constant 0 : index
    %get3A_13 = arith.constant 0 : index
    %get3A_14 = vector.load %arg2[%get3A_12, %get3A_13] : memref<2560x128xf32, #tpu.memory_space<vmem>>, vector<2560x128xf32>
    %slice3A = vector.extract_strided_slice %get3A_11 {offsets = [0, 0, 0], sizes = [1, 2560, 64], strides = [1, 1, 1]} : vector<2x2560x64xf32> to vector<1x2560x64xf32>
    %squeeze3A = vector.shape_cast %slice3A : vector<1x2560x64xf32> to vector<2560x64xf32>
    %slice3A_15 = vector.extract_strided_slice %get3A_11 {offsets = [1, 0, 0], sizes = [1, 2560, 64], strides = [1, 1, 1]} : vector<2x2560x64xf32> to vector<1x2560x64xf32>
    %squeeze3A_16 = vector.shape_cast %slice3A_15 : vector<1x2560x64xf32> to vector<2560x64xf32>
    %concatenate3A = tpu.concatenate %squeeze3A, %squeeze3A_16 in 1 : vector<2560x64xf32>, vector<2560x64xf32> -> vector<2560x128xf32>
    %add3A_17 = arith.addf %get3A_14, %concatenate3A : vector<2560x128xf32>
    %mul3A = vector.broadcast %rsqrt3A : vector<2560x1xf32> to vector<2560x128xf32>
    %mul3A_18 = arith.mulf %add3A_17, %mul3A : vector<2560x128xf32>
    %get3A_19 = arith.constant 0 : index
    %get3A_20 = arith.constant 0 : index
    %get3A_21 = vector.load %arg4[%get3A_19, %get3A_20] : memref<1x128xf32, #tpu.memory_space<vmem>>, vector<1x128xf32>
    %add3A_22 = vector.broadcast %get3A_21 : vector<1x128xf32> to vector<2560x128xf32>
    %add3A_23 = arith.addf %mul3A_18, %add3A_22 : vector<2560x128xf32>
    %max3A = arith.constant 0.000000e+00 : f32
    %max3A_24 = vector.broadcast %max3A : f32 to vector<2560x128xf32>
    %max3A_25 = arith.maximumf %add3A_23, %max3A_24 : vector<2560x128xf32>
    %get3A_26 = arith.constant 0 : index
    %get3A_27 = arith.constant 0 : index
    %get3A_28 = vector.load %arg5[%get3A_26, %get3A_27] : memref<128x48xf32, #tpu.memory_space<vmem>>, vector<128x48xf32>
    %dot_general3A = arith.constant dense<0.000000e+00> : vector<2560x48xf32>
    %dot_general3A_29 = tpu.matmul %max3A_25, %get3A_28, %dot_general3A {dimension_numbers = #tpu.dot_dimension_numbers<[1], [0], [0], [1], [0, 0, 1, 1], [], []>, transpose_lhs_hint = false} : vector<2560x128xf32>, vector<128x48xf32>, vector<2560x48xf32> -> vector<2560x48xf32>
    %mul3A_30 = vector.broadcast %rsqrt3A : vector<2560x1xf32> to vector<2560x48xf32>
    %mul3A_31 = arith.mulf %dot_general3A_29, %mul3A_30 : vector<2560x48xf32>
    %swap3A = arith.constant 0 : index
    %swap3A_32 = arith.constant 0 : index
    %swap3A_33 = vector.load %arg6[%swap3A, %swap3A_32] : memref<2560x48xf32, #tpu.memory_space<vmem>>, vector<2560x48xf32>
    tpu.vector_store %arg6[%swap3A, %swap3A_32], %mul3A_31 {strides = array<i32>} : memref<2560x48xf32, #tpu.memory_space<vmem>>, vector<2560x48xf32>,
    return
  }
  func.func @transform_0(%arg0: i32) -> (i32, i32) {
    %c0_i32 = arith.constant 0 : i32
    %c0_i32_0 = arith.constant 0 : i32
    return %arg0, %c0_i32 : i32, i32
  }
  func.func @transform_1(%arg0: i32) -> (i32, i32) {
    %c0_i32 = arith.constant 0 : i32
    %c0_i32_0 = arith.constant 0 : i32
    return %arg0, %c0_i32 : i32, i32
  }
  func.func @transform_2(%arg0: i32) -> (i32, i32, i32) {
    %c0_i32 = arith.constant 0 : i32
    %c0_i32_0 = arith.constant 0 : i32
    %c0_i32_1 = arith.constant 0 : i32
    return %c0_i32, %arg0, %c0_i32_0 : i32, i32, i32
  }
  func.func @transform_3(%arg0: i32) -> (i32, i32) {
    %c0_i32 = arith.constant 0 : i32
    %c0_i32_0 = arith.constant 0 : i32
    %c0_i32_1 = arith.constant 0 : i32
    return %c0_i32, %c0_i32_0 : i32, i32
  }
  func.func @transform_4(%arg0: i32) -> (i32, i32) {
    %c0_i32 = arith.constant 0 : i32
    %c0_i32_0 = arith.constant 0 : i32
    %c0_i32_1 = arith.constant 0 : i32
    return %c0_i32, %c0_i32_0 : i32, i32
  }
  func.func @transform_5(%arg0: i32) -> (i32, i32) {
    %c0_i32 = arith.constant 0 : i32
    %c0_i32_0 = arith.constant 0 : i32
    return %arg0, %c0_i32 : i32, i32
  }
}

module attributes {stable_mosaic.version = 14 : i64} {
  func.func @_out_body(%arg0: i32, %arg1: memref<2560x128xf32, #tpu.memory_space<vmem>>, %arg2: memref<2560x128xf32, #tpu.memory_space<vmem>>, %arg3: memref<2560x48xf32, #tpu.memory_space<vmem>>, %arg4: memref<1x48xf32, #tpu.memory_space<vmem>>, %arg5: memref<2560x40xf32, #tpu.memory_space<vmem>>) attributes {dimension_semantics = [#tpu.dimension_semantics<parallel>], iteration_bounds = array<i64: 4>, scalar_prefetch = 0 : i64, scratch_operands = 0 : i64, tpu.core_type = #tpu.core_type<tc>, window_params = [{transform_indices = @transform_0, window_bounds = array<i64: 2560, 128>}, {transform_indices = @transform_1, window_bounds = array<i64: 2560, 128>}, {transform_indices = @transform_2, window_bounds = array<i64: 2560, 48>}, {pipeline_mode = #tpu.pipeline_mode<synchronous>, transform_indices = @transform_3, window_bounds = array<i64: 1, 48>}, {transform_indices = @transform_4, window_bounds = array<i64: 2560, 40>}]} {
    %get3A = arith.constant 0 : index
    %get3A_0 = arith.constant 0 : index
    %get3A_1 = vector.load %arg1[%get3A, %get3A_0] : memref<2560x128xf32, #tpu.memory_space<vmem>>, vector<2560x1xf32>
    %get3A_2 = arith.constant 0 : index
    %get3A_3 = arith.constant 16 : index
    %get3A_4 = vector.load %arg1[%get3A_2, %get3A_3] : memref<2560x128xf32, #tpu.memory_space<vmem>>, vector<2560x1xf32>
    %add3A = arith.addf %get3A_1, %get3A_4 : vector<2560x1xf32>
    %add3A_5 = arith.constant 1.000000e+00 : f32
    %add3A_6 = vector.broadcast %add3A_5 : f32 to vector<2560x1xf32>
    %add3A_7 = arith.addf %add3A, %add3A_6 : vector<2560x1xf32>
    %rsqrt3A = math.rsqrt %add3A_7 : vector<2560x1xf32>
    %get3A_8 = arith.constant 0 : index
    %get3A_9 = arith.constant 0 : index
    %get3A_10 = vector.load %arg2[%get3A_8, %get3A_9] : memref<2560x128xf32, #tpu.memory_space<vmem>>, vector<2560x128xf32>
    %slice3A = vector.extract_strided_slice %get3A_10 {offsets = [0, 0], sizes = [2560, 48], strides = [1, 1]} : vector<2560x128xf32> to vector<2560x48xf32>
    %slice3A_11 = vector.extract_strided_slice %get3A_10 {offsets = [0, 48], sizes = [2560, 48], strides = [1, 1]} : vector<2560x128xf32> to vector<2560x48xf32>
    %add3A_12 = arith.addf %slice3A, %slice3A_11 : vector<2560x48xf32>
    %get3A_13 = arith.constant 0 : index
    %get3A_14 = arith.constant 0 : index
    %get3A_15 = vector.load %arg3[%get3A_13, %get3A_14] : memref<2560x48xf32, #tpu.memory_space<vmem>>, vector<2560x48xf32>
    %add3A_16 = arith.addf %add3A_12, %get3A_15 : vector<2560x48xf32>
    %mul3A = vector.broadcast %rsqrt3A : vector<2560x1xf32> to vector<2560x48xf32>
    %mul3A_17 = arith.mulf %add3A_16, %mul3A : vector<2560x48xf32>
    %get3A_18 = arith.constant 0 : index
    %get3A_19 = arith.constant 0 : index
    %get3A_20 = vector.load %arg4[%get3A_18, %get3A_19] : memref<1x48xf32, #tpu.memory_space<vmem>>, vector<1x48xf32>
    %add3A_21 = vector.broadcast %get3A_20 : vector<1x48xf32> to vector<2560x48xf32>
    %add3A_22 = arith.addf %mul3A_17, %add3A_21 : vector<2560x48xf32>
    %reduce_max3A = arith.constant dense<0xFF800000> : vector<2560xf32>
    %reduce_max3A_23 = vector.multi_reduction <maximumf>, %add3A_22, %reduce_max3A [1] : vector<2560x48xf32> to vector<2560xf32>
    %broadcast_in_dim3A = vector.shape_cast %reduce_max3A_23 : vector<2560xf32> to vector<2560x1xf32>
    %sub3A = vector.broadcast %broadcast_in_dim3A : vector<2560x1xf32> to vector<2560x48xf32>
    %sub3A_24 = arith.subf %add3A_22, %sub3A : vector<2560x48xf32>
    %exp3A = math.exp %sub3A_24 : vector<2560x48xf32>
    %reduce_sum3A = arith.constant dense<0.000000e+00> : vector<2560xf32>
    %reduce_sum3A_25 = vector.multi_reduction <add>, %exp3A, %reduce_sum3A [1] : vector<2560x48xf32> to vector<2560xf32>
    %broadcast_in_dim3A_26 = vector.shape_cast %reduce_sum3A_25 : vector<2560xf32> to vector<2560x1xf32>
    %log3A = math.log %broadcast_in_dim3A_26 : vector<2560x1xf32>
    %add3A_27 = arith.addf %log3A, %broadcast_in_dim3A : vector<2560x1xf32>
    %sub3A_28 = vector.broadcast %add3A_27 : vector<2560x1xf32> to vector<2560x48xf32>
    %sub3A_29 = arith.subf %add3A_22, %sub3A_28 : vector<2560x48xf32>
    %slice3A_30 = vector.extract_strided_slice %sub3A_29 {offsets = [0, 0], sizes = [2560, 40], strides = [1, 1]} : vector<2560x48xf32> to vector<2560x40xf32>
    %swap3A = arith.constant 0 : index
    %swap3A_31 = arith.constant 0 : index
    %swap3A_32 = vector.load %arg5[%swap3A, %swap3A_31] : memref<2560x40xf32, #tpu.memory_space<vmem>>, vector<2560x40xf32>
    tpu.vector_store %arg5[%swap3A, %swap3A_31], %slice3A_30 {strides = array<i32>} : memref<2560x40xf32, #tpu.memory_space<vmem>>, vector<2560x40xf32>,
    return
  }
  func.func @transform_0(%arg0: i32) -> (i32, i32) {
    %c0_i32 = arith.constant 0 : i32
    %c0_i32_0 = arith.constant 0 : i32
    return %arg0, %c0_i32 : i32, i32
  }
  func.func @transform_1(%arg0: i32) -> (i32, i32) {
    %c0_i32 = arith.constant 0 : i32
    %c0_i32_0 = arith.constant 0 : i32
    return %arg0, %c0_i32 : i32, i32
  }
  func.func @transform_2(%arg0: i32) -> (i32, i32) {
    %c0_i32 = arith.constant 0 : i32
    %c0_i32_0 = arith.constant 0 : i32
    return %arg0, %c0_i32 : i32, i32
  }
  func.func @transform_3(%arg0: i32) -> (i32, i32) {
    %c0_i32 = arith.constant 0 : i32
    %c0_i32_0 = arith.constant 0 : i32
    %c0_i32_1 = arith.constant 0 : i32
    return %c0_i32, %c0_i32_0 : i32, i32
  }
  func.func @transform_4(%arg0: i32) -> (i32, i32) {
    %c0_i32 = arith.constant 0 : i32
    %c0_i32_0 = arith.constant 0 : i32
    return %arg0, %c0_i32 : i32, i32
  }
}

</mosaic_0001>

<sc_bundles>
// kernel: kernel.11.cloned.1.call-start
scs
__scs_entry_jumppad:
0x0: {  	(pc) =	sbr.rel $0x88, $3  }
0x1: {  	(tag) =	ssettag $0x0;
	lr =	simm.s32 $0x1  }
0x2: {  	[smem:$0x3F9B] =	sst lr;
	_ =	strace $0xD0000000  }
0x3: {  	_ = 	snop  }
0x4: {  	_ = 	snop  }
0x5: {  	_ = 	snop  }
0x6: {  	_ = 	snop  }
0x7: {  	_ = 	snop  }
__scs_overlays_trampoline_lowered:
0x8: {  	[smem:$0x3FAA] =	sst s0  }
0x9: {  	[smem:$0x3FAB] =	sst s1  }
0xa: {  	[smem:$0x3FAC] =	sst s2  }
0xb: {  	[smem:$0x3FAD] =	sst s3  }
0xc: {  	[smem:$0x3FAE] =	sst s4  }
0xd: {  	[smem:$0x3FAF] =	sst s5  }
0xe: {  	[smem:$0x3FB0] =	sst s6  }
0xf: {  	[smem:$0x3FB1] =	sst s7  }
0x10: {  	[smem:$0x3FB2] =	sst s8  }
0x11: {  	[smem:$0x3FB3] =	sst s9;
	s0 =	simm.s32 @!p0 $0x0  }
0x12: {  	s1 =	sld [smem:$0x3F99];
	s0 =	simm.s32 @p0 $0x1  }
0x13: {  	[smem:$0x3FB4] =	sst s0;
	s0 =	simm.s32 @!p1 $0x0  }
0x14: {  	s2 =	sld [smem:$0x3F98];
	s0 =	simm.s32 @p1 $0x1  }
0x15: {  	[smem:$0x3FB5] =	sst s0;
	s0 =	simm.s32 @!p2 $0x0  }
0x16: {  	s3 =	sld [smem:$0x3FDB];
	s0 =	simm.s32 @p2 $0x1  }
0x17: {  	s4 =	simm.s32 $0x1BF5;
	[smem:$0x3FB7] =	sst s0  }
0x18: {  	s0 =	sld [smem:$0x3F9A];
	_ =	swait.ge [sflag:s4], $0x0  }
0x19: {  	s7 =	sld [smem:$0x3F9B]  }
0x1a: {  	s8 =	sadd.s32 $0xFFFFE003, lr  }
0x1b: {  	s9 =	sadd.s32 $0xFFFFFEF7, lr;
	s5 =	simm.s32 $0xFFFFFFFF;
	p2 =	slt.u32 s8, $0xFFFFF086  }
0x1c: {  	p1 =	slt.u32 s9, $0xF7A;
	s5 =	simm.s32 @!p2 $0x0  }
0x1d: {  	s5 =	simm.s32 @p1 $0x1;
	p0 =	seq.s32 s7, s2  }
0x1e: {  	s7 =	smul.u32 @!p0 $0xF7A, s2;
	p2 =	seq.s32 @!p0 s5, $0x0  }
0x1f: {  	s9 =	smul.u32 $0xF7A, s1;
	s8 =	simm.s32 @!p0 $0x1BF5;
	p2 =	por !p2, p0  }
0x20: {  	[sflag:s8] =	ssyncset.s32 @!p0 $0xFFFFF086;
	s6 =	sadd.s32 @!p0 s3, s7;
	s7 =	simm.s32 @!p0 $0x108  }
0x21: {  	s3 =	sadd.s32 s3, s9;
	s6 =	sadd.s32 @!p0 $0x88, s6;
	s7 =	simm.s32 @p2 $0x1082  }
0x22: {  	[simem:s7], [sflag:s8] =	dma.local @!p0 [hbm:s6], $0xF7A  }
0x23: {  	s9 =	sor.u32 $0xD0000000, s2;
	s6 =	simm.s32 $0x108;
	_ =	swait.ge @!p0 [sflag:s8], $0x0  }
0x24: {  	s3 =	sadd.s32 $0x88, s3;
	s6 =	simm.s32 @!p1 $0x1082;
	[sflag:s4] =	ssyncset.s32 $0xFFFFF086  }
0x25: {  	[simem:s6], [sflag:s4] =	dma.local [hbm:s3], $0xF7A  }
0x26: {  	[smem:$0x3F9B] =	sst s1;
	(tag) =	ssettag s2;
	_ =	strace s9  }
0x27: {  	s1 =	sld [smem:$0x3FAB]  }
0x28: {  	s2 =	sld [smem:$0x3FAC]  }
0x29: {  	s4 =	sld [smem:$0x3FAE]  }
0x2a: {  	p0 =	seq.s32 s5, $0x0;
	s5 =	sld [smem:$0x3FAF]  }
0x2b: {  	s6 =	sld [smem:$0x3FB0]  }
0x2c: {  	s7 =	sld [smem:$0x3FB1]  }
0x2d: {  	s3 =	simm.s32 $0x108;
	s8 =	sld [smem:$0x3FB2]  }
0x2e: {  	s3 =	simm.s32 @!p0 $0x1082;
	s9 =	sld [smem:$0x3FB3]  }
0x2f: {  	lr =	sadd.s32 s0, s3;
	s0 =	sld [smem:$0x3FAA]  }
0x30: {  	s3 =	sld [smem:$0x3FAD]  }
0x31: {  	[smem:$0x3FB6] =	sst s10  }
0x32: {  	s10 =	sld [smem:$0x3FB4];
	_ =	sdelay $0x3  }
0x33: {  	p0 =	seq.s32 s10, $0x1;
	s10 =	sld [smem:$0x3FB6];
	_ =	sdelay $0x3  }
0x34: {  	[smem:$0x3FB6] =	sst s10  }
0x35: {  	s10 =	sld [smem:$0x3FB5];
	_ =	sdelay $0x3  }
0x36: {  	p1 =	seq.s32 s10, $0x1;
	s10 =	sld [smem:$0x3FB6];
	_ =	sdelay $0x3  }
0x37: {  	[smem:$0x3FB6] =	sst s10  }
0x38: {  	s10 =	sld [smem:$0x3FB7]  }
0x39: {  	_ = 	snop;
	(pc) =	sbr.ind lr, $3  }
0x3a: {  	_ = 	snop  }
0x3b: {  	_ = 	snop  }
0x3c: {  	p2 =	seq.s32 s10, $0x1;
	s10 =	sld [smem:$0x3FB6]  }
0x3d: {  	_ =	shalt  }
0x3e: {  	_ =	shalt  }
0x3f: {  	_ =	shalt  }
0x40: {  	_ =	shalt  }
0x41: {  	_ =	shalt  }
0x42: {  	_ =	shalt  }
0x43: {  	_ =	shalt  }
0x44: {  	_ =	shalt  }
0x45: {  	_ =	shalt  }
0x46: {  	_ =	shalt  }
0x47: {  	_ =	shalt  }
0x48: {  	_ =	shalt  }
0x49: {  	_ =	shalt  }
0x4a: {  	_ =	shalt  }
0x4b: {  	_ =	shalt  }
0x4c: {  	_ =	shalt  }
0x4d: {  	_ =	shalt  }
0x4e: {  	_ =	shalt  }
0x4f: {  	_ =	shalt  }
0x50: {  	_ =	shalt  }
0x51: {  	_ =	shalt  }
0x52: {  	_ =	shalt  }
0x53: {  	_ =	shalt  }
0x54: {  	_ =	shalt  }
0x55: {  	_ =	shalt  }
0x56: {  	_ =	shalt  }
0x57: {  	_ =	shalt  }
0x58: {  	_ =	shalt  }
0x59: {  	_ =	shalt  }
0x5a: {  	_ =	shalt  }
0x5b: {  	_ =	shalt  }
0x5c: {  	_ =	shalt  }
0x5d: {  	_ =	shalt  }
0x5e: {  	_ =	shalt  }
0x5f: {  	_ =	shalt  }
0x60: {  	_ =	shalt  }
0x61: {  	_ =	shalt  }
0x62: {  	_ =	shalt  }
0x63: {  	_ =	shalt  }
0x64: {  	_ =	shalt  }
0x65: {  	_ =	shalt  }
0x66: {  	_ =	shalt  }
0x67: {  	_ =	shalt  }
0x68: {  	_ =	shalt  }
0x69: {  	_ =	shalt  }
0x6a: {  	_ =	shalt  }
0x6b: {  	_ =	shalt  }
0x6c: {  	_ =	shalt  }
0x6d: {  	_ =	shalt  }
0x6e: {  	_ =	shalt  }
0x6f: {  	_ =	shalt  }
0x70: {  	_ =	shalt  }
0x71: {  	_ =	shalt  }
0x72: {  	_ =	shalt  }
0x73: {  	_ =	shalt  }
0x74: {  	_ =	shalt  }
0x75: {  	_ =	shalt  }
0x76: {  	_ =	shalt  }
0x77: {  	_ =	shalt  }
0x78: {  	_ =	shalt  }
0x79: {  	_ =	shalt  }
0x7a: {  	_ =	shalt  }
0x7b: {  	_ =	shalt  }
0x7c: {  	_ =	shalt  }
0x7d: {  	_ =	shalt  }
0x7e: {  	_ =	shalt  }
0x7f: {  	_ =	shalt  }
0x80: {  	_ =	shalt  }
0x81: {  	_ =	shalt  }
0x82: {  	_ =	shalt  }
0x83: {  	_ =	shalt  }
0x84: {  	_ =	shalt  }
0x85: {  	_ =	shalt  }
0x86: {  	_ =	shalt  }
0x87: {  	_ =	shalt  }
.Lfunc_end0:
.L_simem_size_0:
called_computation.1_lowered:
.L_overlay_start_0:
0x88: {  	s2 =	sld [smem:$0x3FD9]  }
0x89: {  	s3 =	sld [smem:$0x3FFE];
	_ =	sdelay $0x1  }
0x8a: {  	s1 =	srdreg.scid  }
0x8b: {  	s0 =	sand.u32 $0x1, s1  }
0x8c: {  	s16 =	sshll.u32 s0, $0xA;
	s2 =	sadd.s32 s3, s2  }
0x8d: {  	s2 =	sadd.s32 s2, s16  }
0x8e: {  	[smem:$0x3FC2] =	sst s2  }
0x8f: {  	_ = 	snop  }
0x90: {  	(tm) =	ssettm $0x1  }
0x91: {  	s17 =	sld [smem:$0x3FFB];
	_ =	sdelay $0x3  }
0x92: {  	_ =	strace s17  }
0x93: {  	s2 =	sld [smem:$0x3FFC];
	_ =	sdelay $0x3  }
0x94: {  	_ =	strace s2  }
0x95: {  	s2 =	sld [smem:$0x3FFD];
	_ =	sdelay $0x3  }
0x96: {  	_ =	strace s2  }
0x97: {  	_ =	strace $0x8FFFFFFF  }
0x98: {  	s18 =	sld [smem:$0x3FDB];
	_ =	sdelay $0x1  }
0x99: {  	s19 =	simm.s32 $_scs_section_size  }
0x9a: {  	s4 =	simm.s32 $_size__tile_overlayer_lowered;
	s5 =	simm.s32 $_tile_overlayer_lowered  }
0x9b: {  	s22 =	simm.s32 $0x1BFF;
	s21 =	sshll.u32 s5, $0x1;
	s2 =	sadd.s32 s19, s18  }
0x9c: {  	s6 =	simm.s32 $0x0;
	s20 =	sshll.u32 s4, $0x1;
	s4 =	sadd.s32 s21, s2  }
0x9d: {  	[timem:s6], [sflag:s22] =	dma.local [hbm:s4], s20  }
0x9e: {  	_ =	swait.ge [sflag:s22], s20  }
0x9f: {  	s3 =	ssub.s32 $0x0, s20;
	[sflag:s22] =	ssyncset.done $0x0  }
0xa0: {  	[sflag:s22] =	ssyncadd.s32 s3;
	_ =	sdelay $0x1  }
0xa1: {  	s23 =	simm.s32 $0x1B8B  }
0xa2: {  	_ =	swait.ge [sflag:s23], $0x1  }
0xa3: {  	[sflag:s23] =	ssyncset.done $0x0  }
0xa4: {  	s25 =	simm.s32 $0x1B8E;
	s24 =	sld [smem:$0x3FFE];
	[sflag:s23] =	ssyncadd.s32 $0xFFFFFFFF  }
0xa5: {  	s26 =	simm.s32 $execute0_lowered;
	[smem:$0x3FD2] =	sst s25  }
0xa6: {  	s4 =	sshll.u32 s26, $0x1;
	_ =	strace $0x80000049;
	[dreg:$0x1] =	wrdreg $0xFFFFFFFF  }
0xa7: {  	s28 =	simm.s32 $_size_execute0_lowered;
	s2 =	sadd.s32 s2, s4;
	[dreg:$0x0] =	wrdreg $0x0  }
0xa8: {  	s4 =	sshll.u32 s28, $0x1;
	[dreg:$0x2] =	wrdreg s2  }
0xa9: {  	[dreg:$0x3] =	wrdreg s4  }
0xaa: {  	[dreg:$0x4] =	wrdreg $0xC0  }
0xab: {  	_ =	task [dreg:s6], $0x5FFFF  }
0xac: {  	[dreg:$0x1] =	wrdreg $0xFFFFFFFF  }
0xad: {  	[dreg:$0x0] =	wrdreg $0x60  }
0xae: {  	[dreg:$0x2] =	wrdreg s24  }
0xaf: {  	[dreg:$0x3] =	wrdreg $0x13E200  }
0xb0: {  	[dreg:$0x4] =	wrdreg $0x9  }
0xb1: {  	_ =	task.clear_ibuf [dreg:s6], $0x5FFFF;
	_ =	strace $0x90000049  }
0xb2: {  	s29 =	simm.s32 $0x9;
	_ =	strace $0x8000004B  }
0xb3: {  	_ =	swait.ge [sflag:s29], $0x1  }
0xb4: {  	[sflag:s29] =	ssyncadd.s32 $0xFFFFFFFF  }
0xb5: {  	_ =	strace $0x9000004B  }
0xb6: {  	_ =	sfence  }
0xb7: {  	s30 =	sld [smem:$0x0];
	_ =	sdelay $0x2  }
0xb8: {  	s31 =	sshll.u32 s1, $0xD;
	s1 =	sshrl.u32 s1, $0x2  }
0xb9: {  	s3 =	sand.u32 $0x4000, s31;
	s1 =	sadd.s32 s1, s30  }
0xba: {  	s0 =	sor.u32 s3, s0;
	s1 =	sshll.u32 s1, $0x11  }
0xbb: {  	s0 =	sor.u32 s1, s0  }
0xbc: {  	s0 =	sadd.s32 $0x8F2B, s0  }
0xbd: {  	[sflag:s0] =	ssyncadd.remote.s32 $0x1  }
0xbe: {  	_ =	sfence.sel $0xFFFF  }
0xbf: {  	[dreg:$0x0] =	wrdreg $0xFFFFFFFF;
	(pc) =	sbr.abs _section_cstart, $3  }
0xc0: {  	[dreg:$0x1] =	wrdreg $0xFFFFFFFF  }
0xc1: {  	_ =	task.clear_ibuf [dreg:s6], $0x2FFFF;
	_ =	strace $0x9FFFFFFF  }
0xc2: {  	(tm) =	ssettm $0x7FFFFFFF  }
0xc3: {  	_ =	shalt  }
tec
execute0_lowered:
.L_overlay_start_1:
0x0: {  	(tag) =	ssettag $0x1  }
0x1: {  	s0 =	rddreg [dreg:$0x0]  }
0x2: {  	s2 =	rddreg [dreg:$0x1];
	s9 =	stileid.u32  }
0x3: {  	s1 =	srdreg.scid;
	s4 =	simm.s32 $0x0;
	s14 =	simm.s32 $0xD  }
0x4: {  	s16 =	simm.s32 $0x50;
	s17 =	simm.s32 $0x4E20;
	s18 =	simm.s32 $0x6220  }
0x5: {  	s31 =	simm.s32 $0xDA20;
	s10 =	simm.s32 $0x12A20;
	s11 =	simm.s32 $0x2  }
0x6: {  	s12 =	simm.s32 $0x3;
	s28 =	simm.s32 $0x8;
	s3 =	smul.u32 $0xA000, s9  }
0x7: {  	s29 =	simm.s32 $0xA;
	s30 =	simm.s32 $0xC;
	s5 =	smul.u32 $0x14000, s9  }
0x8: {  	s1 =	sand.u32 $0x1, s1;
	[smem:$0x7FF] =	sst s4;
	s7 =	smul.u32 $0x4E20, s9  }
0x9: {  	s21 =	sshll.u32 s9, $0x6;
	s19 =	smul.u32 $0x14000, s1;
	_ =	strace $0x8000004A  }
0xa: {  	s8 =	sshll.u32 s1, $0x6;
	s1 =	ssub.s32 $0x2, s1;
	s6 =	sshrl.u32 s3, $0x3  }
0xb: {  	s5 =	sor.u32 s8, s5;
	s7 =	sshrl.u32 s7, $0x3;
	s20 =	sshrl.u32 s1, $0x1  }
0xc: {  	s3 =	sadd.s32 s3, s2;
	s6 =	sadd.s32 s6, s0;
	s4 =	sadd.s32 s19, s0  }
0xd: {  	s5 =	sshrl.u32 s5, $0x3;
	s7 =	sadd.s32 s7, s0;
	s1 =	ssub.s32 s1, s20  }
0xe: {  	s20 =	simm.s32 $0x7620;
	s19 =	simm.s32 $0x1;
	s6 =	sadd.s32 $0x8DE00, s6  }
0xf: {  	s0 =	sadd.s32 s5, s0;
	s22 =	sadd.s32 $0x2400, s7;
	[dreg:$0x3] =	wrdreg s6  }
0x10: {  	s5 =	sor.u32 $0x1C0D, s21;
	s23 =	sadd.s32 $0xC040, s7;
	[dreg:$0x5] =	wrdreg s22  }
0x11: {  	s8 =	sadd.s32 $0x65E00, s4;
	s24 =	sadd.s32 $0x28E2, s7;
	[dreg:$0x6] =	wrdreg s23  }
0x12: {  	s25 =	sadd.s32 $0xC522, s7;
	s26 =	smax.u32 s1, $0x1;
	[dreg:$0x7] =	wrdreg s24  }
.Ltmp0:
0x13: {  	s1 =	sshrl.u32 s3, $0x3;
	[dreg:$0x8] =	wrdreg s25;
	(pc) =	sbr.rel .LBB2_1-.Ltmp0, $4  }
0x14: {  	s21 =	simm.s32 $0x4;
	s3 =	simm.s32 $0x0;
	[dreg:$0xa] =	wrdreg s26  }
0x15: {  	s0 =	sadd.s32 $0xA1E00, s0;
	s22 =	simm.s32 $0x8A20;
	[dreg:$0x4] =	wrdreg s5  }
0x16: {  	s24 =	simm.s32 $0x9E20;
	s6 =	simm.s32 $0x10220;
	[dreg:$0xb] =	wrdreg s1  }
0x17: {  	s23 =	simm.s32 $0x5;
	s25 =	simm.s32 $0x6;
	[dreg:$0x9] =	wrdreg s0  }
.LBB2_7:
0x18: {  	_ =	swait.ge [sflag:s19], $0x1400  }
0x19: {  	[sflag:s19] =	ssyncset.done $0x0  }
0x1a: {  	s0 =	simm.s32 $0x4C90;
	[sflag:s19] =	ssyncadd.s32 $0xFFFFEC00  }
0x1b: {  	[spmem:s2] =	stream.indirect.scatter.add.f32 [tilespmem:s17], [sflag:$0xD], $0x40, s0, s16, $0xb8;
	[tilespmem:$0x1DE20] =	vst v63  }
0x1c: {  	_ =	swait.ge [sflag:s14], $0x1400  }
0x1d: {  	[sflag:s14] =	ssyncset.done $0x0  }
0x1e: {  	[sflag:s14] =	ssyncadd.s32 $0xFFFFEC00  }
0x1f: {  	_ =	swait.ge [sflag:s11], $0x1400  }
0x20: {  	[sflag:s11] =	ssyncset.done $0x0  }
0x21: {  	s4 =	simm.s32 $0x4CE0;
	[sflag:s11] =	ssyncadd.s32 $0xFFFFEC00  }
0x22: {  	[spmem:s2] =	stream.indirect.scatter.add.f32 [tilespmem:s18], [sflag:$0xD], $0x40, s4, s16, $0xb8;
	[tilespmem:$0x1DE20] =	vst v63  }
0x23: {  	_ =	swait.ge [sflag:s14], $0x1400  }
0x24: {  	[sflag:s14] =	ssyncset.done $0x0  }
0x25: {  	[sflag:s14] =	ssyncadd.s32 $0xFFFFEC00  }
0x26: {  	_ =	swait.ge [sflag:s12], $0x1400  }
0x27: {  	[sflag:s12] =	ssyncset.done $0x0  }
0x28: {  	s5 =	simm.s32 $0x4D30;
	[sflag:s12] =	ssyncadd.s32 $0xFFFFEC00  }
0x29: {  	[spmem:s2] =	stream.indirect.scatter.add.f32 [tilespmem:s20], [sflag:$0xD], $0x40, s5, s16, $0xb8;
	[tilespmem:$0x1DE20] =	vst v63  }
0x2a: {  	_ =	swait.ge [sflag:s14], $0x1400  }
0x2b: {  	[sflag:s14] =	ssyncset.done $0x0  }
0x2c: {  	[sflag:s14] =	ssyncadd.s32 $0xFFFFEC00  }
0x2d: {  	_ =	swait.ge [sflag:s21], $0x1400  }
0x2e: {  	[sflag:s21] =	ssyncset.done $0x0  }
0x2f: {  	s7 =	simm.s32 $0x4D80;
	[sflag:s21] =	ssyncadd.s32 $0xFFFFEC00  }
0x30: {  	[spmem:s2] =	stream.indirect.scatter.add.f32 [tilespmem:s22], [sflag:$0xD], $0x40, s7, s16, $0xb8;
	[tilespmem:$0x1DE20] =	vst v63  }
0x31: {  	_ =	swait.ge [sflag:s14], $0x1400  }
0x32: {  	[sflag:s14] =	ssyncset.done $0x0  }
0x33: {  	[sflag:s14] =	ssyncadd.s32 $0xFFFFEC00  }
0x34: {  	_ =	swait.ge [sflag:s23], $0x1400  }
0x35: {  	[sflag:s23] =	ssyncset.done $0x0  }
0x36: {  	s9 =	simm.s32 $0x4DD0;
	[sflag:s23] =	ssyncadd.s32 $0xFFFFEC00  }
0x37: {  	[spmem:s2] =	stream.indirect.scatter.add.f32 [tilespmem:s24], [sflag:$0xD], $0x40, s9, s16, $0xb8;
	[tilespmem:$0x1DE20] =	vst v63  }
0x38: {  	_ =	swait.ge [sflag:s14], $0x1400  }
0x39: {  	[sflag:s14] =	ssyncset.done $0x0  }
0x3a: {  	[sflag:s14] =	ssyncadd.s32 $0xFFFFEC00  }
0x3b: {  	[bflag:$0x0] =	sbarrier.arrive $0xFFFF  }
0x3c: {  	s5 =	rddreg [dreg:$0x4]  }
0x3d: {  	s13 =	rddreg [dreg:$0x9]  }
0x3e: {  	s3 =	simm.s32 $0x10;
	s1 =	rddreg [dreg:$0xb]  }
0x3f: {  	[hbm:s13@s3], [sflag:s5] =	dma.strided [spmem:s1@s28], $0x1400, s19, $0x8   }
0x40: {  	_ =	swait.ge [sflag:s14], $0x1400  }
0x41: {  	s15 =	rddreg [dreg:$0xc]  }
0x42: {  	s26 =	rddreg [dreg:$0xa];
	s3 =	sadd.s32 $0x1, s15  }
0x43: {  	p0 =	sne.s32 s3, s26  }
.Ltmp1:
0x44: {  	_ = 	snop;
	(pc) =	sbr.rel @!p0 .LBB2_8-.Ltmp1, $3  }
0x45: {  	_ =	sdelay $0x1  }
0x46: {  	[sflag:s14] =	ssyncset.done $0x0  }
0x47: {  	[sflag:s14] =	ssyncadd.s32 $0xFFFFEC00  }
.LBB2_1:
0x48: {  	[dreg:$0xc] =	wrdreg s3  }
0x49: {  	s0 =	rddreg [dreg:$0x3]  }
0x4a: {  	[spmem:s1], [sflag:s5] =	dma.local [hbm:s0], $0x1400  }
0x4b: {  	_ =	swait.ge [sflag:s14], $0x1400  }
0x4c: {  	[sflag:s14] =	ssyncset.done $0x0  }
0x4d: {  	[sflag:s14] =	ssyncadd.s32 $0xFFFFEC00  }
0x4e: {  	[bflag:$0x0] =	sbarrier.arrive $0xFFFF  }
0x4f: {  	s26 =	simm.s32 $0x0;
	s3 =	rddreg [dreg:$0x5]  }
0x50: {  	[tilespmem:s26], [sflag:$0xD] =	stream.linear.gather [hbm4b:s3+s26], $0x2710, $0x38;
	[tilespmem:$0x1DE20] =	vst v63  }
0x51: {  	_ =	swait.ge [sflag:s14], $0x2710  }
0x52: {  	[sflag:s14] =	ssyncset.done $0x0  }
0x53: {  	s5 =	simm.s32 $0x2710;
	s4 =	rddreg [dreg:$0x6];
	[sflag:s14] =	ssyncadd.s32 $0xFFFFD8F0  }
0x54: {  	[tilespmem:s5], [sflag:$0xD] =	stream.linear.gather [hbm4b:s4+s26], $0x2710, $0x38;
	[tilespmem:$0x1DE20] =	vst v63  }
0x55: {  	_ =	swait.ge [sflag:s14], $0x2710  }
0x56: {  	[sflag:s14] =	ssyncset.done $0x0  }
0x57: {  	[sflag:s14] =	ssyncadd.s32 $0xFFFFD8F0  }
0x58: {  	[tilespmem:s17], [sflag:$0x1] =	stream.indirect.gather [hbm4b:s8+s16], $0x40, s26, s16, $0xb8;
	[tilespmem:$0x1DE20] =	vst v63  }
0x59: {  	_ = 	snop  }
0x5a: {  	[tilespmem:s18], [sflag:$0x2] =	stream.indirect.gather [hbm4b:s8+s16], $0x40, s16, s16, $0xb8;
	[tilespmem:$0x1DE20] =	vst v63  }
0x5b: {  	s7 =	simm.s32 $0xA0  }
0x5c: {  	[tilespmem:s20], [sflag:$0x3] =	stream.indirect.gather [hbm4b:s8+s16], $0x40, s7, s16, $0xb8;
	[tilespmem:$0x1DE20] =	vst v63  }
0x5d: {  	s9 =	simm.s32 $0xF0  }
0x5e: {  	[tilespmem:s22], [sflag:$0x4] =	stream.indirect.gather [hbm4b:s8+s16], $0x40, s9, s16, $0xb8;
	[tilespmem:$0x1DE20] =	vst v63  }
0x5f: {  	s13 =	simm.s32 $0x140  }
0x60: {  	[tilespmem:s24], [sflag:$0x5] =	stream.indirect.gather [hbm4b:s8+s16], $0x40, s13, s16, $0xb8;
	[tilespmem:$0x1DE20] =	vst v63  }
0x61: {  	s15 =	simm.s32 $0x190;
	s26 =	simm.s32 $0xB220  }
0x62: {  	[tilespmem:s26], [sflag:$0x6] =	stream.indirect.gather [hbm4b:s8+s16], $0x40, s15, s16, $0xb8;
	[tilespmem:$0x1DE20] =	vst v63  }
0x63: {  	s1 =	simm.s32 $0x1E0;
	s3 =	simm.s32 $0xC620  }
0x64: {  	[tilespmem:s3], [sflag:$0x7] =	stream.indirect.gather [hbm4b:s8+s16], $0x40, s1, s16, $0xb8;
	[tilespmem:$0x1DE20] =	vst v63  }
0x65: {  	s4 =	simm.s32 $0x230  }
0x66: {  	[tilespmem:s31], [sflag:$0x8] =	stream.indirect.gather [hbm4b:s8+s16], $0x40, s4, s16, $0xb8;
	[tilespmem:$0x1DE20] =	vst v63  }
0x67: {  	s5 =	simm.s32 $0x280;
	s7 =	simm.s32 $0xEE20  }
0x68: {  	[tilespmem:s7], [sflag:$0x9] =	stream.indirect.gather [hbm4b:s8+s16], $0x40, s5, s16, $0xb8;
	[tilespmem:$0x1DE20] =	vst v63  }
0x69: {  	s9 =	simm.s32 $0x2D0  }
0x6a: {  	[tilespmem:s6], [sflag:$0xA] =	stream.indirect.gather [hbm4b:s8+s16], $0x40, s9, s16, $0xb8;
	[tilespmem:$0x1DE20] =	vst v63  }
0x6b: {  	s13 =	simm.s32 $0x320;
	s15 =	simm.s32 $0x11620  }
0x6c: {  	[tilespmem:s15], [sflag:$0xB] =	stream.indirect.gather [hbm4b:s8+s16], $0x40, s13, s16, $0xb8;
	[tilespmem:$0x1DE20] =	vst v63  }
0x6d: {  	s0 =	simm.s32 $0x0;
	s26 =	simm.s32 $0x370  }
0x6e: {  	[tilespmem:s10], [sflag:$0xC] =	stream.indirect.gather [hbm4b:s8+s16], $0x40, s26, s16, $0xb8;
	[tilespmem:$0x1DE20] =	vst v63  }
.LBB2_2:
0x6f: {  	_ =	swait.ge [sflag:s19], $0x1400  }
0x70: {  	s1 =	sshra.s32 s0, $0x2;
	[sflag:s19] =	ssyncset.done $0x0  }
0x71: {  	s3 =	sadd.s32 $0x2710, s1;
	[sflag:s19] =	ssyncadd.s32 $0xFFFFEC00  }
0x72: {  	[spmem:s2] =	stream.indirect.scatter.add.f32 [tilespmem:s17], [sflag:$0xD], $0x40, s3, s16, $0xb8;
	[tilespmem:$0x1DE20] =	vst v63  }
0x73: {  	_ =	swait.ge [sflag:s14], $0x1400  }
0x74: {  	[sflag:s14] =	ssyncset.done $0x0  }
0x75: {  	s9 =	sadd.s32 $0x3C0, s1;
	[sflag:s14] =	ssyncadd.s32 $0xFFFFEC00  }
0x76: {  	[tilespmem:s17], [sflag:$0x1] =	stream.indirect.gather [hbm4b:s8+s16], $0x40, s9, s16, $0xb8;
	[tilespmem:$0x1DE20] =	vst v63  }
0x77: {  	_ =	swait.ge [sflag:s11], $0x1400  }
0x78: {  	[sflag:s11] =	ssyncset.done $0x0  }
0x79: {  	s13 =	sadd.s32 $0x2760, s1;
	[sflag:s11] =	ssyncadd.s32 $0xFFFFEC00  }
0x7a: {  	[spmem:s2] =	stream.indirect.scatter.add.f32 [tilespmem:s18], [sflag:$0xD], $0x40, s13, s16, $0xb8;
	[tilespmem:$0x1DE20] =	vst v63  }
0x7b: {  	_ =	swait.ge [sflag:s14], $0x1400  }
0x7c: {  	[sflag:s14] =	ssyncset.done $0x0  }
0x7d: {  	s15 =	sadd.s32 $0x410, s1;
	[sflag:s14] =	ssyncadd.s32 $0xFFFFEC00  }
0x7e: {  	[tilespmem:s18], [sflag:$0x2] =	stream.indirect.gather [hbm4b:s8+s16], $0x40, s15, s16, $0xb8;
	[tilespmem:$0x1DE20] =	vst v63  }
0x7f: {  	_ =	swait.ge [sflag:s12], $0x1400  }
0x80: {  	[sflag:s12] =	ssyncset.done $0x0  }
0x81: {  	s26 =	sadd.s32 $0x27B0, s1;
	[sflag:s12] =	ssyncadd.s32 $0xFFFFEC00  }
0x82: {  	[spmem:s2] =	stream.indirect.scatter.add.f32 [tilespmem:s20], [sflag:$0xD], $0x40, s26, s16, $0xb8;
	[tilespmem:$0x1DE20] =	vst v63  }
0x83: {  	_ =	swait.ge [sflag:s14], $0x1400  }
0x84: {  	[sflag:s14] =	ssyncset.done $0x0  }
0x85: {  	s4 =	sadd.s32 $0x460, s1;
	[sflag:s14] =	ssyncadd.s32 $0xFFFFEC00  }
0x86: {  	[tilespmem:s20], [sflag:$0x3] =	stream.indirect.gather [hbm4b:s8+s16], $0x40, s4, s16, $0xb8;
	[tilespmem:$0x1DE20] =	vst v63  }
0x87: {  	_ =	swait.ge [sflag:s21], $0x1400  }
0x88: {  	[sflag:s21] =	ssyncset.done $0x0  }
0x89: {  	s5 =	sadd.s32 $0x2800, s1;
	[sflag:s21] =	ssyncadd.s32 $0xFFFFEC00  }
0x8a: {  	[spmem:s2] =	stream.indirect.scatter.add.f32 [tilespmem:s22], [sflag:$0xD], $0x40, s5, s16, $0xb8;
	[tilespmem:$0x1DE20] =	vst v63  }
0x8b: {  	_ =	swait.ge [sflag:s14], $0x1400  }
0x8c: {  	[sflag:s14] =	ssyncset.done $0x0  }
0x8d: {  	s7 =	sadd.s32 $0x4B0, s1;
	[sflag:s14] =	ssyncadd.s32 $0xFFFFEC00  }
0x8e: {  	[tilespmem:s22], [sflag:$0x4] =	stream.indirect.gather [hbm4b:s8+s16], $0x40, s7, s16, $0xb8;
	[tilespmem:$0x1DE20] =	vst v63  }
0x8f: {  	_ =	swait.ge [sflag:s23], $0x1400  }
0x90: {  	[sflag:s23] =	ssyncset.done $0x0  }
0x91: {  	s9 =	sadd.s32 $0x2850, s1;
	[sflag:s23] =	ssyncadd.s32 $0xFFFFEC00  }
0x92: {  	[spmem:s2] =	stream.indirect.scatter.add.f32 [tilespmem:s24], [sflag:$0xD], $0x40, s9, s16, $0xb8;
	[tilespmem:$0x1DE20] =	vst v63  }
0x93: {  	_ =	swait.ge [sflag:s14], $0x1400  }
0x94: {  	[sflag:s14] =	ssyncset.done $0x0  }
0x95: {  	s13 =	sadd.s32 $0x500, s1;
	[sflag:s14] =	ssyncadd.s32 $0xFFFFEC00  }
0x96: {  	[tilespmem:s24], [sflag:$0x5] =	stream.indirect.gather [hbm4b:s8+s16], $0x40, s13, s16, $0xb8;
	[tilespmem:$0x1DE20] =	vst v63  }
0x97: {  	_ =	swait.ge [sflag:s25], $0x1400  }
0x98: {  	[sflag:s25] =	ssyncset.done $0x0  }
0x99: {  	s15 =	sadd.s32 $0x28A0, s1;
	s4 =	simm.s32 $0xB220;
	[sflag:s25] =	ssyncadd.s32 $0xFFFFEC00  }
0x9a: {  	[spmem:s2] =	stream.indirect.scatter.add.f32 [tilespmem:s4], [sflag:$0xD], $0x40, s15, s16, $0xb8;
	[tilespmem:$0x1DE20] =	vst v63  }
0x9b: {  	_ =	swait.ge [sflag:s14], $0x1400  }
0x9c: {  	p0 =	seq.s32 s0, $0x8700;
	[sflag:s14] =	ssyncset.done $0x0  }
0x9d: {  	s3 =	simm.s32 @p0 $0x7;
	[sflag:s14] =	ssyncadd.s32 $0xFFFFEC00  }
0x9e: {  	_ =	swait.ge @p0 [sflag:s3], $0x1400  }
0x9f: {  	s5 =	simm.s32 @p0 $0xC620;
	s7 =	sshra.s32 @p0 s0, $0x2;
	[sflag:s3] =	ssyncset.done @p0 $0x0  }
0xa0: {  	s4 =	sadd.s32 @p0 $0x28F0, s7;
	[sflag:s3] =	ssyncadd.s32 @p0 $0xFFFFEC00;
	s3 =	simm.s32 @p0 $0x50  }
0xa1: {  	[spmem:s2] =	stream.indirect.scatter.add.f32 @p0 [tilespmem:s5], [sflag:$0xD], $0x40, s4, s3, $0xb8;
	[tilespmem:$0x1DE20] =	vst v63  }
0xa2: {  	s5 =	simm.s32 @p0 $0xD  }
0xa3: {  	_ =	swait.ge @p0 [sflag:s5], $0x1400  }
0xa4: {  	s9 =	simm.s32 @!p0 $0xB220;
	s4 =	sshra.s32 @!p0 s0, $0x2;
	[sflag:s5] =	ssyncset.done @p0 $0x0  }
0xa5: {  	s15 =	simm.s32 @!p0 $0x50;
	s13 =	sadd.s32 @!p0 $0x550, s4;
	[sflag:s5] =	ssyncadd.s32 @p0 $0xFFFFEC00  }
0xa6: {  	[tilespmem:s9], [sflag:$0x6] =	stream.indirect.gather @!p0 [hbm4b:s8+s15], $0x40, s13, s15, $0xb8;
	[tilespmem:$0x1DE20] =	vst v63  }
0xa7: {  	s9 =	simm.s32 @!p0 $0x7  }
0xa8: {  	_ =	swait.ge @!p0 [sflag:s9], $0x1400  }
0xa9: {  	s26 =	simm.s32 @!p0 $0xC620;
	[sflag:s9] =	ssyncset.done @!p0 $0x0  }
0xaa: {  	s13 =	simm.s32 @!p0 $0xD;
	[sflag:s9] =	ssyncadd.s32 @!p0 $0xFFFFEC00;
	s9 =	sadd.s32 @!p0 $0x28F0, s4  }
0xab: {  	[spmem:s2] =	stream.indirect.scatter.add.f32 @!p0 [tilespmem:s26], [sflag:$0xD], $0x40, s9, s15, $0xb8;
	[tilespmem:$0x1DE20] =	vst v63  }
0xac: {  	_ =	swait.ge @!p0 [sflag:s13], $0x1400  }
0xad: {  	[sflag:s13] =	ssyncset.done @!p0 $0x0  }
0xae: {  	s9 =	sadd.s32 @!p0 $0x5A0, s4;
	[sflag:s13] =	ssyncadd.s32 @!p0 $0xFFFFEC00  }
0xaf: {  	[tilespmem:s26], [sflag:$0x7] =	stream.indirect.gather @!p0 [hbm4b:s8+s15], $0x40, s9, s15, $0xb8;
	[tilespmem:$0x1DE20] =	vst v63  }
0xb0: {  	_ =	swait.ge [sflag:s28], $0x1400  }
0xb1: {  	[sflag:s28] =	ssyncset.done $0x0  }
0xb2: {  	s26 =	sadd.s32 $0x2940, s1;
	[sflag:s28] =	ssyncadd.s32 $0xFFFFEC00  }
0xb3: {  	[spmem:s2] =	stream.indirect.scatter.add.f32 [tilespmem:s31], [sflag:$0xD], $0x40, s26, s16, $0xb8;
	[tilespmem:$0x1DE20] =	vst v63  }
0xb4: {  	_ =	swait.ge [sflag:s14], $0x1400  }
0xb5: {  	[sflag:s14] =	ssyncset.done $0x0  }
0xb6: {  	s9 =	simm.s32 @p0 $0x9;
	[sflag:s14] =	ssyncadd.s32 $0xFFFFEC00  }
0xb7: {  	_ =	swait.ge @p0 [sflag:s9], $0x1400  }
0xb8: {  	[sflag:s9] =	ssyncset.done @p0 $0x0  }
0xb9: {  	s26 =	simm.s32 @p0 $0xEE20;
	[sflag:s9] =	ssyncadd.s32 @p0 $0xFFFFEC00;
	s9 =	sadd.s32 @p0 $0x2990, s7  }
0xba: {  	[spmem:s2] =	stream.indirect.scatter.add.f32 @p0 [tilespmem:s26], [sflag:$0xD], $0x40, s9, s3, $0xb8;
	[tilespmem:$0x1DE20] =	vst v63  }
0xbb: {  	_ =	swait.ge @p0 [sflag:s5], $0x1400  }
0xbc: {  	[sflag:s5] =	ssyncset.done @p0 $0x0  }
0xbd: {  	s9 =	sadd.s32 @!p0 $0x5F0, s4;
	s26 =	simm.s32 @!p0 $0xDA20;
	[sflag:s5] =	ssyncadd.s32 @p0 $0xFFFFEC00  }
0xbe: {  	[tilespmem:s26], [sflag:$0x8] =	stream.indirect.gather @!p0 [hbm4b:s8+s15], $0x40, s9, s15, $0xb8;
	[tilespmem:$0x1DE20] =	vst v63  }
0xbf: {  	s9 =	simm.s32 @!p0 $0x9  }
0xc0: {  	_ =	swait.ge @!p0 [sflag:s9], $0x1400  }
0xc1: {  	[sflag:s9] =	ssyncset.done @!p0 $0x0  }
0xc2: {  	s26 =	simm.s32 @!p0 $0xEE20;
	[sflag:s9] =	ssyncadd.s32 @!p0 $0xFFFFEC00;
	s9 =	sadd.s32 @!p0 $0x2990, s4  }
0xc3: {  	[spmem:s2] =	stream.indirect.scatter.add.f32 @!p0 [tilespmem:s26], [sflag:$0xD], $0x40, s9, s15, $0xb8;
	[tilespmem:$0x1DE20] =	vst v63  }
0xc4: {  	_ =	swait.ge @!p0 [sflag:s13], $0x1400  }
0xc5: {  	[sflag:s13] =	ssyncset.done @!p0 $0x0  }
0xc6: {  	s9 =	sadd.s32 @!p0 $0x640, s4;
	[sflag:s13] =	ssyncadd.s32 @!p0 $0xFFFFEC00  }
0xc7: {  	[tilespmem:s26], [sflag:$0x9] =	stream.indirect.gather @!p0 [hbm4b:s8+s15], $0x40, s9, s15, $0xb8;
	[tilespmem:$0x1DE20] =	vst v63  }
0xc8: {  	_ =	swait.ge [sflag:s29], $0x1400  }
0xc9: {  	[sflag:s29] =	ssyncset.done $0x0  }
0xca: {  	s26 =	sadd.s32 $0x29E0, s1;
	[sflag:s29] =	ssyncadd.s32 $0xFFFFEC00  }
0xcb: {  	[spmem:s2] =	stream.indirect.scatter.add.f32 [tilespmem:s6], [sflag:$0xD], $0x40, s26, s16, $0xb8;
	[tilespmem:$0x1DE20] =	vst v63  }
0xcc: {  	_ =	swait.ge [sflag:s14], $0x1400  }
0xcd: {  	[sflag:s14] =	ssyncset.done $0x0  }
0xce: {  	s9 =	simm.s32 @p0 $0xB;
	[sflag:s14] =	ssyncadd.s32 $0xFFFFEC00  }
0xcf: {  	_ =	swait.ge @p0 [sflag:s9], $0x1400  }
0xd0: {  	[sflag:s9] =	ssyncset.done @p0 $0x0  }
0xd1: {  	s7 =	sadd.s32 @p0 $0x2A30, s7;
	[sflag:s9] =	ssyncadd.s32 @p0 $0xFFFFEC00;
	s9 =	simm.s32 @p0 $0x11620  }
0xd2: {  	[spmem:s2] =	stream.indirect.scatter.add.f32 @p0 [tilespmem:s9], [sflag:$0xD], $0x40, s7, s3, $0xb8;
	[tilespmem:$0x1DE20] =	vst v63  }
0xd3: {  	_ =	swait.ge @p0 [sflag:s5], $0x1400  }
0xd4: {  	[sflag:s5] =	ssyncset.done @p0 $0x0  }
0xd5: {  	s3 =	sadd.s32 @!p0 $0x690, s4;
	[sflag:s5] =	ssyncadd.s32 @p0 $0xFFFFEC00;
	s5 =	simm.s32 @!p0 $0x10220  }
0xd6: {  	[tilespmem:s5], [sflag:$0xA] =	stream.indirect.gather @!p0 [hbm4b:s8+s15], $0x40, s3, s15, $0xb8;
	[tilespmem:$0x1DE20] =	vst v63  }
0xd7: {  	s3 =	simm.s32 @!p0 $0xB  }
0xd8: {  	_ =	swait.ge @!p0 [sflag:s3], $0x1400  }
0xd9: {  	[sflag:s3] =	ssyncset.done @!p0 $0x0  }
0xda: {  	s5 =	simm.s32 @!p0 $0x11620;
	[sflag:s3] =	ssyncadd.s32 @!p0 $0xFFFFEC00;
	s3 =	sadd.s32 @!p0 $0x2A30, s4  }
0xdb: {  	[spmem:s2] =	stream.indirect.scatter.add.f32 @!p0 [tilespmem:s5], [sflag:$0xD], $0x40, s3, s15, $0xb8;
	[tilespmem:$0x1DE20] =	vst v63  }
0xdc: {  	_ =	swait.ge @!p0 [sflag:s13], $0x1400  }
0xdd: {  	[sflag:s13] =	ssyncset.done @!p0 $0x0  }
0xde: {  	s3 =	sadd.s32 @!p0 $0x6E0, s4;
	[sflag:s13] =	ssyncadd.s32 @!p0 $0xFFFFEC00  }
0xdf: {  	[tilespmem:s5], [sflag:$0xB] =	stream.indirect.gather @!p0 [hbm4b:s8+s15], $0x40, s3, s15, $0xb8;
	[tilespmem:$0x1DE20] =	vst v63  }
0xe0: {  	_ =	swait.ge [sflag:s30], $0x1400  }
0xe1: {  	[sflag:s30] =	ssyncset.done $0x0  }
.Ltmp2:
0xe2: {  	s26 =	sadd.s32 $0x2A80, s1;
	[sflag:s30] =	ssyncadd.s32 $0xFFFFEC00;
	(pc) =	sbr.rel @p0 .LBB2_4-.Ltmp2, $4  }
0xe3: {  	[spmem:s2] =	stream.indirect.scatter.add.f32 [tilespmem:s10], [sflag:$0xD], $0x40, s26, s16, $0xb8;
	[tilespmem:$0x1DE20] =	vst v63  }
0xe4: {  	_ =	swait.ge [sflag:s14], $0x1400  }
0xe5: {  	[sflag:s14] =	ssyncset.done $0x0  }
0xe6: {  	[sflag:s14] =	ssyncadd.s32 $0xFFFFEC00  }
.Ltmp3:
0xe7: {  	(pc) =	sbr.rel .LBB2_2-.Ltmp3, $3  }
0xe8: {  	_ =	sdelay $0x1  }
0xe9: {  	s1 =	sadd.s32 $0x730, s1;
	s0 =	sadd.s32 $0xF00, s0  }
0xea: {  	[tilespmem:s10], [sflag:$0xC] =	stream.indirect.gather [hbm4b:s8+s16], $0x40, s1, s16, $0xb8;
	[tilespmem:$0x1DE20] =	vst v63  }
.LBB2_4:
0xeb: {  	_ =	swait.ge [sflag:s19], $0x1400  }
0xec: {  	[sflag:s19] =	ssyncset.done $0x0  }
0xed: {  	s0 =	simm.s32 $0x4C90;
	[sflag:s19] =	ssyncadd.s32 $0xFFFFEC00  }
0xee: {  	[spmem:s2] =	stream.indirect.scatter.add.f32 [tilespmem:s17], [sflag:$0xD], $0x40, s0, s16, $0xb8;
	[tilespmem:$0x1DE20] =	vst v63  }
0xef: {  	_ =	swait.ge [sflag:s14], $0x1400  }
0xf0: {  	[sflag:s14] =	ssyncset.done $0x0  }
0xf1: {  	[sflag:s14] =	ssyncadd.s32 $0xFFFFEC00  }
0xf2: {  	_ =	swait.ge [sflag:s11], $0x1400  }
0xf3: {  	[sflag:s11] =	ssyncset.done $0x0  }
0xf4: {  	s7 =	simm.s32 $0x4CE0;
	[sflag:s11] =	ssyncadd.s32 $0xFFFFEC00  }
0xf5: {  	[spmem:s2] =	stream.indirect.scatter.add.f32 [tilespmem:s18], [sflag:$0xD], $0x40, s7, s16, $0xb8;
	[tilespmem:$0x1DE20] =	vst v63  }
0xf6: {  	_ =	swait.ge [sflag:s14], $0x1400  }
0xf7: {  	[sflag:s14] =	ssyncset.done $0x0  }
0xf8: {  	[sflag:s14] =	ssyncadd.s32 $0xFFFFEC00  }
0xf9: {  	_ =	swait.ge [sflag:s12], $0x1400  }
0xfa: {  	[sflag:s12] =	ssyncset.done $0x0  }
0xfb: {  	s9 =	simm.s32 $0x4D30;
	[sflag:s12] =	ssyncadd.s32 $0xFFFFEC00  }
0xfc: {  	[spmem:s2] =	stream.indirect.scatter.add.f32 [tilespmem:s20], [sflag:$0xD], $0x40, s9, s16, $0xb8;
	[tilespmem:$0x1DE20] =	vst v63  }
0xfd: {  	_ =	swait.ge [sflag:s14], $0x1400  }
0xfe: {  	[sflag:s14] =	ssyncset.done $0x0  }
0xff: {  	[sflag:s14] =	ssyncadd.s32 $0xFFFFEC00  }
0x100: {  	_ =	swait.ge [sflag:s21], $0x1400  }
0x101: {  	[sflag:s21] =	ssyncset.done $0x0  }
0x102: {  	s13 =	simm.s32 $0x4D80;
	[sflag:s21] =	ssyncadd.s32 $0xFFFFEC00  }
0x103: {  	[spmem:s2] =	stream.indirect.scatter.add.f32 [tilespmem:s22], [sflag:$0xD], $0x40, s13, s16, $0xb8;
	[tilespmem:$0x1DE20] =	vst v63  }
0x104: {  	_ =	swait.ge [sflag:s14], $0x1400  }
0x105: {  	[sflag:s14] =	ssyncset.done $0x0  }
0x106: {  	[sflag:s14] =	ssyncadd.s32 $0xFFFFEC00  }
0x107: {  	_ =	swait.ge [sflag:s23], $0x1400  }
0x108: {  	[sflag:s23] =	ssyncset.done $0x0  }
0x109: {  	s15 =	simm.s32 $0x4DD0;
	[sflag:s23] =	ssyncadd.s32 $0xFFFFEC00  }
0x10a: {  	[spmem:s2] =	stream.indirect.scatter.add.f32 [tilespmem:s24], [sflag:$0xD], $0x40, s15, s16, $0xb8;
	[tilespmem:$0x1DE20] =	vst v63  }
0x10b: {  	_ =	swait.ge [sflag:s14], $0x1400  }
0x10c: {  	[sflag:s14] =	ssyncset.done $0x0  }
0x10d: {  	s0 =	simm.s32 $0x0;
	s1 =	rddreg [dreg:$0x7];
	[sflag:s14] =	ssyncadd.s32 $0xFFFFEC00  }
0x10e: {  	[tilespmem:s0], [sflag:$0xD] =	stream.linear.gather [hbm4b:s1+s0], $0x2710, $0x38;
	[tilespmem:$0x1DE20] =	vst v63  }
0x10f: {  	_ =	swait.ge [sflag:s14], $0x2710  }
0x110: {  	[sflag:s14] =	ssyncset.done $0x0  }
0x111: {  	s3 =	simm.s32 $0x2710;
	s26 =	rddreg [dreg:$0x8];
	[sflag:s14] =	ssyncadd.s32 $0xFFFFD8F0  }
0x112: {  	[tilespmem:s3], [sflag:$0xD] =	stream.linear.gather [hbm4b:s26+s0], $0x2710, $0x38;
	[tilespmem:$0x1DE20] =	vst v63  }
0x113: {  	_ =	swait.ge [sflag:s14], $0x2710  }
0x114: {  	[sflag:s14] =	ssyncset.done $0x0  }
0x115: {  	[sflag:s14] =	ssyncadd.s32 $0xFFFFD8F0  }
0x116: {  	[tilespmem:s17], [sflag:$0x1] =	stream.indirect.gather [hbm4b:s8+s16], $0x40, s0, s16, $0xb8;
	[tilespmem:$0x1DE20] =	vst v63  }
0x117: {  	_ = 	snop  }
0x118: {  	[tilespmem:s18], [sflag:$0x2] =	stream.indirect.gather [hbm4b:s8+s16], $0x40, s16, s16, $0xb8;
	[tilespmem:$0x1DE20] =	vst v63  }
0x119: {  	s4 =	simm.s32 $0xA0  }
0x11a: {  	[tilespmem:s20], [sflag:$0x3] =	stream.indirect.gather [hbm4b:s8+s16], $0x40, s4, s16, $0xb8;
	[tilespmem:$0x1DE20] =	vst v63  }
0x11b: {  	s5 =	simm.s32 $0xF0  }
0x11c: {  	[tilespmem:s22], [sflag:$0x4] =	stream.indirect.gather [hbm4b:s8+s16], $0x40, s5, s16, $0xb8;
	[tilespmem:$0x1DE20] =	vst v63  }
0x11d: {  	s7 =	simm.s32 $0x140  }
0x11e: {  	[tilespmem:s24], [sflag:$0x5] =	stream.indirect.gather [hbm4b:s8+s16], $0x40, s7, s16, $0xb8;
	[tilespmem:$0x1DE20] =	vst v63  }
0x11f: {  	s9 =	simm.s32 $0x190;
	s13 =	simm.s32 $0xB220  }
0x120: {  	[tilespmem:s13], [sflag:$0x6] =	stream.indirect.gather [hbm4b:s8+s16], $0x40, s9, s16, $0xb8;
	[tilespmem:$0x1DE20] =	vst v63  }
0x121: {  	s15 =	simm.s32 $0x1E0;
	s26 =	simm.s32 $0xC620  }
0x122: {  	[tilespmem:s26], [sflag:$0x7] =	stream.indirect.gather [hbm4b:s8+s16], $0x40, s15, s16, $0xb8;
	[tilespmem:$0x1DE20] =	vst v63  }
0x123: {  	s4 =	simm.s32 $0x230  }
0x124: {  	[tilespmem:s31], [sflag:$0x8] =	stream.indirect.gather [hbm4b:s8+s16], $0x40, s4, s16, $0xb8;
	[tilespmem:$0x1DE20] =	vst v63  }
0x125: {  	s5 =	simm.s32 $0x280;
	s7 =	simm.s32 $0xEE20  }
0x126: {  	[tilespmem:s7], [sflag:$0x9] =	stream.indirect.gather [hbm4b:s8+s16], $0x40, s5, s16, $0xb8;
	[tilespmem:$0x1DE20] =	vst v63  }
0x127: {  	s9 =	simm.s32 $0x2D0  }
0x128: {  	[tilespmem:s6], [sflag:$0xA] =	stream.indirect.gather [hbm4b:s8+s16], $0x40, s9, s16, $0xb8;
	[tilespmem:$0x1DE20] =	vst v63  }
0x129: {  	s13 =	simm.s32 $0x320;
	s15 =	simm.s32 $0x11620  }
0x12a: {  	[tilespmem:s15], [sflag:$0xB] =	stream.indirect.gather [hbm4b:s8+s16], $0x40, s13, s16, $0xb8;
	[tilespmem:$0x1DE20] =	vst v63  }
0x12b: {  	s26 =	simm.s32 $0x370  }
0x12c: {  	[tilespmem:s10], [sflag:$0xC] =	stream.indirect.gather [hbm4b:s8+s16], $0x40, s26, s16, $0xb8;
	[tilespmem:$0x1DE20] =	vst v63  }
.LBB2_5:
0x12d: {  	_ =	swait.ge [sflag:s19], $0x1400  }
0x12e: {  	s1 =	sshra.s32 s0, $0x2;
	[sflag:s19] =	ssyncset.done $0x0  }
0x12f: {  	s3 =	sadd.s32 $0x2710, s1;
	[sflag:s19] =	ssyncadd.s32 $0xFFFFEC00  }
0x130: {  	[spmem:s2] =	stream.indirect.scatter.add.f32 [tilespmem:s17], [sflag:$0xD], $0x40, s3, s16, $0xb8;
	[tilespmem:$0x1DE20] =	vst v63  }
0x131: {  	_ =	swait.ge [sflag:s14], $0x1400  }
0x132: {  	[sflag:s14] =	ssyncset.done $0x0  }
0x133: {  	s9 =	sadd.s32 $0x3C0, s1;
	[sflag:s14] =	ssyncadd.s32 $0xFFFFEC00  }
0x134: {  	[tilespmem:s17], [sflag:$0x1] =	stream.indirect.gather [hbm4b:s8+s16], $0x40, s9, s16, $0xb8;
	[tilespmem:$0x1DE20] =	vst v63  }
0x135: {  	_ =	swait.ge [sflag:s11], $0x1400  }
0x136: {  	[sflag:s11] =	ssyncset.done $0x0  }
0x137: {  	s13 =	sadd.s32 $0x2760, s1;
	[sflag:s11] =	ssyncadd.s32 $0xFFFFEC00  }
0x138: {  	[spmem:s2] =	stream.indirect.scatter.add.f32 [tilespmem:s18], [sflag:$0xD], $0x40, s13, s16, $0xb8;
	[tilespmem:$0x1DE20] =	vst v63  }
0x139: {  	_ =	swait.ge [sflag:s14], $0x1400  }
0x13a: {  	[sflag:s14] =	ssyncset.done $0x0  }
0x13b: {  	s15 =	sadd.s32 $0x410, s1;
	[sflag:s14] =	ssyncadd.s32 $0xFFFFEC00  }
0x13c: {  	[tilespmem:s18], [sflag:$0x2] =	stream.indirect.gather [hbm4b:s8+s16], $0x40, s15, s16, $0xb8;
	[tilespmem:$0x1DE20] =	vst v63  }
0x13d: {  	_ =	swait.ge [sflag:s12], $0x1400  }
0x13e: {  	[sflag:s12] =	ssyncset.done $0x0  }
0x13f: {  	s26 =	sadd.s32 $0x27B0, s1;
	[sflag:s12] =	ssyncadd.s32 $0xFFFFEC00  }
0x140: {  	[spmem:s2] =	stream.indirect.scatter.add.f32 [tilespmem:s20], [sflag:$0xD], $0x40, s26, s16, $0xb8;
	[tilespmem:$0x1DE20] =	vst v63  }
0x141: {  	_ =	swait.ge [sflag:s14], $0x1400  }
0x142: {  	[sflag:s14] =	ssyncset.done $0x0  }
0x143: {  	s4 =	sadd.s32 $0x460, s1;
	[sflag:s14] =	ssyncadd.s32 $0xFFFFEC00  }
0x144: {  	[tilespmem:s20], [sflag:$0x3] =	stream.indirect.gather [hbm4b:s8+s16], $0x40, s4, s16, $0xb8;
	[tilespmem:$0x1DE20] =	vst v63  }
0x145: {  	_ =	swait.ge [sflag:s21], $0x1400  }
0x146: {  	[sflag:s21] =	ssyncset.done $0x0  }
0x147: {  	s5 =	sadd.s32 $0x2800, s1;
	[sflag:s21] =	ssyncadd.s32 $0xFFFFEC00  }
0x148: {  	[spmem:s2] =	stream.indirect.scatter.add.f32 [tilespmem:s22], [sflag:$0xD], $0x40, s5, s16, $0xb8;
	[tilespmem:$0x1DE20] =	vst v63  }
0x149: {  	_ =	swait.ge [sflag:s14], $0x1400  }
0x14a: {  	[sflag:s14] =	ssyncset.done $0x0  }
0x14b: {  	s7 =	sadd.s32 $0x4B0, s1;
	[sflag:s14] =	ssyncadd.s32 $0xFFFFEC00  }
0x14c: {  	[tilespmem:s22], [sflag:$0x4] =	stream.indirect.gather [hbm4b:s8+s16], $0x40, s7, s16, $0xb8;
	[tilespmem:$0x1DE20] =	vst v63  }
0x14d: {  	_ =	swait.ge [sflag:s23], $0x1400  }
0x14e: {  	[sflag:s23] =	ssyncset.done $0x0  }
0x14f: {  	s9 =	sadd.s32 $0x2850, s1;
	[sflag:s23] =	ssyncadd.s32 $0xFFFFEC00  }
0x150: {  	[spmem:s2] =	stream.indirect.scatter.add.f32 [tilespmem:s24], [sflag:$0xD], $0x40, s9, s16, $0xb8;
	[tilespmem:$0x1DE20] =	vst v63  }
0x151: {  	_ =	swait.ge [sflag:s14], $0x1400  }
0x152: {  	[sflag:s14] =	ssyncset.done $0x0  }
0x153: {  	s13 =	sadd.s32 $0x500, s1;
	[sflag:s14] =	ssyncadd.s32 $0xFFFFEC00  }
0x154: {  	[tilespmem:s24], [sflag:$0x5] =	stream.indirect.gather [hbm4b:s8+s16], $0x40, s13, s16, $0xb8;
	[tilespmem:$0x1DE20] =	vst v63  }
0x155: {  	_ =	swait.ge [sflag:s25], $0x1400  }
0x156: {  	[sflag:s25] =	ssyncset.done $0x0  }
0x157: {  	s15 =	sadd.s32 $0x28A0, s1;
	s4 =	simm.s32 $0xB220;
	[sflag:s25] =	ssyncadd.s32 $0xFFFFEC00  }
0x158: {  	[spmem:s2] =	stream.indirect.scatter.add.f32 [tilespmem:s4], [sflag:$0xD], $0x40, s15, s16, $0xb8;
	[tilespmem:$0x1DE20] =	vst v63  }
0x159: {  	_ =	swait.ge [sflag:s14], $0x1400  }
0x15a: {  	p0 =	seq.s32 s0, $0x8700;
	[sflag:s14] =	ssyncset.done $0x0  }
0x15b: {  	s3 =	simm.s32 @p0 $0x7;
	[sflag:s14] =	ssyncadd.s32 $0xFFFFEC00  }
0x15c: {  	_ =	swait.ge @p0 [sflag:s3], $0x1400  }
0x15d: {  	[sflag:s3] =	ssyncset.done @p0 $0x0  }
0x15e: {  	[sflag:s3] =	ssyncadd.s32 @p0 $0xFFFFEC00;
	s3 =	sshra.s32 @p0 s0, $0x2  }
0x15f: {  	s5 =	simm.s32 @p0 $0x50;
	s7 =	simm.s32 @p0 $0xC620;
	s4 =	sadd.s32 @p0 $0x28F0, s3  }
0x160: {  	[spmem:s2] =	stream.indirect.scatter.add.f32 @p0 [tilespmem:s7], [sflag:$0xD], $0x40, s4, s5, $0xb8;
	[tilespmem:$0x1DE20] =	vst v63  }
0x161: {  	s7 =	simm.s32 @p0 $0xD  }
0x162: {  	_ =	swait.ge @p0 [sflag:s7], $0x1400  }
0x163: {  	s13 =	simm.s32 @!p0 $0xB220;
	s4 =	sshra.s32 @!p0 s0, $0x2;
	[sflag:s7] =	ssyncset.done @p0 $0x0  }
0x164: {  	s15 =	simm.s32 @!p0 $0x50;
	s9 =	sadd.s32 @!p0 $0x550, s4;
	[sflag:s7] =	ssyncadd.s32 @p0 $0xFFFFEC00  }
0x165: {  	[tilespmem:s13], [sflag:$0x6] =	stream.indirect.gather @!p0 [hbm4b:s8+s15], $0x40, s9, s15, $0xb8;
	[tilespmem:$0x1DE20] =	vst v63  }
0x166: {  	s9 =	simm.s32 @!p0 $0x7  }
0x167: {  	_ =	swait.ge @!p0 [sflag:s9], $0x1400  }
0x168: {  	s26 =	simm.s32 @!p0 $0xC620;
	[sflag:s9] =	ssyncset.done @!p0 $0x0  }
0x169: {  	s13 =	simm.s32 @!p0 $0xD;
	[sflag:s9] =	ssyncadd.s32 @!p0 $0xFFFFEC00;
	s9 =	sadd.s32 @!p0 $0x28F0, s4  }
0x16a: {  	[spmem:s2] =	stream.indirect.scatter.add.f32 @!p0 [tilespmem:s26], [sflag:$0xD], $0x40, s9, s15, $0xb8;
	[tilespmem:$0x1DE20] =	vst v63  }
0x16b: {  	_ =	swait.ge @!p0 [sflag:s13], $0x1400  }
0x16c: {  	[sflag:s13] =	ssyncset.done @!p0 $0x0  }
0x16d: {  	s9 =	sadd.s32 @!p0 $0x5A0, s4;
	[sflag:s13] =	ssyncadd.s32 @!p0 $0xFFFFEC00  }
0x16e: {  	[tilespmem:s26], [sflag:$0x7] =	stream.indirect.gather @!p0 [hbm4b:s8+s15], $0x40, s9, s15, $0xb8;
	[tilespmem:$0x1DE20] =	vst v63  }
0x16f: {  	_ =	swait.ge [sflag:s28], $0x1400  }
0x170: {  	[sflag:s28] =	ssyncset.done $0x0  }
0x171: {  	s26 =	sadd.s32 $0x2940, s1;
	[sflag:s28] =	ssyncadd.s32 $0xFFFFEC00  }
0x172: {  	[spmem:s2] =	stream.indirect.scatter.add.f32 [tilespmem:s31], [sflag:$0xD], $0x40, s26, s16, $0xb8;
	[tilespmem:$0x1DE20] =	vst v63  }
0x173: {  	_ =	swait.ge [sflag:s14], $0x1400  }
0x174: {  	[sflag:s14] =	ssyncset.done $0x0  }
0x175: {  	s9 =	simm.s32 @p0 $0x9;
	[sflag:s14] =	ssyncadd.s32 $0xFFFFEC00  }
0x176: {  	_ =	swait.ge @p0 [sflag:s9], $0x1400  }
0x177: {  	[sflag:s9] =	ssyncset.done @p0 $0x0  }
0x178: {  	s26 =	simm.s32 @p0 $0xEE20;
	[sflag:s9] =	ssyncadd.s32 @p0 $0xFFFFEC00;
	s9 =	sadd.s32 @p0 $0x2990, s3  }
0x179: {  	[spmem:s2] =	stream.indirect.scatter.add.f32 @p0 [tilespmem:s26], [sflag:$0xD], $0x40, s9, s5, $0xb8;
	[tilespmem:$0x1DE20] =	vst v63  }
0x17a: {  	_ =	swait.ge @p0 [sflag:s7], $0x1400  }
0x17b: {  	[sflag:s7] =	ssyncset.done @p0 $0x0  }
0x17c: {  	s9 =	sadd.s32 @!p0 $0x5F0, s4;
	s26 =	simm.s32 @!p0 $0xDA20;
	[sflag:s7] =	ssyncadd.s32 @p0 $0xFFFFEC00  }
0x17d: {  	[tilespmem:s26], [sflag:$0x8] =	stream.indirect.gather @!p0 [hbm4b:s8+s15], $0x40, s9, s15, $0xb8;
	[tilespmem:$0x1DE20] =	vst v63  }
0x17e: {  	s9 =	simm.s32 @!p0 $0x9  }
0x17f: {  	_ =	swait.ge @!p0 [sflag:s9], $0x1400  }
0x180: {  	[sflag:s9] =	ssyncset.done @!p0 $0x0  }
0x181: {  	s26 =	simm.s32 @!p0 $0xEE20;
	[sflag:s9] =	ssyncadd.s32 @!p0 $0xFFFFEC00;
	s9 =	sadd.s32 @!p0 $0x2990, s4  }
0x182: {  	[spmem:s2] =	stream.indirect.scatter.add.f32 @!p0 [tilespmem:s26], [sflag:$0xD], $0x40, s9, s15, $0xb8;
	[tilespmem:$0x1DE20] =	vst v63  }
0x183: {  	_ =	swait.ge @!p0 [sflag:s13], $0x1400  }
0x184: {  	[sflag:s13] =	ssyncset.done @!p0 $0x0  }
0x185: {  	s9 =	sadd.s32 @!p0 $0x640, s4;
	[sflag:s13] =	ssyncadd.s32 @!p0 $0xFFFFEC00  }
0x186: {  	[tilespmem:s26], [sflag:$0x9] =	stream.indirect.gather @!p0 [hbm4b:s8+s15], $0x40, s9, s15, $0xb8;
	[tilespmem:$0x1DE20] =	vst v63  }
0x187: {  	_ =	swait.ge [sflag:s29], $0x1400  }
0x188: {  	[sflag:s29] =	ssyncset.done $0x0  }
0x189: {  	s26 =	sadd.s32 $0x29E0, s1;
	[sflag:s29] =	ssyncadd.s32 $0xFFFFEC00  }
0x18a: {  	[spmem:s2] =	stream.indirect.scatter.add.f32 [tilespmem:s6], [sflag:$0xD], $0x40, s26, s16, $0xb8;
	[tilespmem:$0x1DE20] =	vst v63  }
0x18b: {  	_ =	swait.ge [sflag:s14], $0x1400  }
0x18c: {  	[sflag:s14] =	ssyncset.done $0x0  }
0x18d: {  	s9 =	simm.s32 @p0 $0xB;
	[sflag:s14] =	ssyncadd.s32 $0xFFFFEC00  }
0x18e: {  	_ =	swait.ge @p0 [sflag:s9], $0x1400  }
0x18f: {  	[sflag:s9] =	ssyncset.done @p0 $0x0  }
0x190: {  	s3 =	sadd.s32 @p0 $0x2A30, s3;
	[sflag:s9] =	ssyncadd.s32 @p0 $0xFFFFEC00;
	s9 =	simm.s32 @p0 $0x11620  }
0x191: {  	[spmem:s2] =	stream.indirect.scatter.add.f32 @p0 [tilespmem:s9], [sflag:$0xD], $0x40, s3, s5, $0xb8;
	[tilespmem:$0x1DE20] =	vst v63  }
0x192: {  	_ =	swait.ge @p0 [sflag:s7], $0x1400  }
0x193: {  	[sflag:s7] =	ssyncset.done @p0 $0x0  }
0x194: {  	s3 =	sadd.s32 @!p0 $0x690, s4;
	s5 =	simm.s32 @!p0 $0x10220;
	[sflag:s7] =	ssyncadd.s32 @p0 $0xFFFFEC00  }
0x195: {  	[tilespmem:s5], [sflag:$0xA] =	stream.indirect.gather @!p0 [hbm4b:s8+s15], $0x40, s3, s15, $0xb8;
	[tilespmem:$0x1DE20] =	vst v63  }
0x196: {  	s3 =	simm.s32 @!p0 $0xB  }
0x197: {  	_ =	swait.ge @!p0 [sflag:s3], $0x1400  }
0x198: {  	[sflag:s3] =	ssyncset.done @!p0 $0x0  }
0x199: {  	s5 =	simm.s32 @!p0 $0x11620;
	[sflag:s3] =	ssyncadd.s32 @!p0 $0xFFFFEC00;
	s3 =	sadd.s32 @!p0 $0x2A30, s4  }
0x19a: {  	[spmem:s2] =	stream.indirect.scatter.add.f32 @!p0 [tilespmem:s5], [sflag:$0xD], $0x40, s3, s15, $0xb8;
	[tilespmem:$0x1DE20] =	vst v63  }
0x19b: {  	_ =	swait.ge @!p0 [sflag:s13], $0x1400  }
0x19c: {  	[sflag:s13] =	ssyncset.done @!p0 $0x0  }
0x19d: {  	s3 =	sadd.s32 @!p0 $0x6E0, s4;
	[sflag:s13] =	ssyncadd.s32 @!p0 $0xFFFFEC00  }
0x19e: {  	[tilespmem:s5], [sflag:$0xB] =	stream.indirect.gather @!p0 [hbm4b:s8+s15], $0x40, s3, s15, $0xb8;
	[tilespmem:$0x1DE20] =	vst v63  }
0x19f: {  	_ =	swait.ge [sflag:s30], $0x1400  }
0x1a0: {  	[sflag:s30] =	ssyncset.done $0x0  }
.Ltmp4:
0x1a1: {  	s26 =	sadd.s32 $0x2A80, s1;
	[sflag:s30] =	ssyncadd.s32 $0xFFFFEC00;
	(pc) =	sbr.rel @p0 .LBB2_7-.Ltmp4, $4  }
0x1a2: {  	[spmem:s2] =	stream.indirect.scatter.add.f32 [tilespmem:s10], [sflag:$0xD], $0x40, s26, s16, $0xb8;
	[tilespmem:$0x1DE20] =	vst v63  }
0x1a3: {  	_ =	swait.ge [sflag:s14], $0x1400  }
0x1a4: {  	[sflag:s14] =	ssyncset.done $0x0  }
0x1a5: {  	[sflag:s14] =	ssyncadd.s32 $0xFFFFEC00  }
.Ltmp5:
0x1a6: {  	(pc) =	sbr.rel .LBB2_5-.Ltmp5, $3  }
0x1a7: {  	_ =	sdelay $0x1  }
0x1a8: {  	s1 =	sadd.s32 $0x730, s1;
	s0 =	sadd.s32 $0xF00, s0  }
0x1a9: {  	[tilespmem:s10], [sflag:$0xC] =	stream.indirect.gather [hbm4b:s8+s16], $0x40, s1, s16, $0xb8;
	[tilespmem:$0x1DE20] =	vst v63  }
.LBB2_8:
0x1aa: {  	_ =	sfence.sel $0x180000  }
0x1ab: {  	[bflag:$0x0] =	sbarrier.arrive $0xFFFF  }
0x1ac: {  	_ =	strace $0x9000004A  }
0x1ad: {  	s0 =	stileid.u32;
	[bflag:$0x2] =	sbarrier.arrive $0xFFFF  }
0x1ae: {  	p0 =	sne.s32 s0, $0x0;
	s0 =	rddreg [dreg:$0x2]  }
0x1af: {  	s0 =	sadd.s32 @!p0 $0x100000, s0  }
0x1b0: {  	[sflag:s0] =	ssyncadd.tile.s32 @!p0 $0x1;
	_ =	shalt  }
.Lfunc_end2:
_tile_overlayer_lowered:
.L_overlay_start_2:
0x1b1: {  	(tag) =	ssettag $0x2  }
0x1b2: {  	s0 =	rddreg [dreg:$0x0];
	s2 =	stileid.u32  }
0x1b3: {  	s1 =	rddreg [dreg:$0x1];
	p0 =	sne.s32 s2, $0x0  }
0x1b4: {  	s3 =	rddreg [dreg:$0x2];
	[bflag:$0x3] =	sbarrier.arrive $0xFFFF;
	s2 =	simm.s32 @!p0 $0x1C0D  }
0x1b5: {  	[timem:s3], [sflag:s2] =	dma.local @!p0 [hbm:s0], s1  }
0x1b6: {  	s0 =	simm.s32 @!p0 $0xD  }
0x1b7: {  	_ =	swait.ge @!p0 [sflag:s0], s1  }
0x1b8: {  	s1 =	ssub.s32 @!p0 $0x0, s1;
	[sflag:s0] =	ssyncset.done @!p0 $0x0  }
0x1b9: {  	[sflag:s0] =	ssyncadd.s32 @!p0 s1  }
0x1ba: {  	[bflag:$0x3] =	sbarrier.arrive $0xFFFF  }
0x1bb: {  	_ =	shalt  }

// kernel: kernel.14.cloned.1.call-start
scs
__scs_entry_jumppad:
0x0: {  	(pc) =	sbr.rel $0x88, $3  }
0x1: {  	(tag) =	ssettag $0x0;
	lr =	simm.s32 $0x1  }
0x2: {  	[smem:$0x3F9B] =	sst lr;
	_ =	strace $0xD0000000  }
0x3: {  	_ = 	snop  }
0x4: {  	_ = 	snop  }
0x5: {  	_ = 	snop  }
0x6: {  	_ = 	snop  }
0x7: {  	_ = 	snop  }
__scs_overlays_trampoline_lowered:
0x8: {  	[smem:$0x3FAA] =	sst s0  }
0x9: {  	[smem:$0x3FAB] =	sst s1  }
0xa: {  	[smem:$0x3FAC] =	sst s2  }
0xb: {  	[smem:$0x3FAD] =	sst s3  }
0xc: {  	[smem:$0x3FAE] =	sst s4  }
0xd: {  	[smem:$0x3FAF] =	sst s5  }
0xe: {  	[smem:$0x3FB0] =	sst s6  }
0xf: {  	[smem:$0x3FB1] =	sst s7  }
0x10: {  	[smem:$0x3FB2] =	sst s8  }
0x11: {  	[smem:$0x3FB3] =	sst s9;
	s0 =	simm.s32 @!p0 $0x0  }
0x12: {  	s1 =	sld [smem:$0x3F99];
	s0 =	simm.s32 @p0 $0x1  }
0x13: {  	[smem:$0x3FB4] =	sst s0;
	s0 =	simm.s32 @!p1 $0x0  }
0x14: {  	s2 =	sld [smem:$0x3F98];
	s0 =	simm.s32 @p1 $0x1  }
0x15: {  	[smem:$0x3FB5] =	sst s0;
	s0 =	simm.s32 @!p2 $0x0  }
0x16: {  	s3 =	sld [smem:$0x3FDB];
	s0 =	simm.s32 @p2 $0x1  }
0x17: {  	s4 =	simm.s32 $0x1BF5;
	[smem:$0x3FB7] =	sst s0  }
0x18: {  	s0 =	sld [smem:$0x3F9A];
	_ =	swait.ge [sflag:s4], $0x0  }
0x19: {  	s7 =	sld [smem:$0x3F9B]  }
0x1a: {  	s8 =	sadd.s32 $0xFFFFE003, lr  }
0x1b: {  	s9 =	sadd.s32 $0xFFFFFEF7, lr;
	s5 =	simm.s32 $0xFFFFFFFF;
	p2 =	slt.u32 s8, $0xFFFFF086  }
0x1c: {  	p1 =	slt.u32 s9, $0xF7A;
	s5 =	simm.s32 @!p2 $0x0  }
0x1d: {  	s5 =	simm.s32 @p1 $0x1;
	p0 =	seq.s32 s7, s2  }
0x1e: {  	s7 =	smul.u32 @!p0 $0xF7A, s2;
	p2 =	seq.s32 @!p0 s5, $0x0  }
0x1f: {  	s9 =	smul.u32 $0xF7A, s1;
	s8 =	simm.s32 @!p0 $0x1BF5;
	p2 =	por !p2, p0  }
0x20: {  	[sflag:s8] =	ssyncset.s32 @!p0 $0xFFFFF086;
	s6 =	sadd.s32 @!p0 s3, s7;
	s7 =	simm.s32 @!p0 $0x108  }
0x21: {  	s3 =	sadd.s32 s3, s9;
	s6 =	sadd.s32 @!p0 $0x88, s6;
	s7 =	simm.s32 @p2 $0x1082  }
0x22: {  	[simem:s7], [sflag:s8] =	dma.local @!p0 [hbm:s6], $0xF7A  }
0x23: {  	s9 =	sor.u32 $0xD0000000, s2;
	s6 =	simm.s32 $0x108;
	_ =	swait.ge @!p0 [sflag:s8], $0x0  }
0x24: {  	s3 =	sadd.s32 $0x88, s3;
	s6 =	simm.s32 @!p1 $0x1082;
	[sflag:s4] =	ssyncset.s32 $0xFFFFF086  }
0x25: {  	[simem:s6], [sflag:s4] =	dma.local [hbm:s3], $0xF7A  }
0x26: {  	[smem:$0x3F9B] =	sst s1;
	(tag) =	ssettag s2;
	_ =	strace s9  }
0x27: {  	s1 =	sld [smem:$0x3FAB]  }
0x28: {  	s2 =	sld [smem:$0x3FAC]  }
0x29: {  	s4 =	sld [smem:$0x3FAE]  }
0x2a: {  	p0 =	seq.s32 s5, $0x0;
	s5 =	sld [smem:$0x3FAF]  }
0x2b: {  	s6 =	sld [smem:$0x3FB0]  }
0x2c: {  	s7 =	sld [smem:$0x3FB1]  }
0x2d: {  	s3 =	simm.s32 $0x108;
	s8 =	sld [smem:$0x3FB2]  }
0x2e: {  	s3 =	simm.s32 @!p0 $0x1082;
	s9 =	sld [smem:$0x3FB3]  }
0x2f: {  	lr =	sadd.s32 s0, s3;
	s0 =	sld [smem:$0x3FAA]  }
0x30: {  	s3 =	sld [smem:$0x3FAD]  }
0x31: {  	[smem:$0x3FB6] =	sst s10  }
0x32: {  	s10 =	sld [smem:$0x3FB4];
	_ =	sdelay $0x3  }
0x33: {  	p0 =	seq.s32 s10, $0x1;
	s10 =	sld [smem:$0x3FB6];
	_ =	sdelay $0x3  }
0x34: {  	[smem:$0x3FB6] =	sst s10  }
0x35: {  	s10 =	sld [smem:$0x3FB5];
	_ =	sdelay $0x3  }
0x36: {  	p1 =	seq.s32 s10, $0x1;
	s10 =	sld [smem:$0x3FB6];
	_ =	sdelay $0x3  }
0x37: {  	[smem:$0x3FB6] =	sst s10  }
0x38: {  	s10 =	sld [smem:$0x3FB7]  }
0x39: {  	_ = 	snop;
	(pc) =	sbr.ind lr, $3  }
0x3a: {  	_ = 	snop  }
0x3b: {  	_ = 	snop  }
0x3c: {  	p2 =	seq.s32 s10, $0x1;
	s10 =	sld [smem:$0x3FB6]  }
0x3d: {  	_ =	shalt  }
0x3e: {  	_ =	shalt  }
0x3f: {  	_ =	shalt  }
0x40: {  	_ =	shalt  }
0x41: {  	_ =	shalt  }
0x42: {  	_ =	shalt  }
0x43: {  	_ =	shalt  }
0x44: {  	_ =	shalt  }
0x45: {  	_ =	shalt  }
0x46: {  	_ =	shalt  }
0x47: {  	_ =	shalt  }
0x48: {  	_ =	shalt  }
0x49: {  	_ =	shalt  }
0x4a: {  	_ =	shalt  }
0x4b: {  	_ =	shalt  }
0x4c: {  	_ =	shalt  }
0x4d: {  	_ =	shalt  }
0x4e: {  	_ =	shalt  }
0x4f: {  	_ =	shalt  }
0x50: {  	_ =	shalt  }
0x51: {  	_ =	shalt  }
0x52: {  	_ =	shalt  }
0x53: {  	_ =	shalt  }
0x54: {  	_ =	shalt  }
0x55: {  	_ =	shalt  }
0x56: {  	_ =	shalt  }
0x57: {  	_ =	shalt  }
0x58: {  	_ =	shalt  }
0x59: {  	_ =	shalt  }
0x5a: {  	_ =	shalt  }
0x5b: {  	_ =	shalt  }
0x5c: {  	_ =	shalt  }
0x5d: {  	_ =	shalt  }
0x5e: {  	_ =	shalt  }
0x5f: {  	_ =	shalt  }
0x60: {  	_ =	shalt  }
0x61: {  	_ =	shalt  }
0x62: {  	_ =	shalt  }
0x63: {  	_ =	shalt  }
0x64: {  	_ =	shalt  }
0x65: {  	_ =	shalt  }
0x66: {  	_ =	shalt  }
0x67: {  	_ =	shalt  }
0x68: {  	_ =	shalt  }
0x69: {  	_ =	shalt  }
0x6a: {  	_ =	shalt  }
0x6b: {  	_ =	shalt  }
0x6c: {  	_ =	shalt  }
0x6d: {  	_ =	shalt  }
0x6e: {  	_ =	shalt  }
0x6f: {  	_ =	shalt  }
0x70: {  	_ =	shalt  }
0x71: {  	_ =	shalt  }
0x72: {  	_ =	shalt  }
0x73: {  	_ =	shalt  }
0x74: {  	_ =	shalt  }
0x75: {  	_ =	shalt  }
0x76: {  	_ =	shalt  }
0x77: {  	_ =	shalt  }
0x78: {  	_ =	shalt  }
0x79: {  	_ =	shalt  }
0x7a: {  	_ =	shalt  }
0x7b: {  	_ =	shalt  }
0x7c: {  	_ =	shalt  }
0x7d: {  	_ =	shalt  }
0x7e: {  	_ =	shalt  }
0x7f: {  	_ =	shalt  }
0x80: {  	_ =	shalt  }
0x81: {  	_ =	shalt  }
0x82: {  	_ =	shalt  }
0x83: {  	_ =	shalt  }
0x84: {  	_ =	shalt  }
0x85: {  	_ =	shalt  }
0x86: {  	_ =	shalt  }
0x87: {  	_ =	shalt  }
.Lfunc_end0:
.L_simem_size_0:
called_computation.2_lowered:
.L_overlay_start_0:
0x88: {  	s2 =	sld [smem:$0x3FD9]  }
0x89: {  	s3 =	sld [smem:$0x3FFE];
	_ =	sdelay $0x1  }
0x8a: {  	s1 =	srdreg.scid  }
0x8b: {  	s0 =	sand.u32 $0x1, s1  }
0x8c: {  	s16 =	sshll.u32 s0, $0xA;
	s2 =	sadd.s32 s3, s2  }
0x8d: {  	s2 =	sadd.s32 s2, s16  }
0x8e: {  	[smem:$0x3FC2] =	sst s2  }
0x8f: {  	_ = 	snop  }
0x90: {  	(tm) =	ssettm $0x1  }
0x91: {  	s17 =	sld [smem:$0x3FFB];
	_ =	sdelay $0x3  }
0x92: {  	_ =	strace s17  }
0x93: {  	s2 =	sld [smem:$0x3FFC];
	_ =	sdelay $0x3  }
0x94: {  	_ =	strace s2  }
0x95: {  	s2 =	sld [smem:$0x3FFD];
	_ =	sdelay $0x3  }
0x96: {  	_ =	strace s2  }
0x97: {  	_ =	strace $0x8FFFFFFF  }
0x98: {  	s18 =	sld [smem:$0x3FDB];
	_ =	sdelay $0x1  }
0x99: {  	s19 =	simm.s32 $_scs_section_size  }
0x9a: {  	s4 =	simm.s32 $_size__tile_overlayer_lowered;
	s5 =	simm.s32 $_tile_overlayer_lowered  }
0x9b: {  	s22 =	simm.s32 $0x1BFF;
	s21 =	sshll.u32 s5, $0x1;
	s2 =	sadd.s32 s19, s18  }
0x9c: {  	s6 =	simm.s32 $0x0;
	s20 =	sshll.u32 s4, $0x1;
	s4 =	sadd.s32 s21, s2  }
0x9d: {  	[timem:s6], [sflag:s22] =	dma.local [hbm:s4], s20  }
0x9e: {  	_ =	swait.ge [sflag:s22], s20  }
0x9f: {  	s3 =	ssub.s32 $0x0, s20;
	[sflag:s22] =	ssyncset.done $0x0  }
0xa0: {  	[sflag:s22] =	ssyncadd.s32 s3;
	_ =	sdelay $0x1  }
0xa1: {  	s23 =	simm.s32 $0x1B8B  }
0xa2: {  	_ =	swait.ge [sflag:s23], $0x1  }
0xa3: {  	[sflag:s23] =	ssyncset.done $0x0  }
0xa4: {  	s25 =	simm.s32 $0x1B8E;
	s24 =	sld [smem:$0x3FFE];
	[sflag:s23] =	ssyncadd.s32 $0xFFFFFFFF  }
0xa5: {  	s26 =	simm.s32 $execute0_lowered;
	[smem:$0x3FD2] =	sst s25  }
0xa6: {  	s4 =	sshll.u32 s26, $0x1;
	_ =	strace $0x8000004C;
	[dreg:$0x1] =	wrdreg $0xFFFFFFFF  }
0xa7: {  	s28 =	simm.s32 $_size_execute0_lowered;
	s2 =	sadd.s32 s2, s4;
	[dreg:$0x0] =	wrdreg $0x0  }
0xa8: {  	s4 =	sshll.u32 s28, $0x1;
	[dreg:$0x2] =	wrdreg s2  }
0xa9: {  	[dreg:$0x3] =	wrdreg s4  }
0xaa: {  	[dreg:$0x4] =	wrdreg $0xC0  }
0xab: {  	_ =	task [dreg:s6], $0x5FFFF  }
0xac: {  	[dreg:$0x1] =	wrdreg $0xFFFFFFFF  }
0xad: {  	[dreg:$0x0] =	wrdreg $0x60  }
0xae: {  	[dreg:$0x2] =	wrdreg s24  }
0xaf: {  	[dreg:$0x3] =	wrdreg $0xC6200  }
0xb0: {  	[dreg:$0x4] =	wrdreg $0x9  }
0xb1: {  	_ =	task.clear_ibuf [dreg:s6], $0x5FFFF;
	_ =	strace $0x9000004C  }
0xb2: {  	s29 =	simm.s32 $0x9;
	_ =	strace $0x8000004E  }
0xb3: {  	_ =	swait.ge [sflag:s29], $0x1  }
0xb4: {  	[sflag:s29] =	ssyncadd.s32 $0xFFFFFFFF  }
0xb5: {  	_ =	strace $0x9000004E  }
0xb6: {  	_ =	sfence  }
0xb7: {  	s30 =	sld [smem:$0x0];
	_ =	sdelay $0x2  }
0xb8: {  	s31 =	sshll.u32 s1, $0xD;
	s1 =	sshrl.u32 s1, $0x2  }
0xb9: {  	s3 =	sand.u32 $0x4000, s31;
	s1 =	sadd.s32 s1, s30  }
0xba: {  	s0 =	sor.u32 s3, s0;
	s1 =	sshll.u32 s1, $0x11  }
0xbb: {  	s0 =	sor.u32 s1, s0  }
0xbc: {  	s0 =	sadd.s32 $0x8F2B, s0  }
0xbd: {  	[sflag:s0] =	ssyncadd.remote.s32 $0x1  }
0xbe: {  	_ =	sfence.sel $0xFFFF  }
0xbf: {  	[dreg:$0x0] =	wrdreg $0xFFFFFFFF;
	(pc) =	sbr.abs _section_cstart, $3  }
0xc0: {  	[dreg:$0x1] =	wrdreg $0xFFFFFFFF  }
0xc1: {  	_ =	task.clear_ibuf [dreg:s6], $0x2FFFF;
	_ =	strace $0x9FFFFFFF  }
0xc2: {  	(tm) =	ssettm $0x7FFFFFFF  }
0xc3: {  	_ =	shalt  }
tec
execute0_lowered:
.L_overlay_start_1:
0x0: {  	(tag) =	ssettag $0x1  }
0x1: {  	s0 =	srdreg.scid  }
0x2: {  	s11 =	stileid.u32;
	s5 =	rddreg [dreg:$0x0]  }
0x3: {  	s2 =	rddreg [dreg:$0x1];
	s3 =	simm.s32 $0x0;
	s12 =	simm.s32 $0x9  }
0x4: {  	s14 =	simm.s32 $0x50;
	s15 =	simm.s32 $0x4E20;
	s16 =	simm.s32 $0x5D20  }
0x5: {  	s18 =	simm.s32 $0x6C20;
	s20 =	simm.s32 $0x7B20;
	s22 =	simm.s32 $0x8A20  }
0x6: {  	s29 =	simm.s32 $0xB720;
	s30 =	simm.s32 $0x1;
	s31 =	simm.s32 $0x2  }
0x7: {  	s13 =	simm.s32 $0x5;
	s17 =	simm.s32 $0x6;
	s6 =	smul.u32 $0x7800, s11  }
0x8: {  	s19 =	simm.s32 $0x8;
	s0 =	sand.u32 $0x1, s0;
	s7 =	smul.u32 $0x14000, s11  }
0x9: {  	[smem:$0x7FF] =	sst s3;
	s24 =	sshll.u32 s11, $0x6;
	s1 =	sshll.u32 s0, $0x4  }
0xa: {  	s8 =	smul.u32 $0x30, s0;
	_ =	strace $0x8000004D;
	s0 =	ssub.s32 $0x2, s0  }
0xb: {  	s1 =	sor.u32 s11, s1;
	s4 =	sshrl.u32 s6, $0x3;
	s23 =	sshrl.u32 s0, $0x1  }
0xc: {  	s25 =	sadd.s32 s6, s2;
	s6 =	sor.u32 $0x1C09, s24;
	s24 =	simm.s32 $0x9920  }
0xd: {  	s1 =	smul.u32 $0x2710, s1;
	s9 =	sadd.s32 s4, s5;
	s4 =	sadd.s32 $0x15E00, s5  }
0xe: {  	s7 =	sor.u32 s8, s7;
	s0 =	ssub.s32 s0, s23;
	s11 =	sshrl.u32 s25, $0x3  }
.Ltmp0:
0xf: {  	s23 =	simm.s32 $0x0;
	s7 =	sshrl.u32 s7, $0x3;
	(pc) =	sbr.rel .LBB2_1-.Ltmp0, $4  }
0x10: {  	s26 =	sadd.s32 $0x24E00, s9;
	s1 =	sshrl.u32 s1, $0x3;
	s10 =	sadd.s32 s7, s5  }
0x11: {  	[dreg:$0x3] =	wrdreg s26;
	s1 =	sadd.s32 s1, s5;
	s9 =	sadd.s32 $0x33E00, s10  }
0x12: {  	s10 =	smax.u32 s0, $0x1;
	s0 =	simm.s32 $0x4;
	s28 =	sadd.s32 $0x2400, s1  }
0x13: {  	s8 =	sadd.s32 $0xC040, s1;
	s1 =	simm.s32 $0x3;
	[dreg:$0x4] =	wrdreg s28  }
.LBB2_4:
0x14: {  	_ =	swait.ge [sflag:s30], $0xF00  }
0x15: {  	[sflag:s30] =	ssyncset.done $0x0  }
0x16: {  	s5 =	simm.s32 $0x4C90;
	[sflag:s30] =	ssyncadd.s32 $0xFFFFF100  }
0x17: {  	[spmem:s2] =	stream.indirect.scatter.add.f32 [tilespmem:s15], [sflag:$0x9], $0x30, s5, s14, $0xb8;
	[tilespmem:$0x13E20] =	vst v63  }
0x18: {  	_ =	swait.ge [sflag:s12], $0xF00  }
0x19: {  	[sflag:s12] =	ssyncset.done $0x0  }
0x1a: {  	[sflag:s12] =	ssyncadd.s32 $0xFFFFF100  }
0x1b: {  	_ =	swait.ge [sflag:s31], $0xF00  }
0x1c: {  	[sflag:s31] =	ssyncset.done $0x0  }
0x1d: {  	s7 =	simm.s32 $0x4CE0;
	[sflag:s31] =	ssyncadd.s32 $0xFFFFF100  }
0x1e: {  	[spmem:s2] =	stream.indirect.scatter.add.f32 [tilespmem:s16], [sflag:$0x9], $0x30, s7, s14, $0xb8;
	[tilespmem:$0x13E20] =	vst v63  }
0x1f: {  	_ =	swait.ge [sflag:s12], $0xF00  }
0x20: {  	[sflag:s12] =	ssyncset.done $0x0  }
0x21: {  	[sflag:s12] =	ssyncadd.s32 $0xFFFFF100  }
0x22: {  	_ =	swait.ge [sflag:s1], $0xF00  }
0x23: {  	[sflag:s1] =	ssyncset.done $0x0  }
0x24: {  	s21 =	simm.s32 $0x4D30;
	[sflag:s1] =	ssyncadd.s32 $0xFFFFF100  }
0x25: {  	[spmem:s2] =	stream.indirect.scatter.add.f32 [tilespmem:s18], [sflag:$0x9], $0x30, s21, s14, $0xb8;
	[tilespmem:$0x13E20] =	vst v63  }
0x26: {  	_ =	swait.ge [sflag:s12], $0xF00  }
0x27: {  	[sflag:s12] =	ssyncset.done $0x0  }
0x28: {  	[sflag:s12] =	ssyncadd.s32 $0xFFFFF100  }
0x29: {  	_ =	swait.ge [sflag:s0], $0xF00  }
0x2a: {  	[sflag:s0] =	ssyncset.done $0x0  }
0x2b: {  	s25 =	simm.s32 $0x4D80;
	[sflag:s0] =	ssyncadd.s32 $0xFFFFF100  }
0x2c: {  	[spmem:s2] =	stream.indirect.scatter.add.f32 [tilespmem:s20], [sflag:$0x9], $0x30, s25, s14, $0xb8;
	[tilespmem:$0x13E20] =	vst v63  }
0x2d: {  	_ =	swait.ge [sflag:s12], $0xF00  }
0x2e: {  	[sflag:s12] =	ssyncset.done $0x0  }
0x2f: {  	[sflag:s12] =	ssyncadd.s32 $0xFFFFF100  }
0x30: {  	_ =	swait.ge [sflag:s13], $0xF00  }
0x31: {  	[sflag:s13] =	ssyncset.done $0x0  }
0x32: {  	s26 =	simm.s32 $0x4DD0;
	[sflag:s13] =	ssyncadd.s32 $0xFFFFF100  }
0x33: {  	[spmem:s2] =	stream.indirect.scatter.add.f32 [tilespmem:s22], [sflag:$0x9], $0x30, s26, s14, $0xb8;
	[tilespmem:$0x13E20] =	vst v63  }
0x34: {  	_ =	swait.ge [sflag:s12], $0xF00  }
0x35: {  	s23 =	sadd.s32 $0x1, s23;
	[sflag:s12] =	ssyncset.done $0x0  }
0x36: {  	p0 =	sne.s32 s23, s10;
	[sflag:s12] =	ssyncadd.s32 $0xFFFFF100  }
.Ltmp1:
0x37: {  	s28 =	simm.s32 $0x10;
	[bflag:$0x0] =	sbarrier.arrive $0xFFFF;
	(pc) =	sbr.rel @!p0 .LBB2_5-.Ltmp1, $4  }
0x38: {  	[hbm:s9@s28], [sflag:s6] =	dma.strided [spmem:s11@s17], $0xF00, s30, $0x6   }
0x39: {  	_ =	swait.ge [sflag:s12], $0xF00  }
0x3a: {  	[sflag:s12] =	ssyncset.done $0x0  }
0x3b: {  	[sflag:s12] =	ssyncadd.s32 $0xFFFFF100  }
.LBB2_1:
0x3c: {  	s5 =	rddreg [dreg:$0x3]  }
0x3d: {  	[spmem:s11], [sflag:s6] =	dma.local [hbm:s5], $0xF00  }
0x3e: {  	_ =	swait.ge [sflag:s12], $0xF00  }
0x3f: {  	[sflag:s12] =	ssyncset.done $0x0  }
0x40: {  	s25 =	rddreg [dreg:$0x4];
	[sflag:s12] =	ssyncadd.s32 $0xFFFFF100  }
0x41: {  	[tilespmem:s3], [sflag:$0x9] =	stream.linear.gather [hbm4b:s25+s3], $0x2710, $0x38;
	[tilespmem:$0x13E20] =	vst v63  }
0x42: {  	_ =	swait.ge [sflag:s12], $0x2710  }
0x43: {  	[sflag:s12] =	ssyncset.done $0x0  }
0x44: {  	s26 =	simm.s32 $0x2710;
	[sflag:s12] =	ssyncadd.s32 $0xFFFFD8F0  }
0x45: {  	[tilespmem:s26], [sflag:$0x9] =	stream.linear.gather [hbm4b:s8+s3], $0x2710, $0x38;
	[tilespmem:$0x13E20] =	vst v63  }
0x46: {  	_ =	swait.ge [sflag:s12], $0x2710  }
0x47: {  	[sflag:s12] =	ssyncset.done $0x0  }
0x48: {  	[sflag:s12] =	ssyncadd.s32 $0xFFFFD8F0  }
0x49: {  	[bflag:$0x0] =	sbarrier.arrive $0xFFFF  }
0x4a: {  	[tilespmem:s15], [sflag:$0x1] =	stream.indirect.gather [hbm4b:s4+s14], $0x30, s3, s14, $0xb8;
	[tilespmem:$0x13E20] =	vst v63  }
0x4b: {  	_ = 	snop  }
0x4c: {  	[tilespmem:s16], [sflag:$0x2] =	stream.indirect.gather [hbm4b:s4+s14], $0x30, s14, s14, $0xb8;
	[tilespmem:$0x13E20] =	vst v63  }
0x4d: {  	s28 =	simm.s32 $0xA0  }
0x4e: {  	[tilespmem:s18], [sflag:$0x3] =	stream.indirect.gather [hbm4b:s4+s14], $0x30, s28, s14, $0xb8;
	[tilespmem:$0x13E20] =	vst v63  }
0x4f: {  	s7 =	simm.s32 $0xF0  }
0x50: {  	[tilespmem:s20], [sflag:$0x4] =	stream.indirect.gather [hbm4b:s4+s14], $0x30, s7, s14, $0xb8;
	[tilespmem:$0x13E20] =	vst v63  }
0x51: {  	s21 =	simm.s32 $0x140  }
0x52: {  	[tilespmem:s22], [sflag:$0x5] =	stream.indirect.gather [hbm4b:s4+s14], $0x30, s21, s14, $0xb8;
	[tilespmem:$0x13E20] =	vst v63  }
0x53: {  	s25 =	simm.s32 $0x190  }
0x54: {  	[tilespmem:s24], [sflag:$0x6] =	stream.indirect.gather [hbm4b:s4+s14], $0x30, s25, s14, $0xb8;
	[tilespmem:$0x13E20] =	vst v63  }
0x55: {  	s26 =	simm.s32 $0x1E0;
	s7 =	simm.s32 $0xA820  }
0x56: {  	[tilespmem:s7], [sflag:$0x7] =	stream.indirect.gather [hbm4b:s4+s14], $0x30, s26, s14, $0xb8;
	[tilespmem:$0x13E20] =	vst v63  }
0x57: {  	s28 =	simm.s32 $0x230;
	s25 =	simm.s32 $0x0  }
0x58: {  	[tilespmem:s29], [sflag:$0x8] =	stream.indirect.gather [hbm4b:s4+s14], $0x30, s28, s14, $0xb8;
	[tilespmem:$0x13E20] =	vst v63  }
.LBB2_2:
0x59: {  	_ =	swait.ge [sflag:s30], $0xF00  }
0x5a: {  	s26 =	sshra.s32 s25, $0x2;
	[sflag:s30] =	ssyncset.done $0x0  }
0x5b: {  	s28 =	sadd.s32 $0x2710, s26;
	[sflag:s30] =	ssyncadd.s32 $0xFFFFF100  }
0x5c: {  	[spmem:s2] =	stream.indirect.scatter.add.f32 [tilespmem:s15], [sflag:$0x9], $0x30, s28, s14, $0xb8;
	[tilespmem:$0x13E20] =	vst v63  }
0x5d: {  	_ =	swait.ge [sflag:s12], $0xF00  }
0x5e: {  	[sflag:s12] =	ssyncset.done $0x0  }
0x5f: {  	s21 =	sadd.s32 $0x280, s26;
	[sflag:s12] =	ssyncadd.s32 $0xFFFFF100  }
0x60: {  	[tilespmem:s15], [sflag:$0x1] =	stream.indirect.gather [hbm4b:s4+s14], $0x30, s21, s14, $0xb8;
	[tilespmem:$0x13E20] =	vst v63  }
0x61: {  	_ =	swait.ge [sflag:s31], $0xF00  }
0x62: {  	[sflag:s31] =	ssyncset.done $0x0  }
0x63: {  	s5 =	sadd.s32 $0x2760, s26;
	[sflag:s31] =	ssyncadd.s32 $0xFFFFF100  }
0x64: {  	[spmem:s2] =	stream.indirect.scatter.add.f32 [tilespmem:s16], [sflag:$0x9], $0x30, s5, s14, $0xb8;
	[tilespmem:$0x13E20] =	vst v63  }
0x65: {  	_ =	swait.ge [sflag:s12], $0xF00  }
0x66: {  	[sflag:s12] =	ssyncset.done $0x0  }
0x67: {  	s7 =	sadd.s32 $0x2D0, s26;
	[sflag:s12] =	ssyncadd.s32 $0xFFFFF100  }
0x68: {  	[tilespmem:s16], [sflag:$0x2] =	stream.indirect.gather [hbm4b:s4+s14], $0x30, s7, s14, $0xb8;
	[tilespmem:$0x13E20] =	vst v63  }
0x69: {  	_ =	swait.ge [sflag:s1], $0xF00  }
0x6a: {  	[sflag:s1] =	ssyncset.done $0x0  }
0x6b: {  	s21 =	sadd.s32 $0x27B0, s26;
	[sflag:s1] =	ssyncadd.s32 $0xFFFFF100  }
0x6c: {  	[spmem:s2] =	stream.indirect.scatter.add.f32 [tilespmem:s18], [sflag:$0x9], $0x30, s21, s14, $0xb8;
	[tilespmem:$0x13E20] =	vst v63  }
0x6d: {  	_ =	swait.ge [sflag:s12], $0xF00  }
0x6e: {  	[sflag:s12] =	ssyncset.done $0x0  }
0x6f: {  	s5 =	sadd.s32 $0x320, s26;
	[sflag:s12] =	ssyncadd.s32 $0xFFFFF100  }
0x70: {  	[tilespmem:s18], [sflag:$0x3] =	stream.indirect.gather [hbm4b:s4+s14], $0x30, s5, s14, $0xb8;
	[tilespmem:$0x13E20] =	vst v63  }
0x71: {  	_ =	swait.ge [sflag:s0], $0xF00  }
0x72: {  	[sflag:s0] =	ssyncset.done $0x0  }
0x73: {  	s7 =	sadd.s32 $0x2800, s26;
	[sflag:s0] =	ssyncadd.s32 $0xFFFFF100  }
0x74: {  	[spmem:s2] =	stream.indirect.scatter.add.f32 [tilespmem:s20], [sflag:$0x9], $0x30, s7, s14, $0xb8;
	[tilespmem:$0x13E20] =	vst v63  }
0x75: {  	_ =	swait.ge [sflag:s12], $0xF00  }
0x76: {  	[sflag:s12] =	ssyncset.done $0x0  }
0x77: {  	s21 =	sadd.s32 $0x370, s26;
	[sflag:s12] =	ssyncadd.s32 $0xFFFFF100  }
0x78: {  	[tilespmem:s20], [sflag:$0x4] =	stream.indirect.gather [hbm4b:s4+s14], $0x30, s21, s14, $0xb8;
	[tilespmem:$0x13E20] =	vst v63  }
0x79: {  	_ =	swait.ge [sflag:s13], $0xF00  }
0x7a: {  	[sflag:s13] =	ssyncset.done $0x0  }
0x7b: {  	s5 =	sadd.s32 $0x2850, s26;
	[sflag:s13] =	ssyncadd.s32 $0xFFFFF100  }
0x7c: {  	[spmem:s2] =	stream.indirect.scatter.add.f32 [tilespmem:s22], [sflag:$0x9], $0x30, s5, s14, $0xb8;
	[tilespmem:$0x13E20] =	vst v63  }
0x7d: {  	_ =	swait.ge [sflag:s12], $0xF00  }
0x7e: {  	[sflag:s12] =	ssyncset.done $0x0  }
0x7f: {  	s7 =	sadd.s32 $0x3C0, s26;
	[sflag:s12] =	ssyncadd.s32 $0xFFFFF100  }
0x80: {  	[tilespmem:s22], [sflag:$0x5] =	stream.indirect.gather [hbm4b:s4+s14], $0x30, s7, s14, $0xb8;
	[tilespmem:$0x13E20] =	vst v63  }
0x81: {  	_ =	swait.ge [sflag:s17], $0xF00  }
0x82: {  	[sflag:s17] =	ssyncset.done $0x0  }
0x83: {  	s21 =	sadd.s32 $0x28A0, s26;
	[sflag:s17] =	ssyncadd.s32 $0xFFFFF100  }
0x84: {  	[spmem:s2] =	stream.indirect.scatter.add.f32 [tilespmem:s24], [sflag:$0x9], $0x30, s21, s14, $0xb8;
	[tilespmem:$0x13E20] =	vst v63  }
0x85: {  	_ =	swait.ge [sflag:s12], $0xF00  }
0x86: {  	p0 =	seq.s32 s25, $0x8C00;
	[sflag:s12] =	ssyncset.done $0x0  }
0x87: {  	s28 =	simm.s32 @p0 $0x7;
	[sflag:s12] =	ssyncadd.s32 $0xFFFFF100  }
0x88: {  	_ =	swait.ge @p0 [sflag:s28], $0xF00  }
0x89: {  	[sflag:s28] =	ssyncset.done @p0 $0x0  }
0x8a: {  	[sflag:s28] =	ssyncadd.s32 @p0 $0xFFFFF100;
	s28 =	sshra.s32 @p0 s25, $0x2  }
0x8b: {  	s5 =	simm.s32 @p0 $0xA820;
	s21 =	simm.s32 @p0 $0x50;
	s28 =	sadd.s32 @p0 $0x28F0, s28  }
0x8c: {  	[spmem:s2] =	stream.indirect.scatter.add.f32 @p0 [tilespmem:s5], [sflag:$0x9], $0x30, s28, s21, $0xb8;
	[tilespmem:$0x13E20] =	vst v63  }
0x8d: {  	s5 =	simm.s32 @p0 $0x9  }
0x8e: {  	_ =	swait.ge @p0 [sflag:s5], $0xF00  }
0x8f: {  	[sflag:s5] =	ssyncset.done @p0 $0x0  }
0x90: {  	[sflag:s5] =	ssyncadd.s32 @p0 $0xFFFFF100;
	s5 =	sshra.s32 @!p0 s25, $0x2  }
0x91: {  	s7 =	simm.s32 @!p0 $0x9920;
	s28 =	simm.s32 @!p0 $0x50;
	s21 =	sadd.s32 @!p0 $0x410, s5  }
0x92: {  	[tilespmem:s7], [sflag:$0x6] =	stream.indirect.gather @!p0 [hbm4b:s4+s28], $0x30, s21, s28, $0xb8;
	[tilespmem:$0x13E20] =	vst v63  }
0x93: {  	s7 =	simm.s32 @!p0 $0x7  }
0x94: {  	_ =	swait.ge @!p0 [sflag:s7], $0xF00  }
0x95: {  	[sflag:s7] =	ssyncset.done @!p0 $0x0  }
0x96: {  	s21 =	simm.s32 @!p0 $0xA820;
	[sflag:s7] =	ssyncadd.s32 @!p0 $0xFFFFF100;
	s7 =	sadd.s32 @!p0 $0x28F0, s5  }
0x97: {  	[spmem:s2] =	stream.indirect.scatter.add.f32 @!p0 [tilespmem:s21], [sflag:$0x9], $0x30, s7, s28, $0xb8;
	[tilespmem:$0x13E20] =	vst v63  }
0x98: {  	s7 =	simm.s32 @!p0 $0x9  }
0x99: {  	_ =	swait.ge @!p0 [sflag:s7], $0xF00  }
0x9a: {  	[sflag:s7] =	ssyncset.done @!p0 $0x0  }
0x9b: {  	s5 =	sadd.s32 @!p0 $0x460, s5;
	[sflag:s7] =	ssyncadd.s32 @!p0 $0xFFFFF100  }
0x9c: {  	[tilespmem:s21], [sflag:$0x7] =	stream.indirect.gather @!p0 [hbm4b:s4+s28], $0x30, s5, s28, $0xb8;
	[tilespmem:$0x13E20] =	vst v63  }
0x9d: {  	_ =	swait.ge [sflag:s19], $0xF00  }
0x9e: {  	[sflag:s19] =	ssyncset.done $0x0  }
.Ltmp2:
0x9f: {  	s28 =	sadd.s32 $0x2940, s26;
	[sflag:s19] =	ssyncadd.s32 $0xFFFFF100;
	(pc) =	sbr.rel @p0 .LBB2_4-.Ltmp2, $4  }
0xa0: {  	[spmem:s2] =	stream.indirect.scatter.add.f32 [tilespmem:s29], [sflag:$0x9], $0x30, s28, s14, $0xb8;
	[tilespmem:$0x13E20] =	vst v63  }
0xa1: {  	_ =	swait.ge [sflag:s12], $0xF00  }
0xa2: {  	[sflag:s12] =	ssyncset.done $0x0  }
0xa3: {  	[sflag:s12] =	ssyncadd.s32 $0xFFFFF100  }
.Ltmp3:
0xa4: {  	(pc) =	sbr.rel .LBB2_2-.Ltmp3, $3  }
0xa5: {  	_ =	sdelay $0x1  }
0xa6: {  	s5 =	sadd.s32 $0x4B0, s26;
	s25 =	sadd.s32 $0xA00, s25  }
0xa7: {  	[tilespmem:s29], [sflag:$0x8] =	stream.indirect.gather [hbm4b:s4+s14], $0x30, s5, s14, $0xb8;
	[tilespmem:$0x13E20] =	vst v63  }
.LBB2_5:
0xa8: {  	_ =	sfence.sel $0x180000  }
0xa9: {  	[bflag:$0x0] =	sbarrier.arrive $0xFFFF  }
0xaa: {  	_ =	strace $0x9000004D  }
0xab: {  	s0 =	stileid.u32;
	[bflag:$0x2] =	sbarrier.arrive $0xFFFF  }
0xac: {  	p0 =	sne.s32 s0, $0x0;
	s0 =	rddreg [dreg:$0x2]  }
0xad: {  	s0 =	sadd.s32 @!p0 $0x100000, s0  }
0xae: {  	[sflag:s0] =	ssyncadd.tile.s32 @!p0 $0x1;
	_ =	shalt  }
.Lfunc_end2:
_tile_overlayer_lowered:
.L_overlay_start_2:
0xaf: {  	(tag) =	ssettag $0x2  }
0xb0: {  	s0 =	rddreg [dreg:$0x0];
	s2 =	stileid.u32  }
0xb1: {  	s1 =	rddreg [dreg:$0x1];
	p0 =	sne.s32 s2, $0x0  }
0xb2: {  	s3 =	rddreg [dreg:$0x2];
	[bflag:$0x3] =	sbarrier.arrive $0xFFFF;
	s2 =	simm.s32 @!p0 $0x1C09  }
0xb3: {  	[timem:s3], [sflag:s2] =	dma.local @!p0 [hbm:s0], s1  }
0xb4: {  	s0 =	simm.s32 @!p0 $0x9  }
0xb5: {  	_ =	swait.ge @!p0 [sflag:s0], s1  }
0xb6: {  	s1 =	ssub.s32 @!p0 $0x0, s1;
	[sflag:s0] =	ssyncset.done @!p0 $0x0  }
0xb7: {  	[sflag:s0] =	ssyncadd.s32 @!p0 s1  }
0xb8: {  	[bflag:$0x3] =	sbarrier.arrive $0xFFFF  }
0xb9: {  	_ =	shalt  }

// kernel: kernel.8.cloned.1.call-start
scs
__scs_entry_jumppad:
0x0: {  	(pc) =	sbr.rel $0x88, $3  }
0x1: {  	(tag) =	ssettag $0x0;
	lr =	simm.s32 $0x1  }
0x2: {  	[smem:$0x3F9B] =	sst lr;
	_ =	strace $0xD0000000  }
0x3: {  	_ = 	snop  }
0x4: {  	_ = 	snop  }
0x5: {  	_ = 	snop  }
0x6: {  	_ = 	snop  }
0x7: {  	_ = 	snop  }
__scs_overlays_trampoline_lowered:
0x8: {  	[smem:$0x3FAA] =	sst s0  }
0x9: {  	[smem:$0x3FAB] =	sst s1  }
0xa: {  	[smem:$0x3FAC] =	sst s2  }
0xb: {  	[smem:$0x3FAD] =	sst s3  }
0xc: {  	[smem:$0x3FAE] =	sst s4  }
0xd: {  	[smem:$0x3FAF] =	sst s5  }
0xe: {  	[smem:$0x3FB0] =	sst s6  }
0xf: {  	[smem:$0x3FB1] =	sst s7  }
0x10: {  	[smem:$0x3FB2] =	sst s8  }
0x11: {  	[smem:$0x3FB3] =	sst s9;
	s0 =	simm.s32 @!p0 $0x0  }
0x12: {  	s1 =	sld [smem:$0x3F99];
	s0 =	simm.s32 @p0 $0x1  }
0x13: {  	[smem:$0x3FB4] =	sst s0;
	s0 =	simm.s32 @!p1 $0x0  }
0x14: {  	s2 =	sld [smem:$0x3F98];
	s0 =	simm.s32 @p1 $0x1  }
0x15: {  	[smem:$0x3FB5] =	sst s0;
	s0 =	simm.s32 @!p2 $0x0  }
0x16: {  	s3 =	sld [smem:$0x3FDB];
	s0 =	simm.s32 @p2 $0x1  }
0x17: {  	s4 =	simm.s32 $0x1BF5;
	[smem:$0x3FB7] =	sst s0  }
0x18: {  	s0 =	sld [smem:$0x3F9A];
	_ =	swait.ge [sflag:s4], $0x0  }
0x19: {  	s7 =	sld [smem:$0x3F9B]  }
0x1a: {  	s8 =	sadd.s32 $0xFFFFE003, lr  }
0x1b: {  	s9 =	sadd.s32 $0xFFFFFEF7, lr;
	s5 =	simm.s32 $0xFFFFFFFF;
	p2 =	slt.u32 s8, $0xFFFFF086  }
0x1c: {  	p1 =	slt.u32 s9, $0xF7A;
	s5 =	simm.s32 @!p2 $0x0  }
0x1d: {  	s5 =	simm.s32 @p1 $0x1;
	p0 =	seq.s32 s7, s2  }
0x1e: {  	s7 =	smul.u32 @!p0 $0xF7A, s2;
	p2 =	seq.s32 @!p0 s5, $0x0  }
0x1f: {  	s9 =	smul.u32 $0xF7A, s1;
	s8 =	simm.s32 @!p0 $0x1BF5;
	p2 =	por !p2, p0  }
0x20: {  	[sflag:s8] =	ssyncset.s32 @!p0 $0xFFFFF086;
	s6 =	sadd.s32 @!p0 s3, s7;
	s7 =	simm.s32 @!p0 $0x108  }
0x21: {  	s3 =	sadd.s32 s3, s9;
	s6 =	sadd.s32 @!p0 $0x88, s6;
	s7 =	simm.s32 @p2 $0x1082  }
0x22: {  	[simem:s7], [sflag:s8] =	dma.local @!p0 [hbm:s6], $0xF7A  }
0x23: {  	s9 =	sor.u32 $0xD0000000, s2;
	s6 =	simm.s32 $0x108;
	_ =	swait.ge @!p0 [sflag:s8], $0x0  }
0x24: {  	s3 =	sadd.s32 $0x88, s3;
	s6 =	simm.s32 @!p1 $0x1082;
	[sflag:s4] =	ssyncset.s32 $0xFFFFF086  }
0x25: {  	[simem:s6], [sflag:s4] =	dma.local [hbm:s3], $0xF7A  }
0x26: {  	[smem:$0x3F9B] =	sst s1;
	(tag) =	ssettag s2;
	_ =	strace s9  }
0x27: {  	s1 =	sld [smem:$0x3FAB]  }
0x28: {  	s2 =	sld [smem:$0x3FAC]  }
0x29: {  	s4 =	sld [smem:$0x3FAE]  }
0x2a: {  	p0 =	seq.s32 s5, $0x0;
	s5 =	sld [smem:$0x3FAF]  }
0x2b: {  	s6 =	sld [smem:$0x3FB0]  }
0x2c: {  	s7 =	sld [smem:$0x3FB1]  }
0x2d: {  	s3 =	simm.s32 $0x108;
	s8 =	sld [smem:$0x3FB2]  }
0x2e: {  	s3 =	simm.s32 @!p0 $0x1082;
	s9 =	sld [smem:$0x3FB3]  }
0x2f: {  	lr =	sadd.s32 s0, s3;
	s0 =	sld [smem:$0x3FAA]  }
0x30: {  	s3 =	sld [smem:$0x3FAD]  }
0x31: {  	[smem:$0x3FB6] =	sst s10  }
0x32: {  	s10 =	sld [smem:$0x3FB4];
	_ =	sdelay $0x3  }
0x33: {  	p0 =	seq.s32 s10, $0x1;
	s10 =	sld [smem:$0x3FB6];
	_ =	sdelay $0x3  }
0x34: {  	[smem:$0x3FB6] =	sst s10  }
0x35: {  	s10 =	sld [smem:$0x3FB5];
	_ =	sdelay $0x3  }
0x36: {  	p1 =	seq.s32 s10, $0x1;
	s10 =	sld [smem:$0x3FB6];
	_ =	sdelay $0x3  }
0x37: {  	[smem:$0x3FB6] =	sst s10  }
0x38: {  	s10 =	sld [smem:$0x3FB7]  }
0x39: {  	_ = 	snop;
	(pc) =	sbr.ind lr, $3  }
0x3a: {  	_ = 	snop  }
0x3b: {  	_ = 	snop  }
0x3c: {  	p2 =	seq.s32 s10, $0x1;
	s10 =	sld [smem:$0x3FB6]  }
0x3d: {  	_ =	shalt  }
0x3e: {  	_ =	shalt  }
0x3f: {  	_ =	shalt  }
0x40: {  	_ =	shalt  }
0x41: {  	_ =	shalt  }
0x42: {  	_ =	shalt  }
0x43: {  	_ =	shalt  }
0x44: {  	_ =	shalt  }
0x45: {  	_ =	shalt  }
0x46: {  	_ =	shalt  }
0x47: {  	_ =	shalt  }
0x48: {  	_ =	shalt  }
0x49: {  	_ =	shalt  }
0x4a: {  	_ =	shalt  }
0x4b: {  	_ =	shalt  }
0x4c: {  	_ =	shalt  }
0x4d: {  	_ =	shalt  }
0x4e: {  	_ =	shalt  }
0x4f: {  	_ =	shalt  }
0x50: {  	_ =	shalt  }
0x51: {  	_ =	shalt  }
0x52: {  	_ =	shalt  }
0x53: {  	_ =	shalt  }
0x54: {  	_ =	shalt  }
0x55: {  	_ =	shalt  }
0x56: {  	_ =	shalt  }
0x57: {  	_ =	shalt  }
0x58: {  	_ =	shalt  }
0x59: {  	_ =	shalt  }
0x5a: {  	_ =	shalt  }
0x5b: {  	_ =	shalt  }
0x5c: {  	_ =	shalt  }
0x5d: {  	_ =	shalt  }
0x5e: {  	_ =	shalt  }
0x5f: {  	_ =	shalt  }
0x60: {  	_ =	shalt  }
0x61: {  	_ =	shalt  }
0x62: {  	_ =	shalt  }
0x63: {  	_ =	shalt  }
0x64: {  	_ =	shalt  }
0x65: {  	_ =	shalt  }
0x66: {  	_ =	shalt  }
0x67: {  	_ =	shalt  }
0x68: {  	_ =	shalt  }
0x69: {  	_ =	shalt  }
0x6a: {  	_ =	shalt  }
0x6b: {  	_ =	shalt  }
0x6c: {  	_ =	shalt  }
0x6d: {  	_ =	shalt  }
0x6e: {  	_ =	shalt  }
0x6f: {  	_ =	shalt  }
0x70: {  	_ =	shalt  }
0x71: {  	_ =	shalt  }
0x72: {  	_ =	shalt  }
0x73: {  	_ =	shalt  }
0x74: {  	_ =	shalt  }
0x75: {  	_ =	shalt  }
0x76: {  	_ =	shalt  }
0x77: {  	_ =	shalt  }
0x78: {  	_ =	shalt  }
0x79: {  	_ =	shalt  }
0x7a: {  	_ =	shalt  }
0x7b: {  	_ =	shalt  }
0x7c: {  	_ =	shalt  }
0x7d: {  	_ =	shalt  }
0x7e: {  	_ =	shalt  }
0x7f: {  	_ =	shalt  }
0x80: {  	_ =	shalt  }
0x81: {  	_ =	shalt  }
0x82: {  	_ =	shalt  }
0x83: {  	_ =	shalt  }
0x84: {  	_ =	shalt  }
0x85: {  	_ =	shalt  }
0x86: {  	_ =	shalt  }
0x87: {  	_ =	shalt  }
.Lfunc_end0:
.L_simem_size_0:
called_computation_lowered:
.L_overlay_start_0:
0x88: {  	s2 =	sld [smem:$0x3FD9]  }
0x89: {  	s3 =	sld [smem:$0x3FFE];
	_ =	sdelay $0x1  }
0x8a: {  	s1 =	srdreg.scid  }
0x8b: {  	s0 =	sand.u32 $0x1, s1  }
0x8c: {  	s17 =	sshll.u32 s0, $0xA;
	s2 =	sadd.s32 s3, s2  }
0x8d: {  	s2 =	sadd.s32 s2, s17  }
0x8e: {  	[smem:$0x3FC2] =	sst s2  }
0x8f: {  	_ = 	snop  }
0x90: {  	s2 =	sld [smem:$0x3FD0];
	(tm) =	ssettm $0x1  }
0x91: {  	s18 =	sld [smem:$0x3FFB];
	_ =	sdelay $0x3  }
0x92: {  	_ =	strace s18  }
0x93: {  	s3 =	sld [smem:$0x3FFC];
	_ =	sdelay $0x3  }
0x94: {  	_ =	strace s3  }
0x95: {  	s3 =	sld [smem:$0x3FFD];
	_ =	sdelay $0x3  }
0x96: {  	_ =	strace s3  }
0x97: {  	_ =	strace $0x8FFFFFFF  }
0x98: {  	s19 =	sld [smem:$0x3FDB];
	_ =	sdelay $0x1  }
0x99: {  	s4 =	simm.s32 $_scs_section_size  }
0x9a: {  	s5 =	simm.s32 $_size__tile_overlayer_lowered;
	s6 =	simm.s32 $_tile_overlayer_lowered  }
0x9b: {  	s22 =	simm.s32 $0x1BFF;
	s21 =	sshll.u32 s6, $0x1;
	s3 =	sadd.s32 s4, s19  }
0x9c: {  	s7 =	simm.s32 $0x0;
	s20 =	sshll.u32 s5, $0x1;
	s5 =	sadd.s32 s21, s3  }
0x9d: {  	[timem:s7], [sflag:s22] =	dma.local [hbm:s5], s20  }
0x9e: {  	_ =	swait.ge [sflag:s22], s20  }
0x9f: {  	s4 =	ssub.s32 $0x0, s20;
	[sflag:s22] =	ssyncset.done $0x0  }
0xa0: {  	[sflag:s22] =	ssyncadd.s32 s4;
	_ =	sdelay $0x1  }
0xa1: {  	s23 =	simm.s32 $0x1B8B  }
0xa2: {  	_ =	swait.ge [sflag:s23], $0x1  }
0xa3: {  	[sflag:s23] =	ssyncset.done $0x0  }
0xa4: {  	s25 =	simm.s32 $0x1B8E;
	s24 =	sld [smem:$0x3FFE];
	[sflag:s23] =	ssyncadd.s32 $0xFFFFFFFF  }
0xa5: {  	s26 =	simm.s32 $execute0_lowered;
	[smem:$0x3FD2] =	sst s25  }
0xa6: {  	s5 =	sshll.u32 s26, $0x1;
	_ =	strace $0x80000046;
	[dreg:$0x1] =	wrdreg $0xFFFFFFFF  }
0xa7: {  	s28 =	simm.s32 $_size_execute0_lowered;
	s3 =	sadd.s32 s3, s5;
	[dreg:$0x0] =	wrdreg $0x0  }
0xa8: {  	s5 =	sshll.u32 s28, $0x1;
	[dreg:$0x2] =	wrdreg s3  }
0xa9: {  	[dreg:$0x3] =	wrdreg s5  }
0xaa: {  	[dreg:$0x4] =	wrdreg $0xC0  }
0xab: {  	_ =	task [dreg:s7], $0x5FFFF  }
0xac: {  	[dreg:$0x1] =	wrdreg $0xFFFFFFFF  }
0xad: {  	[dreg:$0x0] =	wrdreg $0x60  }
0xae: {  	[dreg:$0x2] =	wrdreg s2  }
0xaf: {  	[dreg:$0x3] =	wrdreg s24  }
0xb0: {  	[dreg:$0x4] =	wrdreg $0x2C100  }
0xb1: {  	[dreg:$0x5] =	wrdreg $0x9  }
0xb2: {  	_ =	task.clear_ibuf [dreg:s7], $0x6FFFF;
	_ =	strace $0x90000046  }
0xb3: {  	s29 =	simm.s32 $0x9;
	_ =	strace $0x80000048  }
0xb4: {  	_ =	swait.ge [sflag:s29], $0x1  }
0xb5: {  	[sflag:s29] =	ssyncadd.s32 $0xFFFFFFFF  }
0xb6: {  	_ =	strace $0x90000048  }
0xb7: {  	_ =	sfence  }
0xb8: {  	s30 =	sld [smem:$0x0];
	_ =	sdelay $0x2  }
0xb9: {  	s31 =	sshll.u32 s1, $0xD;
	s1 =	sshrl.u32 s1, $0x2  }
0xba: {  	s3 =	sand.u32 $0x4000, s31;
	s1 =	sadd.s32 s1, s30  }
0xbb: {  	s0 =	sor.u32 s3, s0;
	s1 =	sshll.u32 s1, $0x11  }
0xbc: {  	s0 =	sor.u32 s1, s0  }
0xbd: {  	s0 =	sadd.s32 $0x8F2B, s0  }
0xbe: {  	[sflag:s0] =	ssyncadd.remote.s32 $0x1  }
0xbf: {  	_ =	sfence.sel $0xFFFF  }
0xc0: {  	[dreg:$0x0] =	wrdreg $0xFFFFFFFF;
	(pc) =	sbr.abs _section_cstart, $3  }
0xc1: {  	[dreg:$0x1] =	wrdreg $0xFFFFFFFF  }
0xc2: {  	_ =	task.clear_ibuf [dreg:s7], $0x2FFFF;
	_ =	strace $0x9FFFFFFF  }
0xc3: {  	(tm) =	ssettm $0x7FFFFFFF  }
tec
execute0_lowered:
.L_overlay_start_1:
0x0: {  	(tag) =	ssettag $0x1  }
0x1: {  	s5 =	rddreg [dreg:$0x0]  }
0x2: {  	s6 =	rddreg [dreg:$0x1]  }
0x3: {  	s2 =	rddreg [dreg:$0x2]  }
0x4: {  	s0 =	rddreg [dreg:$0x3];
	s3 =	simm.s32 $0x0;
	s4 =	srdreg.scid  }
0x5: {  	s1 =	stileid.u32;
	s13 =	simm.s32 $0x50;
	s14 =	simm.s32 $0x1  }
0x6: {  	s15 =	simm.s32 $0x10;
	s16 =	simm.s32 $0x0;
	s7 =	smul.u32 $0x14000, s1  }
0x7: {  	[smem:$0x7FF] =	sst s3;
	s4 =	sand.u32 $0x1, s4;
	s9 =	smul.u32 $0x2800, s1  }
0x8: {  	s31 =	sshll.u32 s1, $0x6;
	_ =	strace $0x80000047;
	s8 =	sshll.u32 s4, $0x4  }
0x9: {  	s10 =	ssub.s32 $0x2, s4;
	s4 =	sadd.s32 $0x15E00, s6;
	s7 =	sor.u32 s8, s7  }
0xa: {  	s8 =	sor.u32 s1, s8;
	s28 =	sshrl.u32 s10, $0x1;
	s12 =	sadd.s32 s9, s2  }
0xb: {  	s30 =	sshrl.u32 s9, $0x3;
	s7 =	sshrl.u32 s7, $0x3;
	s8 =	smul.u32 $0x2710, s8  }
0xc: {  	s10 =	ssub.s32 s10, s28;
	s5 =	sadd.s32 s5, s30;
	s11 =	sadd.s32 s7, s6  }
0xd: {  	s9 =	smax.u32 s10, $0x1;
	s10 =	sshrl.u32 s12, $0x3;
	s29 =	sshrl.u32 s8, $0x3  }
0xe: {  	s12 =	simm.s32 $0x2710;
	s8 =	sadd.s32 $0x16000, s11;
	s7 =	sadd.s32 s6, s29  }
0xf: {  	s11 =	simm.s32 $0x2;
	s6 =	sor.u32 $0x1C02, s31;
	s7 =	sadd.s32 $0xC040, s7  }
.LBB2_1:
0x10: {  	[spmem:s10], [sflag:s6] =	dma.local [hbm:s5], $0x500  }
0x11: {  	_ =	swait.ge [sflag:s11], $0x500  }
0x12: {  	[sflag:s11] =	ssyncset.done $0x0  }
0x13: {  	[sflag:s11] =	ssyncadd.s32 $0xFFFFFB00  }
0x14: {  	[tilespmem:s12], [sflag:$0x2] =	stream.linear.gather [hbm4b:s4+s3], $0x500, $0x38;
	[tilespmem:$0x5410] =	vst v63  }
0x15: {  	_ =	swait.ge [sflag:s11], $0x500  }
0x16: {  	[sflag:s11] =	ssyncset.done $0x0  }
0x17: {  	[sflag:s11] =	ssyncadd.s32 $0xFFFFFB00  }
0x18: {  	[tilespmem:s3], [sflag:$0x2] =	stream.linear.gather [hbm4b:s7+s3], $0x2710, $0x38;
	[tilespmem:$0x5410] =	vst v63  }
0x19: {  	_ =	swait.ge [sflag:s11], $0x2710  }
0x1a: {  	[sflag:s11] =	ssyncset.done $0x0  }
0x1b: {  	[sflag:s11] =	ssyncadd.s32 $0xFFFFD8F0  }
0x1c: {  	s17 =	simm.s32 $0x0;
	[bflag:$0x0] =	sbarrier.arrive $0xFFFF  }
.LBB2_2:
0x1d: {  	p0 =	sne.s32 s17, $0x9B00  }
.Ltmp0:
0x1e: {  	_ = 	snop;
	(pc) =	sbr.rel @p0 .LBB2_2-.Ltmp0, $3  }
0x1f: {  	_ =	sdelay $0x1  }
0x20: {  	s18 =	sshra.s32 s17, $0x2;
	s17 =	sadd.s32 $0x140, s17  }
0x21: {  	[spmem:s2] =	stream.indirect.scatter.add.f32 [tilespmem:s12], [sflag:$0x1], $0x10, s18, s13, $0xb8;
	[tilespmem:$0x5410] =	vst v63  }
0x22: {  	_ =	swait.ge [sflag:s14], $0x500  }
0x23: {  	s17 =	simm.s32 $0x7C;
	[sflag:s14] =	ssyncset.done $0x0  }
.LBB2_4:
0x24: {  	p0 =	sne.s32 s17, $0x1;
	s17 =	sadd.s32 $0xFFFFFFFF, s17;
	[sflag:s14] =	ssyncadd.s32 $0xFFFFFB00  }
.Ltmp1:
0x25: {  	(pc) =	sbr.rel @p0 .LBB2_4-.Ltmp1, $3  }
0x26: {  	_ =	sdelay $0x1  }
0x27: {  	_ =	swait.ge [sflag:s14], $0x500  }
0x28: {  	[sflag:s14] =	ssyncset.done $0x0  }
0x29: {  	s16 =	sadd.s32 $0x1, s16  }
0x2a: {  	[sflag:s14] =	ssyncadd.s32 $0xFFFFFB00;
	p0 =	sne.s32 s16, s9  }
.Ltmp2:
0x2b: {  	[bflag:$0x0] =	sbarrier.arrive $0xFFFF;
	(pc) =	sbr.rel @p0 .LBB2_1-.Ltmp2, $4  }
0x2c: {  	[hbm:s8@s15], [sflag:s6] =	dma.strided [spmem:s10@s11], $0x500, s14, $0x2   }
0x2d: {  	_ =	swait.ge [sflag:s11], $0x500  }
0x2e: {  	[sflag:s11] =	ssyncset.done $0x0  }
0x2f: {  	[sflag:s11] =	ssyncadd.s32 $0xFFFFFB00  }
0x30: {  	_ =	sfence.sel $0x180000  }
0x31: {  	[bflag:$0x0] =	sbarrier.arrive $0xFFFF  }
0x32: {  	p0 =	sne.s32 s1, $0x0;
	_ =	strace $0x90000047  }
0x33: {  	s0 =	sadd.s32 @!p0 $0x100000, s0;
	[bflag:$0x2] =	sbarrier.arrive $0xFFFF  }
0x34: {  	[sflag:s0] =	ssyncadd.tile.s32 @!p0 $0x1;
	_ =	shalt  }
.Lfunc_end2:
_tile_overlayer_lowered:
.L_overlay_start_2:
0x35: {  	(tag) =	ssettag $0x2  }
0x36: {  	s0 =	rddreg [dreg:$0x0];
	s2 =	stileid.u32  }
0x37: {  	s1 =	rddreg [dreg:$0x1];
	p0 =	sne.s32 s2, $0x0  }
0x38: {  	s3 =	rddreg [dreg:$0x2];
	[bflag:$0x3] =	sbarrier.arrive $0xFFFF;
	s2 =	simm.s32 @!p0 $0x1C02  }
0x39: {  	[timem:s3], [sflag:s2] =	dma.local @!p0 [hbm:s0], s1  }
0x3a: {  	s0 =	simm.s32 @!p0 $0x2  }
0x3b: {  	_ =	swait.ge @!p0 [sflag:s0], s1  }
0x3c: {  	s1 =	ssub.s32 @!p0 $0x0, s1;
	[sflag:s0] =	ssyncset.done @!p0 $0x0  }
0x3d: {  	[sflag:s0] =	ssyncadd.s32 @!p0 s1  }
0x3e: {  	[bflag:$0x3] =	sbarrier.arrive $0xFFFF  }
0x3f: {  	_ =	shalt  }

</sc_bundles>
